<compile_context>
chip_gen: v7x
topology: tpu7x:2x2x1
jax: 0.10.2.dev20260603
libtpu: 0.0.44.dev20260713+nightly
codegen_flags: <defaults>
</compile_context>

<pallas_src>
import functools

import jax
import jax.numpy as jnp
from jax import lax
from jax.experimental import pallas as pl
from jax.experimental.pallas import tpu as pltpu
from jax.experimental.pallas import tpu_sc as plsc

_B, _S, _M, _D = 1024, 20, 20, 64
_NP_IN = _S * _M
_NP_OUT = _S * 48
_NC, _NS = 2, 16
_NW = _NC * _NS
_NTASK = _S * 6
_TPW = (_NTASK + _NW - 1) // _NW
_H = 32


def _bcast_task(xt_hbm, out_hbm, bufs, sems, u):
    s_idx = u // 4
    j4 = u % 4
    base = jnp.where(j4 == 0, 0, jnp.where(j4 == 1, 1,
                     jnp.where(j4 == 2, 10, 11)))
    j = jnp.where(j4 == 0, 0, jnp.where(j4 == 1, 1,
                  jnp.where(j4 == 2, 3, 4)))
    src = s_idx * _M + base
    writes = []
    for h in range(2):
        pltpu.sync_copy(xt_hbm.at[src, pl.ds(h * _H, _H)], bufs[h])
        for k in range(8):
            dst = s_idx * 48 + k * 6 + j
            writes.append(pltpu.async_copy(
                bufs[h], out_hbm.at[dst, pl.ds(h * _H, _H)], sems[h]))
    for wdma in writes:
        wdma.wait()


def _uniq_task(xt_hbm, out_hbm, bufs, sems, v):
    s_idx = v // 4
    q = v % 4
    j = jnp.where(q < 2, 2, 5)
    base = jnp.where(q < 2, 2, 12)
    k0 = jnp.where(q % 2 == 0, 0, 4)
    writes = [None, None, None]
    for kk in range(4):
        k = k0 + kk
        src = s_idx * _M + base + k
        dst = s_idx * 48 + k * 6 + j
        for h in range(2):
            c = 2 * kk + h
            r = c % 3
            if writes[r] is not None:
                writes[r].wait()
            pltpu.sync_copy(xt_hbm.at[src, pl.ds(h * _H, _H)], bufs[r])
            writes[r] = pltpu.async_copy(
                bufs[r], out_hbm.at[dst, pl.ds(h * _H, _H)], sems[r])
    for wdma in writes:
        if wdma is not None:
            wdma.wait()


def _body(xt_hbm, out_hbm, b0, b1, b2, s0, s1, s2):
    wid = lax.axis_index("s") * _NC + lax.axis_index("c")
    bufs, sems = (b0, b1, b2), (s0, s1, s2)
    for i in range(5):
        u = wid + _NW * i

        @pl.when(u < 80)
        def _():
            _bcast_task(xt_hbm, out_hbm, bufs, sems, u)

        @pl.when(u >= 80)
        def _():
            _uniq_task(xt_hbm, out_hbm, bufs, sems, u - 80)


@jax.jit
def _recombine(xt):
    mesh = plsc.VectorSubcoreMesh(
        core_axis_name="c", subcore_axis_name="s",
        num_cores=_NC, num_subcores=_NS)
    scratch = [pltpu.VMEM((_H, _B), jnp.float32) for _ in range(3)]
    scratch += [pltpu.SemaphoreType.DMA] * 3
    return pl.kernel(
        _body,
        out_type=jax.ShapeDtypeStruct((_NP_OUT, _D, _B), jnp.float32),
        mesh=mesh,
        scratch_types=scratch,
    )(xt)


def kernel(x):
    b, s, m, d = x.shape
    xt = jnp.transpose(x, (1, 2, 3, 0)).reshape(s * m, d, b)
    out = _recombine(xt)
    out = out.reshape(s, 8, 6, d, b).transpose(4, 0, 1, 2, 3)
    return out

# --- scband reference (transcript-rebuilt; emitter-appended) ---
"""Pipeline reference for scband-recombine-30597347017179 (READ-ONLY COPY).

The authoritative reference and input builder live on the scoring server;
editing this copy changes nothing except your own understanding.
"""

import jax, jax.numpy as jnp
import numpy as np

_RECOMBINE_IDX = jnp.array([0, 1, 2, 10, 11, 12, 0, 1, 3, 10, 11, 13, 0, 1, 4, 10, 11, 14, 0, 1, 5, 10, 11, 15, 0, 1, 6, 10, 11, 16, 0, 1, 7, 10, 11, 17, 0, 1, 8, 10, 11, 18, 0, 1, 9, 10, 11, 19], dtype=jnp.int32)


def setup_inputs(seed: int = 0) -> dict:
    key = jax.random.key(seed)
    x = jax.random.normal(key, (1024, 20, 20, 64), dtype=jnp.float32)
    return {"x": x}


def reference(x):
    b, s, m, d = x.shape
    gathered = jnp.take(x, _RECOMBINE_IDX, axis=2)
    return gathered.reshape(b, s, 8, 6, d)

if __name__ == "__main__":
    import jax
    _d = setup_inputs()
    print(jax.jit(kernel)(*tuple(_d.values())))

</pallas_src>

<mosaic_0001>
#map = affine_map<(d0, d1) -> (0, 0, 0)>
module attributes {stable_mosaic.version = 14 : i64} {
  func.func @_body(%arg0: i32, %arg1: i32, %arg2: memref<400x64x1024xf32, #tpu.memory_space<hbm>>, %arg3: memref<960x64x1024xf32, #tpu.memory_space<hbm>>, %arg4: memref<32x1024xf32, #tpu.memory_space<vmem>>, %arg5: memref<32x1024xf32, #tpu.memory_space<vmem>>, %arg6: memref<32x1024xf32, #tpu.memory_space<vmem>>, %arg7: memref<!tpu.dma_semaphore, #tpu.memory_space<semaphore_mem>>, %arg8: memref<!tpu.dma_semaphore, #tpu.memory_space<semaphore_mem>>, %arg9: memref<!tpu.dma_semaphore, #tpu.memory_space<semaphore_mem>>) attributes {dimension_semantics = [#tpu.dimension_semantics<core_parallel>, #tpu.dimension_semantics<subcore_parallel>], iteration_bounds = array<i64: 2, 16>, scalar_prefetch = 0 : i64, scratch_operands = 6 : i64, tpu.core_type = #tpu.core_type<sc_vector_subcore>, window_params = [{transform_indices = #map}, {transform_indices = #map}]} {
    %mul3A = arith.constant 2 : i32
    %mul3A_0 = arith.muli %arg1, %mul3A : i32
    %add3A = arith.addi %mul3A_0, %arg0 : i32
    %add3A_1 = arith.constant 0 : i32
    %add3A_2 = arith.addi %add3A, %add3A_1 : i32
    %lt3A = arith.constant 80 : i32
    %lt3A_3 = arith.cmpi slt, %add3A_2, %lt3A : i32
    %convert_element_type3A = arith.extui %lt3A_3 : i1 to i32
    %cond3A = arith.constant 0 : i32
    %cond3A_4 = arith.cmpi ne, %convert_element_type3A, %cond3A : i32
    scf.if %cond3A_4 {
      %jit3A = arith.constant 4 : i32
      %div3A = arith.divsi %add3A_2, %jit3A : i32
      %sign3A = arith.constant 0 : i32
      %sign3A_57 = arith.cmpi sgt, %add3A_2, %sign3A : i32
      %sign3A_58 = arith.extui %sign3A_57 : i1 to i32
      %sign3A_59 = arith.constant 0 : i32
      %sign3A_60 = arith.cmpi slt, %add3A_2, %sign3A_59 : i32
      %sign3A_61 = arith.extui %sign3A_60 : i1 to i32
      %sign3A_62 = arith.subi %sign3A_58, %sign3A_61 : i32
      %sign3A_63 = arith.constant 0 : i32
      %sign3A_64 = arith.cmpi sgt, %jit3A, %sign3A_63 : i32
      %sign3A_65 = arith.extui %sign3A_64 : i1 to i32
      %sign3A_66 = arith.constant 0 : i32
      %sign3A_67 = arith.cmpi slt, %jit3A, %sign3A_66 : i32
      %sign3A_68 = arith.extui %sign3A_67 : i1 to i32
      %sign3A_69 = arith.subi %sign3A_65, %sign3A_68 : i32
      %ne3A = arith.cmpi ne, %sign3A_62, %sign3A_69 : i32
      %rem3A = arith.remsi %add3A_2, %jit3A : i32
      %ne3A_70 = arith.constant 0 : i32
      %ne3A_71 = arith.cmpi ne, %rem3A, %ne3A_70 : i32
      %and3A = arith.andi %ne3A, %ne3A_71 : i1
      %sub3A = arith.constant 1 : i32
      %sub3A_72 = arith.subi %div3A, %sub3A : i32
      %select_n3A = arith.select %and3A, %sub3A_72, %div3A : i32
      %jit3A_73 = arith.constant 4 : i32
      %eq3A = arith.constant 0 : i32
      %eq3A_74 = arith.cmpi eq, %jit3A_73, %eq3A : i32
      %jit3A_75 = arith.constant 1 : i32
      %select_n3A_76 = arith.select %eq3A_74, %jit3A_75, %jit3A_73 : i32
      %rem3A_77 = arith.remsi %add3A_2, %select_n3A_76 : i32
      %ne3A_78 = arith.constant 0 : i32
      %ne3A_79 = arith.cmpi ne, %rem3A_77, %ne3A_78 : i32
      %lt3A_80 = arith.constant 0 : i32
      %lt3A_81 = arith.cmpi slt, %rem3A_77, %lt3A_80 : i32
      %lt3A_82 = arith.constant 0 : i32
      %lt3A_83 = arith.cmpi slt, %select_n3A_76, %lt3A_82 : i32
      %ne3A_84 = arith.xori %lt3A_81, %lt3A_83 : i1
      %and3A_85 = arith.andi %ne3A_84, %ne3A_79 : i1
      %add3A_86 = arith.addi %rem3A_77, %select_n3A_76 : i32
      %select_n3A_87 = arith.select %and3A_85, %add3A_86, %rem3A_77 : i32
      %eq3A_88 = arith.constant 0 : i32
      %eq3A_89 = arith.cmpi eq, %select_n3A_87, %eq3A_88 : i32
      %eq3A_90 = arith.constant 1 : i32
      %eq3A_91 = arith.cmpi eq, %select_n3A_87, %eq3A_90 : i32
      %eq3A_92 = arith.constant 2 : i32
      %eq3A_93 = arith.cmpi eq, %select_n3A_87, %eq3A_92 : i32
      %jit3A_94 = arith.constant 10 : i32
      %jit3A_95 = arith.constant 11 : i32
      %select_n3A_96 = arith.select %eq3A_93, %jit3A_94, %jit3A_95 : i32
      %jit3A_97 = arith.constant 1 : i32
      %select_n3A_98 = arith.select %eq3A_91, %jit3A_97, %select_n3A_96 : i32
      %jit3A_99 = arith.constant 0 : i32
      %select_n3A_100 = arith.select %eq3A_89, %jit3A_99, %select_n3A_98 : i32
      %eq3A_101 = arith.constant 0 : i32
      %eq3A_102 = arith.cmpi eq, %select_n3A_87, %eq3A_101 : i32
      %eq3A_103 = arith.constant 1 : i32
      %eq3A_104 = arith.cmpi eq, %select_n3A_87, %eq3A_103 : i32
      %eq3A_105 = arith.constant 2 : i32
      %eq3A_106 = arith.cmpi eq, %select_n3A_87, %eq3A_105 : i32
      %jit3A_107 = arith.constant 3 : i32
      %jit3A_108 = arith.constant 4 : i32
      %select_n3A_109 = arith.select %eq3A_106, %jit3A_107, %jit3A_108 : i32
      %jit3A_110 = arith.constant 1 : i32
      %select_n3A_111 = arith.select %eq3A_104, %jit3A_110, %select_n3A_109 : i32
      %jit3A_112 = arith.constant 0 : i32
      %select_n3A_113 = arith.select %eq3A_102, %jit3A_112, %select_n3A_111 : i32
      %mul3A_114 = arith.constant 20 : i32
      %mul3A_115 = arith.muli %select_n3A, %mul3A_114 : i32
      %add3A_116 = arith.addi %mul3A_115, %select_n3A_100 : i32
      "tpu.region"() ({
        %run_scoped3A = tpu.sem_alloc : memref<!tpu.dma_semaphore, #tpu.memory_space<semaphore_mem>>
        %dma_start3A_451 = arith.constant 0 : i32
        %dma_start3A_452 = arith.constant 0 : i32
        %dma_start3A_453 = tpu.memref_slice %arg2[%add3A_116, %dma_start3A_451, %dma_start3A_452] : memref<400x64x1024xf32, #tpu.memory_space<hbm>> -> memref<1x32x1024xf32, #tpu.memory_space<hbm>>
        %dma_start3A_454 = tpu.memref_squeeze %dma_start3A_453 : memref<1x32x1024xf32, #tpu.memory_space<hbm>> -> memref<32x1024xf32, #tpu.memory_space<hbm>>
        %dma_start3A_455 = arith.constant 0 : i32
        %dma_start3A_456 = arith.constant 0 : i32
        %dma_start3A_457 = tpu.memref_slice %arg2[%add3A_116, %dma_start3A_455, %dma_start3A_456] : memref<400x64x1024xf32, #tpu.memory_space<hbm>> -> memref<1x32x1024xf32, #tpu.memory_space<hbm>>
        %dma_start3A_458 = tpu.memref_squeeze %dma_start3A_457 : memref<1x32x1024xf32, #tpu.memory_space<hbm>> -> memref<32x1024xf32, #tpu.memory_space<hbm>>
        tpu.enqueue_dma source(%dma_start3A_458 : memref<32x1024xf32, #tpu.memory_space<hbm>>) target(%arg4 : memref<32x1024xf32, #tpu.memory_space<vmem>>) target_semaphore(%run_scoped3A : memref<!tpu.dma_semaphore, #tpu.memory_space<semaphore_mem>>)
        %dma_wait3A_459 = arith.constant 0 : i32
        %dma_wait3A_460 = arith.constant 0 : i32
        %dma_wait3A_461 = tpu.memref_slice %arg2[%add3A_116, %dma_wait3A_459, %dma_wait3A_460] : memref<400x64x1024xf32, #tpu.memory_space<hbm>> -> memref<1x32x1024xf32, #tpu.memory_space<hbm>>
        %dma_wait3A_462 = tpu.memref_squeeze %dma_wait3A_461 : memref<1x32x1024xf32, #tpu.memory_space<hbm>> -> memref<32x1024xf32, #tpu.memory_space<hbm>>
        %dma_wait3A_463 = arith.constant 0 : i32
        %dma_wait3A_464 = arith.constant 0 : i32
        %dma_wait3A_465 = tpu.memref_slice %arg2[%add3A_116, %dma_wait3A_463, %dma_wait3A_464] : memref<400x64x1024xf32, #tpu.memory_space<hbm>> -> memref<1x32x1024xf32, #tpu.memory_space<hbm>>
        %dma_wait3A_466 = tpu.memref_squeeze %dma_wait3A_465 : memref<1x32x1024xf32, #tpu.memory_space<hbm>> -> memref<32x1024xf32, #tpu.memory_space<hbm>>
        tpu.wait_dma2 semaphore(%run_scoped3A : memref<!tpu.dma_semaphore, #tpu.memory_space<semaphore_mem>>) src(%dma_wait3A_466 : memref<32x1024xf32, #tpu.memory_space<hbm>>) dst(%arg4 : memref<32x1024xf32, #tpu.memory_space<vmem>>)
        tpu.yield
      }) : () -> ()
      %mul3A_117 = arith.constant 48 : i32
      %mul3A_118 = arith.muli %select_n3A, %mul3A_117 : i32
      %add3A_119 = arith.constant 0 : i32
      %add3A_120 = arith.addi %mul3A_118, %add3A_119 : i32
      %add3A_121 = arith.addi %add3A_120, %select_n3A_113 : i32
      %dma_start3A = arith.constant 0 : i32
      %dma_start3A_122 = arith.constant 0 : i32
      %dma_start3A_123 = tpu.memref_slice %arg3[%add3A_121, %dma_start3A, %dma_start3A_122] : memref<960x64x1024xf32, #tpu.memory_space<hbm>> -> memref<1x32x1024xf32, #tpu.memory_space<hbm>>
      %dma_start3A_124 = tpu.memref_squeeze %dma_start3A_123 : memref<1x32x1024xf32, #tpu.memory_space<hbm>> -> memref<32x1024xf32, #tpu.memory_space<hbm>>
      %dma_start3A_125 = arith.constant 0 : i32
      %dma_start3A_126 = arith.constant 0 : i32
      %dma_start3A_127 = tpu.memref_slice %arg3[%add3A_121, %dma_start3A_125, %dma_start3A_126] : memref<960x64x1024xf32, #tpu.memory_space<hbm>> -> memref<1x32x1024xf32, #tpu.memory_space<hbm>>
      %dma_start3A_128 = tpu.memref_squeeze %dma_start3A_127 : memref<1x32x1024xf32, #tpu.memory_space<hbm>> -> memref<32x1024xf32, #tpu.memory_space<hbm>>
      tpu.enqueue_dma source(%arg4 : memref<32x1024xf32, #tpu.memory_space<vmem>>) target(%dma_start3A_128 : memref<32x1024xf32, #tpu.memory_space<hbm>>) target_semaphore(%arg7 : memref<!tpu.dma_semaphore, #tpu.memory_space<semaphore_mem>>)
      %mul3A_129 = arith.constant 48 : i32
      %mul3A_130 = arith.muli %select_n3A, %mul3A_129 : i32
      %add3A_131 = arith.constant 6 : i32
      %add3A_132 = arith.addi %mul3A_130, %add3A_131 : i32
      %add3A_133 = arith.addi %add3A_132, %select_n3A_113 : i32
      %dma_start3A_134 = arith.constant 0 : i32
      %dma_start3A_135 = arith.constant 0 : i32
      %dma_start3A_136 = tpu.memref_slice %arg3[%add3A_133, %dma_start3A_134, %dma_start3A_135] : memref<960x64x1024xf32, #tpu.memory_space<hbm>> -> memref<1x32x1024xf32, #tpu.memory_space<hbm>>
      %dma_start3A_137 = tpu.memref_squeeze %dma_start3A_136 : memref<1x32x1024xf32, #tpu.memory_space<hbm>> -> memref<32x1024xf32, #tpu.memory_space<hbm>>
      %dma_start3A_138 = arith.constant 0 : i32
      %dma_start3A_139 = arith.constant 0 : i32
      %dma_start3A_140 = tpu.memref_slice %arg3[%add3A_133, %dma_start3A_138, %dma_start3A_139] : memref<960x64x1024xf32, #tpu.memory_space<hbm>> -> memref<1x32x1024xf32, #tpu.memory_space<hbm>>
      %dma_start3A_141 = tpu.memref_squeeze %dma_start3A_140 : memref<1x32x1024xf32, #tpu.memory_space<hbm>> -> memref<32x1024xf32, #tpu.memory_space<hbm>>
      tpu.enqueue_dma source(%arg4 : memref<32x1024xf32, #tpu.memory_space<vmem>>) target(%dma_start3A_141 : memref<32x1024xf32, #tpu.memory_space<hbm>>) target_semaphore(%arg7 : memref<!tpu.dma_semaphore, #tpu.memory_space<semaphore_mem>>)
      %mul3A_142 = arith.constant 48 : i32
      %mul3A_143 = arith.muli %select_n3A, %mul3A_142 : i32
      %add3A_144 = arith.constant 12 : i32
      %add3A_145 = arith.addi %mul3A_143, %add3A_144 : i32
      %add3A_146 = arith.addi %add3A_145, %select_n3A_113 : i32
      %dma_start3A_147 = arith.constant 0 : i32
      %dma_start3A_148 = arith.constant 0 : i32
      %dma_start3A_149 = tpu.memref_slice %arg3[%add3A_146, %dma_start3A_147, %dma_start3A_148] : memref<960x64x1024xf32, #tpu.memory_space<hbm>> -> memref<1x32x1024xf32, #tpu.memory_space<hbm>>
      %dma_start3A_150 = tpu.memref_squeeze %dma_start3A_149 : memref<1x32x1024xf32, #tpu.memory_space<hbm>> -> memref<32x1024xf32, #tpu.memory_space<hbm>>
      %dma_start3A_151 = arith.constant 0 : i32
      %dma_start3A_152 = arith.constant 0 : i32
      %dma_start3A_153 = tpu.memref_slice %arg3[%add3A_146, %dma_start3A_151, %dma_start3A_152] : memref<960x64x1024xf32, #tpu.memory_space<hbm>> -> memref<1x32x1024xf32, #tpu.memory_space<hbm>>
      %dma_start3A_154 = tpu.memref_squeeze %dma_start3A_153 : memref<1x32x1024xf32, #tpu.memory_space<hbm>> -> memref<32x1024xf32, #tpu.memory_space<hbm>>
      tpu.enqueue_dma source(%arg4 : memref<32x1024xf32, #tpu.memory_space<vmem>>) target(%dma_start3A_154 : memref<32x1024xf32, #tpu.memory_space<hbm>>) target_semaphore(%arg7 : memref<!tpu.dma_semaphore, #tpu.memory_space<semaphore_mem>>)
      %mul3A_155 = arith.constant 48 : i32
      %mul3A_156 = arith.muli %select_n3A, %mul3A_155 : i32
      %add3A_157 = arith.constant 18 : i32
      %add3A_158 = arith.addi %mul3A_156, %add3A_157 : i32
      %add3A_159 = arith.addi %add3A_158, %select_n3A_113 : i32
      %dma_start3A_160 = arith.constant 0 : i32
      %dma_start3A_161 = arith.constant 0 : i32
      %dma_start3A_162 = tpu.memref_slice %arg3[%add3A_159, %dma_start3A_160, %dma_start3A_161] : memref<960x64x1024xf32, #tpu.memory_space<hbm>> -> memref<1x32x1024xf32, #tpu.memory_space<hbm>>
      %dma_start3A_163 = tpu.memref_squeeze %dma_start3A_162 : memref<1x32x1024xf32, #tpu.memory_space<hbm>> -> memref<32x1024xf32, #tpu.memory_space<hbm>>
      %dma_start3A_164 = arith.constant 0 : i32
      %dma_start3A_165 = arith.constant 0 : i32
      %dma_start3A_166 = tpu.memref_slice %arg3[%add3A_159, %dma_start3A_164, %dma_start3A_165] : memref<960x64x1024xf32, #tpu.memory_space<hbm>> -> memref<1x32x1024xf32, #tpu.memory_space<hbm>>
      %dma_start3A_167 = tpu.memref_squeeze %dma_start3A_166 : memref<1x32x1024xf32, #tpu.memory_space<hbm>> -> memref<32x1024xf32, #tpu.memory_space<hbm>>
      tpu.enqueue_dma source(%arg4 : memref<32x1024xf32, #tpu.memory_space<vmem>>) target(%dma_start3A_167 : memref<32x1024xf32, #tpu.memory_space<hbm>>) target_semaphore(%arg7 : memref<!tpu.dma_semaphore, #tpu.memory_space<semaphore_mem>>)
      %mul3A_168 = arith.constant 48 : i32
      %mul3A_169 = arith.muli %select_n3A, %mul3A_168 : i32
      %add3A_170 = arith.constant 24 : i32
      %add3A_171 = arith.addi %mul3A_169, %add3A_170 : i32
      %add3A_172 = arith.addi %add3A_171, %select_n3A_113 : i32
      %dma_start3A_173 = arith.constant 0 : i32
      %dma_start3A_174 = arith.constant 0 : i32
      %dma_start3A_175 = tpu.memref_slice %arg3[%add3A_172, %dma_start3A_173, %dma_start3A_174] : memref<960x64x1024xf32, #tpu.memory_space<hbm>> -> memref<1x32x1024xf32, #tpu.memory_space<hbm>>
      %dma_start3A_176 = tpu.memref_squeeze %dma_start3A_175 : memref<1x32x1024xf32, #tpu.memory_space<hbm>> -> memref<32x1024xf32, #tpu.memory_space<hbm>>
      %dma_start3A_177 = arith.constant 0 : i32
      %dma_start3A_178 = arith.constant 0 : i32
      %dma_start3A_179 = tpu.memref_slice %arg3[%add3A_172, %dma_start3A_177, %dma_start3A_178] : memref<960x64x1024xf32, #tpu.memory_space<hbm>> -> memref<1x32x1024xf32, #tpu.memory_space<hbm>>
      %dma_start3A_180 = tpu.memref_squeeze %dma_start3A_179 : memref<1x32x1024xf32, #tpu.memory_space<hbm>> -> memref<32x1024xf32, #tpu.memory_space<hbm>>
      tpu.enqueue_dma source(%arg4 : memref<32x1024xf32, #tpu.memory_space<vmem>>) target(%dma_start3A_180 : memref<32x1024xf32, #tpu.memory_space<hbm>>) target_semaphore(%arg7 : memref<!tpu.dma_semaphore, #tpu.memory_space<semaphore_mem>>)
      %mul3A_181 = arith.constant 48 : i32
      %mul3A_182 = arith.muli %select_n3A, %mul3A_181 : i32
      %add3A_183 = arith.constant 30 : i32
      %add3A_184 = arith.addi %mul3A_182, %add3A_183 : i32
      %add3A_185 = arith.addi %add3A_184, %select_n3A_113 : i32
      %dma_start3A_186 = arith.constant 0 : i32
      %dma_start3A_187 = arith.constant 0 : i32
      %dma_start3A_188 = tpu.memref_slice %arg3[%add3A_185, %dma_start3A_186, %dma_start3A_187] : memref<960x64x1024xf32, #tpu.memory_space<hbm>> -> memref<1x32x1024xf32, #tpu.memory_space<hbm>>
      %dma_start3A_189 = tpu.memref_squeeze %dma_start3A_188 : memref<1x32x1024xf32, #tpu.memory_space<hbm>> -> memref<32x1024xf32, #tpu.memory_space<hbm>>
      %dma_start3A_190 = arith.constant 0 : i32
      %dma_start3A_191 = arith.constant 0 : i32
      %dma_start3A_192 = tpu.memref_slice %arg3[%add3A_185, %dma_start3A_190, %dma_start3A_191] : memref<960x64x1024xf32, #tpu.memory_space<hbm>> -> memref<1x32x1024xf32, #tpu.memory_space<hbm>>
      %dma_start3A_193 = tpu.memref_squeeze %dma_start3A_192 : memref<1x32x1024xf32, #tpu.memory_space<hbm>> -> memref<32x1024xf32, #tpu.memory_space<hbm>>
      tpu.enqueue_dma source(%arg4 : memref<32x1024xf32, #tpu.memory_space<vmem>>) target(%dma_start3A_193 : memref<32x1024xf32, #tpu.memory_space<hbm>>) target_semaphore(%arg7 : memref<!tpu.dma_semaphore, #tpu.memory_space<semaphore_mem>>)
      %mul3A_194 = arith.constant 48 : i32
      %mul3A_195 = arith.muli %select_n3A, %mul3A_194 : i32
      %add3A_196 = arith.constant 36 : i32
      %add3A_197 = arith.addi %mul3A_195, %add3A_196 : i32
      %add3A_198 = arith.addi %add3A_197, %select_n3A_113 : i32
      %dma_start3A_199 = arith.constant 0 : i32
      %dma_start3A_200 = arith.constant 0 : i32
      %dma_start3A_201 = tpu.memref_slice %arg3[%add3A_198, %dma_start3A_199, %dma_start3A_200] : memref<960x64x1024xf32, #tpu.memory_space<hbm>> -> memref<1x32x1024xf32, #tpu.memory_space<hbm>>
      %dma_start3A_202 = tpu.memref_squeeze %dma_start3A_201 : memref<1x32x1024xf32, #tpu.memory_space<hbm>> -> memref<32x1024xf32, #tpu.memory_space<hbm>>
      %dma_start3A_203 = arith.constant 0 : i32
      %dma_start3A_204 = arith.constant 0 : i32
      %dma_start3A_205 = tpu.memref_slice %arg3[%add3A_198, %dma_start3A_203, %dma_start3A_204] : memref<960x64x1024xf32, #tpu.memory_space<hbm>> -> memref<1x32x1024xf32, #tpu.memory_space<hbm>>
      %dma_start3A_206 = tpu.memref_squeeze %dma_start3A_205 : memref<1x32x1024xf32, #tpu.memory_space<hbm>> -> memref<32x1024xf32, #tpu.memory_space<hbm>>
      tpu.enqueue_dma source(%arg4 : memref<32x1024xf32, #tpu.memory_space<vmem>>) target(%dma_start3A_206 : memref<32x1024xf32, #tpu.memory_space<hbm>>) target_semaphore(%arg7 : memref<!tpu.dma_semaphore, #tpu.memory_space<semaphore_mem>>)
      %mul3A_207 = arith.constant 48 : i32
      %mul3A_208 = arith.muli %select_n3A, %mul3A_207 : i32
      %add3A_209 = arith.constant 42 : i32
      %add3A_210 = arith.addi %mul3A_208, %add3A_209 : i32
      %add3A_211 = arith.addi %add3A_210, %select_n3A_113 : i32
      %dma_start3A_212 = arith.constant 0 : i32
      %dma_start3A_213 = arith.constant 0 : i32
      %dma_start3A_214 = tpu.memref_slice %arg3[%add3A_211, %dma_start3A_212, %dma_start3A_213] : memref<960x64x1024xf32, #tpu.memory_space<hbm>> -> memref<1x32x1024xf32, #tpu.memory_space<hbm>>
      %dma_start3A_215 = tpu.memref_squeeze %dma_start3A_214 : memref<1x32x1024xf32, #tpu.memory_space<hbm>> -> memref<32x1024xf32, #tpu.memory_space<hbm>>
      %dma_start3A_216 = arith.constant 0 : i32
      %dma_start3A_217 = arith.constant 0 : i32
      %dma_start3A_218 = tpu.memref_slice %arg3[%add3A_211, %dma_start3A_216, %dma_start3A_217] : memref<960x64x1024xf32, #tpu.memory_space<hbm>> -> memref<1x32x1024xf32, #tpu.memory_space<hbm>>
      %dma_start3A_219 = tpu.memref_squeeze %dma_start3A_218 : memref<1x32x1024xf32, #tpu.memory_space<hbm>> -> memref<32x1024xf32, #tpu.memory_space<hbm>>
      tpu.enqueue_dma source(%arg4 : memref<32x1024xf32, #tpu.memory_space<vmem>>) target(%dma_start3A_219 : memref<32x1024xf32, #tpu.memory_space<hbm>>) target_semaphore(%arg7 : memref<!tpu.dma_semaphore, #tpu.memory_space<semaphore_mem>>)
      "tpu.region"() ({
        %run_scoped3A = tpu.sem_alloc : memref<!tpu.dma_semaphore, #tpu.memory_space<semaphore_mem>>
        %dma_start3A_451 = arith.constant 32 : i32
        %dma_start3A_452 = arith.constant 0 : i32
        %dma_start3A_453 = tpu.memref_slice %arg2[%add3A_116, %dma_start3A_451, %dma_start3A_452] : memref<400x64x1024xf32, #tpu.memory_space<hbm>> -> memref<1x32x1024xf32, #tpu.memory_space<hbm>>
        %dma_start3A_454 = tpu.memref_squeeze %dma_start3A_453 : memref<1x32x1024xf32, #tpu.memory_space<hbm>> -> memref<32x1024xf32, #tpu.memory_space<hbm>>
        %dma_start3A_455 = arith.constant 32 : i32
        %dma_start3A_456 = arith.constant 0 : i32
        %dma_start3A_457 = tpu.memref_slice %arg2[%add3A_116, %dma_start3A_455, %dma_start3A_456] : memref<400x64x1024xf32, #tpu.memory_space<hbm>> -> memref<1x32x1024xf32, #tpu.memory_space<hbm>>
        %dma_start3A_458 = tpu.memref_squeeze %dma_start3A_457 : memref<1x32x1024xf32, #tpu.memory_space<hbm>> -> memref<32x1024xf32, #tpu.memory_space<hbm>>
        tpu.enqueue_dma source(%dma_start3A_458 : memref<32x1024xf32, #tpu.memory_space<hbm>>) target(%arg5 : memref<32x1024xf32, #tpu.memory_space<vmem>>) target_semaphore(%run_scoped3A : memref<!tpu.dma_semaphore, #tpu.memory_space<semaphore_mem>>)
        %dma_wait3A_459 = arith.constant 32 : i32
        %dma_wait3A_460 = arith.constant 0 : i32
        %dma_wait3A_461 = tpu.memref_slice %arg2[%add3A_116, %dma_wait3A_459, %dma_wait3A_460] : memref<400x64x1024xf32, #tpu.memory_space<hbm>> -> memref<1x32x1024xf32, #tpu.memory_space<hbm>>
        %dma_wait3A_462 = tpu.memref_squeeze %dma_wait3A_461 : memref<1x32x1024xf32, #tpu.memory_space<hbm>> -> memref<32x1024xf32, #tpu.memory_space<hbm>>
        %dma_wait3A_463 = arith.constant 32 : i32
        %dma_wait3A_464 = arith.constant 0 : i32
        %dma_wait3A_465 = tpu.memref_slice %arg2[%add3A_116, %dma_wait3A_463, %dma_wait3A_464] : memref<400x64x1024xf32, #tpu.memory_space<hbm>> -> memref<1x32x1024xf32, #tpu.memory_space<hbm>>
        %dma_wait3A_466 = tpu.memref_squeeze %dma_wait3A_465 : memref<1x32x1024xf32, #tpu.memory_space<hbm>> -> memref<32x1024xf32, #tpu.memory_space<hbm>>
        tpu.wait_dma2 semaphore(%run_scoped3A : memref<!tpu.dma_semaphore, #tpu.memory_space<semaphore_mem>>) src(%dma_wait3A_466 : memref<32x1024xf32, #tpu.memory_space<hbm>>) dst(%arg5 : memref<32x1024xf32, #tpu.memory_space<vmem>>)
        tpu.yield
      }) : () -> ()
      %mul3A_220 = arith.constant 48 : i32
      %mul3A_221 = arith.muli %select_n3A, %mul3A_220 : i32
      %add3A_222 = arith.constant 0 : i32
      %add3A_223 = arith.addi %mul3A_221, %add3A_222 : i32
      %add3A_224 = arith.addi %add3A_223, %select_n3A_113 : i32
      %dma_start3A_225 = arith.constant 32 : i32
      %dma_start3A_226 = arith.constant 0 : i32
      %dma_start3A_227 = tpu.memref_slice %arg3[%add3A_224, %dma_start3A_225, %dma_start3A_226] : memref<960x64x1024xf32, #tpu.memory_space<hbm>> -> memref<1x32x1024xf32, #tpu.memory_space<hbm>>
      %dma_start3A_228 = tpu.memref_squeeze %dma_start3A_227 : memref<1x32x1024xf32, #tpu.memory_space<hbm>> -> memref<32x1024xf32, #tpu.memory_space<hbm>>
      %dma_start3A_229 = arith.constant 32 : i32
      %dma_start3A_230 = arith.constant 0 : i32
      %dma_start3A_231 = tpu.memref_slice %arg3[%add3A_224, %dma_start3A_229, %dma_start3A_230] : memref<960x64x1024xf32, #tpu.memory_space<hbm>> -> memref<1x32x1024xf32, #tpu.memory_space<hbm>>
      %dma_start3A_232 = tpu.memref_squeeze %dma_start3A_231 : memref<1x32x1024xf32, #tpu.memory_space<hbm>> -> memref<32x1024xf32, #tpu.memory_space<hbm>>
      tpu.enqueue_dma source(%arg5 : memref<32x1024xf32, #tpu.memory_space<vmem>>) target(%dma_start3A_232 : memref<32x1024xf32, #tpu.memory_space<hbm>>) target_semaphore(%arg8 : memref<!tpu.dma_semaphore, #tpu.memory_space<semaphore_mem>>)
      %mul3A_233 = arith.constant 48 : i32
      %mul3A_234 = arith.muli %select_n3A, %mul3A_233 : i32
      %add3A_235 = arith.constant 6 : i32
      %add3A_236 = arith.addi %mul3A_234, %add3A_235 : i32
      %add3A_237 = arith.addi %add3A_236, %select_n3A_113 : i32
      %dma_start3A_238 = arith.constant 32 : i32
      %dma_start3A_239 = arith.constant 0 : i32
      %dma_start3A_240 = tpu.memref_slice %arg3[%add3A_237, %dma_start3A_238, %dma_start3A_239] : memref<960x64x1024xf32, #tpu.memory_space<hbm>> -> memref<1x32x1024xf32, #tpu.memory_space<hbm>>
      %dma_start3A_241 = tpu.memref_squeeze %dma_start3A_240 : memref<1x32x1024xf32, #tpu.memory_space<hbm>> -> memref<32x1024xf32, #tpu.memory_space<hbm>>
      %dma_start3A_242 = arith.constant 32 : i32
      %dma_start3A_243 = arith.constant 0 : i32
      %dma_start3A_244 = tpu.memref_slice %arg3[%add3A_237, %dma_start3A_242, %dma_start3A_243] : memref<960x64x1024xf32, #tpu.memory_space<hbm>> -> memref<1x32x1024xf32, #tpu.memory_space<hbm>>
      %dma_start3A_245 = tpu.memref_squeeze %dma_start3A_244 : memref<1x32x1024xf32, #tpu.memory_space<hbm>> -> memref<32x1024xf32, #tpu.memory_space<hbm>>
      tpu.enqueue_dma source(%arg5 : memref<32x1024xf32, #tpu.memory_space<vmem>>) target(%dma_start3A_245 : memref<32x1024xf32, #tpu.memory_space<hbm>>) target_semaphore(%arg8 : memref<!tpu.dma_semaphore, #tpu.memory_space<semaphore_mem>>)
      %mul3A_246 = arith.constant 48 : i32
      %mul3A_247 = arith.muli %select_n3A, %mul3A_246 : i32
      %add3A_248 = arith.constant 12 : i32
      %add3A_249 = arith.addi %mul3A_247, %add3A_248 : i32
      %add3A_250 = arith.addi %add3A_249, %select_n3A_113 : i32
      %dma_start3A_251 = arith.constant 32 : i32
      %dma_start3A_252 = arith.constant 0 : i32
      %dma_start3A_253 = tpu.memref_slice %arg3[%add3A_250, %dma_start3A_251, %dma_start3A_252] : memref<960x64x1024xf32, #tpu.memory_space<hbm>> -> memref<1x32x1024xf32, #tpu.memory_space<hbm>>
      %dma_start3A_254 = tpu.memref_squeeze %dma_start3A_253 : memref<1x32x1024xf32, #tpu.memory_space<hbm>> -> memref<32x1024xf32, #tpu.memory_space<hbm>>
      %dma_start3A_255 = arith.constant 32 : i32
      %dma_start3A_256 = arith.constant 0 : i32
      %dma_start3A_257 = tpu.memref_slice %arg3[%add3A_250, %dma_start3A_255, %dma_start3A_256] : memref<960x64x1024xf32, #tpu.memory_space<hbm>> -> memref<1x32x1024xf32, #tpu.memory_space<hbm>>
      %dma_start3A_258 = tpu.memref_squeeze %dma_start3A_257 : memref<1x32x1024xf32, #tpu.memory_space<hbm>> -> memref<32x1024xf32, #tpu.memory_space<hbm>>
      tpu.enqueue_dma source(%arg5 : memref<32x1024xf32, #tpu.memory_space<vmem>>) target(%dma_start3A_258 : memref<32x1024xf32, #tpu.memory_space<hbm>>) target_semaphore(%arg8 : memref<!tpu.dma_semaphore, #tpu.memory_space<semaphore_mem>>)
      %mul3A_259 = arith.constant 48 : i32
      %mul3A_260 = arith.muli %select_n3A, %mul3A_259 : i32
      %add3A_261 = arith.constant 18 : i32
      %add3A_262 = arith.addi %mul3A_260, %add3A_261 : i32
      %add3A_263 = arith.addi %add3A_262, %select_n3A_113 : i32
      %dma_start3A_264 = arith.constant 32 : i32
      %dma_start3A_265 = arith.constant 0 : i32
      %dma_start3A_266 = tpu.memref_slice %arg3[%add3A_263, %dma_start3A_264, %dma_start3A_265] : memref<960x64x1024xf32, #tpu.memory_space<hbm>> -> memref<1x32x1024xf32, #tpu.memory_space<hbm>>
      %dma_start3A_267 = tpu.memref_squeeze %dma_start3A_266 : memref<1x32x1024xf32, #tpu.memory_space<hbm>> -> memref<32x1024xf32, #tpu.memory_space<hbm>>
      %dma_start3A_268 = arith.constant 32 : i32
      %dma_start3A_269 = arith.constant 0 : i32
      %dma_start3A_270 = tpu.memref_slice %arg3[%add3A_263, %dma_start3A_268, %dma_start3A_269] : memref<960x64x1024xf32, #tpu.memory_space<hbm>> -> memref<1x32x1024xf32, #tpu.memory_space<hbm>>
      %dma_start3A_271 = tpu.memref_squeeze %dma_start3A_270 : memref<1x32x1024xf32, #tpu.memory_space<hbm>> -> memref<32x1024xf32, #tpu.memory_space<hbm>>
      tpu.enqueue_dma source(%arg5 : memref<32x1024xf32, #tpu.memory_space<vmem>>) target(%dma_start3A_271 : memref<32x1024xf32, #tpu.memory_space<hbm>>) target_semaphore(%arg8 : memref<!tpu.dma_semaphore, #tpu.memory_space<semaphore_mem>>)
      %mul3A_272 = arith.constant 48 : i32
      %mul3A_273 = arith.muli %select_n3A, %mul3A_272 : i32
      %add3A_274 = arith.constant 24 : i32
      %add3A_275 = arith.addi %mul3A_273, %add3A_274 : i32
      %add3A_276 = arith.addi %add3A_275, %select_n3A_113 : i32
      %dma_start3A_277 = arith.constant 32 : i32
      %dma_start3A_278 = arith.constant 0 : i32
      %dma_start3A_279 = tpu.memref_slice %arg3[%add3A_276, %dma_start3A_277, %dma_start3A_278] : memref<960x64x1024xf32, #tpu.memory_space<hbm>> -> memref<1x32x1024xf32, #tpu.memory_space<hbm>>
      %dma_start3A_280 = tpu.memref_squeeze %dma_start3A_279 : memref<1x32x1024xf32, #tpu.memory_space<hbm>> -> memref<32x1024xf32, #tpu.memory_space<hbm>>
      %dma_start3A_281 = arith.constant 32 : i32
      %dma_start3A_282 = arith.constant 0 : i32
      %dma_start3A_283 = tpu.memref_slice %arg3[%add3A_276, %dma_start3A_281, %dma_start3A_282] : memref<960x64x1024xf32, #tpu.memory_space<hbm>> -> memref<1x32x1024xf32, #tpu.memory_space<hbm>>
      %dma_start3A_284 = tpu.memref_squeeze %dma_start3A_283 : memref<1x32x1024xf32, #tpu.memory_space<hbm>> -> memref<32x1024xf32, #tpu.memory_space<hbm>>
      tpu.enqueue_dma source(%arg5 : memref<32x1024xf32, #tpu.memory_space<vmem>>) target(%dma_start3A_284 : memref<32x1024xf32, #tpu.memory_space<hbm>>) target_semaphore(%arg8 : memref<!tpu.dma_semaphore, #tpu.memory_space<semaphore_mem>>)
      %mul3A_285 = arith.constant 48 : i32
      %mul3A_286 = arith.muli %select_n3A, %mul3A_285 : i32
      %add3A_287 = arith.constant 30 : i32
      %add3A_288 = arith.addi %mul3A_286, %add3A_287 : i32
      %add3A_289 = arith.addi %add3A_288, %select_n3A_113 : i32
      %dma_start3A_290 = arith.constant 32 : i32
      %dma_start3A_291 = arith.constant 0 : i32
      %dma_start3A_292 = tpu.memref_slice %arg3[%add3A_289, %dma_start3A_290, %dma_start3A_291] : memref<960x64x1024xf32, #tpu.memory_space<hbm>> -> memref<1x32x1024xf32, #tpu.memory_space<hbm>>
      %dma_start3A_293 = tpu.memref_squeeze %dma_start3A_292 : memref<1x32x1024xf32, #tpu.memory_space<hbm>> -> memref<32x1024xf32, #tpu.memory_space<hbm>>
      %dma_start3A_294 = arith.constant 32 : i32
      %dma_start3A_295 = arith.constant 0 : i32
      %dma_start3A_296 = tpu.memref_slice %arg3[%add3A_289, %dma_start3A_294, %dma_start3A_295] : memref<960x64x1024xf32, #tpu.memory_space<hbm>> -> memref<1x32x1024xf32, #tpu.memory_space<hbm>>
      %dma_start3A_297 = tpu.memref_squeeze %dma_start3A_296 : memref<1x32x1024xf32, #tpu.memory_space<hbm>> -> memref<32x1024xf32, #tpu.memory_space<hbm>>
      tpu.enqueue_dma source(%arg5 : memref<32x1024xf32, #tpu.memory_space<vmem>>) target(%dma_start3A_297 : memref<32x1024xf32, #tpu.memory_space<hbm>>) target_semaphore(%arg8 : memref<!tpu.dma_semaphore, #tpu.memory_space<semaphore_mem>>)
      %mul3A_298 = arith.constant 48 : i32
      %mul3A_299 = arith.muli %select_n3A, %mul3A_298 : i32
      %add3A_300 = arith.constant 36 : i32
      %add3A_301 = arith.addi %mul3A_299, %add3A_300 : i32
      %add3A_302 = arith.addi %add3A_301, %select_n3A_113 : i32
      %dma_start3A_303 = arith.constant 32 : i32
      %dma_start3A_304 = arith.constant 0 : i32
      %dma_start3A_305 = tpu.memref_slice %arg3[%add3A_302, %dma_start3A_303, %dma_start3A_304] : memref<960x64x1024xf32, #tpu.memory_space<hbm>> -> memref<1x32x1024xf32, #tpu.memory_space<hbm>>
      %dma_start3A_306 = tpu.memref_squeeze %dma_start3A_305 : memref<1x32x1024xf32, #tpu.memory_space<hbm>> -> memref<32x1024xf32, #tpu.memory_space<hbm>>
      %dma_start3A_307 = arith.constant 32 : i32
      %dma_start3A_308 = arith.constant 0 : i32
      %dma_start3A_309 = tpu.memref_slice %arg3[%add3A_302, %dma_start3A_307, %dma_start3A_308] : memref<960x64x1024xf32, #tpu.memory_space<hbm>> -> memref<1x32x1024xf32, #tpu.memory_space<hbm>>
      %dma_start3A_310 = tpu.memref_squeeze %dma_start3A_309 : memref<1x32x1024xf32, #tpu.memory_space<hbm>> -> memref<32x1024xf32, #tpu.memory_space<hbm>>
      tpu.enqueue_dma source(%arg5 : memref<32x1024xf32, #tpu.memory_space<vmem>>) target(%dma_start3A_310 : memref<32x1024xf32, #tpu.memory_space<hbm>>) target_semaphore(%arg8 : memref<!tpu.dma_semaphore, #tpu.memory_space<semaphore_mem>>)
      %mul3A_311 = arith.constant 48 : i32
      %mul3A_312 = arith.muli %select_n3A, %mul3A_311 : i32
      %add3A_313 = arith.constant 42 : i32
      %add3A_314 = arith.addi %mul3A_312, %add3A_313 : i32
      %add3A_315 = arith.addi %add3A_314, %select_n3A_113 : i32
      %dma_start3A_316 = arith.constant 32 : i32
      %dma_start3A_317 = arith.constant 0 : i32
      %dma_start3A_318 = tpu.memref_slice %arg3[%add3A_315, %dma_start3A_316, %dma_start3A_317] : memref<960x64x1024xf32, #tpu.memory_space<hbm>> -> memref<1x32x1024xf32, #tpu.memory_space<hbm>>
      %dma_start3A_319 = tpu.memref_squeeze %dma_start3A_318 : memref<1x32x1024xf32, #tpu.memory_space<hbm>> -> memref<32x1024xf32, #tpu.memory_space<hbm>>
      %dma_start3A_320 = arith.constant 32 : i32
      %dma_start3A_321 = arith.constant 0 : i32
      %dma_start3A_322 = tpu.memref_slice %arg3[%add3A_315, %dma_start3A_320, %dma_start3A_321] : memref<960x64x1024xf32, #tpu.memory_space<hbm>> -> memref<1x32x1024xf32, #tpu.memory_space<hbm>>
      %dma_start3A_323 = tpu.memref_squeeze %dma_start3A_322 : memref<1x32x1024xf32, #tpu.memory_space<hbm>> -> memref<32x1024xf32, #tpu.memory_space<hbm>>
      tpu.enqueue_dma source(%arg5 : memref<32x1024xf32, #tpu.memory_space<vmem>>) target(%dma_start3A_323 : memref<32x1024xf32, #tpu.memory_space<hbm>>) target_semaphore(%arg8 : memref<!tpu.dma_semaphore, #tpu.memory_space<semaphore_mem>>)
      %dma_wait3A = arith.constant 0 : i32
      %dma_wait3A_324 = arith.constant 0 : i32
      %dma_wait3A_325 = tpu.memref_slice %arg3[%add3A_121, %dma_wait3A, %dma_wait3A_324] : memref<960x64x1024xf32, #tpu.memory_space<hbm>> -> memref<1x32x1024xf32, #tpu.memory_space<hbm>>
      %dma_wait3A_326 = tpu.memref_squeeze %dma_wait3A_325 : memref<1x32x1024xf32, #tpu.memory_space<hbm>> -> memref<32x1024xf32, #tpu.memory_space<hbm>>
      %dma_wait3A_327 = arith.constant 0 : i32
      %dma_wait3A_328 = arith.constant 0 : i32
      %dma_wait3A_329 = tpu.memref_slice %arg3[%add3A_121, %dma_wait3A_327, %dma_wait3A_328] : memref<960x64x1024xf32, #tpu.memory_space<hbm>> -> memref<1x32x1024xf32, #tpu.memory_space<hbm>>
      %dma_wait3A_330 = tpu.memref_squeeze %dma_wait3A_329 : memref<1x32x1024xf32, #tpu.memory_space<hbm>> -> memref<32x1024xf32, #tpu.memory_space<hbm>>
      tpu.wait_dma2 semaphore(%arg7 : memref<!tpu.dma_semaphore, #tpu.memory_space<semaphore_mem>>) src(%arg4 : memref<32x1024xf32, #tpu.memory_space<vmem>>) dst(%dma_wait3A_330 : memref<32x1024xf32, #tpu.memory_space<hbm>>)
      %dma_wait3A_331 = arith.constant 0 : i32
      %dma_wait3A_332 = arith.constant 0 : i32
      %dma_wait3A_333 = tpu.memref_slice %arg3[%add3A_133, %dma_wait3A_331, %dma_wait3A_332] : memref<960x64x1024xf32, #tpu.memory_space<hbm>> -> memref<1x32x1024xf32, #tpu.memory_space<hbm>>
      %dma_wait3A_334 = tpu.memref_squeeze %dma_wait3A_333 : memref<1x32x1024xf32, #tpu.memory_space<hbm>> -> memref<32x1024xf32, #tpu.memory_space<hbm>>
      %dma_wait3A_335 = arith.constant 0 : i32
      %dma_wait3A_336 = arith.constant 0 : i32
      %dma_wait3A_337 = tpu.memref_slice %arg3[%add3A_133, %dma_wait3A_335, %dma_wait3A_336] : memref<960x64x1024xf32, #tpu.memory_space<hbm>> -> memref<1x32x1024xf32, #tpu.memory_space<hbm>>
      %dma_wait3A_338 = tpu.memref_squeeze %dma_wait3A_337 : memref<1x32x1024xf32, #tpu.memory_space<hbm>> -> memref<32x1024xf32, #tpu.memory_space<hbm>>
      tpu.wait_dma2 semaphore(%arg7 : memref<!tpu.dma_semaphore, #tpu.memory_space<semaphore_mem>>) src(%arg4 : memref<32x1024xf32, #tpu.memory_space<vmem>>) dst(%dma_wait3A_338 : memref<32x1024xf32, #tpu.memory_space<hbm>>)
      %dma_wait3A_339 = arith.constant 0 : i32
      %dma_wait3A_340 = arith.constant 0 : i32
      %dma_wait3A_341 = tpu.memref_slice %arg3[%add3A_146, %dma_wait3A_339, %dma_wait3A_340] : memref<960x64x1024xf32, #tpu.memory_space<hbm>> -> memref<1x32x1024xf32, #tpu.memory_space<hbm>>
      %dma_wait3A_342 = tpu.memref_squeeze %dma_wait3A_341 : memref<1x32x1024xf32, #tpu.memory_space<hbm>> -> memref<32x1024xf32, #tpu.memory_space<hbm>>
      %dma_wait3A_343 = arith.constant 0 : i32
      %dma_wait3A_344 = arith.constant 0 : i32
      %dma_wait3A_345 = tpu.memref_slice %arg3[%add3A_146, %dma_wait3A_343, %dma_wait3A_344] : memref<960x64x1024xf32, #tpu.memory_space<hbm>> -> memref<1x32x1024xf32, #tpu.memory_space<hbm>>
      %dma_wait3A_346 = tpu.memref_squeeze %dma_wait3A_345 : memref<1x32x1024xf32, #tpu.memory_space<hbm>> -> memref<32x1024xf32, #tpu.memory_space<hbm>>
      tpu.wait_dma2 semaphore(%arg7 : memref<!tpu.dma_semaphore, #tpu.memory_space<semaphore_mem>>) src(%arg4 : memref<32x1024xf32, #tpu.memory_space<vmem>>) dst(%dma_wait3A_346 : memref<32x1024xf32, #tpu.memory_space<hbm>>)
      %dma_wait3A_347 = arith.constant 0 : i32
      %dma_wait3A_348 = arith.constant 0 : i32
      %dma_wait3A_349 = tpu.memref_slice %arg3[%add3A_159, %dma_wait3A_347, %dma_wait3A_348] : memref<960x64x1024xf32, #tpu.memory_space<hbm>> -> memref<1x32x1024xf32, #tpu.memory_space<hbm>>
      %dma_wait3A_350 = tpu.memref_squeeze %dma_wait3A_349 : memref<1x32x1024xf32, #tpu.memory_space<hbm>> -> memref<32x1024xf32, #tpu.memory_space<hbm>>
      %dma_wait3A_351 = arith.constant 0 : i32
      %dma_wait3A_352 = arith.constant 0 : i32
      %dma_wait3A_353 = tpu.memref_slice %arg3[%add3A_159, %dma_wait3A_351, %dma_wait3A_352] : memref<960x64x1024xf32, #tpu.memory_space<hbm>> -> memref<1x32x1024xf32, #tpu.memory_space<hbm>>
      %dma_wait3A_354 = tpu.memref_squeeze %dma_wait3A_353 : memref<1x32x1024xf32, #tpu.memory_space<hbm>> -> memref<32x1024xf32, #tpu.memory_space<hbm>>
      tpu.wait_dma2 semaphore(%arg7 : memref<!tpu.dma_semaphore, #tpu.memory_space<semaphore_mem>>) src(%arg4 : memref<32x1024xf32, #tpu.memory_space<vmem>>) dst(%dma_wait3A_354 : memref<32x1024xf32, #tpu.memory_space<hbm>>)
      %dma_wait3A_355 = arith.constant 0 : i32
      %dma_wait3A_356 = arith.constant 0 : i32
      %dma_wait3A_357 = tpu.memref_slice %arg3[%add3A_172, %dma_wait3A_355, %dma_wait3A_356] : memref<960x64x1024xf32, #tpu.memory_space<hbm>> -> memref<1x32x1024xf32, #tpu.memory_space<hbm>>
      %dma_wait3A_358 = tpu.memref_squeeze %dma_wait3A_357 : memref<1x32x1024xf32, #tpu.memory_space<hbm>> -> memref<32x1024xf32, #tpu.memory_space<hbm>>
      %dma_wait3A_359 = arith.constant 0 : i32
      %dma_wait3A_360 = arith.constant 0 : i32
      %dma_wait3A_361 = tpu.memref_slice %arg3[%add3A_172, %dma_wait3A_359, %dma_wait3A_360] : memref<960x64x1024xf32, #tpu.memory_space<hbm>> -> memref<1x32x1024xf32, #tpu.memory_space<hbm>>
      %dma_wait3A_362 = tpu.memref_squeeze %dma_wait3A_361 : memref<1x32x1024xf32, #tpu.memory_space<hbm>> -> memref<32x1024xf32, #tpu.memory_space<hbm>>
      tpu.wait_dma2 semaphore(%arg7 : memref<!tpu.dma_semaphore, #tpu.memory_space<semaphore_mem>>) src(%arg4 : memref<32x1024xf32, #tpu.memory_space<vmem>>) dst(%dma_wait3A_362 : memref<32x1024xf32, #tpu.memory_space<hbm>>)
      %dma_wait3A_363 = arith.constant 0 : i32
      %dma_wait3A_364 = arith.constant 0 : i32
      %dma_wait3A_365 = tpu.memref_slice %arg3[%add3A_185, %dma_wait3A_363, %dma_wait3A_364] : memref<960x64x1024xf32, #tpu.memory_space<hbm>> -> memref<1x32x1024xf32, #tpu.memory_space<hbm>>
      %dma_wait3A_366 = tpu.memref_squeeze %dma_wait3A_365 : memref<1x32x1024xf32, #tpu.memory_space<hbm>> -> memref<32x1024xf32, #tpu.memory_space<hbm>>
      %dma_wait3A_367 = arith.constant 0 : i32
      %dma_wait3A_368 = arith.constant 0 : i32
      %dma_wait3A_369 = tpu.memref_slice %arg3[%add3A_185, %dma_wait3A_367, %dma_wait3A_368] : memref<960x64x1024xf32, #tpu.memory_space<hbm>> -> memref<1x32x1024xf32, #tpu.memory_space<hbm>>
      %dma_wait3A_370 = tpu.memref_squeeze %dma_wait3A_369 : memref<1x32x1024xf32, #tpu.memory_space<hbm>> -> memref<32x1024xf32, #tpu.memory_space<hbm>>
      tpu.wait_dma2 semaphore(%arg7 : memref<!tpu.dma_semaphore, #tpu.memory_space<semaphore_mem>>) src(%arg4 : memref<32x1024xf32, #tpu.memory_space<vmem>>) dst(%dma_wait3A_370 : memref<32x1024xf32, #tpu.memory_space<hbm>>)
      %dma_wait3A_371 = arith.constant 0 : i32
      %dma_wait3A_372 = arith.constant 0 : i32
      %dma_wait3A_373 = tpu.memref_slice %arg3[%add3A_198, %dma_wait3A_371, %dma_wait3A_372] : memref<960x64x1024xf32, #tpu.memory_space<hbm>> -> memref<1x32x1024xf32, #tpu.memory_space<hbm>>
      %dma_wait3A_374 = tpu.memref_squeeze %dma_wait3A_373 : memref<1x32x1024xf32, #tpu.memory_space<hbm>> -> memref<32x1024xf32, #tpu.memory_space<hbm>>
      %dma_wait3A_375 = arith.constant 0 : i32
      %dma_wait3A_376 = arith.constant 0 : i32
      %dma_wait3A_377 = tpu.memref_slice %arg3[%add3A_198, %dma_wait3A_375, %dma_wait3A_376] : memref<960x64x1024xf32, #tpu.memory_space<hbm>> -> memref<1x32x1024xf32, #tpu.memory_space<hbm>>
      %dma_wait3A_378 = tpu.memref_squeeze %dma_wait3A_377 : memref<1x32x1024xf32, #tpu.memory_space<hbm>> -> memref<32x1024xf32, #tpu.memory_space<hbm>>
      tpu.wait_dma2 semaphore(%arg7 : memref<!tpu.dma_semaphore, #tpu.memory_space<semaphore_mem>>) src(%arg4 : memref<32x1024xf32, #tpu.memory_space<vmem>>) dst(%dma_wait3A_378 : memref<32x1024xf32, #tpu.memory_space<hbm>>)
      %dma_wait3A_379 = arith.constant 0 : i32
      %dma_wait3A_380 = arith.constant 0 : i32
      %dma_wait3A_381 = tpu.memref_slice %arg3[%add3A_211, %dma_wait3A_379, %dma_wait3A_380] : memref<960x64x1024xf32, #tpu.memory_space<hbm>> -> memref<1x32x1024xf32, #tpu.memory_space<hbm>>
      %dma_wait3A_382 = tpu.memref_squeeze %dma_wait3A_381 : memref<1x32x1024xf32, #tpu.memory_space<hbm>> -> memref<32x1024xf32, #tpu.memory_space<hbm>>
      %dma_wait3A_383 = arith.constant 0 : i32
      %dma_wait3A_384 = arith.constant 0 : i32
      %dma_wait3A_385 = tpu.memref_slice %arg3[%add3A_211, %dma_wait3A_383, %dma_wait3A_384] : memref<960x64x1024xf32, #tpu.memory_space<hbm>> -> memref<1x32x1024xf32, #tpu.memory_space<hbm>>
      %dma_wait3A_386 = tpu.memref_squeeze %dma_wait3A_385 : memref<1x32x1024xf32, #tpu.memory_space<hbm>> -> memref<32x1024xf32, #tpu.memory_space<hbm>>
      tpu.wait_dma2 semaphore(%arg7 : memref<!tpu.dma_semaphore, #tpu.memory_space<semaphore_mem>>) src(%arg4 : memref<32x1024xf32, #tpu.memory_space<vmem>>) dst(%dma_wait3A_386 : memref<32x1024xf32, #tpu.memory_space<hbm>>)
      %dma_wait3A_387 = arith.constant 32 : i32
      %dma_wait3A_388 = arith.constant 0 : i32
      %dma_wait3A_389 = tpu.memref_slice %arg3[%add3A_224, %dma_wait3A_387, %dma_wait3A_388] : memref<960x64x1024xf32, #tpu.memory_space<hbm>> -> memref<1x32x1024xf32, #tpu.memory_space<hbm>>
      %dma_wait3A_390 = tpu.memref_squeeze %dma_wait3A_389 : memref<1x32x1024xf32, #tpu.memory_space<hbm>> -> memref<32x1024xf32, #tpu.memory_space<hbm>>
      %dma_wait3A_391 = arith.constant 32 : i32
      %dma_wait3A_392 = arith.constant 0 : i32
      %dma_wait3A_393 = tpu.memref_slice %arg3[%add3A_224, %dma_wait3A_391, %dma_wait3A_392] : memref<960x64x1024xf32, #tpu.memory_space<hbm>> -> memref<1x32x1024xf32, #tpu.memory_space<hbm>>
      %dma_wait3A_394 = tpu.memref_squeeze %dma_wait3A_393 : memref<1x32x1024xf32, #tpu.memory_space<hbm>> -> memref<32x1024xf32, #tpu.memory_space<hbm>>
      tpu.wait_dma2 semaphore(%arg8 : memref<!tpu.dma_semaphore, #tpu.memory_space<semaphore_mem>>) src(%arg5 : memref<32x1024xf32, #tpu.memory_space<vmem>>) dst(%dma_wait3A_394 : memref<32x1024xf32, #tpu.memory_space<hbm>>)
      %dma_wait3A_395 = arith.constant 32 : i32
      %dma_wait3A_396 = arith.constant 0 : i32
      %dma_wait3A_397 = tpu.memref_slice %arg3[%add3A_237, %dma_wait3A_395, %dma_wait3A_396] : memref<960x64x1024xf32, #tpu.memory_space<hbm>> -> memref<1x32x1024xf32, #tpu.memory_space<hbm>>
      %dma_wait3A_398 = tpu.memref_squeeze %dma_wait3A_397 : memref<1x32x1024xf32, #tpu.memory_space<hbm>> -> memref<32x1024xf32, #tpu.memory_space<hbm>>
      %dma_wait3A_399 = arith.constant 32 : i32
      %dma_wait3A_400 = arith.constant 0 : i32
      %dma_wait3A_401 = tpu.memref_slice %arg3[%add3A_237, %dma_wait3A_399, %dma_wait3A_400] : memref<960x64x1024xf32, #tpu.memory_space<hbm>> -> memref<1x32x1024xf32, #tpu.memory_space<hbm>>
      %dma_wait3A_402 = tpu.memref_squeeze %dma_wait3A_401 : memref<1x32x1024xf32, #tpu.memory_space<hbm>> -> memref<32x1024xf32, #tpu.memory_space<hbm>>
      tpu.wait_dma2 semaphore(%arg8 : memref<!tpu.dma_semaphore, #tpu.memory_space<semaphore_mem>>) src(%arg5 : memref<32x1024xf32, #tpu.memory_space<vmem>>) dst(%dma_wait3A_402 : memref<32x1024xf32, #tpu.memory_space<hbm>>)
      %dma_wait3A_403 = arith.constant 32 : i32
      %dma_wait3A_404 = arith.constant 0 : i32
      %dma_wait3A_405 = tpu.memref_slice %arg3[%add3A_250, %dma_wait3A_403, %dma_wait3A_404] : memref<960x64x1024xf32, #tpu.memory_space<hbm>> -> memref<1x32x1024xf32, #tpu.memory_space<hbm>>
      %dma_wait3A_406 = tpu.memref_squeeze %dma_wait3A_405 : memref<1x32x1024xf32, #tpu.memory_space<hbm>> -> memref<32x1024xf32, #tpu.memory_space<hbm>>
      %dma_wait3A_407 = arith.constant 32 : i32
      %dma_wait3A_408 = arith.constant 0 : i32
      %dma_wait3A_409 = tpu.memref_slice %arg3[%add3A_250, %dma_wait3A_407, %dma_wait3A_408] : memref<960x64x1024xf32, #tpu.memory_space<hbm>> -> memref<1x32x1024xf32, #tpu.memory_space<hbm>>
      %dma_wait3A_410 = tpu.memref_squeeze %dma_wait3A_409 : memref<1x32x1024xf32, #tpu.memory_space<hbm>> -> memref<32x1024xf32, #tpu.memory_space<hbm>>
      tpu.wait_dma2 semaphore(%arg8 : memref<!tpu.dma_semaphore, #tpu.memory_space<semaphore_mem>>) src(%arg5 : memref<32x1024xf32, #tpu.memory_space<vmem>>) dst(%dma_wait3A_410 : memref<32x1024xf32, #tpu.memory_space<hbm>>)
      %dma_wait3A_411 = arith.constant 32 : i32
      %dma_wait3A_412 = arith.constant 0 : i32
      %dma_wait3A_413 = tpu.memref_slice %arg3[%add3A_263, %dma_wait3A_411, %dma_wait3A_412] : memref<960x64x1024xf32, #tpu.memory_space<hbm>> -> memref<1x32x1024xf32, #tpu.memory_space<hbm>>
      %dma_wait3A_414 = tpu.memref_squeeze %dma_wait3A_413 : memref<1x32x1024xf32, #tpu.memory_space<hbm>> -> memref<32x1024xf32, #tpu.memory_space<hbm>>
      %dma_wait3A_415 = arith.constant 32 : i32
      %dma_wait3A_416 = arith.constant 0 : i32
      %dma_wait3A_417 = tpu.memref_slice %arg3[%add3A_263, %dma_wait3A_415, %dma_wait3A_416] : memref<960x64x1024xf32, #tpu.memory_space<hbm>> -> memref<1x32x1024xf32, #tpu.memory_space<hbm>>
      %dma_wait3A_418 = tpu.memref_squeeze %dma_wait3A_417 : memref<1x32x1024xf32, #tpu.memory_space<hbm>> -> memref<32x1024xf32, #tpu.memory_space<hbm>>
      tpu.wait_dma2 semaphore(%arg8 : memref<!tpu.dma_semaphore, #tpu.memory_space<semaphore_mem>>) src(%arg5 : memref<32x1024xf32, #tpu.memory_space<vmem>>) dst(%dma_wait3A_418 : memref<32x1024xf32, #tpu.memory_space<hbm>>)
      %dma_wait3A_419 = arith.constant 32 : i32
      %dma_wait3A_420 = arith.constant 0 : i32
      %dma_wait3A_421 = tpu.memref_slice %arg3[%add3A_276, %dma_wait3A_419, %dma_wait3A_420] : memref<960x64x1024xf32, #tpu.memory_space<hbm>> -> memref<1x32x1024xf32, #tpu.memory_space<hbm>>
      %dma_wait3A_422 = tpu.memref_squeeze %dma_wait3A_421 : memref<1x32x1024xf32, #tpu.memory_space<hbm>> -> memref<32x1024xf32, #tpu.memory_space<hbm>>
      %dma_wait3A_423 = arith.constant 32 : i32
      %dma_wait3A_424 = arith.constant 0 : i32
      %dma_wait3A_425 = tpu.memref_slice %arg3[%add3A_276, %dma_wait3A_423, %dma_wait3A_424] : memref<960x64x1024xf32, #tpu.memory_space<hbm>> -> memref<1x32x1024xf32, #tpu.memory_space<hbm>>
      %dma_wait3A_426 = tpu.memref_squeeze %dma_wait3A_425 : memref<1x32x1024xf32, #tpu.memory_space<hbm>> -> memref<32x1024xf32, #tpu.memory_space<hbm>>
      tpu.wait_dma2 semaphore(%arg8 : memref<!tpu.dma_semaphore, #tpu.memory_space<semaphore_mem>>) src(%arg5 : memref<32x1024xf32, #tpu.memory_space<vmem>>) dst(%dma_wait3A_426 : memref<32x1024xf32, #tpu.memory_space<hbm>>)
      %dma_wait3A_427 = arith.constant 32 : i32
      %dma_wait3A_428 = arith.constant 0 : i32
      %dma_wait3A_429 = tpu.memref_slice %arg3[%add3A_289, %dma_wait3A_427, %dma_wait3A_428] : memref<960x64x1024xf32, #tpu.memory_space<hbm>> -> memref<1x32x1024xf32, #tpu.memory_space<hbm>>
      %dma_wait3A_430 = tpu.memref_squeeze %dma_wait3A_429 : memref<1x32x1024xf32, #tpu.memory_space<hbm>> -> memref<32x1024xf32, #tpu.memory_space<hbm>>
      %dma_wait3A_431 = arith.constant 32 : i32
      %dma_wait3A_432 = arith.constant 0 : i32
      %dma_wait3A_433 = tpu.memref_slice %arg3[%add3A_289, %dma_wait3A_431, %dma_wait3A_432] : memref<960x64x1024xf32, #tpu.memory_space<hbm>> -> memref<1x32x1024xf32, #tpu.memory_space<hbm>>
      %dma_wait3A_434 = tpu.memref_squeeze %dma_wait3A_433 : memref<1x32x1024xf32, #tpu.memory_space<hbm>> -> memref<32x1024xf32, #tpu.memory_space<hbm>>
      tpu.wait_dma2 semaphore(%arg8 : memref<!tpu.dma_semaphore, #tpu.memory_space<semaphore_mem>>) src(%arg5 : memref<32x1024xf32, #tpu.memory_space<vmem>>) dst(%dma_wait3A_434 : memref<32x1024xf32, #tpu.memory_space<hbm>>)
      %dma_wait3A_435 = arith.constant 32 : i32
      %dma_wait3A_436 = arith.constant 0 : i32
      %dma_wait3A_437 = tpu.memref_slice %arg3[%add3A_302, %dma_wait3A_435, %dma_wait3A_436] : memref<960x64x1024xf32, #tpu.memory_space<hbm>> -> memref<1x32x1024xf32, #tpu.memory_space<hbm>>
      %dma_wait3A_438 = tpu.memref_squeeze %dma_wait3A_437 : memref<1x32x1024xf32, #tpu.memory_space<hbm>> -> memref<32x1024xf32, #tpu.memory_space<hbm>>
      %dma_wait3A_439 = arith.constant 32 : i32
      %dma_wait3A_440 = arith.constant 0 : i32
      %dma_wait3A_441 = tpu.memref_slice %arg3[%add3A_302, %dma_wait3A_439, %dma_wait3A_440] : memref<960x64x1024xf32, #tpu.memory_space<hbm>> -> memref<1x32x1024xf32, #tpu.memory_space<hbm>>
      %dma_wait3A_442 = tpu.memref_squeeze %dma_wait3A_441 : memref<1x32x1024xf32, #tpu.memory_space<hbm>> -> memref<32x1024xf32, #tpu.memory_space<hbm>>
      tpu.wait_dma2 semaphore(%arg8 : memref<!tpu.dma_semaphore, #tpu.memory_space<semaphore_mem>>) src(%arg5 : memref<32x1024xf32, #tpu.memory_space<vmem>>) dst(%dma_wait3A_442 : memref<32x1024xf32, #tpu.memory_space<hbm>>)
      %dma_wait3A_443 = arith.constant 32 : i32
      %dma_wait3A_444 = arith.constant 0 : i32
      %dma_wait3A_445 = tpu.memref_slice %arg3[%add3A_315, %dma_wait3A_443, %dma_wait3A_444] : memref<960x64x1024xf32, #tpu.memory_space<hbm>> -> memref<1x32x1024xf32, #tpu.memory_space<hbm>>
      %dma_wait3A_446 = tpu.memref_squeeze %dma_wait3A_445 : memref<1x32x1024xf32, #tpu.memory_space<hbm>> -> memref<32x1024xf32, #tpu.memory_space<hbm>>
      %dma_wait3A_447 = arith.constant 32 : i32
      %dma_wait3A_448 = arith.constant 0 : i32
      %dma_wait3A_449 = tpu.memref_slice %arg3[%add3A_315, %dma_wait3A_447, %dma_wait3A_448] : memref<960x64x1024xf32, #tpu.memory_space<hbm>> -> memref<1x32x1024xf32, #tpu.memory_space<hbm>>
      %dma_wait3A_450 = tpu.memref_squeeze %dma_wait3A_449 : memref<1x32x1024xf32, #tpu.memory_space<hbm>> -> memref<32x1024xf32, #tpu.memory_space<hbm>>
      tpu.wait_dma2 semaphore(%arg8 : memref<!tpu.dma_semaphore, #tpu.memory_space<semaphore_mem>>) src(%arg5 : memref<32x1024xf32, #tpu.memory_space<vmem>>) dst(%dma_wait3A_450 : memref<32x1024xf32, #tpu.memory_space<hbm>>)
    } else {
    }
    %ge3A = arith.constant 80 : i32
    %ge3A_5 = arith.cmpi sge, %add3A_2, %ge3A : i32
    %convert_element_type3A_6 = arith.extui %ge3A_5 : i1 to i32
    %cond3A_7 = arith.constant 0 : i32
    %cond3A_8 = arith.cmpi ne, %convert_element_type3A_6, %cond3A_7 : i32
    scf.if %cond3A_8 {
      %sub3A = arith.constant 80 : i32
      %sub3A_57 = arith.subi %add3A_2, %sub3A : i32
      %jit3A = arith.constant 4 : i32
      %div3A = arith.divsi %sub3A_57, %jit3A : i32
      %sign3A = arith.constant 0 : i32
      %sign3A_58 = arith.cmpi sgt, %sub3A_57, %sign3A : i32
      %sign3A_59 = arith.extui %sign3A_58 : i1 to i32
      %sign3A_60 = arith.constant 0 : i32
      %sign3A_61 = arith.cmpi slt, %sub3A_57, %sign3A_60 : i32
      %sign3A_62 = arith.extui %sign3A_61 : i1 to i32
      %sign3A_63 = arith.subi %sign3A_59, %sign3A_62 : i32
      %sign3A_64 = arith.constant 0 : i32
      %sign3A_65 = arith.cmpi sgt, %jit3A, %sign3A_64 : i32
      %sign3A_66 = arith.extui %sign3A_65 : i1 to i32
      %sign3A_67 = arith.constant 0 : i32
      %sign3A_68 = arith.cmpi slt, %jit3A, %sign3A_67 : i32
      %sign3A_69 = arith.extui %sign3A_68 : i1 to i32
      %sign3A_70 = arith.subi %sign3A_66, %sign3A_69 : i32
      %ne3A = arith.cmpi ne, %sign3A_63, %sign3A_70 : i32
      %rem3A = arith.remsi %sub3A_57, %jit3A : i32
      %ne3A_71 = arith.constant 0 : i32
      %ne3A_72 = arith.cmpi ne, %rem3A, %ne3A_71 : i32
      %and3A = arith.andi %ne3A, %ne3A_72 : i1
      %sub3A_73 = arith.constant 1 : i32
      %sub3A_74 = arith.subi %div3A, %sub3A_73 : i32
      %select_n3A = arith.select %and3A, %sub3A_74, %div3A : i32
      %jit3A_75 = arith.constant 4 : i32
      %eq3A = arith.constant 0 : i32
      %eq3A_76 = arith.cmpi eq, %jit3A_75, %eq3A : i32
      %jit3A_77 = arith.constant 1 : i32
      %select_n3A_78 = arith.select %eq3A_76, %jit3A_77, %jit3A_75 : i32
      %rem3A_79 = arith.remsi %sub3A_57, %select_n3A_78 : i32
      %ne3A_80 = arith.constant 0 : i32
      %ne3A_81 = arith.cmpi ne, %rem3A_79, %ne3A_80 : i32
      %lt3A_82 = arith.constant 0 : i32
      %lt3A_83 = arith.cmpi slt, %rem3A_79, %lt3A_82 : i32
      %lt3A_84 = arith.constant 0 : i32
      %lt3A_85 = arith.cmpi slt, %select_n3A_78, %lt3A_84 : i32
      %ne3A_86 = arith.xori %lt3A_83, %lt3A_85 : i1
      %and3A_87 = arith.andi %ne3A_86, %ne3A_81 : i1
      %add3A_88 = arith.addi %rem3A_79, %select_n3A_78 : i32
      %select_n3A_89 = arith.select %and3A_87, %add3A_88, %rem3A_79 : i32
      %lt3A_90 = arith.constant 2 : i32
      %lt3A_91 = arith.cmpi slt, %select_n3A_89, %lt3A_90 : i32
      %jit3A_92 = arith.constant 2 : i32
      %jit3A_93 = arith.constant 5 : i32
      %select_n3A_94 = arith.select %lt3A_91, %jit3A_92, %jit3A_93 : i32
      %lt3A_95 = arith.constant 2 : i32
      %lt3A_96 = arith.cmpi slt, %select_n3A_89, %lt3A_95 : i32
      %jit3A_97 = arith.constant 2 : i32
      %jit3A_98 = arith.constant 12 : i32
      %select_n3A_99 = arith.select %lt3A_96, %jit3A_97, %jit3A_98 : i32
      %jit3A_100 = arith.constant 2 : i32
      %eq3A_101 = arith.constant 0 : i32
      %eq3A_102 = arith.cmpi eq, %jit3A_100, %eq3A_101 : i32
      %jit3A_103 = arith.constant 1 : i32
      %select_n3A_104 = arith.select %eq3A_102, %jit3A_103, %jit3A_100 : i32
      %rem3A_105 = arith.remsi %select_n3A_89, %select_n3A_104 : i32
      %ne3A_106 = arith.constant 0 : i32
      %ne3A_107 = arith.cmpi ne, %rem3A_105, %ne3A_106 : i32
      %lt3A_108 = arith.constant 0 : i32
      %lt3A_109 = arith.cmpi slt, %rem3A_105, %lt3A_108 : i32
      %lt3A_110 = arith.constant 0 : i32
      %lt3A_111 = arith.cmpi slt, %select_n3A_104, %lt3A_110 : i32
      %ne3A_112 = arith.xori %lt3A_109, %lt3A_111 : i1
      %and3A_113 = arith.andi %ne3A_112, %ne3A_107 : i1
      %add3A_114 = arith.addi %rem3A_105, %select_n3A_104 : i32
      %select_n3A_115 = arith.select %and3A_113, %add3A_114, %rem3A_105 : i32
      %eq3A_116 = arith.constant 0 : i32
      %eq3A_117 = arith.cmpi eq, %select_n3A_115, %eq3A_116 : i32
      %jit3A_118 = arith.constant 0 : i32
      %jit3A_119 = arith.constant 4 : i32
      %select_n3A_120 = arith.select %eq3A_117, %jit3A_118, %jit3A_119 : i32
      %add3A_121 = arith.constant 0 : i32
      %add3A_122 = arith.addi %select_n3A_120, %add3A_121 : i32
      %mul3A_123 = arith.constant 20 : i32
      %mul3A_124 = arith.muli %select_n3A, %mul3A_123 : i32
      %add3A_125 = arith.addi %mul3A_124, %select_n3A_99 : i32
      %add3A_126 = arith.addi %add3A_125, %add3A_122 : i32
      %mul3A_127 = arith.constant 48 : i32
      %mul3A_128 = arith.muli %select_n3A, %mul3A_127 : i32
      %mul3A_129 = arith.constant 6 : i32
      %mul3A_130 = arith.muli %add3A_122, %mul3A_129 : i32
      %add3A_131 = arith.addi %mul3A_128, %mul3A_130 : i32
      %add3A_132 = arith.addi %add3A_131, %select_n3A_94 : i32
      "tpu.region"() ({
        %run_scoped3A = tpu.sem_alloc : memref<!tpu.dma_semaphore, #tpu.memory_space<semaphore_mem>>
        %dma_start3A_295 = arith.constant 0 : i32
        %dma_start3A_296 = arith.constant 0 : i32
        %dma_start3A_297 = tpu.memref_slice %arg2[%add3A_126, %dma_start3A_295, %dma_start3A_296] : memref<400x64x1024xf32, #tpu.memory_space<hbm>> -> memref<1x32x1024xf32, #tpu.memory_space<hbm>>
        %dma_start3A_298 = tpu.memref_squeeze %dma_start3A_297 : memref<1x32x1024xf32, #tpu.memory_space<hbm>> -> memref<32x1024xf32, #tpu.memory_space<hbm>>
        %dma_start3A_299 = arith.constant 0 : i32
        %dma_start3A_300 = arith.constant 0 : i32
        %dma_start3A_301 = tpu.memref_slice %arg2[%add3A_126, %dma_start3A_299, %dma_start3A_300] : memref<400x64x1024xf32, #tpu.memory_space<hbm>> -> memref<1x32x1024xf32, #tpu.memory_space<hbm>>
        %dma_start3A_302 = tpu.memref_squeeze %dma_start3A_301 : memref<1x32x1024xf32, #tpu.memory_space<hbm>> -> memref<32x1024xf32, #tpu.memory_space<hbm>>
        tpu.enqueue_dma source(%dma_start3A_302 : memref<32x1024xf32, #tpu.memory_space<hbm>>) target(%arg4 : memref<32x1024xf32, #tpu.memory_space<vmem>>) target_semaphore(%run_scoped3A : memref<!tpu.dma_semaphore, #tpu.memory_space<semaphore_mem>>)
        %dma_wait3A_303 = arith.constant 0 : i32
        %dma_wait3A_304 = arith.constant 0 : i32
        %dma_wait3A_305 = tpu.memref_slice %arg2[%add3A_126, %dma_wait3A_303, %dma_wait3A_304] : memref<400x64x1024xf32, #tpu.memory_space<hbm>> -> memref<1x32x1024xf32, #tpu.memory_space<hbm>>
        %dma_wait3A_306 = tpu.memref_squeeze %dma_wait3A_305 : memref<1x32x1024xf32, #tpu.memory_space<hbm>> -> memref<32x1024xf32, #tpu.memory_space<hbm>>
        %dma_wait3A_307 = arith.constant 0 : i32
        %dma_wait3A_308 = arith.constant 0 : i32
        %dma_wait3A_309 = tpu.memref_slice %arg2[%add3A_126, %dma_wait3A_307, %dma_wait3A_308] : memref<400x64x1024xf32, #tpu.memory_space<hbm>> -> memref<1x32x1024xf32, #tpu.memory_space<hbm>>
        %dma_wait3A_310 = tpu.memref_squeeze %dma_wait3A_309 : memref<1x32x1024xf32, #tpu.memory_space<hbm>> -> memref<32x1024xf32, #tpu.memory_space<hbm>>
        tpu.wait_dma2 semaphore(%run_scoped3A : memref<!tpu.dma_semaphore, #tpu.memory_space<semaphore_mem>>) src(%dma_wait3A_310 : memref<32x1024xf32, #tpu.memory_space<hbm>>) dst(%arg4 : memref<32x1024xf32, #tpu.memory_space<vmem>>)
        tpu.yield
      }) : () -> ()
      %dma_start3A = arith.constant 0 : i32
      %dma_start3A_133 = arith.constant 0 : i32
      %dma_start3A_134 = tpu.memref_slice %arg3[%add3A_132, %dma_start3A, %dma_start3A_133] : memref<960x64x1024xf32, #tpu.memory_space<hbm>> -> memref<1x32x1024xf32, #tpu.memory_space<hbm>>
      %dma_start3A_135 = tpu.memref_squeeze %dma_start3A_134 : memref<1x32x1024xf32, #tpu.memory_space<hbm>> -> memref<32x1024xf32, #tpu.memory_space<hbm>>
      %dma_start3A_136 = arith.constant 0 : i32
      %dma_start3A_137 = arith.constant 0 : i32
      %dma_start3A_138 = tpu.memref_slice %arg3[%add3A_132, %dma_start3A_136, %dma_start3A_137] : memref<960x64x1024xf32, #tpu.memory_space<hbm>> -> memref<1x32x1024xf32, #tpu.memory_space<hbm>>
      %dma_start3A_139 = tpu.memref_squeeze %dma_start3A_138 : memref<1x32x1024xf32, #tpu.memory_space<hbm>> -> memref<32x1024xf32, #tpu.memory_space<hbm>>
      tpu.enqueue_dma source(%arg4 : memref<32x1024xf32, #tpu.memory_space<vmem>>) target(%dma_start3A_139 : memref<32x1024xf32, #tpu.memory_space<hbm>>) target_semaphore(%arg7 : memref<!tpu.dma_semaphore, #tpu.memory_space<semaphore_mem>>)
      "tpu.region"() ({
        %run_scoped3A = tpu.sem_alloc : memref<!tpu.dma_semaphore, #tpu.memory_space<semaphore_mem>>
        %dma_start3A_295 = arith.constant 32 : i32
        %dma_start3A_296 = arith.constant 0 : i32
        %dma_start3A_297 = tpu.memref_slice %arg2[%add3A_126, %dma_start3A_295, %dma_start3A_296] : memref<400x64x1024xf32, #tpu.memory_space<hbm>> -> memref<1x32x1024xf32, #tpu.memory_space<hbm>>
        %dma_start3A_298 = tpu.memref_squeeze %dma_start3A_297 : memref<1x32x1024xf32, #tpu.memory_space<hbm>> -> memref<32x1024xf32, #tpu.memory_space<hbm>>
        %dma_start3A_299 = arith.constant 32 : i32
        %dma_start3A_300 = arith.constant 0 : i32
        %dma_start3A_301 = tpu.memref_slice %arg2[%add3A_126, %dma_start3A_299, %dma_start3A_300] : memref<400x64x1024xf32, #tpu.memory_space<hbm>> -> memref<1x32x1024xf32, #tpu.memory_space<hbm>>
        %dma_start3A_302 = tpu.memref_squeeze %dma_start3A_301 : memref<1x32x1024xf32, #tpu.memory_space<hbm>> -> memref<32x1024xf32, #tpu.memory_space<hbm>>
        tpu.enqueue_dma source(%dma_start3A_302 : memref<32x1024xf32, #tpu.memory_space<hbm>>) target(%arg5 : memref<32x1024xf32, #tpu.memory_space<vmem>>) target_semaphore(%run_scoped3A : memref<!tpu.dma_semaphore, #tpu.memory_space<semaphore_mem>>)
        %dma_wait3A_303 = arith.constant 32 : i32
        %dma_wait3A_304 = arith.constant 0 : i32
        %dma_wait3A_305 = tpu.memref_slice %arg2[%add3A_126, %dma_wait3A_303, %dma_wait3A_304] : memref<400x64x1024xf32, #tpu.memory_space<hbm>> -> memref<1x32x1024xf32, #tpu.memory_space<hbm>>
        %dma_wait3A_306 = tpu.memref_squeeze %dma_wait3A_305 : memref<1x32x1024xf32, #tpu.memory_space<hbm>> -> memref<32x1024xf32, #tpu.memory_space<hbm>>
        %dma_wait3A_307 = arith.constant 32 : i32
        %dma_wait3A_308 = arith.constant 0 : i32
        %dma_wait3A_309 = tpu.memref_slice %arg2[%add3A_126, %dma_wait3A_307, %dma_wait3A_308] : memref<400x64x1024xf32, #tpu.memory_space<hbm>> -> memref<1x32x1024xf32, #tpu.memory_space<hbm>>
        %dma_wait3A_310 = tpu.memref_squeeze %dma_wait3A_309 : memref<1x32x1024xf32, #tpu.memory_space<hbm>> -> memref<32x1024xf32, #tpu.memory_space<hbm>>
        tpu.wait_dma2 semaphore(%run_scoped3A : memref<!tpu.dma_semaphore, #tpu.memory_space<semaphore_mem>>) src(%dma_wait3A_310 : memref<32x1024xf32, #tpu.memory_space<hbm>>) dst(%arg5 : memref<32x1024xf32, #tpu.memory_space<vmem>>)
        tpu.yield
      }) : () -> ()
      %dma_start3A_140 = arith.constant 32 : i32
      %dma_start3A_141 = arith.constant 0 : i32
      %dma_start3A_142 = tpu.memref_slice %arg3[%add3A_132, %dma_start3A_140, %dma_start3A_141] : memref<960x64x1024xf32, #tpu.memory_space<hbm>> -> memref<1x32x1024xf32, #tpu.memory_space<hbm>>
      %dma_start3A_143 = tpu.memref_squeeze %dma_start3A_142 : memref<1x32x1024xf32, #tpu.memory_space<hbm>> -> memref<32x1024xf32, #tpu.memory_space<hbm>>
      %dma_start3A_144 = arith.constant 32 : i32
      %dma_start3A_145 = arith.constant 0 : i32
      %dma_start3A_146 = tpu.memref_slice %arg3[%add3A_132, %dma_start3A_144, %dma_start3A_145] : memref<960x64x1024xf32, #tpu.memory_space<hbm>> -> memref<1x32x1024xf32, #tpu.memory_space<hbm>>
      %dma_start3A_147 = tpu.memref_squeeze %dma_start3A_146 : memref<1x32x1024xf32, #tpu.memory_space<hbm>> -> memref<32x1024xf32, #tpu.memory_space<hbm>>
      tpu.enqueue_dma source(%arg5 : memref<32x1024xf32, #tpu.memory_space<vmem>>) target(%dma_start3A_147 : memref<32x1024xf32, #tpu.memory_space<hbm>>) target_semaphore(%arg8 : memref<!tpu.dma_semaphore, #tpu.memory_space<semaphore_mem>>)
      %add3A_148 = arith.constant 1 : i32
      %add3A_149 = arith.addi %select_n3A_120, %add3A_148 : i32
      %mul3A_150 = arith.constant 20 : i32
      %mul3A_151 = arith.muli %select_n3A, %mul3A_150 : i32
      %add3A_152 = arith.addi %mul3A_151, %select_n3A_99 : i32
      %add3A_153 = arith.addi %add3A_152, %add3A_149 : i32
      %mul3A_154 = arith.constant 48 : i32
      %mul3A_155 = arith.muli %select_n3A, %mul3A_154 : i32
      %mul3A_156 = arith.constant 6 : i32
      %mul3A_157 = arith.muli %add3A_149, %mul3A_156 : i32
      %add3A_158 = arith.addi %mul3A_155, %mul3A_157 : i32
      %add3A_159 = arith.addi %add3A_158, %select_n3A_94 : i32
      "tpu.region"() ({
        %run_scoped3A = tpu.sem_alloc : memref<!tpu.dma_semaphore, #tpu.memory_space<semaphore_mem>>
        %dma_start3A_295 = arith.constant 0 : i32
        %dma_start3A_296 = arith.constant 0 : i32
        %dma_start3A_297 = tpu.memref_slice %arg2[%add3A_153, %dma_start3A_295, %dma_start3A_296] : memref<400x64x1024xf32, #tpu.memory_space<hbm>> -> memref<1x32x1024xf32, #tpu.memory_space<hbm>>
        %dma_start3A_298 = tpu.memref_squeeze %dma_start3A_297 : memref<1x32x1024xf32, #tpu.memory_space<hbm>> -> memref<32x1024xf32, #tpu.memory_space<hbm>>
        %dma_start3A_299 = arith.constant 0 : i32
        %dma_start3A_300 = arith.constant 0 : i32
        %dma_start3A_301 = tpu.memref_slice %arg2[%add3A_153, %dma_start3A_299, %dma_start3A_300] : memref<400x64x1024xf32, #tpu.memory_space<hbm>> -> memref<1x32x1024xf32, #tpu.memory_space<hbm>>
        %dma_start3A_302 = tpu.memref_squeeze %dma_start3A_301 : memref<1x32x1024xf32, #tpu.memory_space<hbm>> -> memref<32x1024xf32, #tpu.memory_space<hbm>>
        tpu.enqueue_dma source(%dma_start3A_302 : memref<32x1024xf32, #tpu.memory_space<hbm>>) target(%arg6 : memref<32x1024xf32, #tpu.memory_space<vmem>>) target_semaphore(%run_scoped3A : memref<!tpu.dma_semaphore, #tpu.memory_space<semaphore_mem>>)
        %dma_wait3A_303 = arith.constant 0 : i32
        %dma_wait3A_304 = arith.constant 0 : i32
        %dma_wait3A_305 = tpu.memref_slice %arg2[%add3A_153, %dma_wait3A_303, %dma_wait3A_304] : memref<400x64x1024xf32, #tpu.memory_space<hbm>> -> memref<1x32x1024xf32, #tpu.memory_space<hbm>>
        %dma_wait3A_306 = tpu.memref_squeeze %dma_wait3A_305 : memref<1x32x1024xf32, #tpu.memory_space<hbm>> -> memref<32x1024xf32, #tpu.memory_space<hbm>>
        %dma_wait3A_307 = arith.constant 0 : i32
        %dma_wait3A_308 = arith.constant 0 : i32
        %dma_wait3A_309 = tpu.memref_slice %arg2[%add3A_153, %dma_wait3A_307, %dma_wait3A_308] : memref<400x64x1024xf32, #tpu.memory_space<hbm>> -> memref<1x32x1024xf32, #tpu.memory_space<hbm>>
        %dma_wait3A_310 = tpu.memref_squeeze %dma_wait3A_309 : memref<1x32x1024xf32, #tpu.memory_space<hbm>> -> memref<32x1024xf32, #tpu.memory_space<hbm>>
        tpu.wait_dma2 semaphore(%run_scoped3A : memref<!tpu.dma_semaphore, #tpu.memory_space<semaphore_mem>>) src(%dma_wait3A_310 : memref<32x1024xf32, #tpu.memory_space<hbm>>) dst(%arg6 : memref<32x1024xf32, #tpu.memory_space<vmem>>)
        tpu.yield
      }) : () -> ()
      %dma_start3A_160 = arith.constant 0 : i32
      %dma_start3A_161 = arith.constant 0 : i32
      %dma_start3A_162 = tpu.memref_slice %arg3[%add3A_159, %dma_start3A_160, %dma_start3A_161] : memref<960x64x1024xf32, #tpu.memory_space<hbm>> -> memref<1x32x1024xf32, #tpu.memory_space<hbm>>
      %dma_start3A_163 = tpu.memref_squeeze %dma_start3A_162 : memref<1x32x1024xf32, #tpu.memory_space<hbm>> -> memref<32x1024xf32, #tpu.memory_space<hbm>>
      %dma_start3A_164 = arith.constant 0 : i32
      %dma_start3A_165 = arith.constant 0 : i32
      %dma_start3A_166 = tpu.memref_slice %arg3[%add3A_159, %dma_start3A_164, %dma_start3A_165] : memref<960x64x1024xf32, #tpu.memory_space<hbm>> -> memref<1x32x1024xf32, #tpu.memory_space<hbm>>
      %dma_start3A_167 = tpu.memref_squeeze %dma_start3A_166 : memref<1x32x1024xf32, #tpu.memory_space<hbm>> -> memref<32x1024xf32, #tpu.memory_space<hbm>>
      tpu.enqueue_dma source(%arg6 : memref<32x1024xf32, #tpu.memory_space<vmem>>) target(%dma_start3A_167 : memref<32x1024xf32, #tpu.memory_space<hbm>>) target_semaphore(%arg9 : memref<!tpu.dma_semaphore, #tpu.memory_space<semaphore_mem>>)
      %dma_wait3A = arith.constant 0 : i32
      %dma_wait3A_168 = arith.constant 0 : i32
      %dma_wait3A_169 = tpu.memref_slice %arg3[%add3A_132, %dma_wait3A, %dma_wait3A_168] : memref<960x64x1024xf32, #tpu.memory_space<hbm>> -> memref<1x32x1024xf32, #tpu.memory_space<hbm>>
      %dma_wait3A_170 = tpu.memref_squeeze %dma_wait3A_169 : memref<1x32x1024xf32, #tpu.memory_space<hbm>> -> memref<32x1024xf32, #tpu.memory_space<hbm>>
      %dma_wait3A_171 = arith.constant 0 : i32
      %dma_wait3A_172 = arith.constant 0 : i32
      %dma_wait3A_173 = tpu.memref_slice %arg3[%add3A_132, %dma_wait3A_171, %dma_wait3A_172] : memref<960x64x1024xf32, #tpu.memory_space<hbm>> -> memref<1x32x1024xf32, #tpu.memory_space<hbm>>
      %dma_wait3A_174 = tpu.memref_squeeze %dma_wait3A_173 : memref<1x32x1024xf32, #tpu.memory_space<hbm>> -> memref<32x1024xf32, #tpu.memory_space<hbm>>
      tpu.wait_dma2 semaphore(%arg7 : memref<!tpu.dma_semaphore, #tpu.memory_space<semaphore_mem>>) src(%arg4 : memref<32x1024xf32, #tpu.memory_space<vmem>>) dst(%dma_wait3A_174 : memref<32x1024xf32, #tpu.memory_space<hbm>>)
      "tpu.region"() ({
        %run_scoped3A = tpu.sem_alloc : memref<!tpu.dma_semaphore, #tpu.memory_space<semaphore_mem>>
        %dma_start3A_295 = arith.constant 32 : i32
        %dma_start3A_296 = arith.constant 0 : i32
        %dma_start3A_297 = tpu.memref_slice %arg2[%add3A_153, %dma_start3A_295, %dma_start3A_296] : memref<400x64x1024xf32, #tpu.memory_space<hbm>> -> memref<1x32x1024xf32, #tpu.memory_space<hbm>>
        %dma_start3A_298 = tpu.memref_squeeze %dma_start3A_297 : memref<1x32x1024xf32, #tpu.memory_space<hbm>> -> memref<32x1024xf32, #tpu.memory_space<hbm>>
        %dma_start3A_299 = arith.constant 32 : i32
        %dma_start3A_300 = arith.constant 0 : i32
        %dma_start3A_301 = tpu.memref_slice %arg2[%add3A_153, %dma_start3A_299, %dma_start3A_300] : memref<400x64x1024xf32, #tpu.memory_space<hbm>> -> memref<1x32x1024xf32, #tpu.memory_space<hbm>>
        %dma_start3A_302 = tpu.memref_squeeze %dma_start3A_301 : memref<1x32x1024xf32, #tpu.memory_space<hbm>> -> memref<32x1024xf32, #tpu.memory_space<hbm>>
        tpu.enqueue_dma source(%dma_start3A_302 : memref<32x1024xf32, #tpu.memory_space<hbm>>) target(%arg4 : memref<32x1024xf32, #tpu.memory_space<vmem>>) target_semaphore(%run_scoped3A : memref<!tpu.dma_semaphore, #tpu.memory_space<semaphore_mem>>)
        %dma_wait3A_303 = arith.constant 32 : i32
        %dma_wait3A_304 = arith.constant 0 : i32
        %dma_wait3A_305 = tpu.memref_slice %arg2[%add3A_153, %dma_wait3A_303, %dma_wait3A_304] : memref<400x64x1024xf32, #tpu.memory_space<hbm>> -> memref<1x32x1024xf32, #tpu.memory_space<hbm>>
        %dma_wait3A_306 = tpu.memref_squeeze %dma_wait3A_305 : memref<1x32x1024xf32, #tpu.memory_space<hbm>> -> memref<32x1024xf32, #tpu.memory_space<hbm>>
        %dma_wait3A_307 = arith.constant 32 : i32
        %dma_wait3A_308 = arith.constant 0 : i32
        %dma_wait3A_309 = tpu.memref_slice %arg2[%add3A_153, %dma_wait3A_307, %dma_wait3A_308] : memref<400x64x1024xf32, #tpu.memory_space<hbm>> -> memref<1x32x1024xf32, #tpu.memory_space<hbm>>
        %dma_wait3A_310 = tpu.memref_squeeze %dma_wait3A_309 : memref<1x32x1024xf32, #tpu.memory_space<hbm>> -> memref<32x1024xf32, #tpu.memory_space<hbm>>
        tpu.wait_dma2 semaphore(%run_scoped3A : memref<!tpu.dma_semaphore, #tpu.memory_space<semaphore_mem>>) src(%dma_wait3A_310 : memref<32x1024xf32, #tpu.memory_space<hbm>>) dst(%arg4 : memref<32x1024xf32, #tpu.memory_space<vmem>>)
        tpu.yield
      }) : () -> ()
      %dma_start3A_175 = arith.constant 32 : i32
      %dma_start3A_176 = arith.constant 0 : i32
      %dma_start3A_177 = tpu.memref_slice %arg3[%add3A_159, %dma_start3A_175, %dma_start3A_176] : memref<960x64x1024xf32, #tpu.memory_space<hbm>> -> memref<1x32x1024xf32, #tpu.memory_space<hbm>>
      %dma_start3A_178 = tpu.memref_squeeze %dma_start3A_177 : memref<1x32x1024xf32, #tpu.memory_space<hbm>> -> memref<32x1024xf32, #tpu.memory_space<hbm>>
      %dma_start3A_179 = arith.constant 32 : i32
      %dma_start3A_180 = arith.constant 0 : i32
      %dma_start3A_181 = tpu.memref_slice %arg3[%add3A_159, %dma_start3A_179, %dma_start3A_180] : memref<960x64x1024xf32, #tpu.memory_space<hbm>> -> memref<1x32x1024xf32, #tpu.memory_space<hbm>>
      %dma_start3A_182 = tpu.memref_squeeze %dma_start3A_181 : memref<1x32x1024xf32, #tpu.memory_space<hbm>> -> memref<32x1024xf32, #tpu.memory_space<hbm>>
      tpu.enqueue_dma source(%arg4 : memref<32x1024xf32, #tpu.memory_space<vmem>>) target(%dma_start3A_182 : memref<32x1024xf32, #tpu.memory_space<hbm>>) target_semaphore(%arg7 : memref<!tpu.dma_semaphore, #tpu.memory_space<semaphore_mem>>)
      %add3A_183 = arith.constant 2 : i32
      %add3A_184 = arith.addi %select_n3A_120, %add3A_183 : i32
      %mul3A_185 = arith.constant 20 : i32
      %mul3A_186 = arith.muli %select_n3A, %mul3A_185 : i32
      %add3A_187 = arith.addi %mul3A_186, %select_n3A_99 : i32
      %add3A_188 = arith.addi %add3A_187, %add3A_184 : i32
      %mul3A_189 = arith.constant 48 : i32
      %mul3A_190 = arith.muli %select_n3A, %mul3A_189 : i32
      %mul3A_191 = arith.constant 6 : i32
      %mul3A_192 = arith.muli %add3A_184, %mul3A_191 : i32
      %add3A_193 = arith.addi %mul3A_190, %mul3A_192 : i32
      %add3A_194 = arith.addi %add3A_193, %select_n3A_94 : i32
      %dma_wait3A_195 = arith.constant 32 : i32
      %dma_wait3A_196 = arith.constant 0 : i32
      %dma_wait3A_197 = tpu.memref_slice %arg3[%add3A_132, %dma_wait3A_195, %dma_wait3A_196] : memref<960x64x1024xf32, #tpu.memory_space<hbm>> -> memref<1x32x1024xf32, #tpu.memory_space<hbm>>
      %dma_wait3A_198 = tpu.memref_squeeze %dma_wait3A_197 : memref<1x32x1024xf32, #tpu.memory_space<hbm>> -> memref<32x1024xf32, #tpu.memory_space<hbm>>
      %dma_wait3A_199 = arith.constant 32 : i32
      %dma_wait3A_200 = arith.constant 0 : i32
      %dma_wait3A_201 = tpu.memref_slice %arg3[%add3A_132, %dma_wait3A_199, %dma_wait3A_200] : memref<960x64x1024xf32, #tpu.memory_space<hbm>> -> memref<1x32x1024xf32, #tpu.memory_space<hbm>>
      %dma_wait3A_202 = tpu.memref_squeeze %dma_wait3A_201 : memref<1x32x1024xf32, #tpu.memory_space<hbm>> -> memref<32x1024xf32, #tpu.memory_space<hbm>>
      tpu.wait_dma2 semaphore(%arg8 : memref<!tpu.dma_semaphore, #tpu.memory_space<semaphore_mem>>) src(%arg5 : memref<32x1024xf32, #tpu.memory_space<vmem>>) dst(%dma_wait3A_202 : memref<32x1024xf32, #tpu.memory_space<hbm>>)
      "tpu.region"() ({
        %run_scoped3A = tpu.sem_alloc : memref<!tpu.dma_semaphore, #tpu.memory_space<semaphore_mem>>
        %dma_start3A_295 = arith.constant 0 : i32
        %dma_start3A_296 = arith.constant 0 : i32
        %dma_start3A_297 = tpu.memref_slice %arg2[%add3A_188, %dma_start3A_295, %dma_start3A_296] : memref<400x64x1024xf32, #tpu.memory_space<hbm>> -> memref<1x32x1024xf32, #tpu.memory_space<hbm>>
        %dma_start3A_298 = tpu.memref_squeeze %dma_start3A_297 : memref<1x32x1024xf32, #tpu.memory_space<hbm>> -> memref<32x1024xf32, #tpu.memory_space<hbm>>
        %dma_start3A_299 = arith.constant 0 : i32
        %dma_start3A_300 = arith.constant 0 : i32
        %dma_start3A_301 = tpu.memref_slice %arg2[%add3A_188, %dma_start3A_299, %dma_start3A_300] : memref<400x64x1024xf32, #tpu.memory_space<hbm>> -> memref<1x32x1024xf32, #tpu.memory_space<hbm>>
        %dma_start3A_302 = tpu.memref_squeeze %dma_start3A_301 : memref<1x32x1024xf32, #tpu.memory_space<hbm>> -> memref<32x1024xf32, #tpu.memory_space<hbm>>
        tpu.enqueue_dma source(%dma_start3A_302 : memref<32x1024xf32, #tpu.memory_space<hbm>>) target(%arg5 : memref<32x1024xf32, #tpu.memory_space<vmem>>) target_semaphore(%run_scoped3A : memref<!tpu.dma_semaphore, #tpu.memory_space<semaphore_mem>>)
        %dma_wait3A_303 = arith.constant 0 : i32
        %dma_wait3A_304 = arith.constant 0 : i32
        %dma_wait3A_305 = tpu.memref_slice %arg2[%add3A_188, %dma_wait3A_303, %dma_wait3A_304] : memref<400x64x1024xf32, #tpu.memory_space<hbm>> -> memref<1x32x1024xf32, #tpu.memory_space<hbm>>
        %dma_wait3A_306 = tpu.memref_squeeze %dma_wait3A_305 : memref<1x32x1024xf32, #tpu.memory_space<hbm>> -> memref<32x1024xf32, #tpu.memory_space<hbm>>
        %dma_wait3A_307 = arith.constant 0 : i32
        %dma_wait3A_308 = arith.constant 0 : i32
        %dma_wait3A_309 = tpu.memref_slice %arg2[%add3A_188, %dma_wait3A_307, %dma_wait3A_308] : memref<400x64x1024xf32, #tpu.memory_space<hbm>> -> memref<1x32x1024xf32, #tpu.memory_space<hbm>>
        %dma_wait3A_310 = tpu.memref_squeeze %dma_wait3A_309 : memref<1x32x1024xf32, #tpu.memory_space<hbm>> -> memref<32x1024xf32, #tpu.memory_space<hbm>>
        tpu.wait_dma2 semaphore(%run_scoped3A : memref<!tpu.dma_semaphore, #tpu.memory_space<semaphore_mem>>) src(%dma_wait3A_310 : memref<32x1024xf32, #tpu.memory_space<hbm>>) dst(%arg5 : memref<32x1024xf32, #tpu.memory_space<vmem>>)
        tpu.yield
      }) : () -> ()
      %dma_start3A_203 = arith.constant 0 : i32
      %dma_start3A_204 = arith.constant 0 : i32
      %dma_start3A_205 = tpu.memref_slice %arg3[%add3A_194, %dma_start3A_203, %dma_start3A_204] : memref<960x64x1024xf32, #tpu.memory_space<hbm>> -> memref<1x32x1024xf32, #tpu.memory_space<hbm>>
      %dma_start3A_206 = tpu.memref_squeeze %dma_start3A_205 : memref<1x32x1024xf32, #tpu.memory_space<hbm>> -> memref<32x1024xf32, #tpu.memory_space<hbm>>
      %dma_start3A_207 = arith.constant 0 : i32
      %dma_start3A_208 = arith.constant 0 : i32
      %dma_start3A_209 = tpu.memref_slice %arg3[%add3A_194, %dma_start3A_207, %dma_start3A_208] : memref<960x64x1024xf32, #tpu.memory_space<hbm>> -> memref<1x32x1024xf32, #tpu.memory_space<hbm>>
      %dma_start3A_210 = tpu.memref_squeeze %dma_start3A_209 : memref<1x32x1024xf32, #tpu.memory_space<hbm>> -> memref<32x1024xf32, #tpu.memory_space<hbm>>
      tpu.enqueue_dma source(%arg5 : memref<32x1024xf32, #tpu.memory_space<vmem>>) target(%dma_start3A_210 : memref<32x1024xf32, #tpu.memory_space<hbm>>) target_semaphore(%arg8 : memref<!tpu.dma_semaphore, #tpu.memory_space<semaphore_mem>>)
      %dma_wait3A_211 = arith.constant 0 : i32
      %dma_wait3A_212 = arith.constant 0 : i32
      %dma_wait3A_213 = tpu.memref_slice %arg3[%add3A_159, %dma_wait3A_211, %dma_wait3A_212] : memref<960x64x1024xf32, #tpu.memory_space<hbm>> -> memref<1x32x1024xf32, #tpu.memory_space<hbm>>
      %dma_wait3A_214 = tpu.memref_squeeze %dma_wait3A_213 : memref<1x32x1024xf32, #tpu.memory_space<hbm>> -> memref<32x1024xf32, #tpu.memory_space<hbm>>
      %dma_wait3A_215 = arith.constant 0 : i32
      %dma_wait3A_216 = arith.constant 0 : i32
      %dma_wait3A_217 = tpu.memref_slice %arg3[%add3A_159, %dma_wait3A_215, %dma_wait3A_216] : memref<960x64x1024xf32, #tpu.memory_space<hbm>> -> memref<1x32x1024xf32, #tpu.memory_space<hbm>>
      %dma_wait3A_218 = tpu.memref_squeeze %dma_wait3A_217 : memref<1x32x1024xf32, #tpu.memory_space<hbm>> -> memref<32x1024xf32, #tpu.memory_space<hbm>>
      tpu.wait_dma2 semaphore(%arg9 : memref<!tpu.dma_semaphore, #tpu.memory_space<semaphore_mem>>) src(%arg6 : memref<32x1024xf32, #tpu.memory_space<vmem>>) dst(%dma_wait3A_218 : memref<32x1024xf32, #tpu.memory_space<hbm>>)
      "tpu.region"() ({
        %run_scoped3A = tpu.sem_alloc : memref<!tpu.dma_semaphore, #tpu.memory_space<semaphore_mem>>
        %dma_start3A_295 = arith.constant 32 : i32
        %dma_start3A_296 = arith.constant 0 : i32
        %dma_start3A_297 = tpu.memref_slice %arg2[%add3A_188, %dma_start3A_295, %dma_start3A_296] : memref<400x64x1024xf32, #tpu.memory_space<hbm>> -> memref<1x32x1024xf32, #tpu.memory_space<hbm>>
        %dma_start3A_298 = tpu.memref_squeeze %dma_start3A_297 : memref<1x32x1024xf32, #tpu.memory_space<hbm>> -> memref<32x1024xf32, #tpu.memory_space<hbm>>
        %dma_start3A_299 = arith.constant 32 : i32
        %dma_start3A_300 = arith.constant 0 : i32
        %dma_start3A_301 = tpu.memref_slice %arg2[%add3A_188, %dma_start3A_299, %dma_start3A_300] : memref<400x64x1024xf32, #tpu.memory_space<hbm>> -> memref<1x32x1024xf32, #tpu.memory_space<hbm>>
        %dma_start3A_302 = tpu.memref_squeeze %dma_start3A_301 : memref<1x32x1024xf32, #tpu.memory_space<hbm>> -> memref<32x1024xf32, #tpu.memory_space<hbm>>
        tpu.enqueue_dma source(%dma_start3A_302 : memref<32x1024xf32, #tpu.memory_space<hbm>>) target(%arg6 : memref<32x1024xf32, #tpu.memory_space<vmem>>) target_semaphore(%run_scoped3A : memref<!tpu.dma_semaphore, #tpu.memory_space<semaphore_mem>>)
        %dma_wait3A_303 = arith.constant 32 : i32
        %dma_wait3A_304 = arith.constant 0 : i32
        %dma_wait3A_305 = tpu.memref_slice %arg2[%add3A_188, %dma_wait3A_303, %dma_wait3A_304] : memref<400x64x1024xf32, #tpu.memory_space<hbm>> -> memref<1x32x1024xf32, #tpu.memory_space<hbm>>
        %dma_wait3A_306 = tpu.memref_squeeze %dma_wait3A_305 : memref<1x32x1024xf32, #tpu.memory_space<hbm>> -> memref<32x1024xf32, #tpu.memory_space<hbm>>
        %dma_wait3A_307 = arith.constant 32 : i32
        %dma_wait3A_308 = arith.constant 0 : i32
        %dma_wait3A_309 = tpu.memref_slice %arg2[%add3A_188, %dma_wait3A_307, %dma_wait3A_308] : memref<400x64x1024xf32, #tpu.memory_space<hbm>> -> memref<1x32x1024xf32, #tpu.memory_space<hbm>>
        %dma_wait3A_310 = tpu.memref_squeeze %dma_wait3A_309 : memref<1x32x1024xf32, #tpu.memory_space<hbm>> -> memref<32x1024xf32, #tpu.memory_space<hbm>>
        tpu.wait_dma2 semaphore(%run_scoped3A : memref<!tpu.dma_semaphore, #tpu.memory_space<semaphore_mem>>) src(%dma_wait3A_310 : memref<32x1024xf32, #tpu.memory_space<hbm>>) dst(%arg6 : memref<32x1024xf32, #tpu.memory_space<vmem>>)
        tpu.yield
      }) : () -> ()
      %dma_start3A_219 = arith.constant 32 : i32
      %dma_start3A_220 = arith.constant 0 : i32
      %dma_start3A_221 = tpu.memref_slice %arg3[%add3A_194, %dma_start3A_219, %dma_start3A_220] : memref<960x64x1024xf32, #tpu.memory_space<hbm>> -> memref<1x32x1024xf32, #tpu.memory_space<hbm>>
      %dma_start3A_222 = tpu.memref_squeeze %dma_start3A_221 : memref<1x32x1024xf32, #tpu.memory_space<hbm>> -> memref<32x1024xf32, #tpu.memory_space<hbm>>
      %dma_start3A_223 = arith.constant 32 : i32
      %dma_start3A_224 = arith.constant 0 : i32
      %dma_start3A_225 = tpu.memref_slice %arg3[%add3A_194, %dma_start3A_223, %dma_start3A_224] : memref<960x64x1024xf32, #tpu.memory_space<hbm>> -> memref<1x32x1024xf32, #tpu.memory_space<hbm>>
      %dma_start3A_226 = tpu.memref_squeeze %dma_start3A_225 : memref<1x32x1024xf32, #tpu.memory_space<hbm>> -> memref<32x1024xf32, #tpu.memory_space<hbm>>
      tpu.enqueue_dma source(%arg6 : memref<32x1024xf32, #tpu.memory_space<vmem>>) target(%dma_start3A_226 : memref<32x1024xf32, #tpu.memory_space<hbm>>) target_semaphore(%arg9 : memref<!tpu.dma_semaphore, #tpu.memory_space<semaphore_mem>>)
      %add3A_227 = arith.constant 3 : i32
      %add3A_228 = arith.addi %select_n3A_120, %add3A_227 : i32
      %mul3A_229 = arith.constant 20 : i32
      %mul3A_230 = arith.muli %select_n3A, %mul3A_229 : i32
      %add3A_231 = arith.addi %mul3A_230, %select_n3A_99 : i32
      %add3A_232 = arith.addi %add3A_231, %add3A_228 : i32
      %mul3A_233 = arith.constant 48 : i32
      %mul3A_234 = arith.muli %select_n3A, %mul3A_233 : i32
      %mul3A_235 = arith.constant 6 : i32
      %mul3A_236 = arith.muli %add3A_228, %mul3A_235 : i32
      %add3A_237 = arith.addi %mul3A_234, %mul3A_236 : i32
      %add3A_238 = arith.addi %add3A_237, %select_n3A_94 : i32
      %dma_wait3A_239 = arith.constant 32 : i32
      %dma_wait3A_240 = arith.constant 0 : i32
      %dma_wait3A_241 = tpu.memref_slice %arg3[%add3A_159, %dma_wait3A_239, %dma_wait3A_240] : memref<960x64x1024xf32, #tpu.memory_space<hbm>> -> memref<1x32x1024xf32, #tpu.memory_space<hbm>>
      %dma_wait3A_242 = tpu.memref_squeeze %dma_wait3A_241 : memref<1x32x1024xf32, #tpu.memory_space<hbm>> -> memref<32x1024xf32, #tpu.memory_space<hbm>>
      %dma_wait3A_243 = arith.constant 32 : i32
      %dma_wait3A_244 = arith.constant 0 : i32
      %dma_wait3A_245 = tpu.memref_slice %arg3[%add3A_159, %dma_wait3A_243, %dma_wait3A_244] : memref<960x64x1024xf32, #tpu.memory_space<hbm>> -> memref<1x32x1024xf32, #tpu.memory_space<hbm>>
      %dma_wait3A_246 = tpu.memref_squeeze %dma_wait3A_245 : memref<1x32x1024xf32, #tpu.memory_space<hbm>> -> memref<32x1024xf32, #tpu.memory_space<hbm>>
      tpu.wait_dma2 semaphore(%arg7 : memref<!tpu.dma_semaphore, #tpu.memory_space<semaphore_mem>>) src(%arg4 : memref<32x1024xf32, #tpu.memory_space<vmem>>) dst(%dma_wait3A_246 : memref<32x1024xf32, #tpu.memory_space<hbm>>)
      "tpu.region"() ({
        %run_scoped3A = tpu.sem_alloc : memref<!tpu.dma_semaphore, #tpu.memory_space<semaphore_mem>>
        %dma_start3A_295 = arith.constant 0 : i32
        %dma_start3A_296 = arith.constant 0 : i32
        %dma_start3A_297 = tpu.memref_slice %arg2[%add3A_232, %dma_start3A_295, %dma_start3A_296] : memref<400x64x1024xf32, #tpu.memory_space<hbm>> -> memref<1x32x1024xf32, #tpu.memory_space<hbm>>
        %dma_start3A_298 = tpu.memref_squeeze %dma_start3A_297 : memref<1x32x1024xf32, #tpu.memory_space<hbm>> -> memref<32x1024xf32, #tpu.memory_space<hbm>>
        %dma_start3A_299 = arith.constant 0 : i32
        %dma_start3A_300 = arith.constant 0 : i32
        %dma_start3A_301 = tpu.memref_slice %arg2[%add3A_232, %dma_start3A_299, %dma_start3A_300] : memref<400x64x1024xf32, #tpu.memory_space<hbm>> -> memref<1x32x1024xf32, #tpu.memory_space<hbm>>
        %dma_start3A_302 = tpu.memref_squeeze %dma_start3A_301 : memref<1x32x1024xf32, #tpu.memory_space<hbm>> -> memref<32x1024xf32, #tpu.memory_space<hbm>>
        tpu.enqueue_dma source(%dma_start3A_302 : memref<32x1024xf32, #tpu.memory_space<hbm>>) target(%arg4 : memref<32x1024xf32, #tpu.memory_space<vmem>>) target_semaphore(%run_scoped3A : memref<!tpu.dma_semaphore, #tpu.memory_space<semaphore_mem>>)
        %dma_wait3A_303 = arith.constant 0 : i32
        %dma_wait3A_304 = arith.constant 0 : i32
        %dma_wait3A_305 = tpu.memref_slice %arg2[%add3A_232, %dma_wait3A_303, %dma_wait3A_304] : memref<400x64x1024xf32, #tpu.memory_space<hbm>> -> memref<1x32x1024xf32, #tpu.memory_space<hbm>>
        %dma_wait3A_306 = tpu.memref_squeeze %dma_wait3A_305 : memref<1x32x1024xf32, #tpu.memory_space<hbm>> -> memref<32x1024xf32, #tpu.memory_space<hbm>>
        %dma_wait3A_307 = arith.constant 0 : i32
        %dma_wait3A_308 = arith.constant 0 : i32
        %dma_wait3A_309 = tpu.memref_slice %arg2[%add3A_232, %dma_wait3A_307, %dma_wait3A_308] : memref<400x64x1024xf32, #tpu.memory_space<hbm>> -> memref<1x32x1024xf32, #tpu.memory_space<hbm>>
        %dma_wait3A_310 = tpu.memref_squeeze %dma_wait3A_309 : memref<1x32x1024xf32, #tpu.memory_space<hbm>> -> memref<32x1024xf32, #tpu.memory_space<hbm>>
        tpu.wait_dma2 semaphore(%run_scoped3A : memref<!tpu.dma_semaphore, #tpu.memory_space<semaphore_mem>>) src(%dma_wait3A_310 : memref<32x1024xf32, #tpu.memory_space<hbm>>) dst(%arg4 : memref<32x1024xf32, #tpu.memory_space<vmem>>)
        tpu.yield
      }) : () -> ()
      %dma_start3A_247 = arith.constant 0 : i32
      %dma_start3A_248 = arith.constant 0 : i32
      %dma_start3A_249 = tpu.memref_slice %arg3[%add3A_238, %dma_start3A_247, %dma_start3A_248] : memref<960x64x1024xf32, #tpu.memory_space<hbm>> -> memref<1x32x1024xf32, #tpu.memory_space<hbm>>
      %dma_start3A_250 = tpu.memref_squeeze %dma_start3A_249 : memref<1x32x1024xf32, #tpu.memory_space<hbm>> -> memref<32x1024xf32, #tpu.memory_space<hbm>>
      %dma_start3A_251 = arith.constant 0 : i32
      %dma_start3A_252 = arith.constant 0 : i32
      %dma_start3A_253 = tpu.memref_slice %arg3[%add3A_238, %dma_start3A_251, %dma_start3A_252] : memref<960x64x1024xf32, #tpu.memory_space<hbm>> -> memref<1x32x1024xf32, #tpu.memory_space<hbm>>
      %dma_start3A_254 = tpu.memref_squeeze %dma_start3A_253 : memref<1x32x1024xf32, #tpu.memory_space<hbm>> -> memref<32x1024xf32, #tpu.memory_space<hbm>>
      tpu.enqueue_dma source(%arg4 : memref<32x1024xf32, #tpu.memory_space<vmem>>) target(%dma_start3A_254 : memref<32x1024xf32, #tpu.memory_space<hbm>>) target_semaphore(%arg7 : memref<!tpu.dma_semaphore, #tpu.memory_space<semaphore_mem>>)
      %dma_wait3A_255 = arith.constant 0 : i32
      %dma_wait3A_256 = arith.constant 0 : i32
      %dma_wait3A_257 = tpu.memref_slice %arg3[%add3A_194, %dma_wait3A_255, %dma_wait3A_256] : memref<960x64x1024xf32, #tpu.memory_space<hbm>> -> memref<1x32x1024xf32, #tpu.memory_space<hbm>>
      %dma_wait3A_258 = tpu.memref_squeeze %dma_wait3A_257 : memref<1x32x1024xf32, #tpu.memory_space<hbm>> -> memref<32x1024xf32, #tpu.memory_space<hbm>>
      %dma_wait3A_259 = arith.constant 0 : i32
      %dma_wait3A_260 = arith.constant 0 : i32
      %dma_wait3A_261 = tpu.memref_slice %arg3[%add3A_194, %dma_wait3A_259, %dma_wait3A_260] : memref<960x64x1024xf32, #tpu.memory_space<hbm>> -> memref<1x32x1024xf32, #tpu.memory_space<hbm>>
      %dma_wait3A_262 = tpu.memref_squeeze %dma_wait3A_261 : memref<1x32x1024xf32, #tpu.memory_space<hbm>> -> memref<32x1024xf32, #tpu.memory_space<hbm>>
      tpu.wait_dma2 semaphore(%arg8 : memref<!tpu.dma_semaphore, #tpu.memory_space<semaphore_mem>>) src(%arg5 : memref<32x1024xf32, #tpu.memory_space<vmem>>) dst(%dma_wait3A_262 : memref<32x1024xf32, #tpu.memory_space<hbm>>)
      "tpu.region"() ({
        %run_scoped3A = tpu.sem_alloc : memref<!tpu.dma_semaphore, #tpu.memory_space<semaphore_mem>>
        %dma_start3A_295 = arith.constant 32 : i32
        %dma_start3A_296 = arith.constant 0 : i32
        %dma_start3A_297 = tpu.memref_slice %arg2[%add3A_232, %dma_start3A_295, %dma_start3A_296] : memref<400x64x1024xf32, #tpu.memory_space<hbm>> -> memref<1x32x1024xf32, #tpu.memory_space<hbm>>
        %dma_start3A_298 = tpu.memref_squeeze %dma_start3A_297 : memref<1x32x1024xf32, #tpu.memory_space<hbm>> -> memref<32x1024xf32, #tpu.memory_space<hbm>>
        %dma_start3A_299 = arith.constant 32 : i32
        %dma_start3A_300 = arith.constant 0 : i32
        %dma_start3A_301 = tpu.memref_slice %arg2[%add3A_232, %dma_start3A_299, %dma_start3A_300] : memref<400x64x1024xf32, #tpu.memory_space<hbm>> -> memref<1x32x1024xf32, #tpu.memory_space<hbm>>
        %dma_start3A_302 = tpu.memref_squeeze %dma_start3A_301 : memref<1x32x1024xf32, #tpu.memory_space<hbm>> -> memref<32x1024xf32, #tpu.memory_space<hbm>>
        tpu.enqueue_dma source(%dma_start3A_302 : memref<32x1024xf32, #tpu.memory_space<hbm>>) target(%arg5 : memref<32x1024xf32, #tpu.memory_space<vmem>>) target_semaphore(%run_scoped3A : memref<!tpu.dma_semaphore, #tpu.memory_space<semaphore_mem>>)
        %dma_wait3A_303 = arith.constant 32 : i32
        %dma_wait3A_304 = arith.constant 0 : i32
        %dma_wait3A_305 = tpu.memref_slice %arg2[%add3A_232, %dma_wait3A_303, %dma_wait3A_304] : memref<400x64x1024xf32, #tpu.memory_space<hbm>> -> memref<1x32x1024xf32, #tpu.memory_space<hbm>>
        %dma_wait3A_306 = tpu.memref_squeeze %dma_wait3A_305 : memref<1x32x1024xf32, #tpu.memory_space<hbm>> -> memref<32x1024xf32, #tpu.memory_space<hbm>>
        %dma_wait3A_307 = arith.constant 32 : i32
        %dma_wait3A_308 = arith.constant 0 : i32
        %dma_wait3A_309 = tpu.memref_slice %arg2[%add3A_232, %dma_wait3A_307, %dma_wait3A_308] : memref<400x64x1024xf32, #tpu.memory_space<hbm>> -> memref<1x32x1024xf32, #tpu.memory_space<hbm>>
        %dma_wait3A_310 = tpu.memref_squeeze %dma_wait3A_309 : memref<1x32x1024xf32, #tpu.memory_space<hbm>> -> memref<32x1024xf32, #tpu.memory_space<hbm>>
        tpu.wait_dma2 semaphore(%run_scoped3A : memref<!tpu.dma_semaphore, #tpu.memory_space<semaphore_mem>>) src(%dma_wait3A_310 : memref<32x1024xf32, #tpu.memory_space<hbm>>) dst(%arg5 : memref<32x1024xf32, #tpu.memory_space<vmem>>)
        tpu.yield
      }) : () -> ()
      %dma_start3A_263 = arith.constant 32 : i32
      %dma_start3A_264 = arith.constant 0 : i32
      %dma_start3A_265 = tpu.memref_slice %arg3[%add3A_238, %dma_start3A_263, %dma_start3A_264] : memref<960x64x1024xf32, #tpu.memory_space<hbm>> -> memref<1x32x1024xf32, #tpu.memory_space<hbm>>
      %dma_start3A_266 = tpu.memref_squeeze %dma_start3A_265 : memref<1x32x1024xf32, #tpu.memory_space<hbm>> -> memref<32x1024xf32, #tpu.memory_space<hbm>>
      %dma_start3A_267 = arith.constant 32 : i32
      %dma_start3A_268 = arith.constant 0 : i32
      %dma_start3A_269 = tpu.memref_slice %arg3[%add3A_238, %dma_start3A_267, %dma_start3A_268] : memref<960x64x1024xf32, #tpu.memory_space<hbm>> -> memref<1x32x1024xf32, #tpu.memory_space<hbm>>
      %dma_start3A_270 = tpu.memref_squeeze %dma_start3A_269 : memref<1x32x1024xf32, #tpu.memory_space<hbm>> -> memref<32x1024xf32, #tpu.memory_space<hbm>>
      tpu.enqueue_dma source(%arg5 : memref<32x1024xf32, #tpu.memory_space<vmem>>) target(%dma_start3A_270 : memref<32x1024xf32, #tpu.memory_space<hbm>>) target_semaphore(%arg8 : memref<!tpu.dma_semaphore, #tpu.memory_space<semaphore_mem>>)
      %dma_wait3A_271 = arith.constant 0 : i32
      %dma_wait3A_272 = arith.constant 0 : i32
      %dma_wait3A_273 = tpu.memref_slice %arg3[%add3A_238, %dma_wait3A_271, %dma_wait3A_272] : memref<960x64x1024xf32, #tpu.memory_space<hbm>> -> memref<1x32x1024xf32, #tpu.memory_space<hbm>>
      %dma_wait3A_274 = tpu.memref_squeeze %dma_wait3A_273 : memref<1x32x1024xf32, #tpu.memory_space<hbm>> -> memref<32x1024xf32, #tpu.memory_space<hbm>>
      %dma_wait3A_275 = arith.constant 0 : i32
      %dma_wait3A_276 = arith.constant 0 : i32
      %dma_wait3A_277 = tpu.memref_slice %arg3[%add3A_238, %dma_wait3A_275, %dma_wait3A_276] : memref<960x64x1024xf32, #tpu.memory_space<hbm>> -> memref<1x32x1024xf32, #tpu.memory_space<hbm>>
      %dma_wait3A_278 = tpu.memref_squeeze %dma_wait3A_277 : memref<1x32x1024xf32, #tpu.memory_space<hbm>> -> memref<32x1024xf32, #tpu.memory_space<hbm>>
      tpu.wait_dma2 semaphore(%arg7 : memref<!tpu.dma_semaphore, #tpu.memory_space<semaphore_mem>>) src(%arg4 : memref<32x1024xf32, #tpu.memory_space<vmem>>) dst(%dma_wait3A_278 : memref<32x1024xf32, #tpu.memory_space<hbm>>)
      %dma_wait3A_279 = arith.constant 32 : i32
      %dma_wait3A_280 = arith.constant 0 : i32
      %dma_wait3A_281 = tpu.memref_slice %arg3[%add3A_238, %dma_wait3A_279, %dma_wait3A_280] : memref<960x64x1024xf32, #tpu.memory_space<hbm>> -> memref<1x32x1024xf32, #tpu.memory_space<hbm>>
      %dma_wait3A_282 = tpu.memref_squeeze %dma_wait3A_281 : memref<1x32x1024xf32, #tpu.memory_space<hbm>> -> memref<32x1024xf32, #tpu.memory_space<hbm>>
      %dma_wait3A_283 = arith.constant 32 : i32
      %dma_wait3A_284 = arith.constant 0 : i32
      %dma_wait3A_285 = tpu.memref_slice %arg3[%add3A_238, %dma_wait3A_283, %dma_wait3A_284] : memref<960x64x1024xf32, #tpu.memory_space<hbm>> -> memref<1x32x1024xf32, #tpu.memory_space<hbm>>
      %dma_wait3A_286 = tpu.memref_squeeze %dma_wait3A_285 : memref<1x32x1024xf32, #tpu.memory_space<hbm>> -> memref<32x1024xf32, #tpu.memory_space<hbm>>
      tpu.wait_dma2 semaphore(%arg8 : memref<!tpu.dma_semaphore, #tpu.memory_space<semaphore_mem>>) src(%arg5 : memref<32x1024xf32, #tpu.memory_space<vmem>>) dst(%dma_wait3A_286 : memref<32x1024xf32, #tpu.memory_space<hbm>>)
      %dma_wait3A_287 = arith.constant 32 : i32
      %dma_wait3A_288 = arith.constant 0 : i32
      %dma_wait3A_289 = tpu.memref_slice %arg3[%add3A_194, %dma_wait3A_287, %dma_wait3A_288] : memref<960x64x1024xf32, #tpu.memory_space<hbm>> -> memref<1x32x1024xf32, #tpu.memory_space<hbm>>
      %dma_wait3A_290 = tpu.memref_squeeze %dma_wait3A_289 : memref<1x32x1024xf32, #tpu.memory_space<hbm>> -> memref<32x1024xf32, #tpu.memory_space<hbm>>
      %dma_wait3A_291 = arith.constant 32 : i32
      %dma_wait3A_292 = arith.constant 0 : i32
      %dma_wait3A_293 = tpu.memref_slice %arg3[%add3A_194, %dma_wait3A_291, %dma_wait3A_292] : memref<960x64x1024xf32, #tpu.memory_space<hbm>> -> memref<1x32x1024xf32, #tpu.memory_space<hbm>>
      %dma_wait3A_294 = tpu.memref_squeeze %dma_wait3A_293 : memref<1x32x1024xf32, #tpu.memory_space<hbm>> -> memref<32x1024xf32, #tpu.memory_space<hbm>>
      tpu.wait_dma2 semaphore(%arg9 : memref<!tpu.dma_semaphore, #tpu.memory_space<semaphore_mem>>) src(%arg6 : memref<32x1024xf32, #tpu.memory_space<vmem>>) dst(%dma_wait3A_294 : memref<32x1024xf32, #tpu.memory_space<hbm>>)
    } else {
    }
    %add3A_9 = arith.constant 32 : i32
    %add3A_10 = arith.addi %add3A, %add3A_9 : i32
    %lt3A_11 = arith.constant 80 : i32
    %lt3A_12 = arith.cmpi slt, %add3A_10, %lt3A_11 : i32
    %convert_element_type3A_13 = arith.extui %lt3A_12 : i1 to i32
    %cond3A_14 = arith.constant 0 : i32
    %cond3A_15 = arith.cmpi ne, %convert_element_type3A_13, %cond3A_14 : i32
    scf.if %cond3A_15 {
      %jit3A = arith.constant 4 : i32
      %div3A = arith.divsi %add3A_10, %jit3A : i32
      %sign3A = arith.constant 0 : i32
      %sign3A_57 = arith.cmpi sgt, %add3A_10, %sign3A : i32
      %sign3A_58 = arith.extui %sign3A_57 : i1 to i32
      %sign3A_59 = arith.constant 0 : i32
      %sign3A_60 = arith.cmpi slt, %add3A_10, %sign3A_59 : i32
      %sign3A_61 = arith.extui %sign3A_60 : i1 to i32
      %sign3A_62 = arith.subi %sign3A_58, %sign3A_61 : i32
      %sign3A_63 = arith.constant 0 : i32
      %sign3A_64 = arith.cmpi sgt, %jit3A, %sign3A_63 : i32
      %sign3A_65 = arith.extui %sign3A_64 : i1 to i32
      %sign3A_66 = arith.constant 0 : i32
      %sign3A_67 = arith.cmpi slt, %jit3A, %sign3A_66 : i32
      %sign3A_68 = arith.extui %sign3A_67 : i1 to i32
      %sign3A_69 = arith.subi %sign3A_65, %sign3A_68 : i32
      %ne3A = arith.cmpi ne, %sign3A_62, %sign3A_69 : i32
      %rem3A = arith.remsi %add3A_10, %jit3A : i32
      %ne3A_70 = arith.constant 0 : i32
      %ne3A_71 = arith.cmpi ne, %rem3A, %ne3A_70 : i32
      %and3A = arith.andi %ne3A, %ne3A_71 : i1
      %sub3A = arith.constant 1 : i32
      %sub3A_72 = arith.subi %div3A, %sub3A : i32
      %select_n3A = arith.select %and3A, %sub3A_72, %div3A : i32
      %jit3A_73 = arith.constant 4 : i32
      %eq3A = arith.constant 0 : i32
      %eq3A_74 = arith.cmpi eq, %jit3A_73, %eq3A : i32
      %jit3A_75 = arith.constant 1 : i32
      %select_n3A_76 = arith.select %eq3A_74, %jit3A_75, %jit3A_73 : i32
      %rem3A_77 = arith.remsi %add3A_10, %select_n3A_76 : i32
      %ne3A_78 = arith.constant 0 : i32
      %ne3A_79 = arith.cmpi ne, %rem3A_77, %ne3A_78 : i32
      %lt3A_80 = arith.constant 0 : i32
      %lt3A_81 = arith.cmpi slt, %rem3A_77, %lt3A_80 : i32
      %lt3A_82 = arith.constant 0 : i32
      %lt3A_83 = arith.cmpi slt, %select_n3A_76, %lt3A_82 : i32
      %ne3A_84 = arith.xori %lt3A_81, %lt3A_83 : i1
      %and3A_85 = arith.andi %ne3A_84, %ne3A_79 : i1
      %add3A_86 = arith.addi %rem3A_77, %select_n3A_76 : i32
      %select_n3A_87 = arith.select %and3A_85, %add3A_86, %rem3A_77 : i32
      %eq3A_88 = arith.constant 0 : i32
      %eq3A_89 = arith.cmpi eq, %select_n3A_87, %eq3A_88 : i32
      %eq3A_90 = arith.constant 1 : i32
      %eq3A_91 = arith.cmpi eq, %select_n3A_87, %eq3A_90 : i32
      %eq3A_92 = arith.constant 2 : i32
      %eq3A_93 = arith.cmpi eq, %select_n3A_87, %eq3A_92 : i32
      %jit3A_94 = arith.constant 10 : i32
      %jit3A_95 = arith.constant 11 : i32
      %select_n3A_96 = arith.select %eq3A_93, %jit3A_94, %jit3A_95 : i32
      %jit3A_97 = arith.constant 1 : i32
      %select_n3A_98 = arith.select %eq3A_91, %jit3A_97, %select_n3A_96 : i32
      %jit3A_99 = arith.constant 0 : i32
      %select_n3A_100 = arith.select %eq3A_89, %jit3A_99, %select_n3A_98 : i32
      %eq3A_101 = arith.constant 0 : i32
      %eq3A_102 = arith.cmpi eq, %select_n3A_87, %eq3A_101 : i32
      %eq3A_103 = arith.constant 1 : i32
      %eq3A_104 = arith.cmpi eq, %select_n3A_87, %eq3A_103 : i32
      %eq3A_105 = arith.constant 2 : i32
      %eq3A_106 = arith.cmpi eq, %select_n3A_87, %eq3A_105 : i32
      %jit3A_107 = arith.constant 3 : i32
      %jit3A_108 = arith.constant 4 : i32
      %select_n3A_109 = arith.select %eq3A_106, %jit3A_107, %jit3A_108 : i32
      %jit3A_110 = arith.constant 1 : i32
      %select_n3A_111 = arith.select %eq3A_104, %jit3A_110, %select_n3A_109 : i32
      %jit3A_112 = arith.constant 0 : i32
      %select_n3A_113 = arith.select %eq3A_102, %jit3A_112, %select_n3A_111 : i32
      %mul3A_114 = arith.constant 20 : i32
      %mul3A_115 = arith.muli %select_n3A, %mul3A_114 : i32
      %add3A_116 = arith.addi %mul3A_115, %select_n3A_100 : i32
      "tpu.region"() ({
        %run_scoped3A = tpu.sem_alloc : memref<!tpu.dma_semaphore, #tpu.memory_space<semaphore_mem>>
        %dma_start3A_451 = arith.constant 0 : i32
        %dma_start3A_452 = arith.constant 0 : i32
        %dma_start3A_453 = tpu.memref_slice %arg2[%add3A_116, %dma_start3A_451, %dma_start3A_452] : memref<400x64x1024xf32, #tpu.memory_space<hbm>> -> memref<1x32x1024xf32, #tpu.memory_space<hbm>>
        %dma_start3A_454 = tpu.memref_squeeze %dma_start3A_453 : memref<1x32x1024xf32, #tpu.memory_space<hbm>> -> memref<32x1024xf32, #tpu.memory_space<hbm>>
        %dma_start3A_455 = arith.constant 0 : i32
        %dma_start3A_456 = arith.constant 0 : i32
        %dma_start3A_457 = tpu.memref_slice %arg2[%add3A_116, %dma_start3A_455, %dma_start3A_456] : memref<400x64x1024xf32, #tpu.memory_space<hbm>> -> memref<1x32x1024xf32, #tpu.memory_space<hbm>>
        %dma_start3A_458 = tpu.memref_squeeze %dma_start3A_457 : memref<1x32x1024xf32, #tpu.memory_space<hbm>> -> memref<32x1024xf32, #tpu.memory_space<hbm>>
        tpu.enqueue_dma source(%dma_start3A_458 : memref<32x1024xf32, #tpu.memory_space<hbm>>) target(%arg4 : memref<32x1024xf32, #tpu.memory_space<vmem>>) target_semaphore(%run_scoped3A : memref<!tpu.dma_semaphore, #tpu.memory_space<semaphore_mem>>)
        %dma_wait3A_459 = arith.constant 0 : i32
        %dma_wait3A_460 = arith.constant 0 : i32
        %dma_wait3A_461 = tpu.memref_slice %arg2[%add3A_116, %dma_wait3A_459, %dma_wait3A_460] : memref<400x64x1024xf32, #tpu.memory_space<hbm>> -> memref<1x32x1024xf32, #tpu.memory_space<hbm>>
        %dma_wait3A_462 = tpu.memref_squeeze %dma_wait3A_461 : memref<1x32x1024xf32, #tpu.memory_space<hbm>> -> memref<32x1024xf32, #tpu.memory_space<hbm>>
        %dma_wait3A_463 = arith.constant 0 : i32
        %dma_wait3A_464 = arith.constant 0 : i32
        %dma_wait3A_465 = tpu.memref_slice %arg2[%add3A_116, %dma_wait3A_463, %dma_wait3A_464] : memref<400x64x1024xf32, #tpu.memory_space<hbm>> -> memref<1x32x1024xf32, #tpu.memory_space<hbm>>
        %dma_wait3A_466 = tpu.memref_squeeze %dma_wait3A_465 : memref<1x32x1024xf32, #tpu.memory_space<hbm>> -> memref<32x1024xf32, #tpu.memory_space<hbm>>
        tpu.wait_dma2 semaphore(%run_scoped3A : memref<!tpu.dma_semaphore, #tpu.memory_space<semaphore_mem>>) src(%dma_wait3A_466 : memref<32x1024xf32, #tpu.memory_space<hbm>>) dst(%arg4 : memref<32x1024xf32, #tpu.memory_space<vmem>>)
        tpu.yield
      }) : () -> ()
      %mul3A_117 = arith.constant 48 : i32
      %mul3A_118 = arith.muli %select_n3A, %mul3A_117 : i32
      %add3A_119 = arith.constant 0 : i32
      %add3A_120 = arith.addi %mul3A_118, %add3A_119 : i32
      %add3A_121 = arith.addi %add3A_120, %select_n3A_113 : i32
      %dma_start3A = arith.constant 0 : i32
      %dma_start3A_122 = arith.constant 0 : i32
      %dma_start3A_123 = tpu.memref_slice %arg3[%add3A_121, %dma_start3A, %dma_start3A_122] : memref<960x64x1024xf32, #tpu.memory_space<hbm>> -> memref<1x32x1024xf32, #tpu.memory_space<hbm>>
      %dma_start3A_124 = tpu.memref_squeeze %dma_start3A_123 : memref<1x32x1024xf32, #tpu.memory_space<hbm>> -> memref<32x1024xf32, #tpu.memory_space<hbm>>
      %dma_start3A_125 = arith.constant 0 : i32
      %dma_start3A_126 = arith.constant 0 : i32
      %dma_start3A_127 = tpu.memref_slice %arg3[%add3A_121, %dma_start3A_125, %dma_start3A_126] : memref<960x64x1024xf32, #tpu.memory_space<hbm>> -> memref<1x32x1024xf32, #tpu.memory_space<hbm>>
      %dma_start3A_128 = tpu.memref_squeeze %dma_start3A_127 : memref<1x32x1024xf32, #tpu.memory_space<hbm>> -> memref<32x1024xf32, #tpu.memory_space<hbm>>
      tpu.enqueue_dma source(%arg4 : memref<32x1024xf32, #tpu.memory_space<vmem>>) target(%dma_start3A_128 : memref<32x1024xf32, #tpu.memory_space<hbm>>) target_semaphore(%arg7 : memref<!tpu.dma_semaphore, #tpu.memory_space<semaphore_mem>>)
      %mul3A_129 = arith.constant 48 : i32
      %mul3A_130 = arith.muli %select_n3A, %mul3A_129 : i32
      %add3A_131 = arith.constant 6 : i32
      %add3A_132 = arith.addi %mul3A_130, %add3A_131 : i32
      %add3A_133 = arith.addi %add3A_132, %select_n3A_113 : i32
      %dma_start3A_134 = arith.constant 0 : i32
      %dma_start3A_135 = arith.constant 0 : i32
      %dma_start3A_136 = tpu.memref_slice %arg3[%add3A_133, %dma_start3A_134, %dma_start3A_135] : memref<960x64x1024xf32, #tpu.memory_space<hbm>> -> memref<1x32x1024xf32, #tpu.memory_space<hbm>>
      %dma_start3A_137 = tpu.memref_squeeze %dma_start3A_136 : memref<1x32x1024xf32, #tpu.memory_space<hbm>> -> memref<32x1024xf32, #tpu.memory_space<hbm>>
      %dma_start3A_138 = arith.constant 0 : i32
      %dma_start3A_139 = arith.constant 0 : i32
      %dma_start3A_140 = tpu.memref_slice %arg3[%add3A_133, %dma_start3A_138, %dma_start3A_139] : memref<960x64x1024xf32, #tpu.memory_space<hbm>> -> memref<1x32x1024xf32, #tpu.memory_space<hbm>>
      %dma_start3A_141 = tpu.memref_squeeze %dma_start3A_140 : memref<1x32x1024xf32, #tpu.memory_space<hbm>> -> memref<32x1024xf32, #tpu.memory_space<hbm>>
      tpu.enqueue_dma source(%arg4 : memref<32x1024xf32, #tpu.memory_space<vmem>>) target(%dma_start3A_141 : memref<32x1024xf32, #tpu.memory_space<hbm>>) target_semaphore(%arg7 : memref<!tpu.dma_semaphore, #tpu.memory_space<semaphore_mem>>)
      %mul3A_142 = arith.constant 48 : i32
      %mul3A_143 = arith.muli %select_n3A, %mul3A_142 : i32
      %add3A_144 = arith.constant 12 : i32
      %add3A_145 = arith.addi %mul3A_143, %add3A_144 : i32
      %add3A_146 = arith.addi %add3A_145, %select_n3A_113 : i32
      %dma_start3A_147 = arith.constant 0 : i32
      %dma_start3A_148 = arith.constant 0 : i32
      %dma_start3A_149 = tpu.memref_slice %arg3[%add3A_146, %dma_start3A_147, %dma_start3A_148] : memref<960x64x1024xf32, #tpu.memory_space<hbm>> -> memref<1x32x1024xf32, #tpu.memory_space<hbm>>
      %dma_start3A_150 = tpu.memref_squeeze %dma_start3A_149 : memref<1x32x1024xf32, #tpu.memory_space<hbm>> -> memref<32x1024xf32, #tpu.memory_space<hbm>>
      %dma_start3A_151 = arith.constant 0 : i32
      %dma_start3A_152 = arith.constant 0 : i32
      %dma_start3A_153 = tpu.memref_slice %arg3[%add3A_146, %dma_start3A_151, %dma_start3A_152] : memref<960x64x1024xf32, #tpu.memory_space<hbm>> -> memref<1x32x1024xf32, #tpu.memory_space<hbm>>
      %dma_start3A_154 = tpu.memref_squeeze %dma_start3A_153 : memref<1x32x1024xf32, #tpu.memory_space<hbm>> -> memref<32x1024xf32, #tpu.memory_space<hbm>>
      tpu.enqueue_dma source(%arg4 : memref<32x1024xf32, #tpu.memory_space<vmem>>) target(%dma_start3A_154 : memref<32x1024xf32, #tpu.memory_space<hbm>>) target_semaphore(%arg7 : memref<!tpu.dma_semaphore, #tpu.memory_space<semaphore_mem>>)
      %mul3A_155 = arith.constant 48 : i32
      %mul3A_156 = arith.muli %select_n3A, %mul3A_155 : i32
      %add3A_157 = arith.constant 18 : i32
      %add3A_158 = arith.addi %mul3A_156, %add3A_157 : i32
      %add3A_159 = arith.addi %add3A_158, %select_n3A_113 : i32
      %dma_start3A_160 = arith.constant 0 : i32
      %dma_start3A_161 = arith.constant 0 : i32
      %dma_start3A_162 = tpu.memref_slice %arg3[%add3A_159, %dma_start3A_160, %dma_start3A_161] : memref<960x64x1024xf32, #tpu.memory_space<hbm>> -> memref<1x32x1024xf32, #tpu.memory_space<hbm>>
      %dma_start3A_163 = tpu.memref_squeeze %dma_start3A_162 : memref<1x32x1024xf32, #tpu.memory_space<hbm>> -> memref<32x1024xf32, #tpu.memory_space<hbm>>
      %dma_start3A_164 = arith.constant 0 : i32
      %dma_start3A_165 = arith.constant 0 : i32
      %dma_start3A_166 = tpu.memref_slice %arg3[%add3A_159, %dma_start3A_164, %dma_start3A_165] : memref<960x64x1024xf32, #tpu.memory_space<hbm>> -> memref<1x32x1024xf32, #tpu.memory_space<hbm>>
      %dma_start3A_167 = tpu.memref_squeeze %dma_start3A_166 : memref<1x32x1024xf32, #tpu.memory_space<hbm>> -> memref<32x1024xf32, #tpu.memory_space<hbm>>
      tpu.enqueue_dma source(%arg4 : memref<32x1024xf32, #tpu.memory_space<vmem>>) target(%dma_start3A_167 : memref<32x1024xf32, #tpu.memory_space<hbm>>) target_semaphore(%arg7 : memref<!tpu.dma_semaphore, #tpu.memory_space<semaphore_mem>>)
      %mul3A_168 = arith.constant 48 : i32
      %mul3A_169 = arith.muli %select_n3A, %mul3A_168 : i32
      %add3A_170 = arith.constant 24 : i32
      %add3A_171 = arith.addi %mul3A_169, %add3A_170 : i32
      %add3A_172 = arith.addi %add3A_171, %select_n3A_113 : i32
      %dma_start3A_173 = arith.constant 0 : i32
      %dma_start3A_174 = arith.constant 0 : i32
      %dma_start3A_175 = tpu.memref_slice %arg3[%add3A_172, %dma_start3A_173, %dma_start3A_174] : memref<960x64x1024xf32, #tpu.memory_space<hbm>> -> memref<1x32x1024xf32, #tpu.memory_space<hbm>>
      %dma_start3A_176 = tpu.memref_squeeze %dma_start3A_175 : memref<1x32x1024xf32, #tpu.memory_space<hbm>> -> memref<32x1024xf32, #tpu.memory_space<hbm>>
      %dma_start3A_177 = arith.constant 0 : i32
      %dma_start3A_178 = arith.constant 0 : i32
      %dma_start3A_179 = tpu.memref_slice %arg3[%add3A_172, %dma_start3A_177, %dma_start3A_178] : memref<960x64x1024xf32, #tpu.memory_space<hbm>> -> memref<1x32x1024xf32, #tpu.memory_space<hbm>>
      %dma_start3A_180 = tpu.memref_squeeze %dma_start3A_179 : memref<1x32x1024xf32, #tpu.memory_space<hbm>> -> memref<32x1024xf32, #tpu.memory_space<hbm>>
      tpu.enqueue_dma source(%arg4 : memref<32x1024xf32, #tpu.memory_space<vmem>>) target(%dma_start3A_180 : memref<32x1024xf32, #tpu.memory_space<hbm>>) target_semaphore(%arg7 : memref<!tpu.dma_semaphore, #tpu.memory_space<semaphore_mem>>)
      %mul3A_181 = arith.constant 48 : i32
      %mul3A_182 = arith.muli %select_n3A, %mul3A_181 : i32
      %add3A_183 = arith.constant 30 : i32
      %add3A_184 = arith.addi %mul3A_182, %add3A_183 : i32
      %add3A_185 = arith.addi %add3A_184, %select_n3A_113 : i32
      %dma_start3A_186 = arith.constant 0 : i32
      %dma_start3A_187 = arith.constant 0 : i32
      %dma_start3A_188 = tpu.memref_slice %arg3[%add3A_185, %dma_start3A_186, %dma_start3A_187] : memref<960x64x1024xf32, #tpu.memory_space<hbm>> -> memref<1x32x1024xf32, #tpu.memory_space<hbm>>
      %dma_start3A_189 = tpu.memref_squeeze %dma_start3A_188 : memref<1x32x1024xf32, #tpu.memory_space<hbm>> -> memref<32x1024xf32, #tpu.memory_space<hbm>>
      %dma_start3A_190 = arith.constant 0 : i32
      %dma_start3A_191 = arith.constant 0 : i32
      %dma_start3A_192 = tpu.memref_slice %arg3[%add3A_185, %dma_start3A_190, %dma_start3A_191] : memref<960x64x1024xf32, #tpu.memory_space<hbm>> -> memref<1x32x1024xf32, #tpu.memory_space<hbm>>
      %dma_start3A_193 = tpu.memref_squeeze %dma_start3A_192 : memref<1x32x1024xf32, #tpu.memory_space<hbm>> -> memref<32x1024xf32, #tpu.memory_space<hbm>>
      tpu.enqueue_dma source(%arg4 : memref<32x1024xf32, #tpu.memory_space<vmem>>) target(%dma_start3A_193 : memref<32x1024xf32, #tpu.memory_space<hbm>>) target_semaphore(%arg7 : memref<!tpu.dma_semaphore, #tpu.memory_space<semaphore_mem>>)
      %mul3A_194 = arith.constant 48 : i32
      %mul3A_195 = arith.muli %select_n3A, %mul3A_194 : i32
      %add3A_196 = arith.constant 36 : i32
      %add3A_197 = arith.addi %mul3A_195, %add3A_196 : i32
      %add3A_198 = arith.addi %add3A_197, %select_n3A_113 : i32
      %dma_start3A_199 = arith.constant 0 : i32
      %dma_start3A_200 = arith.constant 0 : i32
      %dma_start3A_201 = tpu.memref_slice %arg3[%add3A_198, %dma_start3A_199, %dma_start3A_200] : memref<960x64x1024xf32, #tpu.memory_space<hbm>> -> memref<1x32x1024xf32, #tpu.memory_space<hbm>>
      %dma_start3A_202 = tpu.memref_squeeze %dma_start3A_201 : memref<1x32x1024xf32, #tpu.memory_space<hbm>> -> memref<32x1024xf32, #tpu.memory_space<hbm>>
      %dma_start3A_203 = arith.constant 0 : i32
      %dma_start3A_204 = arith.constant 0 : i32
      %dma_start3A_205 = tpu.memref_slice %arg3[%add3A_198, %dma_start3A_203, %dma_start3A_204] : memref<960x64x1024xf32, #tpu.memory_space<hbm>> -> memref<1x32x1024xf32, #tpu.memory_space<hbm>>
      %dma_start3A_206 = tpu.memref_squeeze %dma_start3A_205 : memref<1x32x1024xf32, #tpu.memory_space<hbm>> -> memref<32x1024xf32, #tpu.memory_space<hbm>>
      tpu.enqueue_dma source(%arg4 : memref<32x1024xf32, #tpu.memory_space<vmem>>) target(%dma_start3A_206 : memref<32x1024xf32, #tpu.memory_space<hbm>>) target_semaphore(%arg7 : memref<!tpu.dma_semaphore, #tpu.memory_space<semaphore_mem>>)
      %mul3A_207 = arith.constant 48 : i32
      %mul3A_208 = arith.muli %select_n3A, %mul3A_207 : i32
      %add3A_209 = arith.constant 42 : i32
      %add3A_210 = arith.addi %mul3A_208, %add3A_209 : i32
      %add3A_211 = arith.addi %add3A_210, %select_n3A_113 : i32
      %dma_start3A_212 = arith.constant 0 : i32
      %dma_start3A_213 = arith.constant 0 : i32
      %dma_start3A_214 = tpu.memref_slice %arg3[%add3A_211, %dma_start3A_212, %dma_start3A_213] : memref<960x64x1024xf32, #tpu.memory_space<hbm>> -> memref<1x32x1024xf32, #tpu.memory_space<hbm>>
      %dma_start3A_215 = tpu.memref_squeeze %dma_start3A_214 : memref<1x32x1024xf32, #tpu.memory_space<hbm>> -> memref<32x1024xf32, #tpu.memory_space<hbm>>
      %dma_start3A_216 = arith.constant 0 : i32
      %dma_start3A_217 = arith.constant 0 : i32
      %dma_start3A_218 = tpu.memref_slice %arg3[%add3A_211, %dma_start3A_216, %dma_start3A_217] : memref<960x64x1024xf32, #tpu.memory_space<hbm>> -> memref<1x32x1024xf32, #tpu.memory_space<hbm>>
      %dma_start3A_219 = tpu.memref_squeeze %dma_start3A_218 : memref<1x32x1024xf32, #tpu.memory_space<hbm>> -> memref<32x1024xf32, #tpu.memory_space<hbm>>
      tpu.enqueue_dma source(%arg4 : memref<32x1024xf32, #tpu.memory_space<vmem>>) target(%dma_start3A_219 : memref<32x1024xf32, #tpu.memory_space<hbm>>) target_semaphore(%arg7 : memref<!tpu.dma_semaphore, #tpu.memory_space<semaphore_mem>>)
      "tpu.region"() ({
        %run_scoped3A = tpu.sem_alloc : memref<!tpu.dma_semaphore, #tpu.memory_space<semaphore_mem>>
        %dma_start3A_451 = arith.constant 32 : i32
        %dma_start3A_452 = arith.constant 0 : i32
        %dma_start3A_453 = tpu.memref_slice %arg2[%add3A_116, %dma_start3A_451, %dma_start3A_452] : memref<400x64x1024xf32, #tpu.memory_space<hbm>> -> memref<1x32x1024xf32, #tpu.memory_space<hbm>>
        %dma_start3A_454 = tpu.memref_squeeze %dma_start3A_453 : memref<1x32x1024xf32, #tpu.memory_space<hbm>> -> memref<32x1024xf32, #tpu.memory_space<hbm>>
        %dma_start3A_455 = arith.constant 32 : i32
        %dma_start3A_456 = arith.constant 0 : i32
        %dma_start3A_457 = tpu.memref_slice %arg2[%add3A_116, %dma_start3A_455, %dma_start3A_456] : memref<400x64x1024xf32, #tpu.memory_space<hbm>> -> memref<1x32x1024xf32, #tpu.memory_space<hbm>>
        %dma_start3A_458 = tpu.memref_squeeze %dma_start3A_457 : memref<1x32x1024xf32, #tpu.memory_space<hbm>> -> memref<32x1024xf32, #tpu.memory_space<hbm>>
        tpu.enqueue_dma source(%dma_start3A_458 : memref<32x1024xf32, #tpu.memory_space<hbm>>) target(%arg5 : memref<32x1024xf32, #tpu.memory_space<vmem>>) target_semaphore(%run_scoped3A : memref<!tpu.dma_semaphore, #tpu.memory_space<semaphore_mem>>)
        %dma_wait3A_459 = arith.constant 32 : i32
        %dma_wait3A_460 = arith.constant 0 : i32
        %dma_wait3A_461 = tpu.memref_slice %arg2[%add3A_116, %dma_wait3A_459, %dma_wait3A_460] : memref<400x64x1024xf32, #tpu.memory_space<hbm>> -> memref<1x32x1024xf32, #tpu.memory_space<hbm>>
        %dma_wait3A_462 = tpu.memref_squeeze %dma_wait3A_461 : memref<1x32x1024xf32, #tpu.memory_space<hbm>> -> memref<32x1024xf32, #tpu.memory_space<hbm>>
        %dma_wait3A_463 = arith.constant 32 : i32
        %dma_wait3A_464 = arith.constant 0 : i32
        %dma_wait3A_465 = tpu.memref_slice %arg2[%add3A_116, %dma_wait3A_463, %dma_wait3A_464] : memref<400x64x1024xf32, #tpu.memory_space<hbm>> -> memref<1x32x1024xf32, #tpu.memory_space<hbm>>
        %dma_wait3A_466 = tpu.memref_squeeze %dma_wait3A_465 : memref<1x32x1024xf32, #tpu.memory_space<hbm>> -> memref<32x1024xf32, #tpu.memory_space<hbm>>
        tpu.wait_dma2 semaphore(%run_scoped3A : memref<!tpu.dma_semaphore, #tpu.memory_space<semaphore_mem>>) src(%dma_wait3A_466 : memref<32x1024xf32, #tpu.memory_space<hbm>>) dst(%arg5 : memref<32x1024xf32, #tpu.memory_space<vmem>>)
        tpu.yield
      }) : () -> ()
      %mul3A_220 = arith.constant 48 : i32
      %mul3A_221 = arith.muli %select_n3A, %mul3A_220 : i32
      %add3A_222 = arith.constant 0 : i32
      %add3A_223 = arith.addi %mul3A_221, %add3A_222 : i32
      %add3A_224 = arith.addi %add3A_223, %select_n3A_113 : i32
      %dma_start3A_225 = arith.constant 32 : i32
      %dma_start3A_226 = arith.constant 0 : i32
      %dma_start3A_227 = tpu.memref_slice %arg3[%add3A_224, %dma_start3A_225, %dma_start3A_226] : memref<960x64x1024xf32, #tpu.memory_space<hbm>> -> memref<1x32x1024xf32, #tpu.memory_space<hbm>>
      %dma_start3A_228 = tpu.memref_squeeze %dma_start3A_227 : memref<1x32x1024xf32, #tpu.memory_space<hbm>> -> memref<32x1024xf32, #tpu.memory_space<hbm>>
      %dma_start3A_229 = arith.constant 32 : i32
      %dma_start3A_230 = arith.constant 0 : i32
      %dma_start3A_231 = tpu.memref_slice %arg3[%add3A_224, %dma_start3A_229, %dma_start3A_230] : memref<960x64x1024xf32, #tpu.memory_space<hbm>> -> memref<1x32x1024xf32, #tpu.memory_space<hbm>>
      %dma_start3A_232 = tpu.memref_squeeze %dma_start3A_231 : memref<1x32x1024xf32, #tpu.memory_space<hbm>> -> memref<32x1024xf32, #tpu.memory_space<hbm>>
      tpu.enqueue_dma source(%arg5 : memref<32x1024xf32, #tpu.memory_space<vmem>>) target(%dma_start3A_232 : memref<32x1024xf32, #tpu.memory_space<hbm>>) target_semaphore(%arg8 : memref<!tpu.dma_semaphore, #tpu.memory_space<semaphore_mem>>)
      %mul3A_233 = arith.constant 48 : i32
      %mul3A_234 = arith.muli %select_n3A, %mul3A_233 : i32
      %add3A_235 = arith.constant 6 : i32
      %add3A_236 = arith.addi %mul3A_234, %add3A_235 : i32
      %add3A_237 = arith.addi %add3A_236, %select_n3A_113 : i32
      %dma_start3A_238 = arith.constant 32 : i32
      %dma_start3A_239 = arith.constant 0 : i32
      %dma_start3A_240 = tpu.memref_slice %arg3[%add3A_237, %dma_start3A_238, %dma_start3A_239] : memref<960x64x1024xf32, #tpu.memory_space<hbm>> -> memref<1x32x1024xf32, #tpu.memory_space<hbm>>
      %dma_start3A_241 = tpu.memref_squeeze %dma_start3A_240 : memref<1x32x1024xf32, #tpu.memory_space<hbm>> -> memref<32x1024xf32, #tpu.memory_space<hbm>>
      %dma_start3A_242 = arith.constant 32 : i32
      %dma_start3A_243 = arith.constant 0 : i32
      %dma_start3A_244 = tpu.memref_slice %arg3[%add3A_237, %dma_start3A_242, %dma_start3A_243] : memref<960x64x1024xf32, #tpu.memory_space<hbm>> -> memref<1x32x1024xf32, #tpu.memory_space<hbm>>
      %dma_start3A_245 = tpu.memref_squeeze %dma_start3A_244 : memref<1x32x1024xf32, #tpu.memory_space<hbm>> -> memref<32x1024xf32, #tpu.memory_space<hbm>>
      tpu.enqueue_dma source(%arg5 : memref<32x1024xf32, #tpu.memory_space<vmem>>) target(%dma_start3A_245 : memref<32x1024xf32, #tpu.memory_space<hbm>>) target_semaphore(%arg8 : memref<!tpu.dma_semaphore, #tpu.memory_space<semaphore_mem>>)
      %mul3A_246 = arith.constant 48 : i32
      %mul3A_247 = arith.muli %select_n3A, %mul3A_246 : i32
      %add3A_248 = arith.constant 12 : i32
      %add3A_249 = arith.addi %mul3A_247, %add3A_248 : i32
      %add3A_250 = arith.addi %add3A_249, %select_n3A_113 : i32
      %dma_start3A_251 = arith.constant 32 : i32
      %dma_start3A_252 = arith.constant 0 : i32
      %dma_start3A_253 = tpu.memref_slice %arg3[%add3A_250, %dma_start3A_251, %dma_start3A_252] : memref<960x64x1024xf32, #tpu.memory_space<hbm>> -> memref<1x32x1024xf32, #tpu.memory_space<hbm>>
      %dma_start3A_254 = tpu.memref_squeeze %dma_start3A_253 : memref<1x32x1024xf32, #tpu.memory_space<hbm>> -> memref<32x1024xf32, #tpu.memory_space<hbm>>
      %dma_start3A_255 = arith.constant 32 : i32
      %dma_start3A_256 = arith.constant 0 : i32
      %dma_start3A_257 = tpu.memref_slice %arg3[%add3A_250, %dma_start3A_255, %dma_start3A_256] : memref<960x64x1024xf32, #tpu.memory_space<hbm>> -> memref<1x32x1024xf32, #tpu.memory_space<hbm>>
      %dma_start3A_258 = tpu.memref_squeeze %dma_start3A_257 : memref<1x32x1024xf32, #tpu.memory_space<hbm>> -> memref<32x1024xf32, #tpu.memory_space<hbm>>
      tpu.enqueue_dma source(%arg5 : memref<32x1024xf32, #tpu.memory_space<vmem>>) target(%dma_start3A_258 : memref<32x1024xf32, #tpu.memory_space<hbm>>) target_semaphore(%arg8 : memref<!tpu.dma_semaphore, #tpu.memory_space<semaphore_mem>>)
      %mul3A_259 = arith.constant 48 : i32
      %mul3A_260 = arith.muli %select_n3A, %mul3A_259 : i32
      %add3A_261 = arith.constant 18 : i32
      %add3A_262 = arith.addi %mul3A_260, %add3A_261 : i32
      %add3A_263 = arith.addi %add3A_262, %select_n3A_113 : i32
      %dma_start3A_264 = arith.constant 32 : i32
      %dma_start3A_265 = arith.constant 0 : i32
      %dma_start3A_266 = tpu.memref_slice %arg3[%add3A_263, %dma_start3A_264, %dma_start3A_265] : memref<960x64x1024xf32, #tpu.memory_space<hbm>> -> memref<1x32x1024xf32, #tpu.memory_space<hbm>>
      %dma_start3A_267 = tpu.memref_squeeze %dma_start3A_266 : memref<1x32x1024xf32, #tpu.memory_space<hbm>> -> memref<32x1024xf32, #tpu.memory_space<hbm>>
      %dma_start3A_268 = arith.constant 32 : i32
      %dma_start3A_269 = arith.constant 0 : i32
      %dma_start3A_270 = tpu.memref_slice %arg3[%add3A_263, %dma_start3A_268, %dma_start3A_269] : memref<960x64x1024xf32, #tpu.memory_space<hbm>> -> memref<1x32x1024xf32, #tpu.memory_space<hbm>>
      %dma_start3A_271 = tpu.memref_squeeze %dma_start3A_270 : memref<1x32x1024xf32, #tpu.memory_space<hbm>> -> memref<32x1024xf32, #tpu.memory_space<hbm>>
      tpu.enqueue_dma source(%arg5 : memref<32x1024xf32, #tpu.memory_space<vmem>>) target(%dma_start3A_271 : memref<32x1024xf32, #tpu.memory_space<hbm>>) target_semaphore(%arg8 : memref<!tpu.dma_semaphore, #tpu.memory_space<semaphore_mem>>)
      %mul3A_272 = arith.constant 48 : i32
      %mul3A_273 = arith.muli %select_n3A, %mul3A_272 : i32
      %add3A_274 = arith.constant 24 : i32
      %add3A_275 = arith.addi %mul3A_273, %add3A_274 : i32
      %add3A_276 = arith.addi %add3A_275, %select_n3A_113 : i32
      %dma_start3A_277 = arith.constant 32 : i32
      %dma_start3A_278 = arith.constant 0 : i32
      %dma_start3A_279 = tpu.memref_slice %arg3[%add3A_276, %dma_start3A_277, %dma_start3A_278] : memref<960x64x1024xf32, #tpu.memory_space<hbm>> -> memref<1x32x1024xf32, #tpu.memory_space<hbm>>
      %dma_start3A_280 = tpu.memref_squeeze %dma_start3A_279 : memref<1x32x1024xf32, #tpu.memory_space<hbm>> -> memref<32x1024xf32, #tpu.memory_space<hbm>>
      %dma_start3A_281 = arith.constant 32 : i32
      %dma_start3A_282 = arith.constant 0 : i32
      %dma_start3A_283 = tpu.memref_slice %arg3[%add3A_276, %dma_start3A_281, %dma_start3A_282] : memref<960x64x1024xf32, #tpu.memory_space<hbm>> -> memref<1x32x1024xf32, #tpu.memory_space<hbm>>
      %dma_start3A_284 = tpu.memref_squeeze %dma_start3A_283 : memref<1x32x1024xf32, #tpu.memory_space<hbm>> -> memref<32x1024xf32, #tpu.memory_space<hbm>>
      tpu.enqueue_dma source(%arg5 : memref<32x1024xf32, #tpu.memory_space<vmem>>) target(%dma_start3A_284 : memref<32x1024xf32, #tpu.memory_space<hbm>>) target_semaphore(%arg8 : memref<!tpu.dma_semaphore, #tpu.memory_space<semaphore_mem>>)
      %mul3A_285 = arith.constant 48 : i32
      %mul3A_286 = arith.muli %select_n3A, %mul3A_285 : i32
      %add3A_287 = arith.constant 30 : i32
      %add3A_288 = arith.addi %mul3A_286, %add3A_287 : i32
      %add3A_289 = arith.addi %add3A_288, %select_n3A_113 : i32
      %dma_start3A_290 = arith.constant 32 : i32
      %dma_start3A_291 = arith.constant 0 : i32
      %dma_start3A_292 = tpu.memref_slice %arg3[%add3A_289, %dma_start3A_290, %dma_start3A_291] : memref<960x64x1024xf32, #tpu.memory_space<hbm>> -> memref<1x32x1024xf32, #tpu.memory_space<hbm>>
      %dma_start3A_293 = tpu.memref_squeeze %dma_start3A_292 : memref<1x32x1024xf32, #tpu.memory_space<hbm>> -> memref<32x1024xf32, #tpu.memory_space<hbm>>
      %dma_start3A_294 = arith.constant 32 : i32
      %dma_start3A_295 = arith.constant 0 : i32
      %dma_start3A_296 = tpu.memref_slice %arg3[%add3A_289, %dma_start3A_294, %dma_start3A_295] : memref<960x64x1024xf32, #tpu.memory_space<hbm>> -> memref<1x32x1024xf32, #tpu.memory_space<hbm>>
      %dma_start3A_297 = tpu.memref_squeeze %dma_start3A_296 : memref<1x32x1024xf32, #tpu.memory_space<hbm>> -> memref<32x1024xf32, #tpu.memory_space<hbm>>
      tpu.enqueue_dma source(%arg5 : memref<32x1024xf32, #tpu.memory_space<vmem>>) target(%dma_start3A_297 : memref<32x1024xf32, #tpu.memory_space<hbm>>) target_semaphore(%arg8 : memref<!tpu.dma_semaphore, #tpu.memory_space<semaphore_mem>>)
      %mul3A_298 = arith.constant 48 : i32
      %mul3A_299 = arith.muli %select_n3A, %mul3A_298 : i32
      %add3A_300 = arith.constant 36 : i32
      %add3A_301 = arith.addi %mul3A_299, %add3A_300 : i32
      %add3A_302 = arith.addi %add3A_301, %select_n3A_113 : i32
      %dma_start3A_303 = arith.constant 32 : i32
      %dma_start3A_304 = arith.constant 0 : i32
      %dma_start3A_305 = tpu.memref_slice %arg3[%add3A_302, %dma_start3A_303, %dma_start3A_304] : memref<960x64x1024xf32, #tpu.memory_space<hbm>> -> memref<1x32x1024xf32, #tpu.memory_space<hbm>>
      %dma_start3A_306 = tpu.memref_squeeze %dma_start3A_305 : memref<1x32x1024xf32, #tpu.memory_space<hbm>> -> memref<32x1024xf32, #tpu.memory_space<hbm>>
      %dma_start3A_307 = arith.constant 32 : i32
      %dma_start3A_308 = arith.constant 0 : i32
      %dma_start3A_309 = tpu.memref_slice %arg3[%add3A_302, %dma_start3A_307, %dma_start3A_308] : memref<960x64x1024xf32, #tpu.memory_space<hbm>> -> memref<1x32x1024xf32, #tpu.memory_space<hbm>>
      %dma_start3A_310 = tpu.memref_squeeze %dma_start3A_309 : memref<1x32x1024xf32, #tpu.memory_space<hbm>> -> memref<32x1024xf32, #tpu.memory_space<hbm>>
      tpu.enqueue_dma source(%arg5 : memref<32x1024xf32, #tpu.memory_space<vmem>>) target(%dma_start3A_310 : memref<32x1024xf32, #tpu.memory_space<hbm>>) target_semaphore(%arg8 : memref<!tpu.dma_semaphore, #tpu.memory_space<semaphore_mem>>)
      %mul3A_311 = arith.constant 48 : i32
      %mul3A_312 = arith.muli %select_n3A, %mul3A_311 : i32
      %add3A_313 = arith.constant 42 : i32
      %add3A_314 = arith.addi %mul3A_312, %add3A_313 : i32
      %add3A_315 = arith.addi %add3A_314, %select_n3A_113 : i32
      %dma_start3A_316 = arith.constant 32 : i32
      %dma_start3A_317 = arith.constant 0 : i32
      %dma_start3A_318 = tpu.memref_slice %arg3[%add3A_315, %dma_start3A_316, %dma_start3A_317] : memref<960x64x1024xf32, #tpu.memory_space<hbm>> -> memref<1x32x1024xf32, #tpu.memory_space<hbm>>
      %dma_start3A_319 = tpu.memref_squeeze %dma_start3A_318 : memref<1x32x1024xf32, #tpu.memory_space<hbm>> -> memref<32x1024xf32, #tpu.memory_space<hbm>>
      %dma_start3A_320 = arith.constant 32 : i32
      %dma_start3A_321 = arith.constant 0 : i32
      %dma_start3A_322 = tpu.memref_slice %arg3[%add3A_315, %dma_start3A_320, %dma_start3A_321] : memref<960x64x1024xf32, #tpu.memory_space<hbm>> -> memref<1x32x1024xf32, #tpu.memory_space<hbm>>
      %dma_start3A_323 = tpu.memref_squeeze %dma_start3A_322 : memref<1x32x1024xf32, #tpu.memory_space<hbm>> -> memref<32x1024xf32, #tpu.memory_space<hbm>>
      tpu.enqueue_dma source(%arg5 : memref<32x1024xf32, #tpu.memory_space<vmem>>) target(%dma_start3A_323 : memref<32x1024xf32, #tpu.memory_space<hbm>>) target_semaphore(%arg8 : memref<!tpu.dma_semaphore, #tpu.memory_space<semaphore_mem>>)
      %dma_wait3A = arith.constant 0 : i32
      %dma_wait3A_324 = arith.constant 0 : i32
      %dma_wait3A_325 = tpu.memref_slice %arg3[%add3A_121, %dma_wait3A, %dma_wait3A_324] : memref<960x64x1024xf32, #tpu.memory_space<hbm>> -> memref<1x32x1024xf32, #tpu.memory_space<hbm>>
      %dma_wait3A_326 = tpu.memref_squeeze %dma_wait3A_325 : memref<1x32x1024xf32, #tpu.memory_space<hbm>> -> memref<32x1024xf32, #tpu.memory_space<hbm>>
      %dma_wait3A_327 = arith.constant 0 : i32
      %dma_wait3A_328 = arith.constant 0 : i32
      %dma_wait3A_329 = tpu.memref_slice %arg3[%add3A_121, %dma_wait3A_327, %dma_wait3A_328] : memref<960x64x1024xf32, #tpu.memory_space<hbm>> -> memref<1x32x1024xf32, #tpu.memory_space<hbm>>
      %dma_wait3A_330 = tpu.memref_squeeze %dma_wait3A_329 : memref<1x32x1024xf32, #tpu.memory_space<hbm>> -> memref<32x1024xf32, #tpu.memory_space<hbm>>
      tpu.wait_dma2 semaphore(%arg7 : memref<!tpu.dma_semaphore, #tpu.memory_space<semaphore_mem>>) src(%arg4 : memref<32x1024xf32, #tpu.memory_space<vmem>>) dst(%dma_wait3A_330 : memref<32x1024xf32, #tpu.memory_space<hbm>>)
      %dma_wait3A_331 = arith.constant 0 : i32
      %dma_wait3A_332 = arith.constant 0 : i32
      %dma_wait3A_333 = tpu.memref_slice %arg3[%add3A_133, %dma_wait3A_331, %dma_wait3A_332] : memref<960x64x1024xf32, #tpu.memory_space<hbm>> -> memref<1x32x1024xf32, #tpu.memory_space<hbm>>
      %dma_wait3A_334 = tpu.memref_squeeze %dma_wait3A_333 : memref<1x32x1024xf32, #tpu.memory_space<hbm>> -> memref<32x1024xf32, #tpu.memory_space<hbm>>
      %dma_wait3A_335 = arith.constant 0 : i32
      %dma_wait3A_336 = arith.constant 0 : i32
      %dma_wait3A_337 = tpu.memref_slice %arg3[%add3A_133, %dma_wait3A_335, %dma_wait3A_336] : memref<960x64x1024xf32, #tpu.memory_space<hbm>> -> memref<1x32x1024xf32, #tpu.memory_space<hbm>>
      %dma_wait3A_338 = tpu.memref_squeeze %dma_wait3A_337 : memref<1x32x1024xf32, #tpu.memory_space<hbm>> -> memref<32x1024xf32, #tpu.memory_space<hbm>>
      tpu.wait_dma2 semaphore(%arg7 : memref<!tpu.dma_semaphore, #tpu.memory_space<semaphore_mem>>) src(%arg4 : memref<32x1024xf32, #tpu.memory_space<vmem>>) dst(%dma_wait3A_338 : memref<32x1024xf32, #tpu.memory_space<hbm>>)
      %dma_wait3A_339 = arith.constant 0 : i32
      %dma_wait3A_340 = arith.constant 0 : i32
      %dma_wait3A_341 = tpu.memref_slice %arg3[%add3A_146, %dma_wait3A_339, %dma_wait3A_340] : memref<960x64x1024xf32, #tpu.memory_space<hbm>> -> memref<1x32x1024xf32, #tpu.memory_space<hbm>>
      %dma_wait3A_342 = tpu.memref_squeeze %dma_wait3A_341 : memref<1x32x1024xf32, #tpu.memory_space<hbm>> -> memref<32x1024xf32, #tpu.memory_space<hbm>>
      %dma_wait3A_343 = arith.constant 0 : i32
      %dma_wait3A_344 = arith.constant 0 : i32
      %dma_wait3A_345 = tpu.memref_slice %arg3[%add3A_146, %dma_wait3A_343, %dma_wait3A_344] : memref<960x64x1024xf32, #tpu.memory_space<hbm>> -> memref<1x32x1024xf32, #tpu.memory_space<hbm>>
      %dma_wait3A_346 = tpu.memref_squeeze %dma_wait3A_345 : memref<1x32x1024xf32, #tpu.memory_space<hbm>> -> memref<32x1024xf32, #tpu.memory_space<hbm>>
      tpu.wait_dma2 semaphore(%arg7 : memref<!tpu.dma_semaphore, #tpu.memory_space<semaphore_mem>>) src(%arg4 : memref<32x1024xf32, #tpu.memory_space<vmem>>) dst(%dma_wait3A_346 : memref<32x1024xf32, #tpu.memory_space<hbm>>)
      %dma_wait3A_347 = arith.constant 0 : i32
      %dma_wait3A_348 = arith.constant 0 : i32
      %dma_wait3A_349 = tpu.memref_slice %arg3[%add3A_159, %dma_wait3A_347, %dma_wait3A_348] : memref<960x64x1024xf32, #tpu.memory_space<hbm>> -> memref<1x32x1024xf32, #tpu.memory_space<hbm>>
      %dma_wait3A_350 = tpu.memref_squeeze %dma_wait3A_349 : memref<1x32x1024xf32, #tpu.memory_space<hbm>> -> memref<32x1024xf32, #tpu.memory_space<hbm>>
      %dma_wait3A_351 = arith.constant 0 : i32
      %dma_wait3A_352 = arith.constant 0 : i32
      %dma_wait3A_353 = tpu.memref_slice %arg3[%add3A_159, %dma_wait3A_351, %dma_wait3A_352] : memref<960x64x1024xf32, #tpu.memory_space<hbm>> -> memref<1x32x1024xf32, #tpu.memory_space<hbm>>
      %dma_wait3A_354 = tpu.memref_squeeze %dma_wait3A_353 : memref<1x32x1024xf32, #tpu.memory_space<hbm>> -> memref<32x1024xf32, #tpu.memory_space<hbm>>
      tpu.wait_dma2 semaphore(%arg7 : memref<!tpu.dma_semaphore, #tpu.memory_space<semaphore_mem>>) src(%arg4 : memref<32x1024xf32, #tpu.memory_space<vmem>>) dst(%dma_wait3A_354 : memref<32x1024xf32, #tpu.memory_space<hbm>>)
      %dma_wait3A_355 = arith.constant 0 : i32
      %dma_wait3A_356 = arith.constant 0 : i32
      %dma_wait3A_357 = tpu.memref_slice %arg3[%add3A_172, %dma_wait3A_355, %dma_wait3A_356] : memref<960x64x1024xf32, #tpu.memory_space<hbm>> -> memref<1x32x1024xf32, #tpu.memory_space<hbm>>
      %dma_wait3A_358 = tpu.memref_squeeze %dma_wait3A_357 : memref<1x32x1024xf32, #tpu.memory_space<hbm>> -> memref<32x1024xf32, #tpu.memory_space<hbm>>
      %dma_wait3A_359 = arith.constant 0 : i32
      %dma_wait3A_360 = arith.constant 0 : i32
      %dma_wait3A_361 = tpu.memref_slice %arg3[%add3A_172, %dma_wait3A_359, %dma_wait3A_360] : memref<960x64x1024xf32, #tpu.memory_space<hbm>> -> memref<1x32x1024xf32, #tpu.memory_space<hbm>>
      %dma_wait3A_362 = tpu.memref_squeeze %dma_wait3A_361 : memref<1x32x1024xf32, #tpu.memory_space<hbm>> -> memref<32x1024xf32, #tpu.memory_space<hbm>>
      tpu.wait_dma2 semaphore(%arg7 : memref<!tpu.dma_semaphore, #tpu.memory_space<semaphore_mem>>) src(%arg4 : memref<32x1024xf32, #tpu.memory_space<vmem>>) dst(%dma_wait3A_362 : memref<32x1024xf32, #tpu.memory_space<hbm>>)
      %dma_wait3A_363 = arith.constant 0 : i32
      %dma_wait3A_364 = arith.constant 0 : i32
      %dma_wait3A_365 = tpu.memref_slice %arg3[%add3A_185, %dma_wait3A_363, %dma_wait3A_364] : memref<960x64x1024xf32, #tpu.memory_space<hbm>> -> memref<1x32x1024xf32, #tpu.memory_space<hbm>>
      %dma_wait3A_366 = tpu.memref_squeeze %dma_wait3A_365 : memref<1x32x1024xf32, #tpu.memory_space<hbm>> -> memref<32x1024xf32, #tpu.memory_space<hbm>>
      %dma_wait3A_367 = arith.constant 0 : i32
      %dma_wait3A_368 = arith.constant 0 : i32
      %dma_wait3A_369 = tpu.memref_slice %arg3[%add3A_185, %dma_wait3A_367, %dma_wait3A_368] : memref<960x64x1024xf32, #tpu.memory_space<hbm>> -> memref<1x32x1024xf32, #tpu.memory_space<hbm>>
      %dma_wait3A_370 = tpu.memref_squeeze %dma_wait3A_369 : memref<1x32x1024xf32, #tpu.memory_space<hbm>> -> memref<32x1024xf32, #tpu.memory_space<hbm>>
      tpu.wait_dma2 semaphore(%arg7 : memref<!tpu.dma_semaphore, #tpu.memory_space<semaphore_mem>>) src(%arg4 : memref<32x1024xf32, #tpu.memory_space<vmem>>) dst(%dma_wait3A_370 : memref<32x1024xf32, #tpu.memory_space<hbm>>)
      %dma_wait3A_371 = arith.constant 0 : i32
      %dma_wait3A_372 = arith.constant 0 : i32
      %dma_wait3A_373 = tpu.memref_slice %arg3[%add3A_198, %dma_wait3A_371, %dma_wait3A_372] : memref<960x64x1024xf32, #tpu.memory_space<hbm>> -> memref<1x32x1024xf32, #tpu.memory_space<hbm>>
      %dma_wait3A_374 = tpu.memref_squeeze %dma_wait3A_373 : memref<1x32x1024xf32, #tpu.memory_space<hbm>> -> memref<32x1024xf32, #tpu.memory_space<hbm>>
      %dma_wait3A_375 = arith.constant 0 : i32
      %dma_wait3A_376 = arith.constant 0 : i32
      %dma_wait3A_377 = tpu.memref_slice %arg3[%add3A_198, %dma_wait3A_375, %dma_wait3A_376] : memref<960x64x1024xf32, #tpu.memory_space<hbm>> -> memref<1x32x1024xf32, #tpu.memory_space<hbm>>
      %dma_wait3A_378 = tpu.memref_squeeze %dma_wait3A_377 : memref<1x32x1024xf32, #tpu.memory_space<hbm>> -> memref<32x1024xf32, #tpu.memory_space<hbm>>
      tpu.wait_dma2 semaphore(%arg7 : memref<!tpu.dma_semaphore, #tpu.memory_space<semaphore_mem>>) src(%arg4 : memref<32x1024xf32, #tpu.memory_space<vmem>>) dst(%dma_wait3A_378 : memref<32x1024xf32, #tpu.memory_space<hbm>>)
      %dma_wait3A_379 = arith.constant 0 : i32
      %dma_wait3A_380 = arith.constant 0 : i32
      %dma_wait3A_381 = tpu.memref_slice %arg3[%add3A_211, %dma_wait3A_379, %dma_wait3A_380] : memref<960x64x1024xf32, #tpu.memory_space<hbm>> -> memref<1x32x1024xf32, #tpu.memory_space<hbm>>
      %dma_wait3A_382 = tpu.memref_squeeze %dma_wait3A_381 : memref<1x32x1024xf32, #tpu.memory_space<hbm>> -> memref<32x1024xf32, #tpu.memory_space<hbm>>
      %dma_wait3A_383 = arith.constant 0 : i32
      %dma_wait3A_384 = arith.constant 0 : i32
      %dma_wait3A_385 = tpu.memref_slice %arg3[%add3A_211, %dma_wait3A_383, %dma_wait3A_384] : memref<960x64x1024xf32, #tpu.memory_space<hbm>> -> memref<1x32x1024xf32, #tpu.memory_space<hbm>>
      %dma_wait3A_386 = tpu.memref_squeeze %dma_wait3A_385 : memref<1x32x1024xf32, #tpu.memory_space<hbm>> -> memref<32x1024xf32, #tpu.memory_space<hbm>>
      tpu.wait_dma2 semaphore(%arg7 : memref<!tpu.dma_semaphore, #tpu.memory_space<semaphore_mem>>) src(%arg4 : memref<32x1024xf32, #tpu.memory_space<vmem>>) dst(%dma_wait3A_386 : memref<32x1024xf32, #tpu.memory_space<hbm>>)
      %dma_wait3A_387 = arith.constant 32 : i32
      %dma_wait3A_388 = arith.constant 0 : i32
      %dma_wait3A_389 = tpu.memref_slice %arg3[%add3A_224, %dma_wait3A_387, %dma_wait3A_388] : memref<960x64x1024xf32, #tpu.memory_space<hbm>> -> memref<1x32x1024xf32, #tpu.memory_space<hbm>>
      %dma_wait3A_390 = tpu.memref_squeeze %dma_wait3A_389 : memref<1x32x1024xf32, #tpu.memory_space<hbm>> -> memref<32x1024xf32, #tpu.memory_space<hbm>>
      %dma_wait3A_391 = arith.constant 32 : i32
      %dma_wait3A_392 = arith.constant 0 : i32
      %dma_wait3A_393 = tpu.memref_slice %arg3[%add3A_224, %dma_wait3A_391, %dma_wait3A_392] : memref<960x64x1024xf32, #tpu.memory_space<hbm>> -> memref<1x32x1024xf32, #tpu.memory_space<hbm>>
      %dma_wait3A_394 = tpu.memref_squeeze %dma_wait3A_393 : memref<1x32x1024xf32, #tpu.memory_space<hbm>> -> memref<32x1024xf32, #tpu.memory_space<hbm>>
      tpu.wait_dma2 semaphore(%arg8 : memref<!tpu.dma_semaphore, #tpu.memory_space<semaphore_mem>>) src(%arg5 : memref<32x1024xf32, #tpu.memory_space<vmem>>) dst(%dma_wait3A_394 : memref<32x1024xf32, #tpu.memory_space<hbm>>)
      %dma_wait3A_395 = arith.constant 32 : i32
      %dma_wait3A_396 = arith.constant 0 : i32
      %dma_wait3A_397 = tpu.memref_slice %arg3[%add3A_237, %dma_wait3A_395, %dma_wait3A_396] : memref<960x64x1024xf32, #tpu.memory_space<hbm>> -> memref<1x32x1024xf32, #tpu.memory_space<hbm>>
      %dma_wait3A_398 = tpu.memref_squeeze %dma_wait3A_397 : memref<1x32x1024xf32, #tpu.memory_space<hbm>> -> memref<32x1024xf32, #tpu.memory_space<hbm>>
      %dma_wait3A_399 = arith.constant 32 : i32
      %dma_wait3A_400 = arith.constant 0 : i32
      %dma_wait3A_401 = tpu.memref_slice %arg3[%add3A_237, %dma_wait3A_399, %dma_wait3A_400] : memref<960x64x1024xf32, #tpu.memory_space<hbm>> -> memref<1x32x1024xf32, #tpu.memory_space<hbm>>
      %dma_wait3A_402 = tpu.memref_squeeze %dma_wait3A_401 : memref<1x32x1024xf32, #tpu.memory_space<hbm>> -> memref<32x1024xf32, #tpu.memory_space<hbm>>
      tpu.wait_dma2 semaphore(%arg8 : memref<!tpu.dma_semaphore, #tpu.memory_space<semaphore_mem>>) src(%arg5 : memref<32x1024xf32, #tpu.memory_space<vmem>>) dst(%dma_wait3A_402 : memref<32x1024xf32, #tpu.memory_space<hbm>>)
      %dma_wait3A_403 = arith.constant 32 : i32
      %dma_wait3A_404 = arith.constant 0 : i32
      %dma_wait3A_405 = tpu.memref_slice %arg3[%add3A_250, %dma_wait3A_403, %dma_wait3A_404] : memref<960x64x1024xf32, #tpu.memory_space<hbm>> -> memref<1x32x1024xf32, #tpu.memory_space<hbm>>
      %dma_wait3A_406 = tpu.memref_squeeze %dma_wait3A_405 : memref<1x32x1024xf32, #tpu.memory_space<hbm>> -> memref<32x1024xf32, #tpu.memory_space<hbm>>
      %dma_wait3A_407 = arith.constant 32 : i32
      %dma_wait3A_408 = arith.constant 0 : i32
      %dma_wait3A_409 = tpu.memref_slice %arg3[%add3A_250, %dma_wait3A_407, %dma_wait3A_408] : memref<960x64x1024xf32, #tpu.memory_space<hbm>> -> memref<1x32x1024xf32, #tpu.memory_space<hbm>>
      %dma_wait3A_410 = tpu.memref_squeeze %dma_wait3A_409 : memref<1x32x1024xf32, #tpu.memory_space<hbm>> -> memref<32x1024xf32, #tpu.memory_space<hbm>>
      tpu.wait_dma2 semaphore(%arg8 : memref<!tpu.dma_semaphore, #tpu.memory_space<semaphore_mem>>) src(%arg5 : memref<32x1024xf32, #tpu.memory_space<vmem>>) dst(%dma_wait3A_410 : memref<32x1024xf32, #tpu.memory_space<hbm>>)
      %dma_wait3A_411 = arith.constant 32 : i32
      %dma_wait3A_412 = arith.constant 0 : i32
      %dma_wait3A_413 = tpu.memref_slice %arg3[%add3A_263, %dma_wait3A_411, %dma_wait3A_412] : memref<960x64x1024xf32, #tpu.memory_space<hbm>> -> memref<1x32x1024xf32, #tpu.memory_space<hbm>>
      %dma_wait3A_414 = tpu.memref_squeeze %dma_wait3A_413 : memref<1x32x1024xf32, #tpu.memory_space<hbm>> -> memref<32x1024xf32, #tpu.memory_space<hbm>>
      %dma_wait3A_415 = arith.constant 32 : i32
      %dma_wait3A_416 = arith.constant 0 : i32
      %dma_wait3A_417 = tpu.memref_slice %arg3[%add3A_263, %dma_wait3A_415, %dma_wait3A_416] : memref<960x64x1024xf32, #tpu.memory_space<hbm>> -> memref<1x32x1024xf32, #tpu.memory_space<hbm>>
      %dma_wait3A_418 = tpu.memref_squeeze %dma_wait3A_417 : memref<1x32x1024xf32, #tpu.memory_space<hbm>> -> memref<32x1024xf32, #tpu.memory_space<hbm>>
      tpu.wait_dma2 semaphore(%arg8 : memref<!tpu.dma_semaphore, #tpu.memory_space<semaphore_mem>>) src(%arg5 : memref<32x1024xf32, #tpu.memory_space<vmem>>) dst(%dma_wait3A_418 : memref<32x1024xf32, #tpu.memory_space<hbm>>)
      %dma_wait3A_419 = arith.constant 32 : i32
      %dma_wait3A_420 = arith.constant 0 : i32
      %dma_wait3A_421 = tpu.memref_slice %arg3[%add3A_276, %dma_wait3A_419, %dma_wait3A_420] : memref<960x64x1024xf32, #tpu.memory_space<hbm>> -> memref<1x32x1024xf32, #tpu.memory_space<hbm>>
      %dma_wait3A_422 = tpu.memref_squeeze %dma_wait3A_421 : memref<1x32x1024xf32, #tpu.memory_space<hbm>> -> memref<32x1024xf32, #tpu.memory_space<hbm>>
      %dma_wait3A_423 = arith.constant 32 : i32
      %dma_wait3A_424 = arith.constant 0 : i32
      %dma_wait3A_425 = tpu.memref_slice %arg3[%add3A_276, %dma_wait3A_423, %dma_wait3A_424] : memref<960x64x1024xf32, #tpu.memory_space<hbm>> -> memref<1x32x1024xf32, #tpu.memory_space<hbm>>
      %dma_wait3A_426 = tpu.memref_squeeze %dma_wait3A_425 : memref<1x32x1024xf32, #tpu.memory_space<hbm>> -> memref<32x1024xf32, #tpu.memory_space<hbm>>
      tpu.wait_dma2 semaphore(%arg8 : memref<!tpu.dma_semaphore, #tpu.memory_space<semaphore_mem>>) src(%arg5 : memref<32x1024xf32, #tpu.memory_space<vmem>>) dst(%dma_wait3A_426 : memref<32x1024xf32, #tpu.memory_space<hbm>>)
      %dma_wait3A_427 = arith.constant 32 : i32
      %dma_wait3A_428 = arith.constant 0 : i32
      %dma_wait3A_429 = tpu.memref_slice %arg3[%add3A_289, %dma_wait3A_427, %dma_wait3A_428] : memref<960x64x1024xf32, #tpu.memory_space<hbm>> -> memref<1x32x1024xf32, #tpu.memory_space<hbm>>
      %dma_wait3A_430 = tpu.memref_squeeze %dma_wait3A_429 : memref<1x32x1024xf32, #tpu.memory_space<hbm>> -> memref<32x1024xf32, #tpu.memory_space<hbm>>
      %dma_wait3A_431 = arith.constant 32 : i32
      %dma_wait3A_432 = arith.constant 0 : i32
      %dma_wait3A_433 = tpu.memref_slice %arg3[%add3A_289, %dma_wait3A_431, %dma_wait3A_432] : memref<960x64x1024xf32, #tpu.memory_space<hbm>> -> memref<1x32x1024xf32, #tpu.memory_space<hbm>>
      %dma_wait3A_434 = tpu.memref_squeeze %dma_wait3A_433 : memref<1x32x1024xf32, #tpu.memory_space<hbm>> -> memref<32x1024xf32, #tpu.memory_space<hbm>>
      tpu.wait_dma2 semaphore(%arg8 : memref<!tpu.dma_semaphore, #tpu.memory_space<semaphore_mem>>) src(%arg5 : memref<32x1024xf32, #tpu.memory_space<vmem>>) dst(%dma_wait3A_434 : memref<32x1024xf32, #tpu.memory_space<hbm>>)
      %dma_wait3A_435 = arith.constant 32 : i32
      %dma_wait3A_436 = arith.constant 0 : i32
      %dma_wait3A_437 = tpu.memref_slice %arg3[%add3A_302, %dma_wait3A_435, %dma_wait3A_436] : memref<960x64x1024xf32, #tpu.memory_space<hbm>> -> memref<1x32x1024xf32, #tpu.memory_space<hbm>>
      %dma_wait3A_438 = tpu.memref_squeeze %dma_wait3A_437 : memref<1x32x1024xf32, #tpu.memory_space<hbm>> -> memref<32x1024xf32, #tpu.memory_space<hbm>>
      %dma_wait3A_439 = arith.constant 32 : i32
      %dma_wait3A_440 = arith.constant 0 : i32
      %dma_wait3A_441 = tpu.memref_slice %arg3[%add3A_302, %dma_wait3A_439, %dma_wait3A_440] : memref<960x64x1024xf32, #tpu.memory_space<hbm>> -> memref<1x32x1024xf32, #tpu.memory_space<hbm>>
      %dma_wait3A_442 = tpu.memref_squeeze %dma_wait3A_441 : memref<1x32x1024xf32, #tpu.memory_space<hbm>> -> memref<32x1024xf32, #tpu.memory_space<hbm>>
      tpu.wait_dma2 semaphore(%arg8 : memref<!tpu.dma_semaphore, #tpu.memory_space<semaphore_mem>>) src(%arg5 : memref<32x1024xf32, #tpu.memory_space<vmem>>) dst(%dma_wait3A_442 : memref<32x1024xf32, #tpu.memory_space<hbm>>)
      %dma_wait3A_443 = arith.constant 32 : i32
      %dma_wait3A_444 = arith.constant 0 : i32
      %dma_wait3A_445 = tpu.memref_slice %arg3[%add3A_315, %dma_wait3A_443, %dma_wait3A_444] : memref<960x64x1024xf32, #tpu.memory_space<hbm>> -> memref<1x32x1024xf32, #tpu.memory_space<hbm>>
      %dma_wait3A_446 = tpu.memref_squeeze %dma_wait3A_445 : memref<1x32x1024xf32, #tpu.memory_space<hbm>> -> memref<32x1024xf32, #tpu.memory_space<hbm>>
      %dma_wait3A_447 = arith.constant 32 : i32
      %dma_wait3A_448 = arith.constant 0 : i32
      %dma_wait3A_449 = tpu.memref_slice %arg3[%add3A_315, %dma_wait3A_447, %dma_wait3A_448] : memref<960x64x1024xf32, #tpu.memory_space<hbm>> -> memref<1x32x1024xf32, #tpu.memory_space<hbm>>
      %dma_wait3A_450 = tpu.memref_squeeze %dma_wait3A_449 : memref<1x32x1024xf32, #tpu.memory_space<hbm>> -> memref<32x1024xf32, #tpu.memory_space<hbm>>
      tpu.wait_dma2 semaphore(%arg8 : memref<!tpu.dma_semaphore, #tpu.memory_space<semaphore_mem>>) src(%arg5 : memref<32x1024xf32, #tpu.memory_space<vmem>>) dst(%dma_wait3A_450 : memref<32x1024xf32, #tpu.memory_space<hbm>>)
    } else {
    }
    %ge3A_16 = arith.constant 80 : i32
    %ge3A_17 = arith.cmpi sge, %add3A_10, %ge3A_16 : i32
    %convert_element_type3A_18 = arith.extui %ge3A_17 : i1 to i32
    %cond3A_19 = arith.constant 0 : i32
    %cond3A_20 = arith.cmpi ne, %convert_element_type3A_18, %cond3A_19 : i32
    scf.if %cond3A_20 {
      %sub3A = arith.constant 80 : i32
      %sub3A_57 = arith.subi %add3A_10, %sub3A : i32
      %jit3A = arith.constant 4 : i32
      %div3A = arith.divsi %sub3A_57, %jit3A : i32
      %sign3A = arith.constant 0 : i32
      %sign3A_58 = arith.cmpi sgt, %sub3A_57, %sign3A : i32
      %sign3A_59 = arith.extui %sign3A_58 : i1 to i32
      %sign3A_60 = arith.constant 0 : i32
      %sign3A_61 = arith.cmpi slt, %sub3A_57, %sign3A_60 : i32
      %sign3A_62 = arith.extui %sign3A_61 : i1 to i32
      %sign3A_63 = arith.subi %sign3A_59, %sign3A_62 : i32
      %sign3A_64 = arith.constant 0 : i32
      %sign3A_65 = arith.cmpi sgt, %jit3A, %sign3A_64 : i32
      %sign3A_66 = arith.extui %sign3A_65 : i1 to i32
      %sign3A_67 = arith.constant 0 : i32
      %sign3A_68 = arith.cmpi slt, %jit3A, %sign3A_67 : i32
      %sign3A_69 = arith.extui %sign3A_68 : i1 to i32
      %sign3A_70 = arith.subi %sign3A_66, %sign3A_69 : i32
      %ne3A = arith.cmpi ne, %sign3A_63, %sign3A_70 : i32
      %rem3A = arith.remsi %sub3A_57, %jit3A : i32
      %ne3A_71 = arith.constant 0 : i32
      %ne3A_72 = arith.cmpi ne, %rem3A, %ne3A_71 : i32
      %and3A = arith.andi %ne3A, %ne3A_72 : i1
      %sub3A_73 = arith.constant 1 : i32
      %sub3A_74 = arith.subi %div3A, %sub3A_73 : i32
      %select_n3A = arith.select %and3A, %sub3A_74, %div3A : i32
      %jit3A_75 = arith.constant 4 : i32
      %eq3A = arith.constant 0 : i32
      %eq3A_76 = arith.cmpi eq, %jit3A_75, %eq3A : i32
      %jit3A_77 = arith.constant 1 : i32
      %select_n3A_78 = arith.select %eq3A_76, %jit3A_77, %jit3A_75 : i32
      %rem3A_79 = arith.remsi %sub3A_57, %select_n3A_78 : i32
      %ne3A_80 = arith.constant 0 : i32
      %ne3A_81 = arith.cmpi ne, %rem3A_79, %ne3A_80 : i32
      %lt3A_82 = arith.constant 0 : i32
      %lt3A_83 = arith.cmpi slt, %rem3A_79, %lt3A_82 : i32
      %lt3A_84 = arith.constant 0 : i32
      %lt3A_85 = arith.cmpi slt, %select_n3A_78, %lt3A_84 : i32
      %ne3A_86 = arith.xori %lt3A_83, %lt3A_85 : i1
      %and3A_87 = arith.andi %ne3A_86, %ne3A_81 : i1
      %add3A_88 = arith.addi %rem3A_79, %select_n3A_78 : i32
      %select_n3A_89 = arith.select %and3A_87, %add3A_88, %rem3A_79 : i32
      %lt3A_90 = arith.constant 2 : i32
      %lt3A_91 = arith.cmpi slt, %select_n3A_89, %lt3A_90 : i32
      %jit3A_92 = arith.constant 2 : i32
      %jit3A_93 = arith.constant 5 : i32
      %select_n3A_94 = arith.select %lt3A_91, %jit3A_92, %jit3A_93 : i32
      %lt3A_95 = arith.constant 2 : i32
      %lt3A_96 = arith.cmpi slt, %select_n3A_89, %lt3A_95 : i32
      %jit3A_97 = arith.constant 2 : i32
      %jit3A_98 = arith.constant 12 : i32
      %select_n3A_99 = arith.select %lt3A_96, %jit3A_97, %jit3A_98 : i32
      %jit3A_100 = arith.constant 2 : i32
      %eq3A_101 = arith.constant 0 : i32
      %eq3A_102 = arith.cmpi eq, %jit3A_100, %eq3A_101 : i32
      %jit3A_103 = arith.constant 1 : i32
      %select_n3A_104 = arith.select %eq3A_102, %jit3A_103, %jit3A_100 : i32
      %rem3A_105 = arith.remsi %select_n3A_89, %select_n3A_104 : i32
      %ne3A_106 = arith.constant 0 : i32
      %ne3A_107 = arith.cmpi ne, %rem3A_105, %ne3A_106 : i32
      %lt3A_108 = arith.constant 0 : i32
      %lt3A_109 = arith.cmpi slt, %rem3A_105, %lt3A_108 : i32
      %lt3A_110 = arith.constant 0 : i32
      %lt3A_111 = arith.cmpi slt, %select_n3A_104, %lt3A_110 : i32
      %ne3A_112 = arith.xori %lt3A_109, %lt3A_111 : i1
      %and3A_113 = arith.andi %ne3A_112, %ne3A_107 : i1
      %add3A_114 = arith.addi %rem3A_105, %select_n3A_104 : i32
      %select_n3A_115 = arith.select %and3A_113, %add3A_114, %rem3A_105 : i32
      %eq3A_116 = arith.constant 0 : i32
      %eq3A_117 = arith.cmpi eq, %select_n3A_115, %eq3A_116 : i32
      %jit3A_118 = arith.constant 0 : i32
      %jit3A_119 = arith.constant 4 : i32
      %select_n3A_120 = arith.select %eq3A_117, %jit3A_118, %jit3A_119 : i32
      %add3A_121 = arith.constant 0 : i32
      %add3A_122 = arith.addi %select_n3A_120, %add3A_121 : i32
      %mul3A_123 = arith.constant 20 : i32
      %mul3A_124 = arith.muli %select_n3A, %mul3A_123 : i32
      %add3A_125 = arith.addi %mul3A_124, %select_n3A_99 : i32
      %add3A_126 = arith.addi %add3A_125, %add3A_122 : i32
      %mul3A_127 = arith.constant 48 : i32
      %mul3A_128 = arith.muli %select_n3A, %mul3A_127 : i32
      %mul3A_129 = arith.constant 6 : i32
      %mul3A_130 = arith.muli %add3A_122, %mul3A_129 : i32
      %add3A_131 = arith.addi %mul3A_128, %mul3A_130 : i32
      %add3A_132 = arith.addi %add3A_131, %select_n3A_94 : i32
      "tpu.region"() ({
        %run_scoped3A = tpu.sem_alloc : memref<!tpu.dma_semaphore, #tpu.memory_space<semaphore_mem>>
        %dma_start3A_295 = arith.constant 0 : i32
        %dma_start3A_296 = arith.constant 0 : i32
        %dma_start3A_297 = tpu.memref_slice %arg2[%add3A_126, %dma_start3A_295, %dma_start3A_296] : memref<400x64x1024xf32, #tpu.memory_space<hbm>> -> memref<1x32x1024xf32, #tpu.memory_space<hbm>>
        %dma_start3A_298 = tpu.memref_squeeze %dma_start3A_297 : memref<1x32x1024xf32, #tpu.memory_space<hbm>> -> memref<32x1024xf32, #tpu.memory_space<hbm>>
        %dma_start3A_299 = arith.constant 0 : i32
        %dma_start3A_300 = arith.constant 0 : i32
        %dma_start3A_301 = tpu.memref_slice %arg2[%add3A_126, %dma_start3A_299, %dma_start3A_300] : memref<400x64x1024xf32, #tpu.memory_space<hbm>> -> memref<1x32x1024xf32, #tpu.memory_space<hbm>>
        %dma_start3A_302 = tpu.memref_squeeze %dma_start3A_301 : memref<1x32x1024xf32, #tpu.memory_space<hbm>> -> memref<32x1024xf32, #tpu.memory_space<hbm>>
        tpu.enqueue_dma source(%dma_start3A_302 : memref<32x1024xf32, #tpu.memory_space<hbm>>) target(%arg4 : memref<32x1024xf32, #tpu.memory_space<vmem>>) target_semaphore(%run_scoped3A : memref<!tpu.dma_semaphore, #tpu.memory_space<semaphore_mem>>)
        %dma_wait3A_303 = arith.constant 0 : i32
        %dma_wait3A_304 = arith.constant 0 : i32
        %dma_wait3A_305 = tpu.memref_slice %arg2[%add3A_126, %dma_wait3A_303, %dma_wait3A_304] : memref<400x64x1024xf32, #tpu.memory_space<hbm>> -> memref<1x32x1024xf32, #tpu.memory_space<hbm>>
        %dma_wait3A_306 = tpu.memref_squeeze %dma_wait3A_305 : memref<1x32x1024xf32, #tpu.memory_space<hbm>> -> memref<32x1024xf32, #tpu.memory_space<hbm>>
        %dma_wait3A_307 = arith.constant 0 : i32
        %dma_wait3A_308 = arith.constant 0 : i32
        %dma_wait3A_309 = tpu.memref_slice %arg2[%add3A_126, %dma_wait3A_307, %dma_wait3A_308] : memref<400x64x1024xf32, #tpu.memory_space<hbm>> -> memref<1x32x1024xf32, #tpu.memory_space<hbm>>
        %dma_wait3A_310 = tpu.memref_squeeze %dma_wait3A_309 : memref<1x32x1024xf32, #tpu.memory_space<hbm>> -> memref<32x1024xf32, #tpu.memory_space<hbm>>
        tpu.wait_dma2 semaphore(%run_scoped3A : memref<!tpu.dma_semaphore, #tpu.memory_space<semaphore_mem>>) src(%dma_wait3A_310 : memref<32x1024xf32, #tpu.memory_space<hbm>>) dst(%arg4 : memref<32x1024xf32, #tpu.memory_space<vmem>>)
        tpu.yield
      }) : () -> ()
      %dma_start3A = arith.constant 0 : i32
      %dma_start3A_133 = arith.constant 0 : i32
      %dma_start3A_134 = tpu.memref_slice %arg3[%add3A_132, %dma_start3A, %dma_start3A_133] : memref<960x64x1024xf32, #tpu.memory_space<hbm>> -> memref<1x32x1024xf32, #tpu.memory_space<hbm>>
      %dma_start3A_135 = tpu.memref_squeeze %dma_start3A_134 : memref<1x32x1024xf32, #tpu.memory_space<hbm>> -> memref<32x1024xf32, #tpu.memory_space<hbm>>
      %dma_start3A_136 = arith.constant 0 : i32
      %dma_start3A_137 = arith.constant 0 : i32
      %dma_start3A_138 = tpu.memref_slice %arg3[%add3A_132, %dma_start3A_136, %dma_start3A_137] : memref<960x64x1024xf32, #tpu.memory_space<hbm>> -> memref<1x32x1024xf32, #tpu.memory_space<hbm>>
      %dma_start3A_139 = tpu.memref_squeeze %dma_start3A_138 : memref<1x32x1024xf32, #tpu.memory_space<hbm>> -> memref<32x1024xf32, #tpu.memory_space<hbm>>
      tpu.enqueue_dma source(%arg4 : memref<32x1024xf32, #tpu.memory_space<vmem>>) target(%dma_start3A_139 : memref<32x1024xf32, #tpu.memory_space<hbm>>) target_semaphore(%arg7 : memref<!tpu.dma_semaphore, #tpu.memory_space<semaphore_mem>>)
      "tpu.region"() ({
        %run_scoped3A = tpu.sem_alloc : memref<!tpu.dma_semaphore, #tpu.memory_space<semaphore_mem>>
        %dma_start3A_295 = arith.constant 32 : i32
        %dma_start3A_296 = arith.constant 0 : i32
        %dma_start3A_297 = tpu.memref_slice %arg2[%add3A_126, %dma_start3A_295, %dma_start3A_296] : memref<400x64x1024xf32, #tpu.memory_space<hbm>> -> memref<1x32x1024xf32, #tpu.memory_space<hbm>>
        %dma_start3A_298 = tpu.memref_squeeze %dma_start3A_297 : memref<1x32x1024xf32, #tpu.memory_space<hbm>> -> memref<32x1024xf32, #tpu.memory_space<hbm>>
        %dma_start3A_299 = arith.constant 32 : i32
        %dma_start3A_300 = arith.constant 0 : i32
        %dma_start3A_301 = tpu.memref_slice %arg2[%add3A_126, %dma_start3A_299, %dma_start3A_300] : memref<400x64x1024xf32, #tpu.memory_space<hbm>> -> memref<1x32x1024xf32, #tpu.memory_space<hbm>>
        %dma_start3A_302 = tpu.memref_squeeze %dma_start3A_301 : memref<1x32x1024xf32, #tpu.memory_space<hbm>> -> memref<32x1024xf32, #tpu.memory_space<hbm>>
        tpu.enqueue_dma source(%dma_start3A_302 : memref<32x1024xf32, #tpu.memory_space<hbm>>) target(%arg5 : memref<32x1024xf32, #tpu.memory_space<vmem>>) target_semaphore(%run_scoped3A : memref<!tpu.dma_semaphore, #tpu.memory_space<semaphore_mem>>)
        %dma_wait3A_303 = arith.constant 32 : i32
        %dma_wait3A_304 = arith.constant 0 : i32
        %dma_wait3A_305 = tpu.memref_slice %arg2[%add3A_126, %dma_wait3A_303, %dma_wait3A_304] : memref<400x64x1024xf32, #tpu.memory_space<hbm>> -> memref<1x32x1024xf32, #tpu.memory_space<hbm>>
        %dma_wait3A_306 = tpu.memref_squeeze %dma_wait3A_305 : memref<1x32x1024xf32, #tpu.memory_space<hbm>> -> memref<32x1024xf32, #tpu.memory_space<hbm>>
        %dma_wait3A_307 = arith.constant 32 : i32
        %dma_wait3A_308 = arith.constant 0 : i32
        %dma_wait3A_309 = tpu.memref_slice %arg2[%add3A_126, %dma_wait3A_307, %dma_wait3A_308] : memref<400x64x1024xf32, #tpu.memory_space<hbm>> -> memref<1x32x1024xf32, #tpu.memory_space<hbm>>
        %dma_wait3A_310 = tpu.memref_squeeze %dma_wait3A_309 : memref<1x32x1024xf32, #tpu.memory_space<hbm>> -> memref<32x1024xf32, #tpu.memory_space<hbm>>
        tpu.wait_dma2 semaphore(%run_scoped3A : memref<!tpu.dma_semaphore, #tpu.memory_space<semaphore_mem>>) src(%dma_wait3A_310 : memref<32x1024xf32, #tpu.memory_space<hbm>>) dst(%arg5 : memref<32x1024xf32, #tpu.memory_space<vmem>>)
        tpu.yield
      }) : () -> ()
      %dma_start3A_140 = arith.constant 32 : i32
      %dma_start3A_141 = arith.constant 0 : i32
      %dma_start3A_142 = tpu.memref_slice %arg3[%add3A_132, %dma_start3A_140, %dma_start3A_141] : memref<960x64x1024xf32, #tpu.memory_space<hbm>> -> memref<1x32x1024xf32, #tpu.memory_space<hbm>>
      %dma_start3A_143 = tpu.memref_squeeze %dma_start3A_142 : memref<1x32x1024xf32, #tpu.memory_space<hbm>> -> memref<32x1024xf32, #tpu.memory_space<hbm>>
      %dma_start3A_144 = arith.constant 32 : i32
      %dma_start3A_145 = arith.constant 0 : i32
      %dma_start3A_146 = tpu.memref_slice %arg3[%add3A_132, %dma_start3A_144, %dma_start3A_145] : memref<960x64x1024xf32, #tpu.memory_space<hbm>> -> memref<1x32x1024xf32, #tpu.memory_space<hbm>>
      %dma_start3A_147 = tpu.memref_squeeze %dma_start3A_146 : memref<1x32x1024xf32, #tpu.memory_space<hbm>> -> memref<32x1024xf32, #tpu.memory_space<hbm>>
      tpu.enqueue_dma source(%arg5 : memref<32x1024xf32, #tpu.memory_space<vmem>>) target(%dma_start3A_147 : memref<32x1024xf32, #tpu.memory_space<hbm>>) target_semaphore(%arg8 : memref<!tpu.dma_semaphore, #tpu.memory_space<semaphore_mem>>)
      %add3A_148 = arith.constant 1 : i32
      %add3A_149 = arith.addi %select_n3A_120, %add3A_148 : i32
      %mul3A_150 = arith.constant 20 : i32
      %mul3A_151 = arith.muli %select_n3A, %mul3A_150 : i32
      %add3A_152 = arith.addi %mul3A_151, %select_n3A_99 : i32
      %add3A_153 = arith.addi %add3A_152, %add3A_149 : i32
      %mul3A_154 = arith.constant 48 : i32
      %mul3A_155 = arith.muli %select_n3A, %mul3A_154 : i32
      %mul3A_156 = arith.constant 6 : i32
      %mul3A_157 = arith.muli %add3A_149, %mul3A_156 : i32
      %add3A_158 = arith.addi %mul3A_155, %mul3A_157 : i32
      %add3A_159 = arith.addi %add3A_158, %select_n3A_94 : i32
      "tpu.region"() ({
        %run_scoped3A = tpu.sem_alloc : memref<!tpu.dma_semaphore, #tpu.memory_space<semaphore_mem>>
        %dma_start3A_295 = arith.constant 0 : i32
        %dma_start3A_296 = arith.constant 0 : i32
        %dma_start3A_297 = tpu.memref_slice %arg2[%add3A_153, %dma_start3A_295, %dma_start3A_296] : memref<400x64x1024xf32, #tpu.memory_space<hbm>> -> memref<1x32x1024xf32, #tpu.memory_space<hbm>>
        %dma_start3A_298 = tpu.memref_squeeze %dma_start3A_297 : memref<1x32x1024xf32, #tpu.memory_space<hbm>> -> memref<32x1024xf32, #tpu.memory_space<hbm>>
        %dma_start3A_299 = arith.constant 0 : i32
        %dma_start3A_300 = arith.constant 0 : i32
        %dma_start3A_301 = tpu.memref_slice %arg2[%add3A_153, %dma_start3A_299, %dma_start3A_300] : memref<400x64x1024xf32, #tpu.memory_space<hbm>> -> memref<1x32x1024xf32, #tpu.memory_space<hbm>>
        %dma_start3A_302 = tpu.memref_squeeze %dma_start3A_301 : memref<1x32x1024xf32, #tpu.memory_space<hbm>> -> memref<32x1024xf32, #tpu.memory_space<hbm>>
        tpu.enqueue_dma source(%dma_start3A_302 : memref<32x1024xf32, #tpu.memory_space<hbm>>) target(%arg6 : memref<32x1024xf32, #tpu.memory_space<vmem>>) target_semaphore(%run_scoped3A : memref<!tpu.dma_semaphore, #tpu.memory_space<semaphore_mem>>)
        %dma_wait3A_303 = arith.constant 0 : i32
        %dma_wait3A_304 = arith.constant 0 : i32
        %dma_wait3A_305 = tpu.memref_slice %arg2[%add3A_153, %dma_wait3A_303, %dma_wait3A_304] : memref<400x64x1024xf32, #tpu.memory_space<hbm>> -> memref<1x32x1024xf32, #tpu.memory_space<hbm>>
        %dma_wait3A_306 = tpu.memref_squeeze %dma_wait3A_305 : memref<1x32x1024xf32, #tpu.memory_space<hbm>> -> memref<32x1024xf32, #tpu.memory_space<hbm>>
        %dma_wait3A_307 = arith.constant 0 : i32
        %dma_wait3A_308 = arith.constant 0 : i32
        %dma_wait3A_309 = tpu.memref_slice %arg2[%add3A_153, %dma_wait3A_307, %dma_wait3A_308] : memref<400x64x1024xf32, #tpu.memory_space<hbm>> -> memref<1x32x1024xf32, #tpu.memory_space<hbm>>
        %dma_wait3A_310 = tpu.memref_squeeze %dma_wait3A_309 : memref<1x32x1024xf32, #tpu.memory_space<hbm>> -> memref<32x1024xf32, #tpu.memory_space<hbm>>
        tpu.wait_dma2 semaphore(%run_scoped3A : memref<!tpu.dma_semaphore, #tpu.memory_space<semaphore_mem>>) src(%dma_wait3A_310 : memref<32x1024xf32, #tpu.memory_space<hbm>>) dst(%arg6 : memref<32x1024xf32, #tpu.memory_space<vmem>>)
        tpu.yield
      }) : () -> ()
      %dma_start3A_160 = arith.constant 0 : i32
      %dma_start3A_161 = arith.constant 0 : i32
      %dma_start3A_162 = tpu.memref_slice %arg3[%add3A_159, %dma_start3A_160, %dma_start3A_161] : memref<960x64x1024xf32, #tpu.memory_space<hbm>> -> memref<1x32x1024xf32, #tpu.memory_space<hbm>>
      %dma_start3A_163 = tpu.memref_squeeze %dma_start3A_162 : memref<1x32x1024xf32, #tpu.memory_space<hbm>> -> memref<32x1024xf32, #tpu.memory_space<hbm>>
      %dma_start3A_164 = arith.constant 0 : i32
      %dma_start3A_165 = arith.constant 0 : i32
      %dma_start3A_166 = tpu.memref_slice %arg3[%add3A_159, %dma_start3A_164, %dma_start3A_165] : memref<960x64x1024xf32, #tpu.memory_space<hbm>> -> memref<1x32x1024xf32, #tpu.memory_space<hbm>>
      %dma_start3A_167 = tpu.memref_squeeze %dma_start3A_166 : memref<1x32x1024xf32, #tpu.memory_space<hbm>> -> memref<32x1024xf32, #tpu.memory_space<hbm>>
      tpu.enqueue_dma source(%arg6 : memref<32x1024xf32, #tpu.memory_space<vmem>>) target(%dma_start3A_167 : memref<32x1024xf32, #tpu.memory_space<hbm>>) target_semaphore(%arg9 : memref<!tpu.dma_semaphore, #tpu.memory_space<semaphore_mem>>)
      %dma_wait3A = arith.constant 0 : i32
      %dma_wait3A_168 = arith.constant 0 : i32
      %dma_wait3A_169 = tpu.memref_slice %arg3[%add3A_132, %dma_wait3A, %dma_wait3A_168] : memref<960x64x1024xf32, #tpu.memory_space<hbm>> -> memref<1x32x1024xf32, #tpu.memory_space<hbm>>
      %dma_wait3A_170 = tpu.memref_squeeze %dma_wait3A_169 : memref<1x32x1024xf32, #tpu.memory_space<hbm>> -> memref<32x1024xf32, #tpu.memory_space<hbm>>
      %dma_wait3A_171 = arith.constant 0 : i32
      %dma_wait3A_172 = arith.constant 0 : i32
      %dma_wait3A_173 = tpu.memref_slice %arg3[%add3A_132, %dma_wait3A_171, %dma_wait3A_172] : memref<960x64x1024xf32, #tpu.memory_space<hbm>> -> memref<1x32x1024xf32, #tpu.memory_space<hbm>>
      %dma_wait3A_174 = tpu.memref_squeeze %dma_wait3A_173 : memref<1x32x1024xf32, #tpu.memory_space<hbm>> -> memref<32x1024xf32, #tpu.memory_space<hbm>>
      tpu.wait_dma2 semaphore(%arg7 : memref<!tpu.dma_semaphore, #tpu.memory_space<semaphore_mem>>) src(%arg4 : memref<32x1024xf32, #tpu.memory_space<vmem>>) dst(%dma_wait3A_174 : memref<32x1024xf32, #tpu.memory_space<hbm>>)
      "tpu.region"() ({
        %run_scoped3A = tpu.sem_alloc : memref<!tpu.dma_semaphore, #tpu.memory_space<semaphore_mem>>
        %dma_start3A_295 = arith.constant 32 : i32
        %dma_start3A_296 = arith.constant 0 : i32
        %dma_start3A_297 = tpu.memref_slice %arg2[%add3A_153, %dma_start3A_295, %dma_start3A_296] : memref<400x64x1024xf32, #tpu.memory_space<hbm>> -> memref<1x32x1024xf32, #tpu.memory_space<hbm>>
        %dma_start3A_298 = tpu.memref_squeeze %dma_start3A_297 : memref<1x32x1024xf32, #tpu.memory_space<hbm>> -> memref<32x1024xf32, #tpu.memory_space<hbm>>
        %dma_start3A_299 = arith.constant 32 : i32
        %dma_start3A_300 = arith.constant 0 : i32
        %dma_start3A_301 = tpu.memref_slice %arg2[%add3A_153, %dma_start3A_299, %dma_start3A_300] : memref<400x64x1024xf32, #tpu.memory_space<hbm>> -> memref<1x32x1024xf32, #tpu.memory_space<hbm>>
        %dma_start3A_302 = tpu.memref_squeeze %dma_start3A_301 : memref<1x32x1024xf32, #tpu.memory_space<hbm>> -> memref<32x1024xf32, #tpu.memory_space<hbm>>
        tpu.enqueue_dma source(%dma_start3A_302 : memref<32x1024xf32, #tpu.memory_space<hbm>>) target(%arg4 : memref<32x1024xf32, #tpu.memory_space<vmem>>) target_semaphore(%run_scoped3A : memref<!tpu.dma_semaphore, #tpu.memory_space<semaphore_mem>>)
        %dma_wait3A_303 = arith.constant 32 : i32
        %dma_wait3A_304 = arith.constant 0 : i32
        %dma_wait3A_305 = tpu.memref_slice %arg2[%add3A_153, %dma_wait3A_303, %dma_wait3A_304] : memref<400x64x1024xf32, #tpu.memory_space<hbm>> -> memref<1x32x1024xf32, #tpu.memory_space<hbm>>
        %dma_wait3A_306 = tpu.memref_squeeze %dma_wait3A_305 : memref<1x32x1024xf32, #tpu.memory_space<hbm>> -> memref<32x1024xf32, #tpu.memory_space<hbm>>
        %dma_wait3A_307 = arith.constant 32 : i32
        %dma_wait3A_308 = arith.constant 0 : i32
        %dma_wait3A_309 = tpu.memref_slice %arg2[%add3A_153, %dma_wait3A_307, %dma_wait3A_308] : memref<400x64x1024xf32, #tpu.memory_space<hbm>> -> memref<1x32x1024xf32, #tpu.memory_space<hbm>>
        %dma_wait3A_310 = tpu.memref_squeeze %dma_wait3A_309 : memref<1x32x1024xf32, #tpu.memory_space<hbm>> -> memref<32x1024xf32, #tpu.memory_space<hbm>>
        tpu.wait_dma2 semaphore(%run_scoped3A : memref<!tpu.dma_semaphore, #tpu.memory_space<semaphore_mem>>) src(%dma_wait3A_310 : memref<32x1024xf32, #tpu.memory_space<hbm>>) dst(%arg4 : memref<32x1024xf32, #tpu.memory_space<vmem>>)
        tpu.yield
      }) : () -> ()
      %dma_start3A_175 = arith.constant 32 : i32
      %dma_start3A_176 = arith.constant 0 : i32
      %dma_start3A_177 = tpu.memref_slice %arg3[%add3A_159, %dma_start3A_175, %dma_start3A_176] : memref<960x64x1024xf32, #tpu.memory_space<hbm>> -> memref<1x32x1024xf32, #tpu.memory_space<hbm>>
      %dma_start3A_178 = tpu.memref_squeeze %dma_start3A_177 : memref<1x32x1024xf32, #tpu.memory_space<hbm>> -> memref<32x1024xf32, #tpu.memory_space<hbm>>
      %dma_start3A_179 = arith.constant 32 : i32
      %dma_start3A_180 = arith.constant 0 : i32
      %dma_start3A_181 = tpu.memref_slice %arg3[%add3A_159, %dma_start3A_179, %dma_start3A_180] : memref<960x64x1024xf32, #tpu.memory_space<hbm>> -> memref<1x32x1024xf32, #tpu.memory_space<hbm>>
      %dma_start3A_182 = tpu.memref_squeeze %dma_start3A_181 : memref<1x32x1024xf32, #tpu.memory_space<hbm>> -> memref<32x1024xf32, #tpu.memory_space<hbm>>
      tpu.enqueue_dma source(%arg4 : memref<32x1024xf32, #tpu.memory_space<vmem>>) target(%dma_start3A_182 : memref<32x1024xf32, #tpu.memory_space<hbm>>) target_semaphore(%arg7 : memref<!tpu.dma_semaphore, #tpu.memory_space<semaphore_mem>>)
      %add3A_183 = arith.constant 2 : i32
      %add3A_184 = arith.addi %select_n3A_120, %add3A_183 : i32
      %mul3A_185 = arith.constant 20 : i32
      %mul3A_186 = arith.muli %select_n3A, %mul3A_185 : i32
      %add3A_187 = arith.addi %mul3A_186, %select_n3A_99 : i32
      %add3A_188 = arith.addi %add3A_187, %add3A_184 : i32
      %mul3A_189 = arith.constant 48 : i32
      %mul3A_190 = arith.muli %select_n3A, %mul3A_189 : i32
      %mul3A_191 = arith.constant 6 : i32
      %mul3A_192 = arith.muli %add3A_184, %mul3A_191 : i32
      %add3A_193 = arith.addi %mul3A_190, %mul3A_192 : i32
      %add3A_194 = arith.addi %add3A_193, %select_n3A_94 : i32
      %dma_wait3A_195 = arith.constant 32 : i32
      %dma_wait3A_196 = arith.constant 0 : i32
      %dma_wait3A_197 = tpu.memref_slice %arg3[%add3A_132, %dma_wait3A_195, %dma_wait3A_196] : memref<960x64x1024xf32, #tpu.memory_space<hbm>> -> memref<1x32x1024xf32, #tpu.memory_space<hbm>>
      %dma_wait3A_198 = tpu.memref_squeeze %dma_wait3A_197 : memref<1x32x1024xf32, #tpu.memory_space<hbm>> -> memref<32x1024xf32, #tpu.memory_space<hbm>>
      %dma_wait3A_199 = arith.constant 32 : i32
      %dma_wait3A_200 = arith.constant 0 : i32
      %dma_wait3A_201 = tpu.memref_slice %arg3[%add3A_132, %dma_wait3A_199, %dma_wait3A_200] : memref<960x64x1024xf32, #tpu.memory_space<hbm>> -> memref<1x32x1024xf32, #tpu.memory_space<hbm>>
      %dma_wait3A_202 = tpu.memref_squeeze %dma_wait3A_201 : memref<1x32x1024xf32, #tpu.memory_space<hbm>> -> memref<32x1024xf32, #tpu.memory_space<hbm>>
      tpu.wait_dma2 semaphore(%arg8 : memref<!tpu.dma_semaphore, #tpu.memory_space<semaphore_mem>>) src(%arg5 : memref<32x1024xf32, #tpu.memory_space<vmem>>) dst(%dma_wait3A_202 : memref<32x1024xf32, #tpu.memory_space<hbm>>)
      "tpu.region"() ({
        %run_scoped3A = tpu.sem_alloc : memref<!tpu.dma_semaphore, #tpu.memory_space<semaphore_mem>>
        %dma_start3A_295 = arith.constant 0 : i32
        %dma_start3A_296 = arith.constant 0 : i32
        %dma_start3A_297 = tpu.memref_slice %arg2[%add3A_188, %dma_start3A_295, %dma_start3A_296] : memref<400x64x1024xf32, #tpu.memory_space<hbm>> -> memref<1x32x1024xf32, #tpu.memory_space<hbm>>
        %dma_start3A_298 = tpu.memref_squeeze %dma_start3A_297 : memref<1x32x1024xf32, #tpu.memory_space<hbm>> -> memref<32x1024xf32, #tpu.memory_space<hbm>>
        %dma_start3A_299 = arith.constant 0 : i32
        %dma_start3A_300 = arith.constant 0 : i32
        %dma_start3A_301 = tpu.memref_slice %arg2[%add3A_188, %dma_start3A_299, %dma_start3A_300] : memref<400x64x1024xf32, #tpu.memory_space<hbm>> -> memref<1x32x1024xf32, #tpu.memory_space<hbm>>
        %dma_start3A_302 = tpu.memref_squeeze %dma_start3A_301 : memref<1x32x1024xf32, #tpu.memory_space<hbm>> -> memref<32x1024xf32, #tpu.memory_space<hbm>>
        tpu.enqueue_dma source(%dma_start3A_302 : memref<32x1024xf32, #tpu.memory_space<hbm>>) target(%arg5 : memref<32x1024xf32, #tpu.memory_space<vmem>>) target_semaphore(%run_scoped3A : memref<!tpu.dma_semaphore, #tpu.memory_space<semaphore_mem>>)
        %dma_wait3A_303 = arith.constant 0 : i32
        %dma_wait3A_304 = arith.constant 0 : i32
        %dma_wait3A_305 = tpu.memref_slice %arg2[%add3A_188, %dma_wait3A_303, %dma_wait3A_304] : memref<400x64x1024xf32, #tpu.memory_space<hbm>> -> memref<1x32x1024xf32, #tpu.memory_space<hbm>>
        %dma_wait3A_306 = tpu.memref_squeeze %dma_wait3A_305 : memref<1x32x1024xf32, #tpu.memory_space<hbm>> -> memref<32x1024xf32, #tpu.memory_space<hbm>>
        %dma_wait3A_307 = arith.constant 0 : i32
        %dma_wait3A_308 = arith.constant 0 : i32
        %dma_wait3A_309 = tpu.memref_slice %arg2[%add3A_188, %dma_wait3A_307, %dma_wait3A_308] : memref<400x64x1024xf32, #tpu.memory_space<hbm>> -> memref<1x32x1024xf32, #tpu.memory_space<hbm>>
        %dma_wait3A_310 = tpu.memref_squeeze %dma_wait3A_309 : memref<1x32x1024xf32, #tpu.memory_space<hbm>> -> memref<32x1024xf32, #tpu.memory_space<hbm>>
        tpu.wait_dma2 semaphore(%run_scoped3A : memref<!tpu.dma_semaphore, #tpu.memory_space<semaphore_mem>>) src(%dma_wait3A_310 : memref<32x1024xf32, #tpu.memory_space<hbm>>) dst(%arg5 : memref<32x1024xf32, #tpu.memory_space<vmem>>)
        tpu.yield
      }) : () -> ()
      %dma_start3A_203 = arith.constant 0 : i32
      %dma_start3A_204 = arith.constant 0 : i32
      %dma_start3A_205 = tpu.memref_slice %arg3[%add3A_194, %dma_start3A_203, %dma_start3A_204] : memref<960x64x1024xf32, #tpu.memory_space<hbm>> -> memref<1x32x1024xf32, #tpu.memory_space<hbm>>
      %dma_start3A_206 = tpu.memref_squeeze %dma_start3A_205 : memref<1x32x1024xf32, #tpu.memory_space<hbm>> -> memref<32x1024xf32, #tpu.memory_space<hbm>>
      %dma_start3A_207 = arith.constant 0 : i32
      %dma_start3A_208 = arith.constant 0 : i32
      %dma_start3A_209 = tpu.memref_slice %arg3[%add3A_194, %dma_start3A_207, %dma_start3A_208] : memref<960x64x1024xf32, #tpu.memory_space<hbm>> -> memref<1x32x1024xf32, #tpu.memory_space<hbm>>
      %dma_start3A_210 = tpu.memref_squeeze %dma_start3A_209 : memref<1x32x1024xf32, #tpu.memory_space<hbm>> -> memref<32x1024xf32, #tpu.memory_space<hbm>>
      tpu.enqueue_dma source(%arg5 : memref<32x1024xf32, #tpu.memory_space<vmem>>) target(%dma_start3A_210 : memref<32x1024xf32, #tpu.memory_space<hbm>>) target_semaphore(%arg8 : memref<!tpu.dma_semaphore, #tpu.memory_space<semaphore_mem>>)
      %dma_wait3A_211 = arith.constant 0 : i32
      %dma_wait3A_212 = arith.constant 0 : i32
      %dma_wait3A_213 = tpu.memref_slice %arg3[%add3A_159, %dma_wait3A_211, %dma_wait3A_212] : memref<960x64x1024xf32, #tpu.memory_space<hbm>> -> memref<1x32x1024xf32, #tpu.memory_space<hbm>>
      %dma_wait3A_214 = tpu.memref_squeeze %dma_wait3A_213 : memref<1x32x1024xf32, #tpu.memory_space<hbm>> -> memref<32x1024xf32, #tpu.memory_space<hbm>>
      %dma_wait3A_215 = arith.constant 0 : i32
      %dma_wait3A_216 = arith.constant 0 : i32
      %dma_wait3A_217 = tpu.memref_slice %arg3[%add3A_159, %dma_wait3A_215, %dma_wait3A_216] : memref<960x64x1024xf32, #tpu.memory_space<hbm>> -> memref<1x32x1024xf32, #tpu.memory_space<hbm>>
      %dma_wait3A_218 = tpu.memref_squeeze %dma_wait3A_217 : memref<1x32x1024xf32, #tpu.memory_space<hbm>> -> memref<32x1024xf32, #tpu.memory_space<hbm>>
      tpu.wait_dma2 semaphore(%arg9 : memref<!tpu.dma_semaphore, #tpu.memory_space<semaphore_mem>>) src(%arg6 : memref<32x1024xf32, #tpu.memory_space<vmem>>) dst(%dma_wait3A_218 : memref<32x1024xf32, #tpu.memory_space<hbm>>)
      "tpu.region"() ({
        %run_scoped3A = tpu.sem_alloc : memref<!tpu.dma_semaphore, #tpu.memory_space<semaphore_mem>>
        %dma_start3A_295 = arith.constant 32 : i32
        %dma_start3A_296 = arith.constant 0 : i32
        %dma_start3A_297 = tpu.memref_slice %arg2[%add3A_188, %dma_start3A_295, %dma_start3A_296] : memref<400x64x1024xf32, #tpu.memory_space<hbm>> -> memref<1x32x1024xf32, #tpu.memory_space<hbm>>
        %dma_start3A_298 = tpu.memref_squeeze %dma_start3A_297 : memref<1x32x1024xf32, #tpu.memory_space<hbm>> -> memref<32x1024xf32, #tpu.memory_space<hbm>>
        %dma_start3A_299 = arith.constant 32 : i32
        %dma_start3A_300 = arith.constant 0 : i32
        %dma_start3A_301 = tpu.memref_slice %arg2[%add3A_188, %dma_start3A_299, %dma_start3A_300] : memref<400x64x1024xf32, #tpu.memory_space<hbm>> -> memref<1x32x1024xf32, #tpu.memory_space<hbm>>
        %dma_start3A_302 = tpu.memref_squeeze %dma_start3A_301 : memref<1x32x1024xf32, #tpu.memory_space<hbm>> -> memref<32x1024xf32, #tpu.memory_space<hbm>>
        tpu.enqueue_dma source(%dma_start3A_302 : memref<32x1024xf32, #tpu.memory_space<hbm>>) target(%arg6 : memref<32x1024xf32, #tpu.memory_space<vmem>>) target_semaphore(%run_scoped3A : memref<!tpu.dma_semaphore, #tpu.memory_space<semaphore_mem>>)
        %dma_wait3A_303 = arith.constant 32 : i32
        %dma_wait3A_304 = arith.constant 0 : i32
        %dma_wait3A_305 = tpu.memref_slice %arg2[%add3A_188, %dma_wait3A_303, %dma_wait3A_304] : memref<400x64x1024xf32, #tpu.memory_space<hbm>> -> memref<1x32x1024xf32, #tpu.memory_space<hbm>>
        %dma_wait3A_306 = tpu.memref_squeeze %dma_wait3A_305 : memref<1x32x1024xf32, #tpu.memory_space<hbm>> -> memref<32x1024xf32, #tpu.memory_space<hbm>>
        %dma_wait3A_307 = arith.constant 32 : i32
        %dma_wait3A_308 = arith.constant 0 : i32
        %dma_wait3A_309 = tpu.memref_slice %arg2[%add3A_188, %dma_wait3A_307, %dma_wait3A_308] : memref<400x64x1024xf32, #tpu.memory_space<hbm>> -> memref<1x32x1024xf32, #tpu.memory_space<hbm>>
        %dma_wait3A_310 = tpu.memref_squeeze %dma_wait3A_309 : memref<1x32x1024xf32, #tpu.memory_space<hbm>> -> memref<32x1024xf32, #tpu.memory_space<hbm>>
        tpu.wait_dma2 semaphore(%run_scoped3A : memref<!tpu.dma_semaphore, #tpu.memory_space<semaphore_mem>>) src(%dma_wait3A_310 : memref<32x1024xf32, #tpu.memory_space<hbm>>) dst(%arg6 : memref<32x1024xf32, #tpu.memory_space<vmem>>)
        tpu.yield
      }) : () -> ()
      %dma_start3A_219 = arith.constant 32 : i32
      %dma_start3A_220 = arith.constant 0 : i32
      %dma_start3A_221 = tpu.memref_slice %arg3[%add3A_194, %dma_start3A_219, %dma_start3A_220] : memref<960x64x1024xf32, #tpu.memory_space<hbm>> -> memref<1x32x1024xf32, #tpu.memory_space<hbm>>
      %dma_start3A_222 = tpu.memref_squeeze %dma_start3A_221 : memref<1x32x1024xf32, #tpu.memory_space<hbm>> -> memref<32x1024xf32, #tpu.memory_space<hbm>>
      %dma_start3A_223 = arith.constant 32 : i32
      %dma_start3A_224 = arith.constant 0 : i32
      %dma_start3A_225 = tpu.memref_slice %arg3[%add3A_194, %dma_start3A_223, %dma_start3A_224] : memref<960x64x1024xf32, #tpu.memory_space<hbm>> -> memref<1x32x1024xf32, #tpu.memory_space<hbm>>
      %dma_start3A_226 = tpu.memref_squeeze %dma_start3A_225 : memref<1x32x1024xf32, #tpu.memory_space<hbm>> -> memref<32x1024xf32, #tpu.memory_space<hbm>>
      tpu.enqueue_dma source(%arg6 : memref<32x1024xf32, #tpu.memory_space<vmem>>) target(%dma_start3A_226 : memref<32x1024xf32, #tpu.memory_space<hbm>>) target_semaphore(%arg9 : memref<!tpu.dma_semaphore, #tpu.memory_space<semaphore_mem>>)
      %add3A_227 = arith.constant 3 : i32
      %add3A_228 = arith.addi %select_n3A_120, %add3A_227 : i32
      %mul3A_229 = arith.constant 20 : i32
      %mul3A_230 = arith.muli %select_n3A, %mul3A_229 : i32
      %add3A_231 = arith.addi %mul3A_230, %select_n3A_99 : i32
      %add3A_232 = arith.addi %add3A_231, %add3A_228 : i32
      %mul3A_233 = arith.constant 48 : i32
      %mul3A_234 = arith.muli %select_n3A, %mul3A_233 : i32
      %mul3A_235 = arith.constant 6 : i32
      %mul3A_236 = arith.muli %add3A_228, %mul3A_235 : i32
      %add3A_237 = arith.addi %mul3A_234, %mul3A_236 : i32
      %add3A_238 = arith.addi %add3A_237, %select_n3A_94 : i32
      %dma_wait3A_239 = arith.constant 32 : i32
      %dma_wait3A_240 = arith.constant 0 : i32
      %dma_wait3A_241 = tpu.memref_slice %arg3[%add3A_159, %dma_wait3A_239, %dma_wait3A_240] : memref<960x64x1024xf32, #tpu.memory_space<hbm>> -> memref<1x32x1024xf32, #tpu.memory_space<hbm>>
      %dma_wait3A_242 = tpu.memref_squeeze %dma_wait3A_241 : memref<1x32x1024xf32, #tpu.memory_space<hbm>> -> memref<32x1024xf32, #tpu.memory_space<hbm>>
      %dma_wait3A_243 = arith.constant 32 : i32
      %dma_wait3A_244 = arith.constant 0 : i32
      %dma_wait3A_245 = tpu.memref_slice %arg3[%add3A_159, %dma_wait3A_243, %dma_wait3A_244] : memref<960x64x1024xf32, #tpu.memory_space<hbm>> -> memref<1x32x1024xf32, #tpu.memory_space<hbm>>
      %dma_wait3A_246 = tpu.memref_squeeze %dma_wait3A_245 : memref<1x32x1024xf32, #tpu.memory_space<hbm>> -> memref<32x1024xf32, #tpu.memory_space<hbm>>
      tpu.wait_dma2 semaphore(%arg7 : memref<!tpu.dma_semaphore, #tpu.memory_space<semaphore_mem>>) src(%arg4 : memref<32x1024xf32, #tpu.memory_space<vmem>>) dst(%dma_wait3A_246 : memref<32x1024xf32, #tpu.memory_space<hbm>>)
      "tpu.region"() ({
        %run_scoped3A = tpu.sem_alloc : memref<!tpu.dma_semaphore, #tpu.memory_space<semaphore_mem>>
        %dma_start3A_295 = arith.constant 0 : i32
        %dma_start3A_296 = arith.constant 0 : i32
        %dma_start3A_297 = tpu.memref_slice %arg2[%add3A_232, %dma_start3A_295, %dma_start3A_296] : memref<400x64x1024xf32, #tpu.memory_space<hbm>> -> memref<1x32x1024xf32, #tpu.memory_space<hbm>>
        %dma_start3A_298 = tpu.memref_squeeze %dma_start3A_297 : memref<1x32x1024xf32, #tpu.memory_space<hbm>> -> memref<32x1024xf32, #tpu.memory_space<hbm>>
        %dma_start3A_299 = arith.constant 0 : i32
        %dma_start3A_300 = arith.constant 0 : i32
        %dma_start3A_301 = tpu.memref_slice %arg2[%add3A_232, %dma_start3A_299, %dma_start3A_300] : memref<400x64x1024xf32, #tpu.memory_space<hbm>> -> memref<1x32x1024xf32, #tpu.memory_space<hbm>>
        %dma_start3A_302 = tpu.memref_squeeze %dma_start3A_301 : memref<1x32x1024xf32, #tpu.memory_space<hbm>> -> memref<32x1024xf32, #tpu.memory_space<hbm>>
        tpu.enqueue_dma source(%dma_start3A_302 : memref<32x1024xf32, #tpu.memory_space<hbm>>) target(%arg4 : memref<32x1024xf32, #tpu.memory_space<vmem>>) target_semaphore(%run_scoped3A : memref<!tpu.dma_semaphore, #tpu.memory_space<semaphore_mem>>)
        %dma_wait3A_303 = arith.constant 0 : i32
        %dma_wait3A_304 = arith.constant 0 : i32
        %dma_wait3A_305 = tpu.memref_slice %arg2[%add3A_232, %dma_wait3A_303, %dma_wait3A_304] : memref<400x64x1024xf32, #tpu.memory_space<hbm>> -> memref<1x32x1024xf32, #tpu.memory_space<hbm>>
        %dma_wait3A_306 = tpu.memref_squeeze %dma_wait3A_305 : memref<1x32x1024xf32, #tpu.memory_space<hbm>> -> memref<32x1024xf32, #tpu.memory_space<hbm>>
        %dma_wait3A_307 = arith.constant 0 : i32
        %dma_wait3A_308 = arith.constant 0 : i32
        %dma_wait3A_309 = tpu.memref_slice %arg2[%add3A_232, %dma_wait3A_307, %dma_wait3A_308] : memref<400x64x1024xf32, #tpu.memory_space<hbm>> -> memref<1x32x1024xf32, #tpu.memory_space<hbm>>
        %dma_wait3A_310 = tpu.memref_squeeze %dma_wait3A_309 : memref<1x32x1024xf32, #tpu.memory_space<hbm>> -> memref<32x1024xf32, #tpu.memory_space<hbm>>
        tpu.wait_dma2 semaphore(%run_scoped3A : memref<!tpu.dma_semaphore, #tpu.memory_space<semaphore_mem>>) src(%dma_wait3A_310 : memref<32x1024xf32, #tpu.memory_space<hbm>>) dst(%arg4 : memref<32x1024xf32, #tpu.memory_space<vmem>>)
        tpu.yield
      }) : () -> ()
      %dma_start3A_247 = arith.constant 0 : i32
      %dma_start3A_248 = arith.constant 0 : i32
      %dma_start3A_249 = tpu.memref_slice %arg3[%add3A_238, %dma_start3A_247, %dma_start3A_248] : memref<960x64x1024xf32, #tpu.memory_space<hbm>> -> memref<1x32x1024xf32, #tpu.memory_space<hbm>>
      %dma_start3A_250 = tpu.memref_squeeze %dma_start3A_249 : memref<1x32x1024xf32, #tpu.memory_space<hbm>> -> memref<32x1024xf32, #tpu.memory_space<hbm>>
      %dma_start3A_251 = arith.constant 0 : i32
      %dma_start3A_252 = arith.constant 0 : i32
      %dma_start3A_253 = tpu.memref_slice %arg3[%add3A_238, %dma_start3A_251, %dma_start3A_252] : memref<960x64x1024xf32, #tpu.memory_space<hbm>> -> memref<1x32x1024xf32, #tpu.memory_space<hbm>>
      %dma_start3A_254 = tpu.memref_squeeze %dma_start3A_253 : memref<1x32x1024xf32, #tpu.memory_space<hbm>> -> memref<32x1024xf32, #tpu.memory_space<hbm>>
      tpu.enqueue_dma source(%arg4 : memref<32x1024xf32, #tpu.memory_space<vmem>>) target(%dma_start3A_254 : memref<32x1024xf32, #tpu.memory_space<hbm>>) target_semaphore(%arg7 : memref<!tpu.dma_semaphore, #tpu.memory_space<semaphore_mem>>)
      %dma_wait3A_255 = arith.constant 0 : i32
      %dma_wait3A_256 = arith.constant 0 : i32
      %dma_wait3A_257 = tpu.memref_slice %arg3[%add3A_194, %dma_wait3A_255, %dma_wait3A_256] : memref<960x64x1024xf32, #tpu.memory_space<hbm>> -> memref<1x32x1024xf32, #tpu.memory_space<hbm>>
      %dma_wait3A_258 = tpu.memref_squeeze %dma_wait3A_257 : memref<1x32x1024xf32, #tpu.memory_space<hbm>> -> memref<32x1024xf32, #tpu.memory_space<hbm>>
      %dma_wait3A_259 = arith.constant 0 : i32
      %dma_wait3A_260 = arith.constant 0 : i32
      %dma_wait3A_261 = tpu.memref_slice %arg3[%add3A_194, %dma_wait3A_259, %dma_wait3A_260] : memref<960x64x1024xf32, #tpu.memory_space<hbm>> -> memref<1x32x1024xf32, #tpu.memory_space<hbm>>
      %dma_wait3A_262 = tpu.memref_squeeze %dma_wait3A_261 : memref<1x32x1024xf32, #tpu.memory_space<hbm>> -> memref<32x1024xf32, #tpu.memory_space<hbm>>
      tpu.wait_dma2 semaphore(%arg8 : memref<!tpu.dma_semaphore, #tpu.memory_space<semaphore_mem>>) src(%arg5 : memref<32x1024xf32, #tpu.memory_space<vmem>>) dst(%dma_wait3A_262 : memref<32x1024xf32, #tpu.memory_space<hbm>>)
      "tpu.region"() ({
        %run_scoped3A = tpu.sem_alloc : memref<!tpu.dma_semaphore, #tpu.memory_space<semaphore_mem>>
        %dma_start3A_295 = arith.constant 32 : i32
        %dma_start3A_296 = arith.constant 0 : i32
        %dma_start3A_297 = tpu.memref_slice %arg2[%add3A_232, %dma_start3A_295, %dma_start3A_296] : memref<400x64x1024xf32, #tpu.memory_space<hbm>> -> memref<1x32x1024xf32, #tpu.memory_space<hbm>>
        %dma_start3A_298 = tpu.memref_squeeze %dma_start3A_297 : memref<1x32x1024xf32, #tpu.memory_space<hbm>> -> memref<32x1024xf32, #tpu.memory_space<hbm>>
        %dma_start3A_299 = arith.constant 32 : i32
        %dma_start3A_300 = arith.constant 0 : i32
        %dma_start3A_301 = tpu.memref_slice %arg2[%add3A_232, %dma_start3A_299, %dma_start3A_300] : memref<400x64x1024xf32, #tpu.memory_space<hbm>> -> memref<1x32x1024xf32, #tpu.memory_space<hbm>>
        %dma_start3A_302 = tpu.memref_squeeze %dma_start3A_301 : memref<1x32x1024xf32, #tpu.memory_space<hbm>> -> memref<32x1024xf32, #tpu.memory_space<hbm>>
        tpu.enqueue_dma source(%dma_start3A_302 : memref<32x1024xf32, #tpu.memory_space<hbm>>) target(%arg5 : memref<32x1024xf32, #tpu.memory_space<vmem>>) target_semaphore(%run_scoped3A : memref<!tpu.dma_semaphore, #tpu.memory_space<semaphore_mem>>)
        %dma_wait3A_303 = arith.constant 32 : i32
        %dma_wait3A_304 = arith.constant 0 : i32
        %dma_wait3A_305 = tpu.memref_slice %arg2[%add3A_232, %dma_wait3A_303, %dma_wait3A_304] : memref<400x64x1024xf32, #tpu.memory_space<hbm>> -> memref<1x32x1024xf32, #tpu.memory_space<hbm>>
        %dma_wait3A_306 = tpu.memref_squeeze %dma_wait3A_305 : memref<1x32x1024xf32, #tpu.memory_space<hbm>> -> memref<32x1024xf32, #tpu.memory_space<hbm>>
        %dma_wait3A_307 = arith.constant 32 : i32
        %dma_wait3A_308 = arith.constant 0 : i32
        %dma_wait3A_309 = tpu.memref_slice %arg2[%add3A_232, %dma_wait3A_307, %dma_wait3A_308] : memref<400x64x1024xf32, #tpu.memory_space<hbm>> -> memref<1x32x1024xf32, #tpu.memory_space<hbm>>
        %dma_wait3A_310 = tpu.memref_squeeze %dma_wait3A_309 : memref<1x32x1024xf32, #tpu.memory_space<hbm>> -> memref<32x1024xf32, #tpu.memory_space<hbm>>
        tpu.wait_dma2 semaphore(%run_scoped3A : memref<!tpu.dma_semaphore, #tpu.memory_space<semaphore_mem>>) src(%dma_wait3A_310 : memref<32x1024xf32, #tpu.memory_space<hbm>>) dst(%arg5 : memref<32x1024xf32, #tpu.memory_space<vmem>>)
        tpu.yield
      }) : () -> ()
      %dma_start3A_263 = arith.constant 32 : i32
      %dma_start3A_264 = arith.constant 0 : i32
      %dma_start3A_265 = tpu.memref_slice %arg3[%add3A_238, %dma_start3A_263, %dma_start3A_264] : memref<960x64x1024xf32, #tpu.memory_space<hbm>> -> memref<1x32x1024xf32, #tpu.memory_space<hbm>>
      %dma_start3A_266 = tpu.memref_squeeze %dma_start3A_265 : memref<1x32x1024xf32, #tpu.memory_space<hbm>> -> memref<32x1024xf32, #tpu.memory_space<hbm>>
      %dma_start3A_267 = arith.constant 32 : i32
      %dma_start3A_268 = arith.constant 0 : i32
      %dma_start3A_269 = tpu.memref_slice %arg3[%add3A_238, %dma_start3A_267, %dma_start3A_268] : memref<960x64x1024xf32, #tpu.memory_space<hbm>> -> memref<1x32x1024xf32, #tpu.memory_space<hbm>>
      %dma_start3A_270 = tpu.memref_squeeze %dma_start3A_269 : memref<1x32x1024xf32, #tpu.memory_space<hbm>> -> memref<32x1024xf32, #tpu.memory_space<hbm>>
      tpu.enqueue_dma source(%arg5 : memref<32x1024xf32, #tpu.memory_space<vmem>>) target(%dma_start3A_270 : memref<32x1024xf32, #tpu.memory_space<hbm>>) target_semaphore(%arg8 : memref<!tpu.dma_semaphore, #tpu.memory_space<semaphore_mem>>)
      %dma_wait3A_271 = arith.constant 0 : i32
      %dma_wait3A_272 = arith.constant 0 : i32
      %dma_wait3A_273 = tpu.memref_slice %arg3[%add3A_238, %dma_wait3A_271, %dma_wait3A_272] : memref<960x64x1024xf32, #tpu.memory_space<hbm>> -> memref<1x32x1024xf32, #tpu.memory_space<hbm>>
      %dma_wait3A_274 = tpu.memref_squeeze %dma_wait3A_273 : memref<1x32x1024xf32, #tpu.memory_space<hbm>> -> memref<32x1024xf32, #tpu.memory_space<hbm>>
      %dma_wait3A_275 = arith.constant 0 : i32
      %dma_wait3A_276 = arith.constant 0 : i32
      %dma_wait3A_277 = tpu.memref_slice %arg3[%add3A_238, %dma_wait3A_275, %dma_wait3A_276] : memref<960x64x1024xf32, #tpu.memory_space<hbm>> -> memref<1x32x1024xf32, #tpu.memory_space<hbm>>
      %dma_wait3A_278 = tpu.memref_squeeze %dma_wait3A_277 : memref<1x32x1024xf32, #tpu.memory_space<hbm>> -> memref<32x1024xf32, #tpu.memory_space<hbm>>
      tpu.wait_dma2 semaphore(%arg7 : memref<!tpu.dma_semaphore, #tpu.memory_space<semaphore_mem>>) src(%arg4 : memref<32x1024xf32, #tpu.memory_space<vmem>>) dst(%dma_wait3A_278 : memref<32x1024xf32, #tpu.memory_space<hbm>>)
      %dma_wait3A_279 = arith.constant 32 : i32
      %dma_wait3A_280 = arith.constant 0 : i32
      %dma_wait3A_281 = tpu.memref_slice %arg3[%add3A_238, %dma_wait3A_279, %dma_wait3A_280] : memref<960x64x1024xf32, #tpu.memory_space<hbm>> -> memref<1x32x1024xf32, #tpu.memory_space<hbm>>
      %dma_wait3A_282 = tpu.memref_squeeze %dma_wait3A_281 : memref<1x32x1024xf32, #tpu.memory_space<hbm>> -> memref<32x1024xf32, #tpu.memory_space<hbm>>
      %dma_wait3A_283 = arith.constant 32 : i32
      %dma_wait3A_284 = arith.constant 0 : i32
      %dma_wait3A_285 = tpu.memref_slice %arg3[%add3A_238, %dma_wait3A_283, %dma_wait3A_284] : memref<960x64x1024xf32, #tpu.memory_space<hbm>> -> memref<1x32x1024xf32, #tpu.memory_space<hbm>>
      %dma_wait3A_286 = tpu.memref_squeeze %dma_wait3A_285 : memref<1x32x1024xf32, #tpu.memory_space<hbm>> -> memref<32x1024xf32, #tpu.memory_space<hbm>>
      tpu.wait_dma2 semaphore(%arg8 : memref<!tpu.dma_semaphore, #tpu.memory_space<semaphore_mem>>) src(%arg5 : memref<32x1024xf32, #tpu.memory_space<vmem>>) dst(%dma_wait3A_286 : memref<32x1024xf32, #tpu.memory_space<hbm>>)
      %dma_wait3A_287 = arith.constant 32 : i32
      %dma_wait3A_288 = arith.constant 0 : i32
      %dma_wait3A_289 = tpu.memref_slice %arg3[%add3A_194, %dma_wait3A_287, %dma_wait3A_288] : memref<960x64x1024xf32, #tpu.memory_space<hbm>> -> memref<1x32x1024xf32, #tpu.memory_space<hbm>>
      %dma_wait3A_290 = tpu.memref_squeeze %dma_wait3A_289 : memref<1x32x1024xf32, #tpu.memory_space<hbm>> -> memref<32x1024xf32, #tpu.memory_space<hbm>>
      %dma_wait3A_291 = arith.constant 32 : i32
      %dma_wait3A_292 = arith.constant 0 : i32
      %dma_wait3A_293 = tpu.memref_slice %arg3[%add3A_194, %dma_wait3A_291, %dma_wait3A_292] : memref<960x64x1024xf32, #tpu.memory_space<hbm>> -> memref<1x32x1024xf32, #tpu.memory_space<hbm>>
      %dma_wait3A_294 = tpu.memref_squeeze %dma_wait3A_293 : memref<1x32x1024xf32, #tpu.memory_space<hbm>> -> memref<32x1024xf32, #tpu.memory_space<hbm>>
      tpu.wait_dma2 semaphore(%arg9 : memref<!tpu.dma_semaphore, #tpu.memory_space<semaphore_mem>>) src(%arg6 : memref<32x1024xf32, #tpu.memory_space<vmem>>) dst(%dma_wait3A_294 : memref<32x1024xf32, #tpu.memory_space<hbm>>)
    } else {
    }
    %add3A_21 = arith.constant 64 : i32
    %add3A_22 = arith.addi %add3A, %add3A_21 : i32
    %lt3A_23 = arith.constant 80 : i32
    %lt3A_24 = arith.cmpi slt, %add3A_22, %lt3A_23 : i32
    %convert_element_type3A_25 = arith.extui %lt3A_24 : i1 to i32
    %cond3A_26 = arith.constant 0 : i32
    %cond3A_27 = arith.cmpi ne, %convert_element_type3A_25, %cond3A_26 : i32
    scf.if %cond3A_27 {
      %jit3A = arith.constant 4 : i32
      %div3A = arith.divsi %add3A_22, %jit3A : i32
      %sign3A = arith.constant 0 : i32
      %sign3A_57 = arith.cmpi sgt, %add3A_22, %sign3A : i32
      %sign3A_58 = arith.extui %sign3A_57 : i1 to i32
      %sign3A_59 = arith.constant 0 : i32
      %sign3A_60 = arith.cmpi slt, %add3A_22, %sign3A_59 : i32
      %sign3A_61 = arith.extui %sign3A_60 : i1 to i32
      %sign3A_62 = arith.subi %sign3A_58, %sign3A_61 : i32
      %sign3A_63 = arith.constant 0 : i32
      %sign3A_64 = arith.cmpi sgt, %jit3A, %sign3A_63 : i32
      %sign3A_65 = arith.extui %sign3A_64 : i1 to i32
      %sign3A_66 = arith.constant 0 : i32
      %sign3A_67 = arith.cmpi slt, %jit3A, %sign3A_66 : i32
      %sign3A_68 = arith.extui %sign3A_67 : i1 to i32
      %sign3A_69 = arith.subi %sign3A_65, %sign3A_68 : i32
      %ne3A = arith.cmpi ne, %sign3A_62, %sign3A_69 : i32
      %rem3A = arith.remsi %add3A_22, %jit3A : i32
      %ne3A_70 = arith.constant 0 : i32
      %ne3A_71 = arith.cmpi ne, %rem3A, %ne3A_70 : i32
      %and3A = arith.andi %ne3A, %ne3A_71 : i1
      %sub3A = arith.constant 1 : i32
      %sub3A_72 = arith.subi %div3A, %sub3A : i32
      %select_n3A = arith.select %and3A, %sub3A_72, %div3A : i32
      %jit3A_73 = arith.constant 4 : i32
      %eq3A = arith.constant 0 : i32
      %eq3A_74 = arith.cmpi eq, %jit3A_73, %eq3A : i32
      %jit3A_75 = arith.constant 1 : i32
      %select_n3A_76 = arith.select %eq3A_74, %jit3A_75, %jit3A_73 : i32
      %rem3A_77 = arith.remsi %add3A_22, %select_n3A_76 : i32
      %ne3A_78 = arith.constant 0 : i32
      %ne3A_79 = arith.cmpi ne, %rem3A_77, %ne3A_78 : i32
      %lt3A_80 = arith.constant 0 : i32
      %lt3A_81 = arith.cmpi slt, %rem3A_77, %lt3A_80 : i32
      %lt3A_82 = arith.constant 0 : i32
      %lt3A_83 = arith.cmpi slt, %select_n3A_76, %lt3A_82 : i32
      %ne3A_84 = arith.xori %lt3A_81, %lt3A_83 : i1
      %and3A_85 = arith.andi %ne3A_84, %ne3A_79 : i1
      %add3A_86 = arith.addi %rem3A_77, %select_n3A_76 : i32
      %select_n3A_87 = arith.select %and3A_85, %add3A_86, %rem3A_77 : i32
      %eq3A_88 = arith.constant 0 : i32
      %eq3A_89 = arith.cmpi eq, %select_n3A_87, %eq3A_88 : i32
      %eq3A_90 = arith.constant 1 : i32
      %eq3A_91 = arith.cmpi eq, %select_n3A_87, %eq3A_90 : i32
      %eq3A_92 = arith.constant 2 : i32
      %eq3A_93 = arith.cmpi eq, %select_n3A_87, %eq3A_92 : i32
      %jit3A_94 = arith.constant 10 : i32
      %jit3A_95 = arith.constant 11 : i32
      %select_n3A_96 = arith.select %eq3A_93, %jit3A_94, %jit3A_95 : i32
      %jit3A_97 = arith.constant 1 : i32
      %select_n3A_98 = arith.select %eq3A_91, %jit3A_97, %select_n3A_96 : i32
      %jit3A_99 = arith.constant 0 : i32
      %select_n3A_100 = arith.select %eq3A_89, %jit3A_99, %select_n3A_98 : i32
      %eq3A_101 = arith.constant 0 : i32
      %eq3A_102 = arith.cmpi eq, %select_n3A_87, %eq3A_101 : i32
      %eq3A_103 = arith.constant 1 : i32
      %eq3A_104 = arith.cmpi eq, %select_n3A_87, %eq3A_103 : i32
      %eq3A_105 = arith.constant 2 : i32
      %eq3A_106 = arith.cmpi eq, %select_n3A_87, %eq3A_105 : i32
      %jit3A_107 = arith.constant 3 : i32
      %jit3A_108 = arith.constant 4 : i32
      %select_n3A_109 = arith.select %eq3A_106, %jit3A_107, %jit3A_108 : i32
      %jit3A_110 = arith.constant 1 : i32
      %select_n3A_111 = arith.select %eq3A_104, %jit3A_110, %select_n3A_109 : i32
      %jit3A_112 = arith.constant 0 : i32
      %select_n3A_113 = arith.select %eq3A_102, %jit3A_112, %select_n3A_111 : i32
      %mul3A_114 = arith.constant 20 : i32
      %mul3A_115 = arith.muli %select_n3A, %mul3A_114 : i32
      %add3A_116 = arith.addi %mul3A_115, %select_n3A_100 : i32
      "tpu.region"() ({
        %run_scoped3A = tpu.sem_alloc : memref<!tpu.dma_semaphore, #tpu.memory_space<semaphore_mem>>
        %dma_start3A_451 = arith.constant 0 : i32
        %dma_start3A_452 = arith.constant 0 : i32
        %dma_start3A_453 = tpu.memref_slice %arg2[%add3A_116, %dma_start3A_451, %dma_start3A_452] : memref<400x64x1024xf32, #tpu.memory_space<hbm>> -> memref<1x32x1024xf32, #tpu.memory_space<hbm>>
        %dma_start3A_454 = tpu.memref_squeeze %dma_start3A_453 : memref<1x32x1024xf32, #tpu.memory_space<hbm>> -> memref<32x1024xf32, #tpu.memory_space<hbm>>
        %dma_start3A_455 = arith.constant 0 : i32
        %dma_start3A_456 = arith.constant 0 : i32
        %dma_start3A_457 = tpu.memref_slice %arg2[%add3A_116, %dma_start3A_455, %dma_start3A_456] : memref<400x64x1024xf32, #tpu.memory_space<hbm>> -> memref<1x32x1024xf32, #tpu.memory_space<hbm>>
        %dma_start3A_458 = tpu.memref_squeeze %dma_start3A_457 : memref<1x32x1024xf32, #tpu.memory_space<hbm>> -> memref<32x1024xf32, #tpu.memory_space<hbm>>
        tpu.enqueue_dma source(%dma_start3A_458 : memref<32x1024xf32, #tpu.memory_space<hbm>>) target(%arg4 : memref<32x1024xf32, #tpu.memory_space<vmem>>) target_semaphore(%run_scoped3A : memref<!tpu.dma_semaphore, #tpu.memory_space<semaphore_mem>>)
        %dma_wait3A_459 = arith.constant 0 : i32
        %dma_wait3A_460 = arith.constant 0 : i32
        %dma_wait3A_461 = tpu.memref_slice %arg2[%add3A_116, %dma_wait3A_459, %dma_wait3A_460] : memref<400x64x1024xf32, #tpu.memory_space<hbm>> -> memref<1x32x1024xf32, #tpu.memory_space<hbm>>
        %dma_wait3A_462 = tpu.memref_squeeze %dma_wait3A_461 : memref<1x32x1024xf32, #tpu.memory_space<hbm>> -> memref<32x1024xf32, #tpu.memory_space<hbm>>
        %dma_wait3A_463 = arith.constant 0 : i32
        %dma_wait3A_464 = arith.constant 0 : i32
        %dma_wait3A_465 = tpu.memref_slice %arg2[%add3A_116, %dma_wait3A_463, %dma_wait3A_464] : memref<400x64x1024xf32, #tpu.memory_space<hbm>> -> memref<1x32x1024xf32, #tpu.memory_space<hbm>>
        %dma_wait3A_466 = tpu.memref_squeeze %dma_wait3A_465 : memref<1x32x1024xf32, #tpu.memory_space<hbm>> -> memref<32x1024xf32, #tpu.memory_space<hbm>>
        tpu.wait_dma2 semaphore(%run_scoped3A : memref<!tpu.dma_semaphore, #tpu.memory_space<semaphore_mem>>) src(%dma_wait3A_466 : memref<32x1024xf32, #tpu.memory_space<hbm>>) dst(%arg4 : memref<32x1024xf32, #tpu.memory_space<vmem>>)
        tpu.yield
      }) : () -> ()
      %mul3A_117 = arith.constant 48 : i32
      %mul3A_118 = arith.muli %select_n3A, %mul3A_117 : i32
      %add3A_119 = arith.constant 0 : i32
      %add3A_120 = arith.addi %mul3A_118, %add3A_119 : i32
      %add3A_121 = arith.addi %add3A_120, %select_n3A_113 : i32
      %dma_start3A = arith.constant 0 : i32
      %dma_start3A_122 = arith.constant 0 : i32
      %dma_start3A_123 = tpu.memref_slice %arg3[%add3A_121, %dma_start3A, %dma_start3A_122] : memref<960x64x1024xf32, #tpu.memory_space<hbm>> -> memref<1x32x1024xf32, #tpu.memory_space<hbm>>
      %dma_start3A_124 = tpu.memref_squeeze %dma_start3A_123 : memref<1x32x1024xf32, #tpu.memory_space<hbm>> -> memref<32x1024xf32, #tpu.memory_space<hbm>>
      %dma_start3A_125 = arith.constant 0 : i32
      %dma_start3A_126 = arith.constant 0 : i32
      %dma_start3A_127 = tpu.memref_slice %arg3[%add3A_121, %dma_start3A_125, %dma_start3A_126] : memref<960x64x1024xf32, #tpu.memory_space<hbm>> -> memref<1x32x1024xf32, #tpu.memory_space<hbm>>
      %dma_start3A_128 = tpu.memref_squeeze %dma_start3A_127 : memref<1x32x1024xf32, #tpu.memory_space<hbm>> -> memref<32x1024xf32, #tpu.memory_space<hbm>>
      tpu.enqueue_dma source(%arg4 : memref<32x1024xf32, #tpu.memory_space<vmem>>) target(%dma_start3A_128 : memref<32x1024xf32, #tpu.memory_space<hbm>>) target_semaphore(%arg7 : memref<!tpu.dma_semaphore, #tpu.memory_space<semaphore_mem>>)
      %mul3A_129 = arith.constant 48 : i32
      %mul3A_130 = arith.muli %select_n3A, %mul3A_129 : i32
      %add3A_131 = arith.constant 6 : i32
      %add3A_132 = arith.addi %mul3A_130, %add3A_131 : i32
      %add3A_133 = arith.addi %add3A_132, %select_n3A_113 : i32
      %dma_start3A_134 = arith.constant 0 : i32
      %dma_start3A_135 = arith.constant 0 : i32
      %dma_start3A_136 = tpu.memref_slice %arg3[%add3A_133, %dma_start3A_134, %dma_start3A_135] : memref<960x64x1024xf32, #tpu.memory_space<hbm>> -> memref<1x32x1024xf32, #tpu.memory_space<hbm>>
      %dma_start3A_137 = tpu.memref_squeeze %dma_start3A_136 : memref<1x32x1024xf32, #tpu.memory_space<hbm>> -> memref<32x1024xf32, #tpu.memory_space<hbm>>
      %dma_start3A_138 = arith.constant 0 : i32
      %dma_start3A_139 = arith.constant 0 : i32
      %dma_start3A_140 = tpu.memref_slice %arg3[%add3A_133, %dma_start3A_138, %dma_start3A_139] : memref<960x64x1024xf32, #tpu.memory_space<hbm>> -> memref<1x32x1024xf32, #tpu.memory_space<hbm>>
      %dma_start3A_141 = tpu.memref_squeeze %dma_start3A_140 : memref<1x32x1024xf32, #tpu.memory_space<hbm>> -> memref<32x1024xf32, #tpu.memory_space<hbm>>
      tpu.enqueue_dma source(%arg4 : memref<32x1024xf32, #tpu.memory_space<vmem>>) target(%dma_start3A_141 : memref<32x1024xf32, #tpu.memory_space<hbm>>) target_semaphore(%arg7 : memref<!tpu.dma_semaphore, #tpu.memory_space<semaphore_mem>>)
      %mul3A_142 = arith.constant 48 : i32
      %mul3A_143 = arith.muli %select_n3A, %mul3A_142 : i32
      %add3A_144 = arith.constant 12 : i32
      %add3A_145 = arith.addi %mul3A_143, %add3A_144 : i32
      %add3A_146 = arith.addi %add3A_145, %select_n3A_113 : i32
      %dma_start3A_147 = arith.constant 0 : i32
      %dma_start3A_148 = arith.constant 0 : i32
      %dma_start3A_149 = tpu.memref_slice %arg3[%add3A_146, %dma_start3A_147, %dma_start3A_148] : memref<960x64x1024xf32, #tpu.memory_space<hbm>> -> memref<1x32x1024xf32, #tpu.memory_space<hbm>>
      %dma_start3A_150 = tpu.memref_squeeze %dma_start3A_149 : memref<1x32x1024xf32, #tpu.memory_space<hbm>> -> memref<32x1024xf32, #tpu.memory_space<hbm>>
      %dma_start3A_151 = arith.constant 0 : i32
      %dma_start3A_152 = arith.constant 0 : i32
      %dma_start3A_153 = tpu.memref_slice %arg3[%add3A_146, %dma_start3A_151, %dma_start3A_152] : memref<960x64x1024xf32, #tpu.memory_space<hbm>> -> memref<1x32x1024xf32, #tpu.memory_space<hbm>>
      %dma_start3A_154 = tpu.memref_squeeze %dma_start3A_153 : memref<1x32x1024xf32, #tpu.memory_space<hbm>> -> memref<32x1024xf32, #tpu.memory_space<hbm>>
      tpu.enqueue_dma source(%arg4 : memref<32x1024xf32, #tpu.memory_space<vmem>>) target(%dma_start3A_154 : memref<32x1024xf32, #tpu.memory_space<hbm>>) target_semaphore(%arg7 : memref<!tpu.dma_semaphore, #tpu.memory_space<semaphore_mem>>)
      %mul3A_155 = arith.constant 48 : i32
      %mul3A_156 = arith.muli %select_n3A, %mul3A_155 : i32
      %add3A_157 = arith.constant 18 : i32
      %add3A_158 = arith.addi %mul3A_156, %add3A_157 : i32
      %add3A_159 = arith.addi %add3A_158, %select_n3A_113 : i32
      %dma_start3A_160 = arith.constant 0 : i32
      %dma_start3A_161 = arith.constant 0 : i32
      %dma_start3A_162 = tpu.memref_slice %arg3[%add3A_159, %dma_start3A_160, %dma_start3A_161] : memref<960x64x1024xf32, #tpu.memory_space<hbm>> -> memref<1x32x1024xf32, #tpu.memory_space<hbm>>
      %dma_start3A_163 = tpu.memref_squeeze %dma_start3A_162 : memref<1x32x1024xf32, #tpu.memory_space<hbm>> -> memref<32x1024xf32, #tpu.memory_space<hbm>>
      %dma_start3A_164 = arith.constant 0 : i32
      %dma_start3A_165 = arith.constant 0 : i32
      %dma_start3A_166 = tpu.memref_slice %arg3[%add3A_159, %dma_start3A_164, %dma_start3A_165] : memref<960x64x1024xf32, #tpu.memory_space<hbm>> -> memref<1x32x1024xf32, #tpu.memory_space<hbm>>
      %dma_start3A_167 = tpu.memref_squeeze %dma_start3A_166 : memref<1x32x1024xf32, #tpu.memory_space<hbm>> -> memref<32x1024xf32, #tpu.memory_space<hbm>>
      tpu.enqueue_dma source(%arg4 : memref<32x1024xf32, #tpu.memory_space<vmem>>) target(%dma_start3A_167 : memref<32x1024xf32, #tpu.memory_space<hbm>>) target_semaphore(%arg7 : memref<!tpu.dma_semaphore, #tpu.memory_space<semaphore_mem>>)
      %mul3A_168 = arith.constant 48 : i32
      %mul3A_169 = arith.muli %select_n3A, %mul3A_168 : i32
      %add3A_170 = arith.constant 24 : i32
      %add3A_171 = arith.addi %mul3A_169, %add3A_170 : i32
      %add3A_172 = arith.addi %add3A_171, %select_n3A_113 : i32
      %dma_start3A_173 = arith.constant 0 : i32
      %dma_start3A_174 = arith.constant 0 : i32
      %dma_start3A_175 = tpu.memref_slice %arg3[%add3A_172, %dma_start3A_173, %dma_start3A_174] : memref<960x64x1024xf32, #tpu.memory_space<hbm>> -> memref<1x32x1024xf32, #tpu.memory_space<hbm>>
      %dma_start3A_176 = tpu.memref_squeeze %dma_start3A_175 : memref<1x32x1024xf32, #tpu.memory_space<hbm>> -> memref<32x1024xf32, #tpu.memory_space<hbm>>
      %dma_start3A_177 = arith.constant 0 : i32
      %dma_start3A_178 = arith.constant 0 : i32
      %dma_start3A_179 = tpu.memref_slice %arg3[%add3A_172, %dma_start3A_177, %dma_start3A_178] : memref<960x64x1024xf32, #tpu.memory_space<hbm>> -> memref<1x32x1024xf32, #tpu.memory_space<hbm>>
      %dma_start3A_180 = tpu.memref_squeeze %dma_start3A_179 : memref<1x32x1024xf32, #tpu.memory_space<hbm>> -> memref<32x1024xf32, #tpu.memory_space<hbm>>
      tpu.enqueue_dma source(%arg4 : memref<32x1024xf32, #tpu.memory_space<vmem>>) target(%dma_start3A_180 : memref<32x1024xf32, #tpu.memory_space<hbm>>) target_semaphore(%arg7 : memref<!tpu.dma_semaphore, #tpu.memory_space<semaphore_mem>>)
      %mul3A_181 = arith.constant 48 : i32
      %mul3A_182 = arith.muli %select_n3A, %mul3A_181 : i32
      %add3A_183 = arith.constant 30 : i32
      %add3A_184 = arith.addi %mul3A_182, %add3A_183 : i32
      %add3A_185 = arith.addi %add3A_184, %select_n3A_113 : i32
      %dma_start3A_186 = arith.constant 0 : i32
      %dma_start3A_187 = arith.constant 0 : i32
      %dma_start3A_188 = tpu.memref_slice %arg3[%add3A_185, %dma_start3A_186, %dma_start3A_187] : memref<960x64x1024xf32, #tpu.memory_space<hbm>> -> memref<1x32x1024xf32, #tpu.memory_space<hbm>>
      %dma_start3A_189 = tpu.memref_squeeze %dma_start3A_188 : memref<1x32x1024xf32, #tpu.memory_space<hbm>> -> memref<32x1024xf32, #tpu.memory_space<hbm>>
      %dma_start3A_190 = arith.constant 0 : i32
      %dma_start3A_191 = arith.constant 0 : i32
      %dma_start3A_192 = tpu.memref_slice %arg3[%add3A_185, %dma_start3A_190, %dma_start3A_191] : memref<960x64x1024xf32, #tpu.memory_space<hbm>> -> memref<1x32x1024xf32, #tpu.memory_space<hbm>>
      %dma_start3A_193 = tpu.memref_squeeze %dma_start3A_192 : memref<1x32x1024xf32, #tpu.memory_space<hbm>> -> memref<32x1024xf32, #tpu.memory_space<hbm>>
      tpu.enqueue_dma source(%arg4 : memref<32x1024xf32, #tpu.memory_space<vmem>>) target(%dma_start3A_193 : memref<32x1024xf32, #tpu.memory_space<hbm>>) target_semaphore(%arg7 : memref<!tpu.dma_semaphore, #tpu.memory_space<semaphore_mem>>)
      %mul3A_194 = arith.constant 48 : i32
      %mul3A_195 = arith.muli %select_n3A, %mul3A_194 : i32
      %add3A_196 = arith.constant 36 : i32
      %add3A_197 = arith.addi %mul3A_195, %add3A_196 : i32
      %add3A_198 = arith.addi %add3A_197, %select_n3A_113 : i32
      %dma_start3A_199 = arith.constant 0 : i32
      %dma_start3A_200 = arith.constant 0 : i32
      %dma_start3A_201 = tpu.memref_slice %arg3[%add3A_198, %dma_start3A_199, %dma_start3A_200] : memref<960x64x1024xf32, #tpu.memory_space<hbm>> -> memref<1x32x1024xf32, #tpu.memory_space<hbm>>
      %dma_start3A_202 = tpu.memref_squeeze %dma_start3A_201 : memref<1x32x1024xf32, #tpu.memory_space<hbm>> -> memref<32x1024xf32, #tpu.memory_space<hbm>>
      %dma_start3A_203 = arith.constant 0 : i32
      %dma_start3A_204 = arith.constant 0 : i32
      %dma_start3A_205 = tpu.memref_slice %arg3[%add3A_198, %dma_start3A_203, %dma_start3A_204] : memref<960x64x1024xf32, #tpu.memory_space<hbm>> -> memref<1x32x1024xf32, #tpu.memory_space<hbm>>
      %dma_start3A_206 = tpu.memref_squeeze %dma_start3A_205 : memref<1x32x1024xf32, #tpu.memory_space<hbm>> -> memref<32x1024xf32, #tpu.memory_space<hbm>>
      tpu.enqueue_dma source(%arg4 : memref<32x1024xf32, #tpu.memory_space<vmem>>) target(%dma_start3A_206 : memref<32x1024xf32, #tpu.memory_space<hbm>>) target_semaphore(%arg7 : memref<!tpu.dma_semaphore, #tpu.memory_space<semaphore_mem>>)
      %mul3A_207 = arith.constant 48 : i32
      %mul3A_208 = arith.muli %select_n3A, %mul3A_207 : i32
      %add3A_209 = arith.constant 42 : i32
      %add3A_210 = arith.addi %mul3A_208, %add3A_209 : i32
      %add3A_211 = arith.addi %add3A_210, %select_n3A_113 : i32
      %dma_start3A_212 = arith.constant 0 : i32
      %dma_start3A_213 = arith.constant 0 : i32
      %dma_start3A_214 = tpu.memref_slice %arg3[%add3A_211, %dma_start3A_212, %dma_start3A_213] : memref<960x64x1024xf32, #tpu.memory_space<hbm>> -> memref<1x32x1024xf32, #tpu.memory_space<hbm>>
      %dma_start3A_215 = tpu.memref_squeeze %dma_start3A_214 : memref<1x32x1024xf32, #tpu.memory_space<hbm>> -> memref<32x1024xf32, #tpu.memory_space<hbm>>
      %dma_start3A_216 = arith.constant 0 : i32
      %dma_start3A_217 = arith.constant 0 : i32
      %dma_start3A_218 = tpu.memref_slice %arg3[%add3A_211, %dma_start3A_216, %dma_start3A_217] : memref<960x64x1024xf32, #tpu.memory_space<hbm>> -> memref<1x32x1024xf32, #tpu.memory_space<hbm>>
      %dma_start3A_219 = tpu.memref_squeeze %dma_start3A_218 : memref<1x32x1024xf32, #tpu.memory_space<hbm>> -> memref<32x1024xf32, #tpu.memory_space<hbm>>
      tpu.enqueue_dma source(%arg4 : memref<32x1024xf32, #tpu.memory_space<vmem>>) target(%dma_start3A_219 : memref<32x1024xf32, #tpu.memory_space<hbm>>) target_semaphore(%arg7 : memref<!tpu.dma_semaphore, #tpu.memory_space<semaphore_mem>>)
      "tpu.region"() ({
        %run_scoped3A = tpu.sem_alloc : memref<!tpu.dma_semaphore, #tpu.memory_space<semaphore_mem>>
        %dma_start3A_451 = arith.constant 32 : i32
        %dma_start3A_452 = arith.constant 0 : i32
        %dma_start3A_453 = tpu.memref_slice %arg2[%add3A_116, %dma_start3A_451, %dma_start3A_452] : memref<400x64x1024xf32, #tpu.memory_space<hbm>> -> memref<1x32x1024xf32, #tpu.memory_space<hbm>>
        %dma_start3A_454 = tpu.memref_squeeze %dma_start3A_453 : memref<1x32x1024xf32, #tpu.memory_space<hbm>> -> memref<32x1024xf32, #tpu.memory_space<hbm>>
        %dma_start3A_455 = arith.constant 32 : i32
        %dma_start3A_456 = arith.constant 0 : i32
        %dma_start3A_457 = tpu.memref_slice %arg2[%add3A_116, %dma_start3A_455, %dma_start3A_456] : memref<400x64x1024xf32, #tpu.memory_space<hbm>> -> memref<1x32x1024xf32, #tpu.memory_space<hbm>>
        %dma_start3A_458 = tpu.memref_squeeze %dma_start3A_457 : memref<1x32x1024xf32, #tpu.memory_space<hbm>> -> memref<32x1024xf32, #tpu.memory_space<hbm>>
        tpu.enqueue_dma source(%dma_start3A_458 : memref<32x1024xf32, #tpu.memory_space<hbm>>) target(%arg5 : memref<32x1024xf32, #tpu.memory_space<vmem>>) target_semaphore(%run_scoped3A : memref<!tpu.dma_semaphore, #tpu.memory_space<semaphore_mem>>)
        %dma_wait3A_459 = arith.constant 32 : i32
        %dma_wait3A_460 = arith.constant 0 : i32
        %dma_wait3A_461 = tpu.memref_slice %arg2[%add3A_116, %dma_wait3A_459, %dma_wait3A_460] : memref<400x64x1024xf32, #tpu.memory_space<hbm>> -> memref<1x32x1024xf32, #tpu.memory_space<hbm>>
        %dma_wait3A_462 = tpu.memref_squeeze %dma_wait3A_461 : memref<1x32x1024xf32, #tpu.memory_space<hbm>> -> memref<32x1024xf32, #tpu.memory_space<hbm>>
        %dma_wait3A_463 = arith.constant 32 : i32
        %dma_wait3A_464 = arith.constant 0 : i32
        %dma_wait3A_465 = tpu.memref_slice %arg2[%add3A_116, %dma_wait3A_463, %dma_wait3A_464] : memref<400x64x1024xf32, #tpu.memory_space<hbm>> -> memref<1x32x1024xf32, #tpu.memory_space<hbm>>
        %dma_wait3A_466 = tpu.memref_squeeze %dma_wait3A_465 : memref<1x32x1024xf32, #tpu.memory_space<hbm>> -> memref<32x1024xf32, #tpu.memory_space<hbm>>
        tpu.wait_dma2 semaphore(%run_scoped3A : memref<!tpu.dma_semaphore, #tpu.memory_space<semaphore_mem>>) src(%dma_wait3A_466 : memref<32x1024xf32, #tpu.memory_space<hbm>>) dst(%arg5 : memref<32x1024xf32, #tpu.memory_space<vmem>>)
        tpu.yield
      }) : () -> ()
      %mul3A_220 = arith.constant 48 : i32
      %mul3A_221 = arith.muli %select_n3A, %mul3A_220 : i32
      %add3A_222 = arith.constant 0 : i32
      %add3A_223 = arith.addi %mul3A_221, %add3A_222 : i32
      %add3A_224 = arith.addi %add3A_223, %select_n3A_113 : i32
      %dma_start3A_225 = arith.constant 32 : i32
      %dma_start3A_226 = arith.constant 0 : i32
      %dma_start3A_227 = tpu.memref_slice %arg3[%add3A_224, %dma_start3A_225, %dma_start3A_226] : memref<960x64x1024xf32, #tpu.memory_space<hbm>> -> memref<1x32x1024xf32, #tpu.memory_space<hbm>>
      %dma_start3A_228 = tpu.memref_squeeze %dma_start3A_227 : memref<1x32x1024xf32, #tpu.memory_space<hbm>> -> memref<32x1024xf32, #tpu.memory_space<hbm>>
      %dma_start3A_229 = arith.constant 32 : i32
      %dma_start3A_230 = arith.constant 0 : i32
      %dma_start3A_231 = tpu.memref_slice %arg3[%add3A_224, %dma_start3A_229, %dma_start3A_230] : memref<960x64x1024xf32, #tpu.memory_space<hbm>> -> memref<1x32x1024xf32, #tpu.memory_space<hbm>>
      %dma_start3A_232 = tpu.memref_squeeze %dma_start3A_231 : memref<1x32x1024xf32, #tpu.memory_space<hbm>> -> memref<32x1024xf32, #tpu.memory_space<hbm>>
      tpu.enqueue_dma source(%arg5 : memref<32x1024xf32, #tpu.memory_space<vmem>>) target(%dma_start3A_232 : memref<32x1024xf32, #tpu.memory_space<hbm>>) target_semaphore(%arg8 : memref<!tpu.dma_semaphore, #tpu.memory_space<semaphore_mem>>)
      %mul3A_233 = arith.constant 48 : i32
      %mul3A_234 = arith.muli %select_n3A, %mul3A_233 : i32
      %add3A_235 = arith.constant 6 : i32
      %add3A_236 = arith.addi %mul3A_234, %add3A_235 : i32
      %add3A_237 = arith.addi %add3A_236, %select_n3A_113 : i32
      %dma_start3A_238 = arith.constant 32 : i32
      %dma_start3A_239 = arith.constant 0 : i32
      %dma_start3A_240 = tpu.memref_slice %arg3[%add3A_237, %dma_start3A_238, %dma_start3A_239] : memref<960x64x1024xf32, #tpu.memory_space<hbm>> -> memref<1x32x1024xf32, #tpu.memory_space<hbm>>
      %dma_start3A_241 = tpu.memref_squeeze %dma_start3A_240 : memref<1x32x1024xf32, #tpu.memory_space<hbm>> -> memref<32x1024xf32, #tpu.memory_space<hbm>>
      %dma_start3A_242 = arith.constant 32 : i32
      %dma_start3A_243 = arith.constant 0 : i32
      %dma_start3A_244 = tpu.memref_slice %arg3[%add3A_237, %dma_start3A_242, %dma_start3A_243] : memref<960x64x1024xf32, #tpu.memory_space<hbm>> -> memref<1x32x1024xf32, #tpu.memory_space<hbm>>
      %dma_start3A_245 = tpu.memref_squeeze %dma_start3A_244 : memref<1x32x1024xf32, #tpu.memory_space<hbm>> -> memref<32x1024xf32, #tpu.memory_space<hbm>>
      tpu.enqueue_dma source(%arg5 : memref<32x1024xf32, #tpu.memory_space<vmem>>) target(%dma_start3A_245 : memref<32x1024xf32, #tpu.memory_space<hbm>>) target_semaphore(%arg8 : memref<!tpu.dma_semaphore, #tpu.memory_space<semaphore_mem>>)
      %mul3A_246 = arith.constant 48 : i32
      %mul3A_247 = arith.muli %select_n3A, %mul3A_246 : i32
      %add3A_248 = arith.constant 12 : i32
      %add3A_249 = arith.addi %mul3A_247, %add3A_248 : i32
      %add3A_250 = arith.addi %add3A_249, %select_n3A_113 : i32
      %dma_start3A_251 = arith.constant 32 : i32
      %dma_start3A_252 = arith.constant 0 : i32
      %dma_start3A_253 = tpu.memref_slice %arg3[%add3A_250, %dma_start3A_251, %dma_start3A_252] : memref<960x64x1024xf32, #tpu.memory_space<hbm>> -> memref<1x32x1024xf32, #tpu.memory_space<hbm>>
      %dma_start3A_254 = tpu.memref_squeeze %dma_start3A_253 : memref<1x32x1024xf32, #tpu.memory_space<hbm>> -> memref<32x1024xf32, #tpu.memory_space<hbm>>
      %dma_start3A_255 = arith.constant 32 : i32
      %dma_start3A_256 = arith.constant 0 : i32
      %dma_start3A_257 = tpu.memref_slice %arg3[%add3A_250, %dma_start3A_255, %dma_start3A_256] : memref<960x64x1024xf32, #tpu.memory_space<hbm>> -> memref<1x32x1024xf32, #tpu.memory_space<hbm>>
      %dma_start3A_258 = tpu.memref_squeeze %dma_start3A_257 : memref<1x32x1024xf32, #tpu.memory_space<hbm>> -> memref<32x1024xf32, #tpu.memory_space<hbm>>
      tpu.enqueue_dma source(%arg5 : memref<32x1024xf32, #tpu.memory_space<vmem>>) target(%dma_start3A_258 : memref<32x1024xf32, #tpu.memory_space<hbm>>) target_semaphore(%arg8 : memref<!tpu.dma_semaphore, #tpu.memory_space<semaphore_mem>>)
      %mul3A_259 = arith.constant 48 : i32
      %mul3A_260 = arith.muli %select_n3A, %mul3A_259 : i32
      %add3A_261 = arith.constant 18 : i32
      %add3A_262 = arith.addi %mul3A_260, %add3A_261 : i32
      %add3A_263 = arith.addi %add3A_262, %select_n3A_113 : i32
      %dma_start3A_264 = arith.constant 32 : i32
      %dma_start3A_265 = arith.constant 0 : i32
      %dma_start3A_266 = tpu.memref_slice %arg3[%add3A_263, %dma_start3A_264, %dma_start3A_265] : memref<960x64x1024xf32, #tpu.memory_space<hbm>> -> memref<1x32x1024xf32, #tpu.memory_space<hbm>>
      %dma_start3A_267 = tpu.memref_squeeze %dma_start3A_266 : memref<1x32x1024xf32, #tpu.memory_space<hbm>> -> memref<32x1024xf32, #tpu.memory_space<hbm>>
      %dma_start3A_268 = arith.constant 32 : i32
      %dma_start3A_269 = arith.constant 0 : i32
      %dma_start3A_270 = tpu.memref_slice %arg3[%add3A_263, %dma_start3A_268, %dma_start3A_269] : memref<960x64x1024xf32, #tpu.memory_space<hbm>> -> memref<1x32x1024xf32, #tpu.memory_space<hbm>>
      %dma_start3A_271 = tpu.memref_squeeze %dma_start3A_270 : memref<1x32x1024xf32, #tpu.memory_space<hbm>> -> memref<32x1024xf32, #tpu.memory_space<hbm>>
      tpu.enqueue_dma source(%arg5 : memref<32x1024xf32, #tpu.memory_space<vmem>>) target(%dma_start3A_271 : memref<32x1024xf32, #tpu.memory_space<hbm>>) target_semaphore(%arg8 : memref<!tpu.dma_semaphore, #tpu.memory_space<semaphore_mem>>)
      %mul3A_272 = arith.constant 48 : i32
      %mul3A_273 = arith.muli %select_n3A, %mul3A_272 : i32
      %add3A_274 = arith.constant 24 : i32
      %add3A_275 = arith.addi %mul3A_273, %add3A_274 : i32
      %add3A_276 = arith.addi %add3A_275, %select_n3A_113 : i32
      %dma_start3A_277 = arith.constant 32 : i32
      %dma_start3A_278 = arith.constant 0 : i32
      %dma_start3A_279 = tpu.memref_slice %arg3[%add3A_276, %dma_start3A_277, %dma_start3A_278] : memref<960x64x1024xf32, #tpu.memory_space<hbm>> -> memref<1x32x1024xf32, #tpu.memory_space<hbm>>
      %dma_start3A_280 = tpu.memref_squeeze %dma_start3A_279 : memref<1x32x1024xf32, #tpu.memory_space<hbm>> -> memref<32x1024xf32, #tpu.memory_space<hbm>>
      %dma_start3A_281 = arith.constant 32 : i32
      %dma_start3A_282 = arith.constant 0 : i32
      %dma_start3A_283 = tpu.memref_slice %arg3[%add3A_276, %dma_start3A_281, %dma_start3A_282] : memref<960x64x1024xf32, #tpu.memory_space<hbm>> -> memref<1x32x1024xf32, #tpu.memory_space<hbm>>
      %dma_start3A_284 = tpu.memref_squeeze %dma_start3A_283 : memref<1x32x1024xf32, #tpu.memory_space<hbm>> -> memref<32x1024xf32, #tpu.memory_space<hbm>>
      tpu.enqueue_dma source(%arg5 : memref<32x1024xf32, #tpu.memory_space<vmem>>) target(%dma_start3A_284 : memref<32x1024xf32, #tpu.memory_space<hbm>>) target_semaphore(%arg8 : memref<!tpu.dma_semaphore, #tpu.memory_space<semaphore_mem>>)
      %mul3A_285 = arith.constant 48 : i32
      %mul3A_286 = arith.muli %select_n3A, %mul3A_285 : i32
      %add3A_287 = arith.constant 30 : i32
      %add3A_288 = arith.addi %mul3A_286, %add3A_287 : i32
      %add3A_289 = arith.addi %add3A_288, %select_n3A_113 : i32
      %dma_start3A_290 = arith.constant 32 : i32
      %dma_start3A_291 = arith.constant 0 : i32
      %dma_start3A_292 = tpu.memref_slice %arg3[%add3A_289, %dma_start3A_290, %dma_start3A_291] : memref<960x64x1024xf32, #tpu.memory_space<hbm>> -> memref<1x32x1024xf32, #tpu.memory_space<hbm>>
      %dma_start3A_293 = tpu.memref_squeeze %dma_start3A_292 : memref<1x32x1024xf32, #tpu.memory_space<hbm>> -> memref<32x1024xf32, #tpu.memory_space<hbm>>
      %dma_start3A_294 = arith.constant 32 : i32
      %dma_start3A_295 = arith.constant 0 : i32
      %dma_start3A_296 = tpu.memref_slice %arg3[%add3A_289, %dma_start3A_294, %dma_start3A_295] : memref<960x64x1024xf32, #tpu.memory_space<hbm>> -> memref<1x32x1024xf32, #tpu.memory_space<hbm>>
      %dma_start3A_297 = tpu.memref_squeeze %dma_start3A_296 : memref<1x32x1024xf32, #tpu.memory_space<hbm>> -> memref<32x1024xf32, #tpu.memory_space<hbm>>
      tpu.enqueue_dma source(%arg5 : memref<32x1024xf32, #tpu.memory_space<vmem>>) target(%dma_start3A_297 : memref<32x1024xf32, #tpu.memory_space<hbm>>) target_semaphore(%arg8 : memref<!tpu.dma_semaphore, #tpu.memory_space<semaphore_mem>>)
      %mul3A_298 = arith.constant 48 : i32
      %mul3A_299 = arith.muli %select_n3A, %mul3A_298 : i32
      %add3A_300 = arith.constant 36 : i32
      %add3A_301 = arith.addi %mul3A_299, %add3A_300 : i32
      %add3A_302 = arith.addi %add3A_301, %select_n3A_113 : i32
      %dma_start3A_303 = arith.constant 32 : i32
      %dma_start3A_304 = arith.constant 0 : i32
      %dma_start3A_305 = tpu.memref_slice %arg3[%add3A_302, %dma_start3A_303, %dma_start3A_304] : memref<960x64x1024xf32, #tpu.memory_space<hbm>> -> memref<1x32x1024xf32, #tpu.memory_space<hbm>>
      %dma_start3A_306 = tpu.memref_squeeze %dma_start3A_305 : memref<1x32x1024xf32, #tpu.memory_space<hbm>> -> memref<32x1024xf32, #tpu.memory_space<hbm>>
      %dma_start3A_307 = arith.constant 32 : i32
      %dma_start3A_308 = arith.constant 0 : i32
      %dma_start3A_309 = tpu.memref_slice %arg3[%add3A_302, %dma_start3A_307, %dma_start3A_308] : memref<960x64x1024xf32, #tpu.memory_space<hbm>> -> memref<1x32x1024xf32, #tpu.memory_space<hbm>>
      %dma_start3A_310 = tpu.memref_squeeze %dma_start3A_309 : memref<1x32x1024xf32, #tpu.memory_space<hbm>> -> memref<32x1024xf32, #tpu.memory_space<hbm>>
      tpu.enqueue_dma source(%arg5 : memref<32x1024xf32, #tpu.memory_space<vmem>>) target(%dma_start3A_310 : memref<32x1024xf32, #tpu.memory_space<hbm>>) target_semaphore(%arg8 : memref<!tpu.dma_semaphore, #tpu.memory_space<semaphore_mem>>)
      %mul3A_311 = arith.constant 48 : i32
      %mul3A_312 = arith.muli %select_n3A, %mul3A_311 : i32
      %add3A_313 = arith.constant 42 : i32
      %add3A_314 = arith.addi %mul3A_312, %add3A_313 : i32
      %add3A_315 = arith.addi %add3A_314, %select_n3A_113 : i32
      %dma_start3A_316 = arith.constant 32 : i32
      %dma_start3A_317 = arith.constant 0 : i32
      %dma_start3A_318 = tpu.memref_slice %arg3[%add3A_315, %dma_start3A_316, %dma_start3A_317] : memref<960x64x1024xf32, #tpu.memory_space<hbm>> -> memref<1x32x1024xf32, #tpu.memory_space<hbm>>
      %dma_start3A_319 = tpu.memref_squeeze %dma_start3A_318 : memref<1x32x1024xf32, #tpu.memory_space<hbm>> -> memref<32x1024xf32, #tpu.memory_space<hbm>>
      %dma_start3A_320 = arith.constant 32 : i32
      %dma_start3A_321 = arith.constant 0 : i32
      %dma_start3A_322 = tpu.memref_slice %arg3[%add3A_315, %dma_start3A_320, %dma_start3A_321] : memref<960x64x1024xf32, #tpu.memory_space<hbm>> -> memref<1x32x1024xf32, #tpu.memory_space<hbm>>
      %dma_start3A_323 = tpu.memref_squeeze %dma_start3A_322 : memref<1x32x1024xf32, #tpu.memory_space<hbm>> -> memref<32x1024xf32, #tpu.memory_space<hbm>>
      tpu.enqueue_dma source(%arg5 : memref<32x1024xf32, #tpu.memory_space<vmem>>) target(%dma_start3A_323 : memref<32x1024xf32, #tpu.memory_space<hbm>>) target_semaphore(%arg8 : memref<!tpu.dma_semaphore, #tpu.memory_space<semaphore_mem>>)
      %dma_wait3A = arith.constant 0 : i32
      %dma_wait3A_324 = arith.constant 0 : i32
      %dma_wait3A_325 = tpu.memref_slice %arg3[%add3A_121, %dma_wait3A, %dma_wait3A_324] : memref<960x64x1024xf32, #tpu.memory_space<hbm>> -> memref<1x32x1024xf32, #tpu.memory_space<hbm>>
      %dma_wait3A_326 = tpu.memref_squeeze %dma_wait3A_325 : memref<1x32x1024xf32, #tpu.memory_space<hbm>> -> memref<32x1024xf32, #tpu.memory_space<hbm>>
      %dma_wait3A_327 = arith.constant 0 : i32
      %dma_wait3A_328 = arith.constant 0 : i32
      %dma_wait3A_329 = tpu.memref_slice %arg3[%add3A_121, %dma_wait3A_327, %dma_wait3A_328] : memref<960x64x1024xf32, #tpu.memory_space<hbm>> -> memref<1x32x1024xf32, #tpu.memory_space<hbm>>
      %dma_wait3A_330 = tpu.memref_squeeze %dma_wait3A_329 : memref<1x32x1024xf32, #tpu.memory_space<hbm>> -> memref<32x1024xf32, #tpu.memory_space<hbm>>
      tpu.wait_dma2 semaphore(%arg7 : memref<!tpu.dma_semaphore, #tpu.memory_space<semaphore_mem>>) src(%arg4 : memref<32x1024xf32, #tpu.memory_space<vmem>>) dst(%dma_wait3A_330 : memref<32x1024xf32, #tpu.memory_space<hbm>>)
      %dma_wait3A_331 = arith.constant 0 : i32
      %dma_wait3A_332 = arith.constant 0 : i32
      %dma_wait3A_333 = tpu.memref_slice %arg3[%add3A_133, %dma_wait3A_331, %dma_wait3A_332] : memref<960x64x1024xf32, #tpu.memory_space<hbm>> -> memref<1x32x1024xf32, #tpu.memory_space<hbm>>
      %dma_wait3A_334 = tpu.memref_squeeze %dma_wait3A_333 : memref<1x32x1024xf32, #tpu.memory_space<hbm>> -> memref<32x1024xf32, #tpu.memory_space<hbm>>
      %dma_wait3A_335 = arith.constant 0 : i32
      %dma_wait3A_336 = arith.constant 0 : i32
      %dma_wait3A_337 = tpu.memref_slice %arg3[%add3A_133, %dma_wait3A_335, %dma_wait3A_336] : memref<960x64x1024xf32, #tpu.memory_space<hbm>> -> memref<1x32x1024xf32, #tpu.memory_space<hbm>>
      %dma_wait3A_338 = tpu.memref_squeeze %dma_wait3A_337 : memref<1x32x1024xf32, #tpu.memory_space<hbm>> -> memref<32x1024xf32, #tpu.memory_space<hbm>>
      tpu.wait_dma2 semaphore(%arg7 : memref<!tpu.dma_semaphore, #tpu.memory_space<semaphore_mem>>) src(%arg4 : memref<32x1024xf32, #tpu.memory_space<vmem>>) dst(%dma_wait3A_338 : memref<32x1024xf32, #tpu.memory_space<hbm>>)
      %dma_wait3A_339 = arith.constant 0 : i32
      %dma_wait3A_340 = arith.constant 0 : i32
      %dma_wait3A_341 = tpu.memref_slice %arg3[%add3A_146, %dma_wait3A_339, %dma_wait3A_340] : memref<960x64x1024xf32, #tpu.memory_space<hbm>> -> memref<1x32x1024xf32, #tpu.memory_space<hbm>>
      %dma_wait3A_342 = tpu.memref_squeeze %dma_wait3A_341 : memref<1x32x1024xf32, #tpu.memory_space<hbm>> -> memref<32x1024xf32, #tpu.memory_space<hbm>>
      %dma_wait3A_343 = arith.constant 0 : i32
      %dma_wait3A_344 = arith.constant 0 : i32
      %dma_wait3A_345 = tpu.memref_slice %arg3[%add3A_146, %dma_wait3A_343, %dma_wait3A_344] : memref<960x64x1024xf32, #tpu.memory_space<hbm>> -> memref<1x32x1024xf32, #tpu.memory_space<hbm>>
      %dma_wait3A_346 = tpu.memref_squeeze %dma_wait3A_345 : memref<1x32x1024xf32, #tpu.memory_space<hbm>> -> memref<32x1024xf32, #tpu.memory_space<hbm>>
      tpu.wait_dma2 semaphore(%arg7 : memref<!tpu.dma_semaphore, #tpu.memory_space<semaphore_mem>>) src(%arg4 : memref<32x1024xf32, #tpu.memory_space<vmem>>) dst(%dma_wait3A_346 : memref<32x1024xf32, #tpu.memory_space<hbm>>)
      %dma_wait3A_347 = arith.constant 0 : i32
      %dma_wait3A_348 = arith.constant 0 : i32
      %dma_wait3A_349 = tpu.memref_slice %arg3[%add3A_159, %dma_wait3A_347, %dma_wait3A_348] : memref<960x64x1024xf32, #tpu.memory_space<hbm>> -> memref<1x32x1024xf32, #tpu.memory_space<hbm>>
      %dma_wait3A_350 = tpu.memref_squeeze %dma_wait3A_349 : memref<1x32x1024xf32, #tpu.memory_space<hbm>> -> memref<32x1024xf32, #tpu.memory_space<hbm>>
      %dma_wait3A_351 = arith.constant 0 : i32
      %dma_wait3A_352 = arith.constant 0 : i32
      %dma_wait3A_353 = tpu.memref_slice %arg3[%add3A_159, %dma_wait3A_351, %dma_wait3A_352] : memref<960x64x1024xf32, #tpu.memory_space<hbm>> -> memref<1x32x1024xf32, #tpu.memory_space<hbm>>
      %dma_wait3A_354 = tpu.memref_squeeze %dma_wait3A_353 : memref<1x32x1024xf32, #tpu.memory_space<hbm>> -> memref<32x1024xf32, #tpu.memory_space<hbm>>
      tpu.wait_dma2 semaphore(%arg7 : memref<!tpu.dma_semaphore, #tpu.memory_space<semaphore_mem>>) src(%arg4 : memref<32x1024xf32, #tpu.memory_space<vmem>>) dst(%dma_wait3A_354 : memref<32x1024xf32, #tpu.memory_space<hbm>>)
      %dma_wait3A_355 = arith.constant 0 : i32
      %dma_wait3A_356 = arith.constant 0 : i32
      %dma_wait3A_357 = tpu.memref_slice %arg3[%add3A_172, %dma_wait3A_355, %dma_wait3A_356] : memref<960x64x1024xf32, #tpu.memory_space<hbm>> -> memref<1x32x1024xf32, #tpu.memory_space<hbm>>
      %dma_wait3A_358 = tpu.memref_squeeze %dma_wait3A_357 : memref<1x32x1024xf32, #tpu.memory_space<hbm>> -> memref<32x1024xf32, #tpu.memory_space<hbm>>
      %dma_wait3A_359 = arith.constant 0 : i32
      %dma_wait3A_360 = arith.constant 0 : i32
      %dma_wait3A_361 = tpu.memref_slice %arg3[%add3A_172, %dma_wait3A_359, %dma_wait3A_360] : memref<960x64x1024xf32, #tpu.memory_space<hbm>> -> memref<1x32x1024xf32, #tpu.memory_space<hbm>>
      %dma_wait3A_362 = tpu.memref_squeeze %dma_wait3A_361 : memref<1x32x1024xf32, #tpu.memory_space<hbm>> -> memref<32x1024xf32, #tpu.memory_space<hbm>>
      tpu.wait_dma2 semaphore(%arg7 : memref<!tpu.dma_semaphore, #tpu.memory_space<semaphore_mem>>) src(%arg4 : memref<32x1024xf32, #tpu.memory_space<vmem>>) dst(%dma_wait3A_362 : memref<32x1024xf32, #tpu.memory_space<hbm>>)
      %dma_wait3A_363 = arith.constant 0 : i32
      %dma_wait3A_364 = arith.constant 0 : i32
      %dma_wait3A_365 = tpu.memref_slice %arg3[%add3A_185, %dma_wait3A_363, %dma_wait3A_364] : memref<960x64x1024xf32, #tpu.memory_space<hbm>> -> memref<1x32x1024xf32, #tpu.memory_space<hbm>>
      %dma_wait3A_366 = tpu.memref_squeeze %dma_wait3A_365 : memref<1x32x1024xf32, #tpu.memory_space<hbm>> -> memref<32x1024xf32, #tpu.memory_space<hbm>>
      %dma_wait3A_367 = arith.constant 0 : i32
      %dma_wait3A_368 = arith.constant 0 : i32
      %dma_wait3A_369 = tpu.memref_slice %arg3[%add3A_185, %dma_wait3A_367, %dma_wait3A_368] : memref<960x64x1024xf32, #tpu.memory_space<hbm>> -> memref<1x32x1024xf32, #tpu.memory_space<hbm>>
      %dma_wait3A_370 = tpu.memref_squeeze %dma_wait3A_369 : memref<1x32x1024xf32, #tpu.memory_space<hbm>> -> memref<32x1024xf32, #tpu.memory_space<hbm>>
      tpu.wait_dma2 semaphore(%arg7 : memref<!tpu.dma_semaphore, #tpu.memory_space<semaphore_mem>>) src(%arg4 : memref<32x1024xf32, #tpu.memory_space<vmem>>) dst(%dma_wait3A_370 : memref<32x1024xf32, #tpu.memory_space<hbm>>)
      %dma_wait3A_371 = arith.constant 0 : i32
      %dma_wait3A_372 = arith.constant 0 : i32
      %dma_wait3A_373 = tpu.memref_slice %arg3[%add3A_198, %dma_wait3A_371, %dma_wait3A_372] : memref<960x64x1024xf32, #tpu.memory_space<hbm>> -> memref<1x32x1024xf32, #tpu.memory_space<hbm>>
      %dma_wait3A_374 = tpu.memref_squeeze %dma_wait3A_373 : memref<1x32x1024xf32, #tpu.memory_space<hbm>> -> memref<32x1024xf32, #tpu.memory_space<hbm>>
      %dma_wait3A_375 = arith.constant 0 : i32
      %dma_wait3A_376 = arith.constant 0 : i32
      %dma_wait3A_377 = tpu.memref_slice %arg3[%add3A_198, %dma_wait3A_375, %dma_wait3A_376] : memref<960x64x1024xf32, #tpu.memory_space<hbm>> -> memref<1x32x1024xf32, #tpu.memory_space<hbm>>
      %dma_wait3A_378 = tpu.memref_squeeze %dma_wait3A_377 : memref<1x32x1024xf32, #tpu.memory_space<hbm>> -> memref<32x1024xf32, #tpu.memory_space<hbm>>
      tpu.wait_dma2 semaphore(%arg7 : memref<!tpu.dma_semaphore, #tpu.memory_space<semaphore_mem>>) src(%arg4 : memref<32x1024xf32, #tpu.memory_space<vmem>>) dst(%dma_wait3A_378 : memref<32x1024xf32, #tpu.memory_space<hbm>>)
      %dma_wait3A_379 = arith.constant 0 : i32
      %dma_wait3A_380 = arith.constant 0 : i32
      %dma_wait3A_381 = tpu.memref_slice %arg3[%add3A_211, %dma_wait3A_379, %dma_wait3A_380] : memref<960x64x1024xf32, #tpu.memory_space<hbm>> -> memref<1x32x1024xf32, #tpu.memory_space<hbm>>
      %dma_wait3A_382 = tpu.memref_squeeze %dma_wait3A_381 : memref<1x32x1024xf32, #tpu.memory_space<hbm>> -> memref<32x1024xf32, #tpu.memory_space<hbm>>
      %dma_wait3A_383 = arith.constant 0 : i32
      %dma_wait3A_384 = arith.constant 0 : i32
      %dma_wait3A_385 = tpu.memref_slice %arg3[%add3A_211, %dma_wait3A_383, %dma_wait3A_384] : memref<960x64x1024xf32, #tpu.memory_space<hbm>> -> memref<1x32x1024xf32, #tpu.memory_space<hbm>>
      %dma_wait3A_386 = tpu.memref_squeeze %dma_wait3A_385 : memref<1x32x1024xf32, #tpu.memory_space<hbm>> -> memref<32x1024xf32, #tpu.memory_space<hbm>>
      tpu.wait_dma2 semaphore(%arg7 : memref<!tpu.dma_semaphore, #tpu.memory_space<semaphore_mem>>) src(%arg4 : memref<32x1024xf32, #tpu.memory_space<vmem>>) dst(%dma_wait3A_386 : memref<32x1024xf32, #tpu.memory_space<hbm>>)
      %dma_wait3A_387 = arith.constant 32 : i32
      %dma_wait3A_388 = arith.constant 0 : i32
      %dma_wait3A_389 = tpu.memref_slice %arg3[%add3A_224, %dma_wait3A_387, %dma_wait3A_388] : memref<960x64x1024xf32, #tpu.memory_space<hbm>> -> memref<1x32x1024xf32, #tpu.memory_space<hbm>>
      %dma_wait3A_390 = tpu.memref_squeeze %dma_wait3A_389 : memref<1x32x1024xf32, #tpu.memory_space<hbm>> -> memref<32x1024xf32, #tpu.memory_space<hbm>>
      %dma_wait3A_391 = arith.constant 32 : i32
      %dma_wait3A_392 = arith.constant 0 : i32
      %dma_wait3A_393 = tpu.memref_slice %arg3[%add3A_224, %dma_wait3A_391, %dma_wait3A_392] : memref<960x64x1024xf32, #tpu.memory_space<hbm>> -> memref<1x32x1024xf32, #tpu.memory_space<hbm>>
      %dma_wait3A_394 = tpu.memref_squeeze %dma_wait3A_393 : memref<1x32x1024xf32, #tpu.memory_space<hbm>> -> memref<32x1024xf32, #tpu.memory_space<hbm>>
      tpu.wait_dma2 semaphore(%arg8 : memref<!tpu.dma_semaphore, #tpu.memory_space<semaphore_mem>>) src(%arg5 : memref<32x1024xf32, #tpu.memory_space<vmem>>) dst(%dma_wait3A_394 : memref<32x1024xf32, #tpu.memory_space<hbm>>)
      %dma_wait3A_395 = arith.constant 32 : i32
      %dma_wait3A_396 = arith.constant 0 : i32
      %dma_wait3A_397 = tpu.memref_slice %arg3[%add3A_237, %dma_wait3A_395, %dma_wait3A_396] : memref<960x64x1024xf32, #tpu.memory_space<hbm>> -> memref<1x32x1024xf32, #tpu.memory_space<hbm>>
      %dma_wait3A_398 = tpu.memref_squeeze %dma_wait3A_397 : memref<1x32x1024xf32, #tpu.memory_space<hbm>> -> memref<32x1024xf32, #tpu.memory_space<hbm>>
      %dma_wait3A_399 = arith.constant 32 : i32
      %dma_wait3A_400 = arith.constant 0 : i32
      %dma_wait3A_401 = tpu.memref_slice %arg3[%add3A_237, %dma_wait3A_399, %dma_wait3A_400] : memref<960x64x1024xf32, #tpu.memory_space<hbm>> -> memref<1x32x1024xf32, #tpu.memory_space<hbm>>
      %dma_wait3A_402 = tpu.memref_squeeze %dma_wait3A_401 : memref<1x32x1024xf32, #tpu.memory_space<hbm>> -> memref<32x1024xf32, #tpu.memory_space<hbm>>
      tpu.wait_dma2 semaphore(%arg8 : memref<!tpu.dma_semaphore, #tpu.memory_space<semaphore_mem>>) src(%arg5 : memref<32x1024xf32, #tpu.memory_space<vmem>>) dst(%dma_wait3A_402 : memref<32x1024xf32, #tpu.memory_space<hbm>>)
      %dma_wait3A_403 = arith.constant 32 : i32
      %dma_wait3A_404 = arith.constant 0 : i32
      %dma_wait3A_405 = tpu.memref_slice %arg3[%add3A_250, %dma_wait3A_403, %dma_wait3A_404] : memref<960x64x1024xf32, #tpu.memory_space<hbm>> -> memref<1x32x1024xf32, #tpu.memory_space<hbm>>
      %dma_wait3A_406 = tpu.memref_squeeze %dma_wait3A_405 : memref<1x32x1024xf32, #tpu.memory_space<hbm>> -> memref<32x1024xf32, #tpu.memory_space<hbm>>
      %dma_wait3A_407 = arith.constant 32 : i32
      %dma_wait3A_408 = arith.constant 0 : i32
      %dma_wait3A_409 = tpu.memref_slice %arg3[%add3A_250, %dma_wait3A_407, %dma_wait3A_408] : memref<960x64x1024xf32, #tpu.memory_space<hbm>> -> memref<1x32x1024xf32, #tpu.memory_space<hbm>>
      %dma_wait3A_410 = tpu.memref_squeeze %dma_wait3A_409 : memref<1x32x1024xf32, #tpu.memory_space<hbm>> -> memref<32x1024xf32, #tpu.memory_space<hbm>>
      tpu.wait_dma2 semaphore(%arg8 : memref<!tpu.dma_semaphore, #tpu.memory_space<semaphore_mem>>) src(%arg5 : memref<32x1024xf32, #tpu.memory_space<vmem>>) dst(%dma_wait3A_410 : memref<32x1024xf32, #tpu.memory_space<hbm>>)
      %dma_wait3A_411 = arith.constant 32 : i32
      %dma_wait3A_412 = arith.constant 0 : i32
      %dma_wait3A_413 = tpu.memref_slice %arg3[%add3A_263, %dma_wait3A_411, %dma_wait3A_412] : memref<960x64x1024xf32, #tpu.memory_space<hbm>> -> memref<1x32x1024xf32, #tpu.memory_space<hbm>>
      %dma_wait3A_414 = tpu.memref_squeeze %dma_wait3A_413 : memref<1x32x1024xf32, #tpu.memory_space<hbm>> -> memref<32x1024xf32, #tpu.memory_space<hbm>>
      %dma_wait3A_415 = arith.constant 32 : i32
      %dma_wait3A_416 = arith.constant 0 : i32
      %dma_wait3A_417 = tpu.memref_slice %arg3[%add3A_263, %dma_wait3A_415, %dma_wait3A_416] : memref<960x64x1024xf32, #tpu.memory_space<hbm>> -> memref<1x32x1024xf32, #tpu.memory_space<hbm>>
      %dma_wait3A_418 = tpu.memref_squeeze %dma_wait3A_417 : memref<1x32x1024xf32, #tpu.memory_space<hbm>> -> memref<32x1024xf32, #tpu.memory_space<hbm>>
      tpu.wait_dma2 semaphore(%arg8 : memref<!tpu.dma_semaphore, #tpu.memory_space<semaphore_mem>>) src(%arg5 : memref<32x1024xf32, #tpu.memory_space<vmem>>) dst(%dma_wait3A_418 : memref<32x1024xf32, #tpu.memory_space<hbm>>)
      %dma_wait3A_419 = arith.constant 32 : i32
      %dma_wait3A_420 = arith.constant 0 : i32
      %dma_wait3A_421 = tpu.memref_slice %arg3[%add3A_276, %dma_wait3A_419, %dma_wait3A_420] : memref<960x64x1024xf32, #tpu.memory_space<hbm>> -> memref<1x32x1024xf32, #tpu.memory_space<hbm>>
      %dma_wait3A_422 = tpu.memref_squeeze %dma_wait3A_421 : memref<1x32x1024xf32, #tpu.memory_space<hbm>> -> memref<32x1024xf32, #tpu.memory_space<hbm>>
      %dma_wait3A_423 = arith.constant 32 : i32
      %dma_wait3A_424 = arith.constant 0 : i32
      %dma_wait3A_425 = tpu.memref_slice %arg3[%add3A_276, %dma_wait3A_423, %dma_wait3A_424] : memref<960x64x1024xf32, #tpu.memory_space<hbm>> -> memref<1x32x1024xf32, #tpu.memory_space<hbm>>
      %dma_wait3A_426 = tpu.memref_squeeze %dma_wait3A_425 : memref<1x32x1024xf32, #tpu.memory_space<hbm>> -> memref<32x1024xf32, #tpu.memory_space<hbm>>
      tpu.wait_dma2 semaphore(%arg8 : memref<!tpu.dma_semaphore, #tpu.memory_space<semaphore_mem>>) src(%arg5 : memref<32x1024xf32, #tpu.memory_space<vmem>>) dst(%dma_wait3A_426 : memref<32x1024xf32, #tpu.memory_space<hbm>>)
      %dma_wait3A_427 = arith.constant 32 : i32
      %dma_wait3A_428 = arith.constant 0 : i32
      %dma_wait3A_429 = tpu.memref_slice %arg3[%add3A_289, %dma_wait3A_427, %dma_wait3A_428] : memref<960x64x1024xf32, #tpu.memory_space<hbm>> -> memref<1x32x1024xf32, #tpu.memory_space<hbm>>
      %dma_wait3A_430 = tpu.memref_squeeze %dma_wait3A_429 : memref<1x32x1024xf32, #tpu.memory_space<hbm>> -> memref<32x1024xf32, #tpu.memory_space<hbm>>
      %dma_wait3A_431 = arith.constant 32 : i32
      %dma_wait3A_432 = arith.constant 0 : i32
      %dma_wait3A_433 = tpu.memref_slice %arg3[%add3A_289, %dma_wait3A_431, %dma_wait3A_432] : memref<960x64x1024xf32, #tpu.memory_space<hbm>> -> memref<1x32x1024xf32, #tpu.memory_space<hbm>>
      %dma_wait3A_434 = tpu.memref_squeeze %dma_wait3A_433 : memref<1x32x1024xf32, #tpu.memory_space<hbm>> -> memref<32x1024xf32, #tpu.memory_space<hbm>>
      tpu.wait_dma2 semaphore(%arg8 : memref<!tpu.dma_semaphore, #tpu.memory_space<semaphore_mem>>) src(%arg5 : memref<32x1024xf32, #tpu.memory_space<vmem>>) dst(%dma_wait3A_434 : memref<32x1024xf32, #tpu.memory_space<hbm>>)
      %dma_wait3A_435 = arith.constant 32 : i32
      %dma_wait3A_436 = arith.constant 0 : i32
      %dma_wait3A_437 = tpu.memref_slice %arg3[%add3A_302, %dma_wait3A_435, %dma_wait3A_436] : memref<960x64x1024xf32, #tpu.memory_space<hbm>> -> memref<1x32x1024xf32, #tpu.memory_space<hbm>>
      %dma_wait3A_438 = tpu.memref_squeeze %dma_wait3A_437 : memref<1x32x1024xf32, #tpu.memory_space<hbm>> -> memref<32x1024xf32, #tpu.memory_space<hbm>>
      %dma_wait3A_439 = arith.constant 32 : i32
      %dma_wait3A_440 = arith.constant 0 : i32
      %dma_wait3A_441 = tpu.memref_slice %arg3[%add3A_302, %dma_wait3A_439, %dma_wait3A_440] : memref<960x64x1024xf32, #tpu.memory_space<hbm>> -> memref<1x32x1024xf32, #tpu.memory_space<hbm>>
      %dma_wait3A_442 = tpu.memref_squeeze %dma_wait3A_441 : memref<1x32x1024xf32, #tpu.memory_space<hbm>> -> memref<32x1024xf32, #tpu.memory_space<hbm>>
      tpu.wait_dma2 semaphore(%arg8 : memref<!tpu.dma_semaphore, #tpu.memory_space<semaphore_mem>>) src(%arg5 : memref<32x1024xf32, #tpu.memory_space<vmem>>) dst(%dma_wait3A_442 : memref<32x1024xf32, #tpu.memory_space<hbm>>)
      %dma_wait3A_443 = arith.constant 32 : i32
      %dma_wait3A_444 = arith.constant 0 : i32
      %dma_wait3A_445 = tpu.memref_slice %arg3[%add3A_315, %dma_wait3A_443, %dma_wait3A_444] : memref<960x64x1024xf32, #tpu.memory_space<hbm>> -> memref<1x32x1024xf32, #tpu.memory_space<hbm>>
      %dma_wait3A_446 = tpu.memref_squeeze %dma_wait3A_445 : memref<1x32x1024xf32, #tpu.memory_space<hbm>> -> memref<32x1024xf32, #tpu.memory_space<hbm>>
      %dma_wait3A_447 = arith.constant 32 : i32
      %dma_wait3A_448 = arith.constant 0 : i32
      %dma_wait3A_449 = tpu.memref_slice %arg3[%add3A_315, %dma_wait3A_447, %dma_wait3A_448] : memref<960x64x1024xf32, #tpu.memory_space<hbm>> -> memref<1x32x1024xf32, #tpu.memory_space<hbm>>
      %dma_wait3A_450 = tpu.memref_squeeze %dma_wait3A_449 : memref<1x32x1024xf32, #tpu.memory_space<hbm>> -> memref<32x1024xf32, #tpu.memory_space<hbm>>
      tpu.wait_dma2 semaphore(%arg8 : memref<!tpu.dma_semaphore, #tpu.memory_space<semaphore_mem>>) src(%arg5 : memref<32x1024xf32, #tpu.memory_space<vmem>>) dst(%dma_wait3A_450 : memref<32x1024xf32, #tpu.memory_space<hbm>>)
    } else {
    }
    %ge3A_28 = arith.constant 80 : i32
    %ge3A_29 = arith.cmpi sge, %add3A_22, %ge3A_28 : i32
    %convert_element_type3A_30 = arith.extui %ge3A_29 : i1 to i32
    %cond3A_31 = arith.constant 0 : i32
    %cond3A_32 = arith.cmpi ne, %convert_element_type3A_30, %cond3A_31 : i32
    scf.if %cond3A_32 {
      %sub3A = arith.constant 80 : i32
      %sub3A_57 = arith.subi %add3A_22, %sub3A : i32
      %jit3A = arith.constant 4 : i32
      %div3A = arith.divsi %sub3A_57, %jit3A : i32
      %sign3A = arith.constant 0 : i32
      %sign3A_58 = arith.cmpi sgt, %sub3A_57, %sign3A : i32
      %sign3A_59 = arith.extui %sign3A_58 : i1 to i32
      %sign3A_60 = arith.constant 0 : i32
      %sign3A_61 = arith.cmpi slt, %sub3A_57, %sign3A_60 : i32
      %sign3A_62 = arith.extui %sign3A_61 : i1 to i32
      %sign3A_63 = arith.subi %sign3A_59, %sign3A_62 : i32
      %sign3A_64 = arith.constant 0 : i32
      %sign3A_65 = arith.cmpi sgt, %jit3A, %sign3A_64 : i32
      %sign3A_66 = arith.extui %sign3A_65 : i1 to i32
      %sign3A_67 = arith.constant 0 : i32
      %sign3A_68 = arith.cmpi slt, %jit3A, %sign3A_67 : i32
      %sign3A_69 = arith.extui %sign3A_68 : i1 to i32
      %sign3A_70 = arith.subi %sign3A_66, %sign3A_69 : i32
      %ne3A = arith.cmpi ne, %sign3A_63, %sign3A_70 : i32
      %rem3A = arith.remsi %sub3A_57, %jit3A : i32
      %ne3A_71 = arith.constant 0 : i32
      %ne3A_72 = arith.cmpi ne, %rem3A, %ne3A_71 : i32
      %and3A = arith.andi %ne3A, %ne3A_72 : i1
      %sub3A_73 = arith.constant 1 : i32
      %sub3A_74 = arith.subi %div3A, %sub3A_73 : i32
      %select_n3A = arith.select %and3A, %sub3A_74, %div3A : i32
      %jit3A_75 = arith.constant 4 : i32
      %eq3A = arith.constant 0 : i32
      %eq3A_76 = arith.cmpi eq, %jit3A_75, %eq3A : i32
      %jit3A_77 = arith.constant 1 : i32
      %select_n3A_78 = arith.select %eq3A_76, %jit3A_77, %jit3A_75 : i32
      %rem3A_79 = arith.remsi %sub3A_57, %select_n3A_78 : i32
      %ne3A_80 = arith.constant 0 : i32
      %ne3A_81 = arith.cmpi ne, %rem3A_79, %ne3A_80 : i32
      %lt3A_82 = arith.constant 0 : i32
      %lt3A_83 = arith.cmpi slt, %rem3A_79, %lt3A_82 : i32
      %lt3A_84 = arith.constant 0 : i32
      %lt3A_85 = arith.cmpi slt, %select_n3A_78, %lt3A_84 : i32
      %ne3A_86 = arith.xori %lt3A_83, %lt3A_85 : i1
      %and3A_87 = arith.andi %ne3A_86, %ne3A_81 : i1
      %add3A_88 = arith.addi %rem3A_79, %select_n3A_78 : i32
      %select_n3A_89 = arith.select %and3A_87, %add3A_88, %rem3A_79 : i32
      %lt3A_90 = arith.constant 2 : i32
      %lt3A_91 = arith.cmpi slt, %select_n3A_89, %lt3A_90 : i32
      %jit3A_92 = arith.constant 2 : i32
      %jit3A_93 = arith.constant 5 : i32
      %select_n3A_94 = arith.select %lt3A_91, %jit3A_92, %jit3A_93 : i32
      %lt3A_95 = arith.constant 2 : i32
      %lt3A_96 = arith.cmpi slt, %select_n3A_89, %lt3A_95 : i32
      %jit3A_97 = arith.constant 2 : i32
      %jit3A_98 = arith.constant 12 : i32
      %select_n3A_99 = arith.select %lt3A_96, %jit3A_97, %jit3A_98 : i32
      %jit3A_100 = arith.constant 2 : i32
      %eq3A_101 = arith.constant 0 : i32
      %eq3A_102 = arith.cmpi eq, %jit3A_100, %eq3A_101 : i32
      %jit3A_103 = arith.constant 1 : i32
      %select_n3A_104 = arith.select %eq3A_102, %jit3A_103, %jit3A_100 : i32
      %rem3A_105 = arith.remsi %select_n3A_89, %select_n3A_104 : i32
      %ne3A_106 = arith.constant 0 : i32
      %ne3A_107 = arith.cmpi ne, %rem3A_105, %ne3A_106 : i32
      %lt3A_108 = arith.constant 0 : i32
      %lt3A_109 = arith.cmpi slt, %rem3A_105, %lt3A_108 : i32
      %lt3A_110 = arith.constant 0 : i32
      %lt3A_111 = arith.cmpi slt, %select_n3A_104, %lt3A_110 : i32
      %ne3A_112 = arith.xori %lt3A_109, %lt3A_111 : i1
      %and3A_113 = arith.andi %ne3A_112, %ne3A_107 : i1
      %add3A_114 = arith.addi %rem3A_105, %select_n3A_104 : i32
      %select_n3A_115 = arith.select %and3A_113, %add3A_114, %rem3A_105 : i32
      %eq3A_116 = arith.constant 0 : i32
      %eq3A_117 = arith.cmpi eq, %select_n3A_115, %eq3A_116 : i32
      %jit3A_118 = arith.constant 0 : i32
      %jit3A_119 = arith.constant 4 : i32
      %select_n3A_120 = arith.select %eq3A_117, %jit3A_118, %jit3A_119 : i32
      %add3A_121 = arith.constant 0 : i32
      %add3A_122 = arith.addi %select_n3A_120, %add3A_121 : i32
      %mul3A_123 = arith.constant 20 : i32
      %mul3A_124 = arith.muli %select_n3A, %mul3A_123 : i32
      %add3A_125 = arith.addi %mul3A_124, %select_n3A_99 : i32
      %add3A_126 = arith.addi %add3A_125, %add3A_122 : i32
      %mul3A_127 = arith.constant 48 : i32
      %mul3A_128 = arith.muli %select_n3A, %mul3A_127 : i32
      %mul3A_129 = arith.constant 6 : i32
      %mul3A_130 = arith.muli %add3A_122, %mul3A_129 : i32
      %add3A_131 = arith.addi %mul3A_128, %mul3A_130 : i32
      %add3A_132 = arith.addi %add3A_131, %select_n3A_94 : i32
      "tpu.region"() ({
        %run_scoped3A = tpu.sem_alloc : memref<!tpu.dma_semaphore, #tpu.memory_space<semaphore_mem>>
        %dma_start3A_295 = arith.constant 0 : i32
        %dma_start3A_296 = arith.constant 0 : i32
        %dma_start3A_297 = tpu.memref_slice %arg2[%add3A_126, %dma_start3A_295, %dma_start3A_296] : memref<400x64x1024xf32, #tpu.memory_space<hbm>> -> memref<1x32x1024xf32, #tpu.memory_space<hbm>>
        %dma_start3A_298 = tpu.memref_squeeze %dma_start3A_297 : memref<1x32x1024xf32, #tpu.memory_space<hbm>> -> memref<32x1024xf32, #tpu.memory_space<hbm>>
        %dma_start3A_299 = arith.constant 0 : i32
        %dma_start3A_300 = arith.constant 0 : i32
        %dma_start3A_301 = tpu.memref_slice %arg2[%add3A_126, %dma_start3A_299, %dma_start3A_300] : memref<400x64x1024xf32, #tpu.memory_space<hbm>> -> memref<1x32x1024xf32, #tpu.memory_space<hbm>>
        %dma_start3A_302 = tpu.memref_squeeze %dma_start3A_301 : memref<1x32x1024xf32, #tpu.memory_space<hbm>> -> memref<32x1024xf32, #tpu.memory_space<hbm>>
        tpu.enqueue_dma source(%dma_start3A_302 : memref<32x1024xf32, #tpu.memory_space<hbm>>) target(%arg4 : memref<32x1024xf32, #tpu.memory_space<vmem>>) target_semaphore(%run_scoped3A : memref<!tpu.dma_semaphore, #tpu.memory_space<semaphore_mem>>)
        %dma_wait3A_303 = arith.constant 0 : i32
        %dma_wait3A_304 = arith.constant 0 : i32
        %dma_wait3A_305 = tpu.memref_slice %arg2[%add3A_126, %dma_wait3A_303, %dma_wait3A_304] : memref<400x64x1024xf32, #tpu.memory_space<hbm>> -> memref<1x32x1024xf32, #tpu.memory_space<hbm>>
        %dma_wait3A_306 = tpu.memref_squeeze %dma_wait3A_305 : memref<1x32x1024xf32, #tpu.memory_space<hbm>> -> memref<32x1024xf32, #tpu.memory_space<hbm>>
        %dma_wait3A_307 = arith.constant 0 : i32
        %dma_wait3A_308 = arith.constant 0 : i32
        %dma_wait3A_309 = tpu.memref_slice %arg2[%add3A_126, %dma_wait3A_307, %dma_wait3A_308] : memref<400x64x1024xf32, #tpu.memory_space<hbm>> -> memref<1x32x1024xf32, #tpu.memory_space<hbm>>
        %dma_wait3A_310 = tpu.memref_squeeze %dma_wait3A_309 : memref<1x32x1024xf32, #tpu.memory_space<hbm>> -> memref<32x1024xf32, #tpu.memory_space<hbm>>
        tpu.wait_dma2 semaphore(%run_scoped3A : memref<!tpu.dma_semaphore, #tpu.memory_space<semaphore_mem>>) src(%dma_wait3A_310 : memref<32x1024xf32, #tpu.memory_space<hbm>>) dst(%arg4 : memref<32x1024xf32, #tpu.memory_space<vmem>>)
        tpu.yield
      }) : () -> ()
      %dma_start3A = arith.constant 0 : i32
      %dma_start3A_133 = arith.constant 0 : i32
      %dma_start3A_134 = tpu.memref_slice %arg3[%add3A_132, %dma_start3A, %dma_start3A_133] : memref<960x64x1024xf32, #tpu.memory_space<hbm>> -> memref<1x32x1024xf32, #tpu.memory_space<hbm>>
      %dma_start3A_135 = tpu.memref_squeeze %dma_start3A_134 : memref<1x32x1024xf32, #tpu.memory_space<hbm>> -> memref<32x1024xf32, #tpu.memory_space<hbm>>
      %dma_start3A_136 = arith.constant 0 : i32
      %dma_start3A_137 = arith.constant 0 : i32
      %dma_start3A_138 = tpu.memref_slice %arg3[%add3A_132, %dma_start3A_136, %dma_start3A_137] : memref<960x64x1024xf32, #tpu.memory_space<hbm>> -> memref<1x32x1024xf32, #tpu.memory_space<hbm>>
      %dma_start3A_139 = tpu.memref_squeeze %dma_start3A_138 : memref<1x32x1024xf32, #tpu.memory_space<hbm>> -> memref<32x1024xf32, #tpu.memory_space<hbm>>
      tpu.enqueue_dma source(%arg4 : memref<32x1024xf32, #tpu.memory_space<vmem>>) target(%dma_start3A_139 : memref<32x1024xf32, #tpu.memory_space<hbm>>) target_semaphore(%arg7 : memref<!tpu.dma_semaphore, #tpu.memory_space<semaphore_mem>>)
      "tpu.region"() ({
        %run_scoped3A = tpu.sem_alloc : memref<!tpu.dma_semaphore, #tpu.memory_space<semaphore_mem>>
        %dma_start3A_295 = arith.constant 32 : i32
        %dma_start3A_296 = arith.constant 0 : i32
        %dma_start3A_297 = tpu.memref_slice %arg2[%add3A_126, %dma_start3A_295, %dma_start3A_296] : memref<400x64x1024xf32, #tpu.memory_space<hbm>> -> memref<1x32x1024xf32, #tpu.memory_space<hbm>>
        %dma_start3A_298 = tpu.memref_squeeze %dma_start3A_297 : memref<1x32x1024xf32, #tpu.memory_space<hbm>> -> memref<32x1024xf32, #tpu.memory_space<hbm>>
        %dma_start3A_299 = arith.constant 32 : i32
        %dma_start3A_300 = arith.constant 0 : i32
        %dma_start3A_301 = tpu.memref_slice %arg2[%add3A_126, %dma_start3A_299, %dma_start3A_300] : memref<400x64x1024xf32, #tpu.memory_space<hbm>> -> memref<1x32x1024xf32, #tpu.memory_space<hbm>>
        %dma_start3A_302 = tpu.memref_squeeze %dma_start3A_301 : memref<1x32x1024xf32, #tpu.memory_space<hbm>> -> memref<32x1024xf32, #tpu.memory_space<hbm>>
        tpu.enqueue_dma source(%dma_start3A_302 : memref<32x1024xf32, #tpu.memory_space<hbm>>) target(%arg5 : memref<32x1024xf32, #tpu.memory_space<vmem>>) target_semaphore(%run_scoped3A : memref<!tpu.dma_semaphore, #tpu.memory_space<semaphore_mem>>)
        %dma_wait3A_303 = arith.constant 32 : i32
        %dma_wait3A_304 = arith.constant 0 : i32
        %dma_wait3A_305 = tpu.memref_slice %arg2[%add3A_126, %dma_wait3A_303, %dma_wait3A_304] : memref<400x64x1024xf32, #tpu.memory_space<hbm>> -> memref<1x32x1024xf32, #tpu.memory_space<hbm>>
        %dma_wait3A_306 = tpu.memref_squeeze %dma_wait3A_305 : memref<1x32x1024xf32, #tpu.memory_space<hbm>> -> memref<32x1024xf32, #tpu.memory_space<hbm>>
        %dma_wait3A_307 = arith.constant 32 : i32
        %dma_wait3A_308 = arith.constant 0 : i32
        %dma_wait3A_309 = tpu.memref_slice %arg2[%add3A_126, %dma_wait3A_307, %dma_wait3A_308] : memref<400x64x1024xf32, #tpu.memory_space<hbm>> -> memref<1x32x1024xf32, #tpu.memory_space<hbm>>
        %dma_wait3A_310 = tpu.memref_squeeze %dma_wait3A_309 : memref<1x32x1024xf32, #tpu.memory_space<hbm>> -> memref<32x1024xf32, #tpu.memory_space<hbm>>
        tpu.wait_dma2 semaphore(%run_scoped3A : memref<!tpu.dma_semaphore, #tpu.memory_space<semaphore_mem>>) src(%dma_wait3A_310 : memref<32x1024xf32, #tpu.memory_space<hbm>>) dst(%arg5 : memref<32x1024xf32, #tpu.memory_space<vmem>>)
        tpu.yield
      }) : () -> ()
      %dma_start3A_140 = arith.constant 32 : i32
      %dma_start3A_141 = arith.constant 0 : i32
      %dma_start3A_142 = tpu.memref_slice %arg3[%add3A_132, %dma_start3A_140, %dma_start3A_141] : memref<960x64x1024xf32, #tpu.memory_space<hbm>> -> memref<1x32x1024xf32, #tpu.memory_space<hbm>>
      %dma_start3A_143 = tpu.memref_squeeze %dma_start3A_142 : memref<1x32x1024xf32, #tpu.memory_space<hbm>> -> memref<32x1024xf32, #tpu.memory_space<hbm>>
      %dma_start3A_144 = arith.constant 32 : i32
      %dma_start3A_145 = arith.constant 0 : i32
      %dma_start3A_146 = tpu.memref_slice %arg3[%add3A_132, %dma_start3A_144, %dma_start3A_145] : memref<960x64x1024xf32, #tpu.memory_space<hbm>> -> memref<1x32x1024xf32, #tpu.memory_space<hbm>>
      %dma_start3A_147 = tpu.memref_squeeze %dma_start3A_146 : memref<1x32x1024xf32, #tpu.memory_space<hbm>> -> memref<32x1024xf32, #tpu.memory_space<hbm>>
      tpu.enqueue_dma source(%arg5 : memref<32x1024xf32, #tpu.memory_space<vmem>>) target(%dma_start3A_147 : memref<32x1024xf32, #tpu.memory_space<hbm>>) target_semaphore(%arg8 : memref<!tpu.dma_semaphore, #tpu.memory_space<semaphore_mem>>)
      %add3A_148 = arith.constant 1 : i32
      %add3A_149 = arith.addi %select_n3A_120, %add3A_148 : i32
      %mul3A_150 = arith.constant 20 : i32
      %mul3A_151 = arith.muli %select_n3A, %mul3A_150 : i32
      %add3A_152 = arith.addi %mul3A_151, %select_n3A_99 : i32
      %add3A_153 = arith.addi %add3A_152, %add3A_149 : i32
      %mul3A_154 = arith.constant 48 : i32
      %mul3A_155 = arith.muli %select_n3A, %mul3A_154 : i32
      %mul3A_156 = arith.constant 6 : i32
      %mul3A_157 = arith.muli %add3A_149, %mul3A_156 : i32
      %add3A_158 = arith.addi %mul3A_155, %mul3A_157 : i32
      %add3A_159 = arith.addi %add3A_158, %select_n3A_94 : i32
      "tpu.region"() ({
        %run_scoped3A = tpu.sem_alloc : memref<!tpu.dma_semaphore, #tpu.memory_space<semaphore_mem>>
        %dma_start3A_295 = arith.constant 0 : i32
        %dma_start3A_296 = arith.constant 0 : i32
        %dma_start3A_297 = tpu.memref_slice %arg2[%add3A_153, %dma_start3A_295, %dma_start3A_296] : memref<400x64x1024xf32, #tpu.memory_space<hbm>> -> memref<1x32x1024xf32, #tpu.memory_space<hbm>>
        %dma_start3A_298 = tpu.memref_squeeze %dma_start3A_297 : memref<1x32x1024xf32, #tpu.memory_space<hbm>> -> memref<32x1024xf32, #tpu.memory_space<hbm>>
        %dma_start3A_299 = arith.constant 0 : i32
        %dma_start3A_300 = arith.constant 0 : i32
        %dma_start3A_301 = tpu.memref_slice %arg2[%add3A_153, %dma_start3A_299, %dma_start3A_300] : memref<400x64x1024xf32, #tpu.memory_space<hbm>> -> memref<1x32x1024xf32, #tpu.memory_space<hbm>>
        %dma_start3A_302 = tpu.memref_squeeze %dma_start3A_301 : memref<1x32x1024xf32, #tpu.memory_space<hbm>> -> memref<32x1024xf32, #tpu.memory_space<hbm>>
        tpu.enqueue_dma source(%dma_start3A_302 : memref<32x1024xf32, #tpu.memory_space<hbm>>) target(%arg6 : memref<32x1024xf32, #tpu.memory_space<vmem>>) target_semaphore(%run_scoped3A : memref<!tpu.dma_semaphore, #tpu.memory_space<semaphore_mem>>)
        %dma_wait3A_303 = arith.constant 0 : i32
        %dma_wait3A_304 = arith.constant 0 : i32
        %dma_wait3A_305 = tpu.memref_slice %arg2[%add3A_153, %dma_wait3A_303, %dma_wait3A_304] : memref<400x64x1024xf32, #tpu.memory_space<hbm>> -> memref<1x32x1024xf32, #tpu.memory_space<hbm>>
        %dma_wait3A_306 = tpu.memref_squeeze %dma_wait3A_305 : memref<1x32x1024xf32, #tpu.memory_space<hbm>> -> memref<32x1024xf32, #tpu.memory_space<hbm>>
        %dma_wait3A_307 = arith.constant 0 : i32
        %dma_wait3A_308 = arith.constant 0 : i32
        %dma_wait3A_309 = tpu.memref_slice %arg2[%add3A_153, %dma_wait3A_307, %dma_wait3A_308] : memref<400x64x1024xf32, #tpu.memory_space<hbm>> -> memref<1x32x1024xf32, #tpu.memory_space<hbm>>
        %dma_wait3A_310 = tpu.memref_squeeze %dma_wait3A_309 : memref<1x32x1024xf32, #tpu.memory_space<hbm>> -> memref<32x1024xf32, #tpu.memory_space<hbm>>
        tpu.wait_dma2 semaphore(%run_scoped3A : memref<!tpu.dma_semaphore, #tpu.memory_space<semaphore_mem>>) src(%dma_wait3A_310 : memref<32x1024xf32, #tpu.memory_space<hbm>>) dst(%arg6 : memref<32x1024xf32, #tpu.memory_space<vmem>>)
        tpu.yield
      }) : () -> ()
      %dma_start3A_160 = arith.constant 0 : i32
      %dma_start3A_161 = arith.constant 0 : i32
      %dma_start3A_162 = tpu.memref_slice %arg3[%add3A_159, %dma_start3A_160, %dma_start3A_161] : memref<960x64x1024xf32, #tpu.memory_space<hbm>> -> memref<1x32x1024xf32, #tpu.memory_space<hbm>>
      %dma_start3A_163 = tpu.memref_squeeze %dma_start3A_162 : memref<1x32x1024xf32, #tpu.memory_space<hbm>> -> memref<32x1024xf32, #tpu.memory_space<hbm>>
      %dma_start3A_164 = arith.constant 0 : i32
      %dma_start3A_165 = arith.constant 0 : i32
      %dma_start3A_166 = tpu.memref_slice %arg3[%add3A_159, %dma_start3A_164, %dma_start3A_165] : memref<960x64x1024xf32, #tpu.memory_space<hbm>> -> memref<1x32x1024xf32, #tpu.memory_space<hbm>>
      %dma_start3A_167 = tpu.memref_squeeze %dma_start3A_166 : memref<1x32x1024xf32, #tpu.memory_space<hbm>> -> memref<32x1024xf32, #tpu.memory_space<hbm>>
      tpu.enqueue_dma source(%arg6 : memref<32x1024xf32, #tpu.memory_space<vmem>>) target(%dma_start3A_167 : memref<32x1024xf32, #tpu.memory_space<hbm>>) target_semaphore(%arg9 : memref<!tpu.dma_semaphore, #tpu.memory_space<semaphore_mem>>)
      %dma_wait3A = arith.constant 0 : i32
      %dma_wait3A_168 = arith.constant 0 : i32
      %dma_wait3A_169 = tpu.memref_slice %arg3[%add3A_132, %dma_wait3A, %dma_wait3A_168] : memref<960x64x1024xf32, #tpu.memory_space<hbm>> -> memref<1x32x1024xf32, #tpu.memory_space<hbm>>
      %dma_wait3A_170 = tpu.memref_squeeze %dma_wait3A_169 : memref<1x32x1024xf32, #tpu.memory_space<hbm>> -> memref<32x1024xf32, #tpu.memory_space<hbm>>
      %dma_wait3A_171 = arith.constant 0 : i32
      %dma_wait3A_172 = arith.constant 0 : i32
      %dma_wait3A_173 = tpu.memref_slice %arg3[%add3A_132, %dma_wait3A_171, %dma_wait3A_172] : memref<960x64x1024xf32, #tpu.memory_space<hbm>> -> memref<1x32x1024xf32, #tpu.memory_space<hbm>>
      %dma_wait3A_174 = tpu.memref_squeeze %dma_wait3A_173 : memref<1x32x1024xf32, #tpu.memory_space<hbm>> -> memref<32x1024xf32, #tpu.memory_space<hbm>>
      tpu.wait_dma2 semaphore(%arg7 : memref<!tpu.dma_semaphore, #tpu.memory_space<semaphore_mem>>) src(%arg4 : memref<32x1024xf32, #tpu.memory_space<vmem>>) dst(%dma_wait3A_174 : memref<32x1024xf32, #tpu.memory_space<hbm>>)
      "tpu.region"() ({
        %run_scoped3A = tpu.sem_alloc : memref<!tpu.dma_semaphore, #tpu.memory_space<semaphore_mem>>
        %dma_start3A_295 = arith.constant 32 : i32
        %dma_start3A_296 = arith.constant 0 : i32
        %dma_start3A_297 = tpu.memref_slice %arg2[%add3A_153, %dma_start3A_295, %dma_start3A_296] : memref<400x64x1024xf32, #tpu.memory_space<hbm>> -> memref<1x32x1024xf32, #tpu.memory_space<hbm>>
        %dma_start3A_298 = tpu.memref_squeeze %dma_start3A_297 : memref<1x32x1024xf32, #tpu.memory_space<hbm>> -> memref<32x1024xf32, #tpu.memory_space<hbm>>
        %dma_start3A_299 = arith.constant 32 : i32
        %dma_start3A_300 = arith.constant 0 : i32
        %dma_start3A_301 = tpu.memref_slice %arg2[%add3A_153, %dma_start3A_299, %dma_start3A_300] : memref<400x64x1024xf32, #tpu.memory_space<hbm>> -> memref<1x32x1024xf32, #tpu.memory_space<hbm>>
        %dma_start3A_302 = tpu.memref_squeeze %dma_start3A_301 : memref<1x32x1024xf32, #tpu.memory_space<hbm>> -> memref<32x1024xf32, #tpu.memory_space<hbm>>
        tpu.enqueue_dma source(%dma_start3A_302 : memref<32x1024xf32, #tpu.memory_space<hbm>>) target(%arg4 : memref<32x1024xf32, #tpu.memory_space<vmem>>) target_semaphore(%run_scoped3A : memref<!tpu.dma_semaphore, #tpu.memory_space<semaphore_mem>>)
        %dma_wait3A_303 = arith.constant 32 : i32
        %dma_wait3A_304 = arith.constant 0 : i32
        %dma_wait3A_305 = tpu.memref_slice %arg2[%add3A_153, %dma_wait3A_303, %dma_wait3A_304] : memref<400x64x1024xf32, #tpu.memory_space<hbm>> -> memref<1x32x1024xf32, #tpu.memory_space<hbm>>
        %dma_wait3A_306 = tpu.memref_squeeze %dma_wait3A_305 : memref<1x32x1024xf32, #tpu.memory_space<hbm>> -> memref<32x1024xf32, #tpu.memory_space<hbm>>
        %dma_wait3A_307 = arith.constant 32 : i32
        %dma_wait3A_308 = arith.constant 0 : i32
        %dma_wait3A_309 = tpu.memref_slice %arg2[%add3A_153, %dma_wait3A_307, %dma_wait3A_308] : memref<400x64x1024xf32, #tpu.memory_space<hbm>> -> memref<1x32x1024xf32, #tpu.memory_space<hbm>>
        %dma_wait3A_310 = tpu.memref_squeeze %dma_wait3A_309 : memref<1x32x1024xf32, #tpu.memory_space<hbm>> -> memref<32x1024xf32, #tpu.memory_space<hbm>>
        tpu.wait_dma2 semaphore(%run_scoped3A : memref<!tpu.dma_semaphore, #tpu.memory_space<semaphore_mem>>) src(%dma_wait3A_310 : memref<32x1024xf32, #tpu.memory_space<hbm>>) dst(%arg4 : memref<32x1024xf32, #tpu.memory_space<vmem>>)
        tpu.yield
      }) : () -> ()
      %dma_start3A_175 = arith.constant 32 : i32
      %dma_start3A_176 = arith.constant 0 : i32
      %dma_start3A_177 = tpu.memref_slice %arg3[%add3A_159, %dma_start3A_175, %dma_start3A_176] : memref<960x64x1024xf32, #tpu.memory_space<hbm>> -> memref<1x32x1024xf32, #tpu.memory_space<hbm>>
      %dma_start3A_178 = tpu.memref_squeeze %dma_start3A_177 : memref<1x32x1024xf32, #tpu.memory_space<hbm>> -> memref<32x1024xf32, #tpu.memory_space<hbm>>
      %dma_start3A_179 = arith.constant 32 : i32
      %dma_start3A_180 = arith.constant 0 : i32
      %dma_start3A_181 = tpu.memref_slice %arg3[%add3A_159, %dma_start3A_179, %dma_start3A_180] : memref<960x64x1024xf32, #tpu.memory_space<hbm>> -> memref<1x32x1024xf32, #tpu.memory_space<hbm>>
      %dma_start3A_182 = tpu.memref_squeeze %dma_start3A_181 : memref<1x32x1024xf32, #tpu.memory_space<hbm>> -> memref<32x1024xf32, #tpu.memory_space<hbm>>
      tpu.enqueue_dma source(%arg4 : memref<32x1024xf32, #tpu.memory_space<vmem>>) target(%dma_start3A_182 : memref<32x1024xf32, #tpu.memory_space<hbm>>) target_semaphore(%arg7 : memref<!tpu.dma_semaphore, #tpu.memory_space<semaphore_mem>>)
      %add3A_183 = arith.constant 2 : i32
      %add3A_184 = arith.addi %select_n3A_120, %add3A_183 : i32
      %mul3A_185 = arith.constant 20 : i32
      %mul3A_186 = arith.muli %select_n3A, %mul3A_185 : i32
      %add3A_187 = arith.addi %mul3A_186, %select_n3A_99 : i32
      %add3A_188 = arith.addi %add3A_187, %add3A_184 : i32
      %mul3A_189 = arith.constant 48 : i32
      %mul3A_190 = arith.muli %select_n3A, %mul3A_189 : i32
      %mul3A_191 = arith.constant 6 : i32
      %mul3A_192 = arith.muli %add3A_184, %mul3A_191 : i32
      %add3A_193 = arith.addi %mul3A_190, %mul3A_192 : i32
      %add3A_194 = arith.addi %add3A_193, %select_n3A_94 : i32
      %dma_wait3A_195 = arith.constant 32 : i32
      %dma_wait3A_196 = arith.constant 0 : i32
      %dma_wait3A_197 = tpu.memref_slice %arg3[%add3A_132, %dma_wait3A_195, %dma_wait3A_196] : memref<960x64x1024xf32, #tpu.memory_space<hbm>> -> memref<1x32x1024xf32, #tpu.memory_space<hbm>>
      %dma_wait3A_198 = tpu.memref_squeeze %dma_wait3A_197 : memref<1x32x1024xf32, #tpu.memory_space<hbm>> -> memref<32x1024xf32, #tpu.memory_space<hbm>>
      %dma_wait3A_199 = arith.constant 32 : i32
      %dma_wait3A_200 = arith.constant 0 : i32
      %dma_wait3A_201 = tpu.memref_slice %arg3[%add3A_132, %dma_wait3A_199, %dma_wait3A_200] : memref<960x64x1024xf32, #tpu.memory_space<hbm>> -> memref<1x32x1024xf32, #tpu.memory_space<hbm>>
      %dma_wait3A_202 = tpu.memref_squeeze %dma_wait3A_201 : memref<1x32x1024xf32, #tpu.memory_space<hbm>> -> memref<32x1024xf32, #tpu.memory_space<hbm>>
      tpu.wait_dma2 semaphore(%arg8 : memref<!tpu.dma_semaphore, #tpu.memory_space<semaphore_mem>>) src(%arg5 : memref<32x1024xf32, #tpu.memory_space<vmem>>) dst(%dma_wait3A_202 : memref<32x1024xf32, #tpu.memory_space<hbm>>)
      "tpu.region"() ({
        %run_scoped3A = tpu.sem_alloc : memref<!tpu.dma_semaphore, #tpu.memory_space<semaphore_mem>>
        %dma_start3A_295 = arith.constant 0 : i32
        %dma_start3A_296 = arith.constant 0 : i32
        %dma_start3A_297 = tpu.memref_slice %arg2[%add3A_188, %dma_start3A_295, %dma_start3A_296] : memref<400x64x1024xf32, #tpu.memory_space<hbm>> -> memref<1x32x1024xf32, #tpu.memory_space<hbm>>
        %dma_start3A_298 = tpu.memref_squeeze %dma_start3A_297 : memref<1x32x1024xf32, #tpu.memory_space<hbm>> -> memref<32x1024xf32, #tpu.memory_space<hbm>>
        %dma_start3A_299 = arith.constant 0 : i32
        %dma_start3A_300 = arith.constant 0 : i32
        %dma_start3A_301 = tpu.memref_slice %arg2[%add3A_188, %dma_start3A_299, %dma_start3A_300] : memref<400x64x1024xf32, #tpu.memory_space<hbm>> -> memref<1x32x1024xf32, #tpu.memory_space<hbm>>
        %dma_start3A_302 = tpu.memref_squeeze %dma_start3A_301 : memref<1x32x1024xf32, #tpu.memory_space<hbm>> -> memref<32x1024xf32, #tpu.memory_space<hbm>>
        tpu.enqueue_dma source(%dma_start3A_302 : memref<32x1024xf32, #tpu.memory_space<hbm>>) target(%arg5 : memref<32x1024xf32, #tpu.memory_space<vmem>>) target_semaphore(%run_scoped3A : memref<!tpu.dma_semaphore, #tpu.memory_space<semaphore_mem>>)
        %dma_wait3A_303 = arith.constant 0 : i32
        %dma_wait3A_304 = arith.constant 0 : i32
        %dma_wait3A_305 = tpu.memref_slice %arg2[%add3A_188, %dma_wait3A_303, %dma_wait3A_304] : memref<400x64x1024xf32, #tpu.memory_space<hbm>> -> memref<1x32x1024xf32, #tpu.memory_space<hbm>>
        %dma_wait3A_306 = tpu.memref_squeeze %dma_wait3A_305 : memref<1x32x1024xf32, #tpu.memory_space<hbm>> -> memref<32x1024xf32, #tpu.memory_space<hbm>>
        %dma_wait3A_307 = arith.constant 0 : i32
        %dma_wait3A_308 = arith.constant 0 : i32
        %dma_wait3A_309 = tpu.memref_slice %arg2[%add3A_188, %dma_wait3A_307, %dma_wait3A_308] : memref<400x64x1024xf32, #tpu.memory_space<hbm>> -> memref<1x32x1024xf32, #tpu.memory_space<hbm>>
        %dma_wait3A_310 = tpu.memref_squeeze %dma_wait3A_309 : memref<1x32x1024xf32, #tpu.memory_space<hbm>> -> memref<32x1024xf32, #tpu.memory_space<hbm>>
        tpu.wait_dma2 semaphore(%run_scoped3A : memref<!tpu.dma_semaphore, #tpu.memory_space<semaphore_mem>>) src(%dma_wait3A_310 : memref<32x1024xf32, #tpu.memory_space<hbm>>) dst(%arg5 : memref<32x1024xf32, #tpu.memory_space<vmem>>)
        tpu.yield
      }) : () -> ()
      %dma_start3A_203 = arith.constant 0 : i32
      %dma_start3A_204 = arith.constant 0 : i32
      %dma_start3A_205 = tpu.memref_slice %arg3[%add3A_194, %dma_start3A_203, %dma_start3A_204] : memref<960x64x1024xf32, #tpu.memory_space<hbm>> -> memref<1x32x1024xf32, #tpu.memory_space<hbm>>
      %dma_start3A_206 = tpu.memref_squeeze %dma_start3A_205 : memref<1x32x1024xf32, #tpu.memory_space<hbm>> -> memref<32x1024xf32, #tpu.memory_space<hbm>>
      %dma_start3A_207 = arith.constant 0 : i32
      %dma_start3A_208 = arith.constant 0 : i32
      %dma_start3A_209 = tpu.memref_slice %arg3[%add3A_194, %dma_start3A_207, %dma_start3A_208] : memref<960x64x1024xf32, #tpu.memory_space<hbm>> -> memref<1x32x1024xf32, #tpu.memory_space<hbm>>
      %dma_start3A_210 = tpu.memref_squeeze %dma_start3A_209 : memref<1x32x1024xf32, #tpu.memory_space<hbm>> -> memref<32x1024xf32, #tpu.memory_space<hbm>>
      tpu.enqueue_dma source(%arg5 : memref<32x1024xf32, #tpu.memory_space<vmem>>) target(%dma_start3A_210 : memref<32x1024xf32, #tpu.memory_space<hbm>>) target_semaphore(%arg8 : memref<!tpu.dma_semaphore, #tpu.memory_space<semaphore_mem>>)
      %dma_wait3A_211 = arith.constant 0 : i32
      %dma_wait3A_212 = arith.constant 0 : i32
      %dma_wait3A_213 = tpu.memref_slice %arg3[%add3A_159, %dma_wait3A_211, %dma_wait3A_212] : memref<960x64x1024xf32, #tpu.memory_space<hbm>> -> memref<1x32x1024xf32, #tpu.memory_space<hbm>>
      %dma_wait3A_214 = tpu.memref_squeeze %dma_wait3A_213 : memref<1x32x1024xf32, #tpu.memory_space<hbm>> -> memref<32x1024xf32, #tpu.memory_space<hbm>>
      %dma_wait3A_215 = arith.constant 0 : i32
      %dma_wait3A_216 = arith.constant 0 : i32
      %dma_wait3A_217 = tpu.memref_slice %arg3[%add3A_159, %dma_wait3A_215, %dma_wait3A_216] : memref<960x64x1024xf32, #tpu.memory_space<hbm>> -> memref<1x32x1024xf32, #tpu.memory_space<hbm>>
      %dma_wait3A_218 = tpu.memref_squeeze %dma_wait3A_217 : memref<1x32x1024xf32, #tpu.memory_space<hbm>> -> memref<32x1024xf32, #tpu.memory_space<hbm>>
      tpu.wait_dma2 semaphore(%arg9 : memref<!tpu.dma_semaphore, #tpu.memory_space<semaphore_mem>>) src(%arg6 : memref<32x1024xf32, #tpu.memory_space<vmem>>) dst(%dma_wait3A_218 : memref<32x1024xf32, #tpu.memory_space<hbm>>)
      "tpu.region"() ({
        %run_scoped3A = tpu.sem_alloc : memref<!tpu.dma_semaphore, #tpu.memory_space<semaphore_mem>>
        %dma_start3A_295 = arith.constant 32 : i32
        %dma_start3A_296 = arith.constant 0 : i32
        %dma_start3A_297 = tpu.memref_slice %arg2[%add3A_188, %dma_start3A_295, %dma_start3A_296] : memref<400x64x1024xf32, #tpu.memory_space<hbm>> -> memref<1x32x1024xf32, #tpu.memory_space<hbm>>
        %dma_start3A_298 = tpu.memref_squeeze %dma_start3A_297 : memref<1x32x1024xf32, #tpu.memory_space<hbm>> -> memref<32x1024xf32, #tpu.memory_space<hbm>>
        %dma_start3A_299 = arith.constant 32 : i32
        %dma_start3A_300 = arith.constant 0 : i32
        %dma_start3A_301 = tpu.memref_slice %arg2[%add3A_188, %dma_start3A_299, %dma_start3A_300] : memref<400x64x1024xf32, #tpu.memory_space<hbm>> -> memref<1x32x1024xf32, #tpu.memory_space<hbm>>
        %dma_start3A_302 = tpu.memref_squeeze %dma_start3A_301 : memref<1x32x1024xf32, #tpu.memory_space<hbm>> -> memref<32x1024xf32, #tpu.memory_space<hbm>>
        tpu.enqueue_dma source(%dma_start3A_302 : memref<32x1024xf32, #tpu.memory_space<hbm>>) target(%arg6 : memref<32x1024xf32, #tpu.memory_space<vmem>>) target_semaphore(%run_scoped3A : memref<!tpu.dma_semaphore, #tpu.memory_space<semaphore_mem>>)
        %dma_wait3A_303 = arith.constant 32 : i32
        %dma_wait3A_304 = arith.constant 0 : i32
        %dma_wait3A_305 = tpu.memref_slice %arg2[%add3A_188, %dma_wait3A_303, %dma_wait3A_304] : memref<400x64x1024xf32, #tpu.memory_space<hbm>> -> memref<1x32x1024xf32, #tpu.memory_space<hbm>>
        %dma_wait3A_306 = tpu.memref_squeeze %dma_wait3A_305 : memref<1x32x1024xf32, #tpu.memory_space<hbm>> -> memref<32x1024xf32, #tpu.memory_space<hbm>>
        %dma_wait3A_307 = arith.constant 32 : i32
        %dma_wait3A_308 = arith.constant 0 : i32
        %dma_wait3A_309 = tpu.memref_slice %arg2[%add3A_188, %dma_wait3A_307, %dma_wait3A_308] : memref<400x64x1024xf32, #tpu.memory_space<hbm>> -> memref<1x32x1024xf32, #tpu.memory_space<hbm>>
        %dma_wait3A_310 = tpu.memref_squeeze %dma_wait3A_309 : memref<1x32x1024xf32, #tpu.memory_space<hbm>> -> memref<32x1024xf32, #tpu.memory_space<hbm>>
        tpu.wait_dma2 semaphore(%run_scoped3A : memref<!tpu.dma_semaphore, #tpu.memory_space<semaphore_mem>>) src(%dma_wait3A_310 : memref<32x1024xf32, #tpu.memory_space<hbm>>) dst(%arg6 : memref<32x1024xf32, #tpu.memory_space<vmem>>)
        tpu.yield
      }) : () -> ()
      %dma_start3A_219 = arith.constant 32 : i32
      %dma_start3A_220 = arith.constant 0 : i32
      %dma_start3A_221 = tpu.memref_slice %arg3[%add3A_194, %dma_start3A_219, %dma_start3A_220] : memref<960x64x1024xf32, #tpu.memory_space<hbm>> -> memref<1x32x1024xf32, #tpu.memory_space<hbm>>
      %dma_start3A_222 = tpu.memref_squeeze %dma_start3A_221 : memref<1x32x1024xf32, #tpu.memory_space<hbm>> -> memref<32x1024xf32, #tpu.memory_space<hbm>>
      %dma_start3A_223 = arith.constant 32 : i32
      %dma_start3A_224 = arith.constant 0 : i32
      %dma_start3A_225 = tpu.memref_slice %arg3[%add3A_194, %dma_start3A_223, %dma_start3A_224] : memref<960x64x1024xf32, #tpu.memory_space<hbm>> -> memref<1x32x1024xf32, #tpu.memory_space<hbm>>
      %dma_start3A_226 = tpu.memref_squeeze %dma_start3A_225 : memref<1x32x1024xf32, #tpu.memory_space<hbm>> -> memref<32x1024xf32, #tpu.memory_space<hbm>>
      tpu.enqueue_dma source(%arg6 : memref<32x1024xf32, #tpu.memory_space<vmem>>) target(%dma_start3A_226 : memref<32x1024xf32, #tpu.memory_space<hbm>>) target_semaphore(%arg9 : memref<!tpu.dma_semaphore, #tpu.memory_space<semaphore_mem>>)
      %add3A_227 = arith.constant 3 : i32
      %add3A_228 = arith.addi %select_n3A_120, %add3A_227 : i32
      %mul3A_229 = arith.constant 20 : i32
      %mul3A_230 = arith.muli %select_n3A, %mul3A_229 : i32
      %add3A_231 = arith.addi %mul3A_230, %select_n3A_99 : i32
      %add3A_232 = arith.addi %add3A_231, %add3A_228 : i32
      %mul3A_233 = arith.constant 48 : i32
      %mul3A_234 = arith.muli %select_n3A, %mul3A_233 : i32
      %mul3A_235 = arith.constant 6 : i32
      %mul3A_236 = arith.muli %add3A_228, %mul3A_235 : i32
      %add3A_237 = arith.addi %mul3A_234, %mul3A_236 : i32
      %add3A_238 = arith.addi %add3A_237, %select_n3A_94 : i32
      %dma_wait3A_239 = arith.constant 32 : i32
      %dma_wait3A_240 = arith.constant 0 : i32
      %dma_wait3A_241 = tpu.memref_slice %arg3[%add3A_159, %dma_wait3A_239, %dma_wait3A_240] : memref<960x64x1024xf32, #tpu.memory_space<hbm>> -> memref<1x32x1024xf32, #tpu.memory_space<hbm>>
      %dma_wait3A_242 = tpu.memref_squeeze %dma_wait3A_241 : memref<1x32x1024xf32, #tpu.memory_space<hbm>> -> memref<32x1024xf32, #tpu.memory_space<hbm>>
      %dma_wait3A_243 = arith.constant 32 : i32
      %dma_wait3A_244 = arith.constant 0 : i32
      %dma_wait3A_245 = tpu.memref_slice %arg3[%add3A_159, %dma_wait3A_243, %dma_wait3A_244] : memref<960x64x1024xf32, #tpu.memory_space<hbm>> -> memref<1x32x1024xf32, #tpu.memory_space<hbm>>
      %dma_wait3A_246 = tpu.memref_squeeze %dma_wait3A_245 : memref<1x32x1024xf32, #tpu.memory_space<hbm>> -> memref<32x1024xf32, #tpu.memory_space<hbm>>
      tpu.wait_dma2 semaphore(%arg7 : memref<!tpu.dma_semaphore, #tpu.memory_space<semaphore_mem>>) src(%arg4 : memref<32x1024xf32, #tpu.memory_space<vmem>>) dst(%dma_wait3A_246 : memref<32x1024xf32, #tpu.memory_space<hbm>>)
      "tpu.region"() ({
        %run_scoped3A = tpu.sem_alloc : memref<!tpu.dma_semaphore, #tpu.memory_space<semaphore_mem>>
        %dma_start3A_295 = arith.constant 0 : i32
        %dma_start3A_296 = arith.constant 0 : i32
        %dma_start3A_297 = tpu.memref_slice %arg2[%add3A_232, %dma_start3A_295, %dma_start3A_296] : memref<400x64x1024xf32, #tpu.memory_space<hbm>> -> memref<1x32x1024xf32, #tpu.memory_space<hbm>>
        %dma_start3A_298 = tpu.memref_squeeze %dma_start3A_297 : memref<1x32x1024xf32, #tpu.memory_space<hbm>> -> memref<32x1024xf32, #tpu.memory_space<hbm>>
        %dma_start3A_299 = arith.constant 0 : i32
        %dma_start3A_300 = arith.constant 0 : i32
        %dma_start3A_301 = tpu.memref_slice %arg2[%add3A_232, %dma_start3A_299, %dma_start3A_300] : memref<400x64x1024xf32, #tpu.memory_space<hbm>> -> memref<1x32x1024xf32, #tpu.memory_space<hbm>>
        %dma_start3A_302 = tpu.memref_squeeze %dma_start3A_301 : memref<1x32x1024xf32, #tpu.memory_space<hbm>> -> memref<32x1024xf32, #tpu.memory_space<hbm>>
        tpu.enqueue_dma source(%dma_start3A_302 : memref<32x1024xf32, #tpu.memory_space<hbm>>) target(%arg4 : memref<32x1024xf32, #tpu.memory_space<vmem>>) target_semaphore(%run_scoped3A : memref<!tpu.dma_semaphore, #tpu.memory_space<semaphore_mem>>)
        %dma_wait3A_303 = arith.constant 0 : i32
        %dma_wait3A_304 = arith.constant 0 : i32
        %dma_wait3A_305 = tpu.memref_slice %arg2[%add3A_232, %dma_wait3A_303, %dma_wait3A_304] : memref<400x64x1024xf32, #tpu.memory_space<hbm>> -> memref<1x32x1024xf32, #tpu.memory_space<hbm>>
        %dma_wait3A_306 = tpu.memref_squeeze %dma_wait3A_305 : memref<1x32x1024xf32, #tpu.memory_space<hbm>> -> memref<32x1024xf32, #tpu.memory_space<hbm>>
        %dma_wait3A_307 = arith.constant 0 : i32
        %dma_wait3A_308 = arith.constant 0 : i32
        %dma_wait3A_309 = tpu.memref_slice %arg2[%add3A_232, %dma_wait3A_307, %dma_wait3A_308] : memref<400x64x1024xf32, #tpu.memory_space<hbm>> -> memref<1x32x1024xf32, #tpu.memory_space<hbm>>
        %dma_wait3A_310 = tpu.memref_squeeze %dma_wait3A_309 : memref<1x32x1024xf32, #tpu.memory_space<hbm>> -> memref<32x1024xf32, #tpu.memory_space<hbm>>
        tpu.wait_dma2 semaphore(%run_scoped3A : memref<!tpu.dma_semaphore, #tpu.memory_space<semaphore_mem>>) src(%dma_wait3A_310 : memref<32x1024xf32, #tpu.memory_space<hbm>>) dst(%arg4 : memref<32x1024xf32, #tpu.memory_space<vmem>>)
        tpu.yield
      }) : () -> ()
      %dma_start3A_247 = arith.constant 0 : i32
      %dma_start3A_248 = arith.constant 0 : i32
      %dma_start3A_249 = tpu.memref_slice %arg3[%add3A_238, %dma_start3A_247, %dma_start3A_248] : memref<960x64x1024xf32, #tpu.memory_space<hbm>> -> memref<1x32x1024xf32, #tpu.memory_space<hbm>>
      %dma_start3A_250 = tpu.memref_squeeze %dma_start3A_249 : memref<1x32x1024xf32, #tpu.memory_space<hbm>> -> memref<32x1024xf32, #tpu.memory_space<hbm>>
      %dma_start3A_251 = arith.constant 0 : i32
      %dma_start3A_252 = arith.constant 0 : i32
      %dma_start3A_253 = tpu.memref_slice %arg3[%add3A_238, %dma_start3A_251, %dma_start3A_252] : memref<960x64x1024xf32, #tpu.memory_space<hbm>> -> memref<1x32x1024xf32, #tpu.memory_space<hbm>>
      %dma_start3A_254 = tpu.memref_squeeze %dma_start3A_253 : memref<1x32x1024xf32, #tpu.memory_space<hbm>> -> memref<32x1024xf32, #tpu.memory_space<hbm>>
      tpu.enqueue_dma source(%arg4 : memref<32x1024xf32, #tpu.memory_space<vmem>>) target(%dma_start3A_254 : memref<32x1024xf32, #tpu.memory_space<hbm>>) target_semaphore(%arg7 : memref<!tpu.dma_semaphore, #tpu.memory_space<semaphore_mem>>)
      %dma_wait3A_255 = arith.constant 0 : i32
      %dma_wait3A_256 = arith.constant 0 : i32
      %dma_wait3A_257 = tpu.memref_slice %arg3[%add3A_194, %dma_wait3A_255, %dma_wait3A_256] : memref<960x64x1024xf32, #tpu.memory_space<hbm>> -> memref<1x32x1024xf32, #tpu.memory_space<hbm>>
      %dma_wait3A_258 = tpu.memref_squeeze %dma_wait3A_257 : memref<1x32x1024xf32, #tpu.memory_space<hbm>> -> memref<32x1024xf32, #tpu.memory_space<hbm>>
      %dma_wait3A_259 = arith.constant 0 : i32
      %dma_wait3A_260 = arith.constant 0 : i32
      %dma_wait3A_261 = tpu.memref_slice %arg3[%add3A_194, %dma_wait3A_259, %dma_wait3A_260] : memref<960x64x1024xf32, #tpu.memory_space<hbm>> -> memref<1x32x1024xf32, #tpu.memory_space<hbm>>
      %dma_wait3A_262 = tpu.memref_squeeze %dma_wait3A_261 : memref<1x32x1024xf32, #tpu.memory_space<hbm>> -> memref<32x1024xf32, #tpu.memory_space<hbm>>
      tpu.wait_dma2 semaphore(%arg8 : memref<!tpu.dma_semaphore, #tpu.memory_space<semaphore_mem>>) src(%arg5 : memref<32x1024xf32, #tpu.memory_space<vmem>>) dst(%dma_wait3A_262 : memref<32x1024xf32, #tpu.memory_space<hbm>>)
      "tpu.region"() ({
        %run_scoped3A = tpu.sem_alloc : memref<!tpu.dma_semaphore, #tpu.memory_space<semaphore_mem>>
        %dma_start3A_295 = arith.constant 32 : i32
        %dma_start3A_296 = arith.constant 0 : i32
        %dma_start3A_297 = tpu.memref_slice %arg2[%add3A_232, %dma_start3A_295, %dma_start3A_296] : memref<400x64x1024xf32, #tpu.memory_space<hbm>> -> memref<1x32x1024xf32, #tpu.memory_space<hbm>>
        %dma_start3A_298 = tpu.memref_squeeze %dma_start3A_297 : memref<1x32x1024xf32, #tpu.memory_space<hbm>> -> memref<32x1024xf32, #tpu.memory_space<hbm>>
        %dma_start3A_299 = arith.constant 32 : i32
        %dma_start3A_300 = arith.constant 0 : i32
        %dma_start3A_301 = tpu.memref_slice %arg2[%add3A_232, %dma_start3A_299, %dma_start3A_300] : memref<400x64x1024xf32, #tpu.memory_space<hbm>> -> memref<1x32x1024xf32, #tpu.memory_space<hbm>>
        %dma_start3A_302 = tpu.memref_squeeze %dma_start3A_301 : memref<1x32x1024xf32, #tpu.memory_space<hbm>> -> memref<32x1024xf32, #tpu.memory_space<hbm>>
        tpu.enqueue_dma source(%dma_start3A_302 : memref<32x1024xf32, #tpu.memory_space<hbm>>) target(%arg5 : memref<32x1024xf32, #tpu.memory_space<vmem>>) target_semaphore(%run_scoped3A : memref<!tpu.dma_semaphore, #tpu.memory_space<semaphore_mem>>)
        %dma_wait3A_303 = arith.constant 32 : i32
        %dma_wait3A_304 = arith.constant 0 : i32
        %dma_wait3A_305 = tpu.memref_slice %arg2[%add3A_232, %dma_wait3A_303, %dma_wait3A_304] : memref<400x64x1024xf32, #tpu.memory_space<hbm>> -> memref<1x32x1024xf32, #tpu.memory_space<hbm>>
        %dma_wait3A_306 = tpu.memref_squeeze %dma_wait3A_305 : memref<1x32x1024xf32, #tpu.memory_space<hbm>> -> memref<32x1024xf32, #tpu.memory_space<hbm>>
        %dma_wait3A_307 = arith.constant 32 : i32
        %dma_wait3A_308 = arith.constant 0 : i32
        %dma_wait3A_309 = tpu.memref_slice %arg2[%add3A_232, %dma_wait3A_307, %dma_wait3A_308] : memref<400x64x1024xf32, #tpu.memory_space<hbm>> -> memref<1x32x1024xf32, #tpu.memory_space<hbm>>
        %dma_wait3A_310 = tpu.memref_squeeze %dma_wait3A_309 : memref<1x32x1024xf32, #tpu.memory_space<hbm>> -> memref<32x1024xf32, #tpu.memory_space<hbm>>
        tpu.wait_dma2 semaphore(%run_scoped3A : memref<!tpu.dma_semaphore, #tpu.memory_space<semaphore_mem>>) src(%dma_wait3A_310 : memref<32x1024xf32, #tpu.memory_space<hbm>>) dst(%arg5 : memref<32x1024xf32, #tpu.memory_space<vmem>>)
        tpu.yield
      }) : () -> ()
      %dma_start3A_263 = arith.constant 32 : i32
      %dma_start3A_264 = arith.constant 0 : i32
      %dma_start3A_265 = tpu.memref_slice %arg3[%add3A_238, %dma_start3A_263, %dma_start3A_264] : memref<960x64x1024xf32, #tpu.memory_space<hbm>> -> memref<1x32x1024xf32, #tpu.memory_space<hbm>>
      %dma_start3A_266 = tpu.memref_squeeze %dma_start3A_265 : memref<1x32x1024xf32, #tpu.memory_space<hbm>> -> memref<32x1024xf32, #tpu.memory_space<hbm>>
      %dma_start3A_267 = arith.constant 32 : i32
      %dma_start3A_268 = arith.constant 0 : i32
      %dma_start3A_269 = tpu.memref_slice %arg3[%add3A_238, %dma_start3A_267, %dma_start3A_268] : memref<960x64x1024xf32, #tpu.memory_space<hbm>> -> memref<1x32x1024xf32, #tpu.memory_space<hbm>>
      %dma_start3A_270 = tpu.memref_squeeze %dma_start3A_269 : memref<1x32x1024xf32, #tpu.memory_space<hbm>> -> memref<32x1024xf32, #tpu.memory_space<hbm>>
      tpu.enqueue_dma source(%arg5 : memref<32x1024xf32, #tpu.memory_space<vmem>>) target(%dma_start3A_270 : memref<32x1024xf32, #tpu.memory_space<hbm>>) target_semaphore(%arg8 : memref<!tpu.dma_semaphore, #tpu.memory_space<semaphore_mem>>)
      %dma_wait3A_271 = arith.constant 0 : i32
      %dma_wait3A_272 = arith.constant 0 : i32
      %dma_wait3A_273 = tpu.memref_slice %arg3[%add3A_238, %dma_wait3A_271, %dma_wait3A_272] : memref<960x64x1024xf32, #tpu.memory_space<hbm>> -> memref<1x32x1024xf32, #tpu.memory_space<hbm>>
      %dma_wait3A_274 = tpu.memref_squeeze %dma_wait3A_273 : memref<1x32x1024xf32, #tpu.memory_space<hbm>> -> memref<32x1024xf32, #tpu.memory_space<hbm>>
      %dma_wait3A_275 = arith.constant 0 : i32
      %dma_wait3A_276 = arith.constant 0 : i32
      %dma_wait3A_277 = tpu.memref_slice %arg3[%add3A_238, %dma_wait3A_275, %dma_wait3A_276] : memref<960x64x1024xf32, #tpu.memory_space<hbm>> -> memref<1x32x1024xf32, #tpu.memory_space<hbm>>
      %dma_wait3A_278 = tpu.memref_squeeze %dma_wait3A_277 : memref<1x32x1024xf32, #tpu.memory_space<hbm>> -> memref<32x1024xf32, #tpu.memory_space<hbm>>
      tpu.wait_dma2 semaphore(%arg7 : memref<!tpu.dma_semaphore, #tpu.memory_space<semaphore_mem>>) src(%arg4 : memref<32x1024xf32, #tpu.memory_space<vmem>>) dst(%dma_wait3A_278 : memref<32x1024xf32, #tpu.memory_space<hbm>>)
      %dma_wait3A_279 = arith.constant 32 : i32
      %dma_wait3A_280 = arith.constant 0 : i32
      %dma_wait3A_281 = tpu.memref_slice %arg3[%add3A_238, %dma_wait3A_279, %dma_wait3A_280] : memref<960x64x1024xf32, #tpu.memory_space<hbm>> -> memref<1x32x1024xf32, #tpu.memory_space<hbm>>
      %dma_wait3A_282 = tpu.memref_squeeze %dma_wait3A_281 : memref<1x32x1024xf32, #tpu.memory_space<hbm>> -> memref<32x1024xf32, #tpu.memory_space<hbm>>
      %dma_wait3A_283 = arith.constant 32 : i32
      %dma_wait3A_284 = arith.constant 0 : i32
      %dma_wait3A_285 = tpu.memref_slice %arg3[%add3A_238, %dma_wait3A_283, %dma_wait3A_284] : memref<960x64x1024xf32, #tpu.memory_space<hbm>> -> memref<1x32x1024xf32, #tpu.memory_space<hbm>>
      %dma_wait3A_286 = tpu.memref_squeeze %dma_wait3A_285 : memref<1x32x1024xf32, #tpu.memory_space<hbm>> -> memref<32x1024xf32, #tpu.memory_space<hbm>>
      tpu.wait_dma2 semaphore(%arg8 : memref<!tpu.dma_semaphore, #tpu.memory_space<semaphore_mem>>) src(%arg5 : memref<32x1024xf32, #tpu.memory_space<vmem>>) dst(%dma_wait3A_286 : memref<32x1024xf32, #tpu.memory_space<hbm>>)
      %dma_wait3A_287 = arith.constant 32 : i32
      %dma_wait3A_288 = arith.constant 0 : i32
      %dma_wait3A_289 = tpu.memref_slice %arg3[%add3A_194, %dma_wait3A_287, %dma_wait3A_288] : memref<960x64x1024xf32, #tpu.memory_space<hbm>> -> memref<1x32x1024xf32, #tpu.memory_space<hbm>>
      %dma_wait3A_290 = tpu.memref_squeeze %dma_wait3A_289 : memref<1x32x1024xf32, #tpu.memory_space<hbm>> -> memref<32x1024xf32, #tpu.memory_space<hbm>>
      %dma_wait3A_291 = arith.constant 32 : i32
      %dma_wait3A_292 = arith.constant 0 : i32
      %dma_wait3A_293 = tpu.memref_slice %arg3[%add3A_194, %dma_wait3A_291, %dma_wait3A_292] : memref<960x64x1024xf32, #tpu.memory_space<hbm>> -> memref<1x32x1024xf32, #tpu.memory_space<hbm>>
      %dma_wait3A_294 = tpu.memref_squeeze %dma_wait3A_293 : memref<1x32x1024xf32, #tpu.memory_space<hbm>> -> memref<32x1024xf32, #tpu.memory_space<hbm>>
      tpu.wait_dma2 semaphore(%arg9 : memref<!tpu.dma_semaphore, #tpu.memory_space<semaphore_mem>>) src(%arg6 : memref<32x1024xf32, #tpu.memory_space<vmem>>) dst(%dma_wait3A_294 : memref<32x1024xf32, #tpu.memory_space<hbm>>)
    } else {
    }
    %add3A_33 = arith.constant 96 : i32
    %add3A_34 = arith.addi %add3A, %add3A_33 : i32
    %lt3A_35 = arith.constant 80 : i32
    %lt3A_36 = arith.cmpi slt, %add3A_34, %lt3A_35 : i32
    %convert_element_type3A_37 = arith.extui %lt3A_36 : i1 to i32
    %cond3A_38 = arith.constant 0 : i32
    %cond3A_39 = arith.cmpi ne, %convert_element_type3A_37, %cond3A_38 : i32
    scf.if %cond3A_39 {
      %jit3A = arith.constant 4 : i32
      %div3A = arith.divsi %add3A_34, %jit3A : i32
      %sign3A = arith.constant 0 : i32
      %sign3A_57 = arith.cmpi sgt, %add3A_34, %sign3A : i32
      %sign3A_58 = arith.extui %sign3A_57 : i1 to i32
      %sign3A_59 = arith.constant 0 : i32
      %sign3A_60 = arith.cmpi slt, %add3A_34, %sign3A_59 : i32
      %sign3A_61 = arith.extui %sign3A_60 : i1 to i32
      %sign3A_62 = arith.subi %sign3A_58, %sign3A_61 : i32
      %sign3A_63 = arith.constant 0 : i32
      %sign3A_64 = arith.cmpi sgt, %jit3A, %sign3A_63 : i32
      %sign3A_65 = arith.extui %sign3A_64 : i1 to i32
      %sign3A_66 = arith.constant 0 : i32
      %sign3A_67 = arith.cmpi slt, %jit3A, %sign3A_66 : i32
      %sign3A_68 = arith.extui %sign3A_67 : i1 to i32
      %sign3A_69 = arith.subi %sign3A_65, %sign3A_68 : i32
      %ne3A = arith.cmpi ne, %sign3A_62, %sign3A_69 : i32
      %rem3A = arith.remsi %add3A_34, %jit3A : i32
      %ne3A_70 = arith.constant 0 : i32
      %ne3A_71 = arith.cmpi ne, %rem3A, %ne3A_70 : i32
      %and3A = arith.andi %ne3A, %ne3A_71 : i1
      %sub3A = arith.constant 1 : i32
      %sub3A_72 = arith.subi %div3A, %sub3A : i32
      %select_n3A = arith.select %and3A, %sub3A_72, %div3A : i32
      %jit3A_73 = arith.constant 4 : i32
      %eq3A = arith.constant 0 : i32
      %eq3A_74 = arith.cmpi eq, %jit3A_73, %eq3A : i32
      %jit3A_75 = arith.constant 1 : i32
      %select_n3A_76 = arith.select %eq3A_74, %jit3A_75, %jit3A_73 : i32
      %rem3A_77 = arith.remsi %add3A_34, %select_n3A_76 : i32
      %ne3A_78 = arith.constant 0 : i32
      %ne3A_79 = arith.cmpi ne, %rem3A_77, %ne3A_78 : i32
      %lt3A_80 = arith.constant 0 : i32
      %lt3A_81 = arith.cmpi slt, %rem3A_77, %lt3A_80 : i32
      %lt3A_82 = arith.constant 0 : i32
      %lt3A_83 = arith.cmpi slt, %select_n3A_76, %lt3A_82 : i32
      %ne3A_84 = arith.xori %lt3A_81, %lt3A_83 : i1
      %and3A_85 = arith.andi %ne3A_84, %ne3A_79 : i1
      %add3A_86 = arith.addi %rem3A_77, %select_n3A_76 : i32
      %select_n3A_87 = arith.select %and3A_85, %add3A_86, %rem3A_77 : i32
      %eq3A_88 = arith.constant 0 : i32
      %eq3A_89 = arith.cmpi eq, %select_n3A_87, %eq3A_88 : i32
      %eq3A_90 = arith.constant 1 : i32
      %eq3A_91 = arith.cmpi eq, %select_n3A_87, %eq3A_90 : i32
      %eq3A_92 = arith.constant 2 : i32
      %eq3A_93 = arith.cmpi eq, %select_n3A_87, %eq3A_92 : i32
      %jit3A_94 = arith.constant 10 : i32
      %jit3A_95 = arith.constant 11 : i32
      %select_n3A_96 = arith.select %eq3A_93, %jit3A_94, %jit3A_95 : i32
      %jit3A_97 = arith.constant 1 : i32
      %select_n3A_98 = arith.select %eq3A_91, %jit3A_97, %select_n3A_96 : i32
      %jit3A_99 = arith.constant 0 : i32
      %select_n3A_100 = arith.select %eq3A_89, %jit3A_99, %select_n3A_98 : i32
      %eq3A_101 = arith.constant 0 : i32
      %eq3A_102 = arith.cmpi eq, %select_n3A_87, %eq3A_101 : i32
      %eq3A_103 = arith.constant 1 : i32
      %eq3A_104 = arith.cmpi eq, %select_n3A_87, %eq3A_103 : i32
      %eq3A_105 = arith.constant 2 : i32
      %eq3A_106 = arith.cmpi eq, %select_n3A_87, %eq3A_105 : i32
      %jit3A_107 = arith.constant 3 : i32
      %jit3A_108 = arith.constant 4 : i32
      %select_n3A_109 = arith.select %eq3A_106, %jit3A_107, %jit3A_108 : i32
      %jit3A_110 = arith.constant 1 : i32
      %select_n3A_111 = arith.select %eq3A_104, %jit3A_110, %select_n3A_109 : i32
      %jit3A_112 = arith.constant 0 : i32
      %select_n3A_113 = arith.select %eq3A_102, %jit3A_112, %select_n3A_111 : i32
      %mul3A_114 = arith.constant 20 : i32
      %mul3A_115 = arith.muli %select_n3A, %mul3A_114 : i32
      %add3A_116 = arith.addi %mul3A_115, %select_n3A_100 : i32
      "tpu.region"() ({
        %run_scoped3A = tpu.sem_alloc : memref<!tpu.dma_semaphore, #tpu.memory_space<semaphore_mem>>
        %dma_start3A_451 = arith.constant 0 : i32
        %dma_start3A_452 = arith.constant 0 : i32
        %dma_start3A_453 = tpu.memref_slice %arg2[%add3A_116, %dma_start3A_451, %dma_start3A_452] : memref<400x64x1024xf32, #tpu.memory_space<hbm>> -> memref<1x32x1024xf32, #tpu.memory_space<hbm>>
        %dma_start3A_454 = tpu.memref_squeeze %dma_start3A_453 : memref<1x32x1024xf32, #tpu.memory_space<hbm>> -> memref<32x1024xf32, #tpu.memory_space<hbm>>
        %dma_start3A_455 = arith.constant 0 : i32
        %dma_start3A_456 = arith.constant 0 : i32
        %dma_start3A_457 = tpu.memref_slice %arg2[%add3A_116, %dma_start3A_455, %dma_start3A_456] : memref<400x64x1024xf32, #tpu.memory_space<hbm>> -> memref<1x32x1024xf32, #tpu.memory_space<hbm>>
        %dma_start3A_458 = tpu.memref_squeeze %dma_start3A_457 : memref<1x32x1024xf32, #tpu.memory_space<hbm>> -> memref<32x1024xf32, #tpu.memory_space<hbm>>
        tpu.enqueue_dma source(%dma_start3A_458 : memref<32x1024xf32, #tpu.memory_space<hbm>>) target(%arg4 : memref<32x1024xf32, #tpu.memory_space<vmem>>) target_semaphore(%run_scoped3A : memref<!tpu.dma_semaphore, #tpu.memory_space<semaphore_mem>>)
        %dma_wait3A_459 = arith.constant 0 : i32
        %dma_wait3A_460 = arith.constant 0 : i32
        %dma_wait3A_461 = tpu.memref_slice %arg2[%add3A_116, %dma_wait3A_459, %dma_wait3A_460] : memref<400x64x1024xf32, #tpu.memory_space<hbm>> -> memref<1x32x1024xf32, #tpu.memory_space<hbm>>
        %dma_wait3A_462 = tpu.memref_squeeze %dma_wait3A_461 : memref<1x32x1024xf32, #tpu.memory_space<hbm>> -> memref<32x1024xf32, #tpu.memory_space<hbm>>
        %dma_wait3A_463 = arith.constant 0 : i32
        %dma_wait3A_464 = arith.constant 0 : i32
        %dma_wait3A_465 = tpu.memref_slice %arg2[%add3A_116, %dma_wait3A_463, %dma_wait3A_464] : memref<400x64x1024xf32, #tpu.memory_space<hbm>> -> memref<1x32x1024xf32, #tpu.memory_space<hbm>>
        %dma_wait3A_466 = tpu.memref_squeeze %dma_wait3A_465 : memref<1x32x1024xf32, #tpu.memory_space<hbm>> -> memref<32x1024xf32, #tpu.memory_space<hbm>>
        tpu.wait_dma2 semaphore(%run_scoped3A : memref<!tpu.dma_semaphore, #tpu.memory_space<semaphore_mem>>) src(%dma_wait3A_466 : memref<32x1024xf32, #tpu.memory_space<hbm>>) dst(%arg4 : memref<32x1024xf32, #tpu.memory_space<vmem>>)
        tpu.yield
      }) : () -> ()
      %mul3A_117 = arith.constant 48 : i32
      %mul3A_118 = arith.muli %select_n3A, %mul3A_117 : i32
      %add3A_119 = arith.constant 0 : i32
      %add3A_120 = arith.addi %mul3A_118, %add3A_119 : i32
      %add3A_121 = arith.addi %add3A_120, %select_n3A_113 : i32
      %dma_start3A = arith.constant 0 : i32
      %dma_start3A_122 = arith.constant 0 : i32
      %dma_start3A_123 = tpu.memref_slice %arg3[%add3A_121, %dma_start3A, %dma_start3A_122] : memref<960x64x1024xf32, #tpu.memory_space<hbm>> -> memref<1x32x1024xf32, #tpu.memory_space<hbm>>
      %dma_start3A_124 = tpu.memref_squeeze %dma_start3A_123 : memref<1x32x1024xf32, #tpu.memory_space<hbm>> -> memref<32x1024xf32, #tpu.memory_space<hbm>>
      %dma_start3A_125 = arith.constant 0 : i32
      %dma_start3A_126 = arith.constant 0 : i32
      %dma_start3A_127 = tpu.memref_slice %arg3[%add3A_121, %dma_start3A_125, %dma_start3A_126] : memref<960x64x1024xf32, #tpu.memory_space<hbm>> -> memref<1x32x1024xf32, #tpu.memory_space<hbm>>
      %dma_start3A_128 = tpu.memref_squeeze %dma_start3A_127 : memref<1x32x1024xf32, #tpu.memory_space<hbm>> -> memref<32x1024xf32, #tpu.memory_space<hbm>>
      tpu.enqueue_dma source(%arg4 : memref<32x1024xf32, #tpu.memory_space<vmem>>) target(%dma_start3A_128 : memref<32x1024xf32, #tpu.memory_space<hbm>>) target_semaphore(%arg7 : memref<!tpu.dma_semaphore, #tpu.memory_space<semaphore_mem>>)
      %mul3A_129 = arith.constant 48 : i32
      %mul3A_130 = arith.muli %select_n3A, %mul3A_129 : i32
      %add3A_131 = arith.constant 6 : i32
      %add3A_132 = arith.addi %mul3A_130, %add3A_131 : i32
      %add3A_133 = arith.addi %add3A_132, %select_n3A_113 : i32
      %dma_start3A_134 = arith.constant 0 : i32
      %dma_start3A_135 = arith.constant 0 : i32
      %dma_start3A_136 = tpu.memref_slice %arg3[%add3A_133, %dma_start3A_134, %dma_start3A_135] : memref<960x64x1024xf32, #tpu.memory_space<hbm>> -> memref<1x32x1024xf32, #tpu.memory_space<hbm>>
      %dma_start3A_137 = tpu.memref_squeeze %dma_start3A_136 : memref<1x32x1024xf32, #tpu.memory_space<hbm>> -> memref<32x1024xf32, #tpu.memory_space<hbm>>
      %dma_start3A_138 = arith.constant 0 : i32
      %dma_start3A_139 = arith.constant 0 : i32
      %dma_start3A_140 = tpu.memref_slice %arg3[%add3A_133, %dma_start3A_138, %dma_start3A_139] : memref<960x64x1024xf32, #tpu.memory_space<hbm>> -> memref<1x32x1024xf32, #tpu.memory_space<hbm>>
      %dma_start3A_141 = tpu.memref_squeeze %dma_start3A_140 : memref<1x32x1024xf32, #tpu.memory_space<hbm>> -> memref<32x1024xf32, #tpu.memory_space<hbm>>
      tpu.enqueue_dma source(%arg4 : memref<32x1024xf32, #tpu.memory_space<vmem>>) target(%dma_start3A_141 : memref<32x1024xf32, #tpu.memory_space<hbm>>) target_semaphore(%arg7 : memref<!tpu.dma_semaphore, #tpu.memory_space<semaphore_mem>>)
      %mul3A_142 = arith.constant 48 : i32
      %mul3A_143 = arith.muli %select_n3A, %mul3A_142 : i32
      %add3A_144 = arith.constant 12 : i32
      %add3A_145 = arith.addi %mul3A_143, %add3A_144 : i32
      %add3A_146 = arith.addi %add3A_145, %select_n3A_113 : i32
      %dma_start3A_147 = arith.constant 0 : i32
      %dma_start3A_148 = arith.constant 0 : i32
      %dma_start3A_149 = tpu.memref_slice %arg3[%add3A_146, %dma_start3A_147, %dma_start3A_148] : memref<960x64x1024xf32, #tpu.memory_space<hbm>> -> memref<1x32x1024xf32, #tpu.memory_space<hbm>>
      %dma_start3A_150 = tpu.memref_squeeze %dma_start3A_149 : memref<1x32x1024xf32, #tpu.memory_space<hbm>> -> memref<32x1024xf32, #tpu.memory_space<hbm>>
      %dma_start3A_151 = arith.constant 0 : i32
      %dma_start3A_152 = arith.constant 0 : i32
      %dma_start3A_153 = tpu.memref_slice %arg3[%add3A_146, %dma_start3A_151, %dma_start3A_152] : memref<960x64x1024xf32, #tpu.memory_space<hbm>> -> memref<1x32x1024xf32, #tpu.memory_space<hbm>>
      %dma_start3A_154 = tpu.memref_squeeze %dma_start3A_153 : memref<1x32x1024xf32, #tpu.memory_space<hbm>> -> memref<32x1024xf32, #tpu.memory_space<hbm>>
      tpu.enqueue_dma source(%arg4 : memref<32x1024xf32, #tpu.memory_space<vmem>>) target(%dma_start3A_154 : memref<32x1024xf32, #tpu.memory_space<hbm>>) target_semaphore(%arg7 : memref<!tpu.dma_semaphore, #tpu.memory_space<semaphore_mem>>)
      %mul3A_155 = arith.constant 48 : i32
      %mul3A_156 = arith.muli %select_n3A, %mul3A_155 : i32
      %add3A_157 = arith.constant 18 : i32
      %add3A_158 = arith.addi %mul3A_156, %add3A_157 : i32
      %add3A_159 = arith.addi %add3A_158, %select_n3A_113 : i32
      %dma_start3A_160 = arith.constant 0 : i32
      %dma_start3A_161 = arith.constant 0 : i32
      %dma_start3A_162 = tpu.memref_slice %arg3[%add3A_159, %dma_start3A_160, %dma_start3A_161] : memref<960x64x1024xf32, #tpu.memory_space<hbm>> -> memref<1x32x1024xf32, #tpu.memory_space<hbm>>
      %dma_start3A_163 = tpu.memref_squeeze %dma_start3A_162 : memref<1x32x1024xf32, #tpu.memory_space<hbm>> -> memref<32x1024xf32, #tpu.memory_space<hbm>>
      %dma_start3A_164 = arith.constant 0 : i32
      %dma_start3A_165 = arith.constant 0 : i32
      %dma_start3A_166 = tpu.memref_slice %arg3[%add3A_159, %dma_start3A_164, %dma_start3A_165] : memref<960x64x1024xf32, #tpu.memory_space<hbm>> -> memref<1x32x1024xf32, #tpu.memory_space<hbm>>
      %dma_start3A_167 = tpu.memref_squeeze %dma_start3A_166 : memref<1x32x1024xf32, #tpu.memory_space<hbm>> -> memref<32x1024xf32, #tpu.memory_space<hbm>>
      tpu.enqueue_dma source(%arg4 : memref<32x1024xf32, #tpu.memory_space<vmem>>) target(%dma_start3A_167 : memref<32x1024xf32, #tpu.memory_space<hbm>>) target_semaphore(%arg7 : memref<!tpu.dma_semaphore, #tpu.memory_space<semaphore_mem>>)
      %mul3A_168 = arith.constant 48 : i32
      %mul3A_169 = arith.muli %select_n3A, %mul3A_168 : i32
      %add3A_170 = arith.constant 24 : i32
      %add3A_171 = arith.addi %mul3A_169, %add3A_170 : i32
      %add3A_172 = arith.addi %add3A_171, %select_n3A_113 : i32
      %dma_start3A_173 = arith.constant 0 : i32
      %dma_start3A_174 = arith.constant 0 : i32
      %dma_start3A_175 = tpu.memref_slice %arg3[%add3A_172, %dma_start3A_173, %dma_start3A_174] : memref<960x64x1024xf32, #tpu.memory_space<hbm>> -> memref<1x32x1024xf32, #tpu.memory_space<hbm>>
      %dma_start3A_176 = tpu.memref_squeeze %dma_start3A_175 : memref<1x32x1024xf32, #tpu.memory_space<hbm>> -> memref<32x1024xf32, #tpu.memory_space<hbm>>
      %dma_start3A_177 = arith.constant 0 : i32
      %dma_start3A_178 = arith.constant 0 : i32
      %dma_start3A_179 = tpu.memref_slice %arg3[%add3A_172, %dma_start3A_177, %dma_start3A_178] : memref<960x64x1024xf32, #tpu.memory_space<hbm>> -> memref<1x32x1024xf32, #tpu.memory_space<hbm>>
      %dma_start3A_180 = tpu.memref_squeeze %dma_start3A_179 : memref<1x32x1024xf32, #tpu.memory_space<hbm>> -> memref<32x1024xf32, #tpu.memory_space<hbm>>
      tpu.enqueue_dma source(%arg4 : memref<32x1024xf32, #tpu.memory_space<vmem>>) target(%dma_start3A_180 : memref<32x1024xf32, #tpu.memory_space<hbm>>) target_semaphore(%arg7 : memref<!tpu.dma_semaphore, #tpu.memory_space<semaphore_mem>>)
      %mul3A_181 = arith.constant 48 : i32
      %mul3A_182 = arith.muli %select_n3A, %mul3A_181 : i32
      %add3A_183 = arith.constant 30 : i32
      %add3A_184 = arith.addi %mul3A_182, %add3A_183 : i32
      %add3A_185 = arith.addi %add3A_184, %select_n3A_113 : i32
      %dma_start3A_186 = arith.constant 0 : i32
      %dma_start3A_187 = arith.constant 0 : i32
      %dma_start3A_188 = tpu.memref_slice %arg3[%add3A_185, %dma_start3A_186, %dma_start3A_187] : memref<960x64x1024xf32, #tpu.memory_space<hbm>> -> memref<1x32x1024xf32, #tpu.memory_space<hbm>>
      %dma_start3A_189 = tpu.memref_squeeze %dma_start3A_188 : memref<1x32x1024xf32, #tpu.memory_space<hbm>> -> memref<32x1024xf32, #tpu.memory_space<hbm>>
      %dma_start3A_190 = arith.constant 0 : i32
      %dma_start3A_191 = arith.constant 0 : i32
      %dma_start3A_192 = tpu.memref_slice %arg3[%add3A_185, %dma_start3A_190, %dma_start3A_191] : memref<960x64x1024xf32, #tpu.memory_space<hbm>> -> memref<1x32x1024xf32, #tpu.memory_space<hbm>>
      %dma_start3A_193 = tpu.memref_squeeze %dma_start3A_192 : memref<1x32x1024xf32, #tpu.memory_space<hbm>> -> memref<32x1024xf32, #tpu.memory_space<hbm>>
      tpu.enqueue_dma source(%arg4 : memref<32x1024xf32, #tpu.memory_space<vmem>>) target(%dma_start3A_193 : memref<32x1024xf32, #tpu.memory_space<hbm>>) target_semaphore(%arg7 : memref<!tpu.dma_semaphore, #tpu.memory_space<semaphore_mem>>)
      %mul3A_194 = arith.constant 48 : i32
      %mul3A_195 = arith.muli %select_n3A, %mul3A_194 : i32
      %add3A_196 = arith.constant 36 : i32
      %add3A_197 = arith.addi %mul3A_195, %add3A_196 : i32
      %add3A_198 = arith.addi %add3A_197, %select_n3A_113 : i32
      %dma_start3A_199 = arith.constant 0 : i32
      %dma_start3A_200 = arith.constant 0 : i32
      %dma_start3A_201 = tpu.memref_slice %arg3[%add3A_198, %dma_start3A_199, %dma_start3A_200] : memref<960x64x1024xf32, #tpu.memory_space<hbm>> -> memref<1x32x1024xf32, #tpu.memory_space<hbm>>
      %dma_start3A_202 = tpu.memref_squeeze %dma_start3A_201 : memref<1x32x1024xf32, #tpu.memory_space<hbm>> -> memref<32x1024xf32, #tpu.memory_space<hbm>>
      %dma_start3A_203 = arith.constant 0 : i32
      %dma_start3A_204 = arith.constant 0 : i32
      %dma_start3A_205 = tpu.memref_slice %arg3[%add3A_198, %dma_start3A_203, %dma_start3A_204] : memref<960x64x1024xf32, #tpu.memory_space<hbm>> -> memref<1x32x1024xf32, #tpu.memory_space<hbm>>
      %dma_start3A_206 = tpu.memref_squeeze %dma_start3A_205 : memref<1x32x1024xf32, #tpu.memory_space<hbm>> -> memref<32x1024xf32, #tpu.memory_space<hbm>>
      tpu.enqueue_dma source(%arg4 : memref<32x1024xf32, #tpu.memory_space<vmem>>) target(%dma_start3A_206 : memref<32x1024xf32, #tpu.memory_space<hbm>>) target_semaphore(%arg7 : memref<!tpu.dma_semaphore, #tpu.memory_space<semaphore_mem>>)
      %mul3A_207 = arith.constant 48 : i32
      %mul3A_208 = arith.muli %select_n3A, %mul3A_207 : i32
      %add3A_209 = arith.constant 42 : i32
      %add3A_210 = arith.addi %mul3A_208, %add3A_209 : i32
      %add3A_211 = arith.addi %add3A_210, %select_n3A_113 : i32
      %dma_start3A_212 = arith.constant 0 : i32
      %dma_start3A_213 = arith.constant 0 : i32
      %dma_start3A_214 = tpu.memref_slice %arg3[%add3A_211, %dma_start3A_212, %dma_start3A_213] : memref<960x64x1024xf32, #tpu.memory_space<hbm>> -> memref<1x32x1024xf32, #tpu.memory_space<hbm>>
      %dma_start3A_215 = tpu.memref_squeeze %dma_start3A_214 : memref<1x32x1024xf32, #tpu.memory_space<hbm>> -> memref<32x1024xf32, #tpu.memory_space<hbm>>
      %dma_start3A_216 = arith.constant 0 : i32
      %dma_start3A_217 = arith.constant 0 : i32
      %dma_start3A_218 = tpu.memref_slice %arg3[%add3A_211, %dma_start3A_216, %dma_start3A_217] : memref<960x64x1024xf32, #tpu.memory_space<hbm>> -> memref<1x32x1024xf32, #tpu.memory_space<hbm>>
      %dma_start3A_219 = tpu.memref_squeeze %dma_start3A_218 : memref<1x32x1024xf32, #tpu.memory_space<hbm>> -> memref<32x1024xf32, #tpu.memory_space<hbm>>
      tpu.enqueue_dma source(%arg4 : memref<32x1024xf32, #tpu.memory_space<vmem>>) target(%dma_start3A_219 : memref<32x1024xf32, #tpu.memory_space<hbm>>) target_semaphore(%arg7 : memref<!tpu.dma_semaphore, #tpu.memory_space<semaphore_mem>>)
      "tpu.region"() ({
        %run_scoped3A = tpu.sem_alloc : memref<!tpu.dma_semaphore, #tpu.memory_space<semaphore_mem>>
        %dma_start3A_451 = arith.constant 32 : i32
        %dma_start3A_452 = arith.constant 0 : i32
        %dma_start3A_453 = tpu.memref_slice %arg2[%add3A_116, %dma_start3A_451, %dma_start3A_452] : memref<400x64x1024xf32, #tpu.memory_space<hbm>> -> memref<1x32x1024xf32, #tpu.memory_space<hbm>>
        %dma_start3A_454 = tpu.memref_squeeze %dma_start3A_453 : memref<1x32x1024xf32, #tpu.memory_space<hbm>> -> memref<32x1024xf32, #tpu.memory_space<hbm>>
        %dma_start3A_455 = arith.constant 32 : i32
        %dma_start3A_456 = arith.constant 0 : i32
        %dma_start3A_457 = tpu.memref_slice %arg2[%add3A_116, %dma_start3A_455, %dma_start3A_456] : memref<400x64x1024xf32, #tpu.memory_space<hbm>> -> memref<1x32x1024xf32, #tpu.memory_space<hbm>>
        %dma_start3A_458 = tpu.memref_squeeze %dma_start3A_457 : memref<1x32x1024xf32, #tpu.memory_space<hbm>> -> memref<32x1024xf32, #tpu.memory_space<hbm>>
        tpu.enqueue_dma source(%dma_start3A_458 : memref<32x1024xf32, #tpu.memory_space<hbm>>) target(%arg5 : memref<32x1024xf32, #tpu.memory_space<vmem>>) target_semaphore(%run_scoped3A : memref<!tpu.dma_semaphore, #tpu.memory_space<semaphore_mem>>)
        %dma_wait3A_459 = arith.constant 32 : i32
        %dma_wait3A_460 = arith.constant 0 : i32
        %dma_wait3A_461 = tpu.memref_slice %arg2[%add3A_116, %dma_wait3A_459, %dma_wait3A_460] : memref<400x64x1024xf32, #tpu.memory_space<hbm>> -> memref<1x32x1024xf32, #tpu.memory_space<hbm>>
        %dma_wait3A_462 = tpu.memref_squeeze %dma_wait3A_461 : memref<1x32x1024xf32, #tpu.memory_space<hbm>> -> memref<32x1024xf32, #tpu.memory_space<hbm>>
        %dma_wait3A_463 = arith.constant 32 : i32
        %dma_wait3A_464 = arith.constant 0 : i32
        %dma_wait3A_465 = tpu.memref_slice %arg2[%add3A_116, %dma_wait3A_463, %dma_wait3A_464] : memref<400x64x1024xf32, #tpu.memory_space<hbm>> -> memref<1x32x1024xf32, #tpu.memory_space<hbm>>
        %dma_wait3A_466 = tpu.memref_squeeze %dma_wait3A_465 : memref<1x32x1024xf32, #tpu.memory_space<hbm>> -> memref<32x1024xf32, #tpu.memory_space<hbm>>
        tpu.wait_dma2 semaphore(%run_scoped3A : memref<!tpu.dma_semaphore, #tpu.memory_space<semaphore_mem>>) src(%dma_wait3A_466 : memref<32x1024xf32, #tpu.memory_space<hbm>>) dst(%arg5 : memref<32x1024xf32, #tpu.memory_space<vmem>>)
        tpu.yield
      }) : () -> ()
      %mul3A_220 = arith.constant 48 : i32
      %mul3A_221 = arith.muli %select_n3A, %mul3A_220 : i32
      %add3A_222 = arith.constant 0 : i32
      %add3A_223 = arith.addi %mul3A_221, %add3A_222 : i32
      %add3A_224 = arith.addi %add3A_223, %select_n3A_113 : i32
      %dma_start3A_225 = arith.constant 32 : i32
      %dma_start3A_226 = arith.constant 0 : i32
      %dma_start3A_227 = tpu.memref_slice %arg3[%add3A_224, %dma_start3A_225, %dma_start3A_226] : memref<960x64x1024xf32, #tpu.memory_space<hbm>> -> memref<1x32x1024xf32, #tpu.memory_space<hbm>>
      %dma_start3A_228 = tpu.memref_squeeze %dma_start3A_227 : memref<1x32x1024xf32, #tpu.memory_space<hbm>> -> memref<32x1024xf32, #tpu.memory_space<hbm>>
      %dma_start3A_229 = arith.constant 32 : i32
      %dma_start3A_230 = arith.constant 0 : i32
      %dma_start3A_231 = tpu.memref_slice %arg3[%add3A_224, %dma_start3A_229, %dma_start3A_230] : memref<960x64x1024xf32, #tpu.memory_space<hbm>> -> memref<1x32x1024xf32, #tpu.memory_space<hbm>>
      %dma_start3A_232 = tpu.memref_squeeze %dma_start3A_231 : memref<1x32x1024xf32, #tpu.memory_space<hbm>> -> memref<32x1024xf32, #tpu.memory_space<hbm>>
      tpu.enqueue_dma source(%arg5 : memref<32x1024xf32, #tpu.memory_space<vmem>>) target(%dma_start3A_232 : memref<32x1024xf32, #tpu.memory_space<hbm>>) target_semaphore(%arg8 : memref<!tpu.dma_semaphore, #tpu.memory_space<semaphore_mem>>)
      %mul3A_233 = arith.constant 48 : i32
      %mul3A_234 = arith.muli %select_n3A, %mul3A_233 : i32
      %add3A_235 = arith.constant 6 : i32
      %add3A_236 = arith.addi %mul3A_234, %add3A_235 : i32
      %add3A_237 = arith.addi %add3A_236, %select_n3A_113 : i32
      %dma_start3A_238 = arith.constant 32 : i32
      %dma_start3A_239 = arith.constant 0 : i32
      %dma_start3A_240 = tpu.memref_slice %arg3[%add3A_237, %dma_start3A_238, %dma_start3A_239] : memref<960x64x1024xf32, #tpu.memory_space<hbm>> -> memref<1x32x1024xf32, #tpu.memory_space<hbm>>
      %dma_start3A_241 = tpu.memref_squeeze %dma_start3A_240 : memref<1x32x1024xf32, #tpu.memory_space<hbm>> -> memref<32x1024xf32, #tpu.memory_space<hbm>>
      %dma_start3A_242 = arith.constant 32 : i32
      %dma_start3A_243 = arith.constant 0 : i32
      %dma_start3A_244 = tpu.memref_slice %arg3[%add3A_237, %dma_start3A_242, %dma_start3A_243] : memref<960x64x1024xf32, #tpu.memory_space<hbm>> -> memref<1x32x1024xf32, #tpu.memory_space<hbm>>
      %dma_start3A_245 = tpu.memref_squeeze %dma_start3A_244 : memref<1x32x1024xf32, #tpu.memory_space<hbm>> -> memref<32x1024xf32, #tpu.memory_space<hbm>>
      tpu.enqueue_dma source(%arg5 : memref<32x1024xf32, #tpu.memory_space<vmem>>) target(%dma_start3A_245 : memref<32x1024xf32, #tpu.memory_space<hbm>>) target_semaphore(%arg8 : memref<!tpu.dma_semaphore, #tpu.memory_space<semaphore_mem>>)
      %mul3A_246 = arith.constant 48 : i32
      %mul3A_247 = arith.muli %select_n3A, %mul3A_246 : i32
      %add3A_248 = arith.constant 12 : i32
      %add3A_249 = arith.addi %mul3A_247, %add3A_248 : i32
      %add3A_250 = arith.addi %add3A_249, %select_n3A_113 : i32
      %dma_start3A_251 = arith.constant 32 : i32
      %dma_start3A_252 = arith.constant 0 : i32
      %dma_start3A_253 = tpu.memref_slice %arg3[%add3A_250, %dma_start3A_251, %dma_start3A_252] : memref<960x64x1024xf32, #tpu.memory_space<hbm>> -> memref<1x32x1024xf32, #tpu.memory_space<hbm>>
      %dma_start3A_254 = tpu.memref_squeeze %dma_start3A_253 : memref<1x32x1024xf32, #tpu.memory_space<hbm>> -> memref<32x1024xf32, #tpu.memory_space<hbm>>
      %dma_start3A_255 = arith.constant 32 : i32
      %dma_start3A_256 = arith.constant 0 : i32
      %dma_start3A_257 = tpu.memref_slice %arg3[%add3A_250, %dma_start3A_255, %dma_start3A_256] : memref<960x64x1024xf32, #tpu.memory_space<hbm>> -> memref<1x32x1024xf32, #tpu.memory_space<hbm>>
      %dma_start3A_258 = tpu.memref_squeeze %dma_start3A_257 : memref<1x32x1024xf32, #tpu.memory_space<hbm>> -> memref<32x1024xf32, #tpu.memory_space<hbm>>
      tpu.enqueue_dma source(%arg5 : memref<32x1024xf32, #tpu.memory_space<vmem>>) target(%dma_start3A_258 : memref<32x1024xf32, #tpu.memory_space<hbm>>) target_semaphore(%arg8 : memref<!tpu.dma_semaphore, #tpu.memory_space<semaphore_mem>>)
      %mul3A_259 = arith.constant 48 : i32
      %mul3A_260 = arith.muli %select_n3A, %mul3A_259 : i32
      %add3A_261 = arith.constant 18 : i32
      %add3A_262 = arith.addi %mul3A_260, %add3A_261 : i32
      %add3A_263 = arith.addi %add3A_262, %select_n3A_113 : i32
      %dma_start3A_264 = arith.constant 32 : i32
      %dma_start3A_265 = arith.constant 0 : i32
      %dma_start3A_266 = tpu.memref_slice %arg3[%add3A_263, %dma_start3A_264, %dma_start3A_265] : memref<960x64x1024xf32, #tpu.memory_space<hbm>> -> memref<1x32x1024xf32, #tpu.memory_space<hbm>>
      %dma_start3A_267 = tpu.memref_squeeze %dma_start3A_266 : memref<1x32x1024xf32, #tpu.memory_space<hbm>> -> memref<32x1024xf32, #tpu.memory_space<hbm>>
      %dma_start3A_268 = arith.constant 32 : i32
      %dma_start3A_269 = arith.constant 0 : i32
      %dma_start3A_270 = tpu.memref_slice %arg3[%add3A_263, %dma_start3A_268, %dma_start3A_269] : memref<960x64x1024xf32, #tpu.memory_space<hbm>> -> memref<1x32x1024xf32, #tpu.memory_space<hbm>>
      %dma_start3A_271 = tpu.memref_squeeze %dma_start3A_270 : memref<1x32x1024xf32, #tpu.memory_space<hbm>> -> memref<32x1024xf32, #tpu.memory_space<hbm>>
      tpu.enqueue_dma source(%arg5 : memref<32x1024xf32, #tpu.memory_space<vmem>>) target(%dma_start3A_271 : memref<32x1024xf32, #tpu.memory_space<hbm>>) target_semaphore(%arg8 : memref<!tpu.dma_semaphore, #tpu.memory_space<semaphore_mem>>)
      %mul3A_272 = arith.constant 48 : i32
      %mul3A_273 = arith.muli %select_n3A, %mul3A_272 : i32
      %add3A_274 = arith.constant 24 : i32
      %add3A_275 = arith.addi %mul3A_273, %add3A_274 : i32
      %add3A_276 = arith.addi %add3A_275, %select_n3A_113 : i32
      %dma_start3A_277 = arith.constant 32 : i32
      %dma_start3A_278 = arith.constant 0 : i32
      %dma_start3A_279 = tpu.memref_slice %arg3[%add3A_276, %dma_start3A_277, %dma_start3A_278] : memref<960x64x1024xf32, #tpu.memory_space<hbm>> -> memref<1x32x1024xf32, #tpu.memory_space<hbm>>
      %dma_start3A_280 = tpu.memref_squeeze %dma_start3A_279 : memref<1x32x1024xf32, #tpu.memory_space<hbm>> -> memref<32x1024xf32, #tpu.memory_space<hbm>>
      %dma_start3A_281 = arith.constant 32 : i32
      %dma_start3A_282 = arith.constant 0 : i32
      %dma_start3A_283 = tpu.memref_slice %arg3[%add3A_276, %dma_start3A_281, %dma_start3A_282] : memref<960x64x1024xf32, #tpu.memory_space<hbm>> -> memref<1x32x1024xf32, #tpu.memory_space<hbm>>
      %dma_start3A_284 = tpu.memref_squeeze %dma_start3A_283 : memref<1x32x1024xf32, #tpu.memory_space<hbm>> -> memref<32x1024xf32, #tpu.memory_space<hbm>>
      tpu.enqueue_dma source(%arg5 : memref<32x1024xf32, #tpu.memory_space<vmem>>) target(%dma_start3A_284 : memref<32x1024xf32, #tpu.memory_space<hbm>>) target_semaphore(%arg8 : memref<!tpu.dma_semaphore, #tpu.memory_space<semaphore_mem>>)
      %mul3A_285 = arith.constant 48 : i32
      %mul3A_286 = arith.muli %select_n3A, %mul3A_285 : i32
      %add3A_287 = arith.constant 30 : i32
      %add3A_288 = arith.addi %mul3A_286, %add3A_287 : i32
      %add3A_289 = arith.addi %add3A_288, %select_n3A_113 : i32
      %dma_start3A_290 = arith.constant 32 : i32
      %dma_start3A_291 = arith.constant 0 : i32
      %dma_start3A_292 = tpu.memref_slice %arg3[%add3A_289, %dma_start3A_290, %dma_start3A_291] : memref<960x64x1024xf32, #tpu.memory_space<hbm>> -> memref<1x32x1024xf32, #tpu.memory_space<hbm>>
      %dma_start3A_293 = tpu.memref_squeeze %dma_start3A_292 : memref<1x32x1024xf32, #tpu.memory_space<hbm>> -> memref<32x1024xf32, #tpu.memory_space<hbm>>
      %dma_start3A_294 = arith.constant 32 : i32
      %dma_start3A_295 = arith.constant 0 : i32
      %dma_start3A_296 = tpu.memref_slice %arg3[%add3A_289, %dma_start3A_294, %dma_start3A_295] : memref<960x64x1024xf32, #tpu.memory_space<hbm>> -> memref<1x32x1024xf32, #tpu.memory_space<hbm>>
      %dma_start3A_297 = tpu.memref_squeeze %dma_start3A_296 : memref<1x32x1024xf32, #tpu.memory_space<hbm>> -> memref<32x1024xf32, #tpu.memory_space<hbm>>
      tpu.enqueue_dma source(%arg5 : memref<32x1024xf32, #tpu.memory_space<vmem>>) target(%dma_start3A_297 : memref<32x1024xf32, #tpu.memory_space<hbm>>) target_semaphore(%arg8 : memref<!tpu.dma_semaphore, #tpu.memory_space<semaphore_mem>>)
      %mul3A_298 = arith.constant 48 : i32
      %mul3A_299 = arith.muli %select_n3A, %mul3A_298 : i32
      %add3A_300 = arith.constant 36 : i32
      %add3A_301 = arith.addi %mul3A_299, %add3A_300 : i32
      %add3A_302 = arith.addi %add3A_301, %select_n3A_113 : i32
      %dma_start3A_303 = arith.constant 32 : i32
      %dma_start3A_304 = arith.constant 0 : i32
      %dma_start3A_305 = tpu.memref_slice %arg3[%add3A_302, %dma_start3A_303, %dma_start3A_304] : memref<960x64x1024xf32, #tpu.memory_space<hbm>> -> memref<1x32x1024xf32, #tpu.memory_space<hbm>>
      %dma_start3A_306 = tpu.memref_squeeze %dma_start3A_305 : memref<1x32x1024xf32, #tpu.memory_space<hbm>> -> memref<32x1024xf32, #tpu.memory_space<hbm>>
      %dma_start3A_307 = arith.constant 32 : i32
      %dma_start3A_308 = arith.constant 0 : i32
      %dma_start3A_309 = tpu.memref_slice %arg3[%add3A_302, %dma_start3A_307, %dma_start3A_308] : memref<960x64x1024xf32, #tpu.memory_space<hbm>> -> memref<1x32x1024xf32, #tpu.memory_space<hbm>>
      %dma_start3A_310 = tpu.memref_squeeze %dma_start3A_309 : memref<1x32x1024xf32, #tpu.memory_space<hbm>> -> memref<32x1024xf32, #tpu.memory_space<hbm>>
      tpu.enqueue_dma source(%arg5 : memref<32x1024xf32, #tpu.memory_space<vmem>>) target(%dma_start3A_310 : memref<32x1024xf32, #tpu.memory_space<hbm>>) target_semaphore(%arg8 : memref<!tpu.dma_semaphore, #tpu.memory_space<semaphore_mem>>)
      %mul3A_311 = arith.constant 48 : i32
      %mul3A_312 = arith.muli %select_n3A, %mul3A_311 : i32
      %add3A_313 = arith.constant 42 : i32
      %add3A_314 = arith.addi %mul3A_312, %add3A_313 : i32
      %add3A_315 = arith.addi %add3A_314, %select_n3A_113 : i32
      %dma_start3A_316 = arith.constant 32 : i32
      %dma_start3A_317 = arith.constant 0 : i32
      %dma_start3A_318 = tpu.memref_slice %arg3[%add3A_315, %dma_start3A_316, %dma_start3A_317] : memref<960x64x1024xf32, #tpu.memory_space<hbm>> -> memref<1x32x1024xf32, #tpu.memory_space<hbm>>
      %dma_start3A_319 = tpu.memref_squeeze %dma_start3A_318 : memref<1x32x1024xf32, #tpu.memory_space<hbm>> -> memref<32x1024xf32, #tpu.memory_space<hbm>>
      %dma_start3A_320 = arith.constant 32 : i32
      %dma_start3A_321 = arith.constant 0 : i32
      %dma_start3A_322 = tpu.memref_slice %arg3[%add3A_315, %dma_start3A_320, %dma_start3A_321] : memref<960x64x1024xf32, #tpu.memory_space<hbm>> -> memref<1x32x1024xf32, #tpu.memory_space<hbm>>
      %dma_start3A_323 = tpu.memref_squeeze %dma_start3A_322 : memref<1x32x1024xf32, #tpu.memory_space<hbm>> -> memref<32x1024xf32, #tpu.memory_space<hbm>>
      tpu.enqueue_dma source(%arg5 : memref<32x1024xf32, #tpu.memory_space<vmem>>) target(%dma_start3A_323 : memref<32x1024xf32, #tpu.memory_space<hbm>>) target_semaphore(%arg8 : memref<!tpu.dma_semaphore, #tpu.memory_space<semaphore_mem>>)
      %dma_wait3A = arith.constant 0 : i32
      %dma_wait3A_324 = arith.constant 0 : i32
      %dma_wait3A_325 = tpu.memref_slice %arg3[%add3A_121, %dma_wait3A, %dma_wait3A_324] : memref<960x64x1024xf32, #tpu.memory_space<hbm>> -> memref<1x32x1024xf32, #tpu.memory_space<hbm>>
      %dma_wait3A_326 = tpu.memref_squeeze %dma_wait3A_325 : memref<1x32x1024xf32, #tpu.memory_space<hbm>> -> memref<32x1024xf32, #tpu.memory_space<hbm>>
      %dma_wait3A_327 = arith.constant 0 : i32
      %dma_wait3A_328 = arith.constant 0 : i32
      %dma_wait3A_329 = tpu.memref_slice %arg3[%add3A_121, %dma_wait3A_327, %dma_wait3A_328] : memref<960x64x1024xf32, #tpu.memory_space<hbm>> -> memref<1x32x1024xf32, #tpu.memory_space<hbm>>
      %dma_wait3A_330 = tpu.memref_squeeze %dma_wait3A_329 : memref<1x32x1024xf32, #tpu.memory_space<hbm>> -> memref<32x1024xf32, #tpu.memory_space<hbm>>
      tpu.wait_dma2 semaphore(%arg7 : memref<!tpu.dma_semaphore, #tpu.memory_space<semaphore_mem>>) src(%arg4 : memref<32x1024xf32, #tpu.memory_space<vmem>>) dst(%dma_wait3A_330 : memref<32x1024xf32, #tpu.memory_space<hbm>>)
      %dma_wait3A_331 = arith.constant 0 : i32
      %dma_wait3A_332 = arith.constant 0 : i32
      %dma_wait3A_333 = tpu.memref_slice %arg3[%add3A_133, %dma_wait3A_331, %dma_wait3A_332] : memref<960x64x1024xf32, #tpu.memory_space<hbm>> -> memref<1x32x1024xf32, #tpu.memory_space<hbm>>
      %dma_wait3A_334 = tpu.memref_squeeze %dma_wait3A_333 : memref<1x32x1024xf32, #tpu.memory_space<hbm>> -> memref<32x1024xf32, #tpu.memory_space<hbm>>
      %dma_wait3A_335 = arith.constant 0 : i32
      %dma_wait3A_336 = arith.constant 0 : i32
      %dma_wait3A_337 = tpu.memref_slice %arg3[%add3A_133, %dma_wait3A_335, %dma_wait3A_336] : memref<960x64x1024xf32, #tpu.memory_space<hbm>> -> memref<1x32x1024xf32, #tpu.memory_space<hbm>>
      %dma_wait3A_338 = tpu.memref_squeeze %dma_wait3A_337 : memref<1x32x1024xf32, #tpu.memory_space<hbm>> -> memref<32x1024xf32, #tpu.memory_space<hbm>>
      tpu.wait_dma2 semaphore(%arg7 : memref<!tpu.dma_semaphore, #tpu.memory_space<semaphore_mem>>) src(%arg4 : memref<32x1024xf32, #tpu.memory_space<vmem>>) dst(%dma_wait3A_338 : memref<32x1024xf32, #tpu.memory_space<hbm>>)
      %dma_wait3A_339 = arith.constant 0 : i32
      %dma_wait3A_340 = arith.constant 0 : i32
      %dma_wait3A_341 = tpu.memref_slice %arg3[%add3A_146, %dma_wait3A_339, %dma_wait3A_340] : memref<960x64x1024xf32, #tpu.memory_space<hbm>> -> memref<1x32x1024xf32, #tpu.memory_space<hbm>>
      %dma_wait3A_342 = tpu.memref_squeeze %dma_wait3A_341 : memref<1x32x1024xf32, #tpu.memory_space<hbm>> -> memref<32x1024xf32, #tpu.memory_space<hbm>>
      %dma_wait3A_343 = arith.constant 0 : i32
      %dma_wait3A_344 = arith.constant 0 : i32
      %dma_wait3A_345 = tpu.memref_slice %arg3[%add3A_146, %dma_wait3A_343, %dma_wait3A_344] : memref<960x64x1024xf32, #tpu.memory_space<hbm>> -> memref<1x32x1024xf32, #tpu.memory_space<hbm>>
      %dma_wait3A_346 = tpu.memref_squeeze %dma_wait3A_345 : memref<1x32x1024xf32, #tpu.memory_space<hbm>> -> memref<32x1024xf32, #tpu.memory_space<hbm>>
      tpu.wait_dma2 semaphore(%arg7 : memref<!tpu.dma_semaphore, #tpu.memory_space<semaphore_mem>>) src(%arg4 : memref<32x1024xf32, #tpu.memory_space<vmem>>) dst(%dma_wait3A_346 : memref<32x1024xf32, #tpu.memory_space<hbm>>)
      %dma_wait3A_347 = arith.constant 0 : i32
      %dma_wait3A_348 = arith.constant 0 : i32
      %dma_wait3A_349 = tpu.memref_slice %arg3[%add3A_159, %dma_wait3A_347, %dma_wait3A_348] : memref<960x64x1024xf32, #tpu.memory_space<hbm>> -> memref<1x32x1024xf32, #tpu.memory_space<hbm>>
      %dma_wait3A_350 = tpu.memref_squeeze %dma_wait3A_349 : memref<1x32x1024xf32, #tpu.memory_space<hbm>> -> memref<32x1024xf32, #tpu.memory_space<hbm>>
      %dma_wait3A_351 = arith.constant 0 : i32
      %dma_wait3A_352 = arith.constant 0 : i32
      %dma_wait3A_353 = tpu.memref_slice %arg3[%add3A_159, %dma_wait3A_351, %dma_wait3A_352] : memref<960x64x1024xf32, #tpu.memory_space<hbm>> -> memref<1x32x1024xf32, #tpu.memory_space<hbm>>
      %dma_wait3A_354 = tpu.memref_squeeze %dma_wait3A_353 : memref<1x32x1024xf32, #tpu.memory_space<hbm>> -> memref<32x1024xf32, #tpu.memory_space<hbm>>
      tpu.wait_dma2 semaphore(%arg7 : memref<!tpu.dma_semaphore, #tpu.memory_space<semaphore_mem>>) src(%arg4 : memref<32x1024xf32, #tpu.memory_space<vmem>>) dst(%dma_wait3A_354 : memref<32x1024xf32, #tpu.memory_space<hbm>>)
      %dma_wait3A_355 = arith.constant 0 : i32
      %dma_wait3A_356 = arith.constant 0 : i32
      %dma_wait3A_357 = tpu.memref_slice %arg3[%add3A_172, %dma_wait3A_355, %dma_wait3A_356] : memref<960x64x1024xf32, #tpu.memory_space<hbm>> -> memref<1x32x1024xf32, #tpu.memory_space<hbm>>
      %dma_wait3A_358 = tpu.memref_squeeze %dma_wait3A_357 : memref<1x32x1024xf32, #tpu.memory_space<hbm>> -> memref<32x1024xf32, #tpu.memory_space<hbm>>
      %dma_wait3A_359 = arith.constant 0 : i32
      %dma_wait3A_360 = arith.constant 0 : i32
      %dma_wait3A_361 = tpu.memref_slice %arg3[%add3A_172, %dma_wait3A_359, %dma_wait3A_360] : memref<960x64x1024xf32, #tpu.memory_space<hbm>> -> memref<1x32x1024xf32, #tpu.memory_space<hbm>>
      %dma_wait3A_362 = tpu.memref_squeeze %dma_wait3A_361 : memref<1x32x1024xf32, #tpu.memory_space<hbm>> -> memref<32x1024xf32, #tpu.memory_space<hbm>>
      tpu.wait_dma2 semaphore(%arg7 : memref<!tpu.dma_semaphore, #tpu.memory_space<semaphore_mem>>) src(%arg4 : memref<32x1024xf32, #tpu.memory_space<vmem>>) dst(%dma_wait3A_362 : memref<32x1024xf32, #tpu.memory_space<hbm>>)
      %dma_wait3A_363 = arith.constant 0 : i32
      %dma_wait3A_364 = arith.constant 0 : i32
      %dma_wait3A_365 = tpu.memref_slice %arg3[%add3A_185, %dma_wait3A_363, %dma_wait3A_364] : memref<960x64x1024xf32, #tpu.memory_space<hbm>> -> memref<1x32x1024xf32, #tpu.memory_space<hbm>>
      %dma_wait3A_366 = tpu.memref_squeeze %dma_wait3A_365 : memref<1x32x1024xf32, #tpu.memory_space<hbm>> -> memref<32x1024xf32, #tpu.memory_space<hbm>>
      %dma_wait3A_367 = arith.constant 0 : i32
      %dma_wait3A_368 = arith.constant 0 : i32
      %dma_wait3A_369 = tpu.memref_slice %arg3[%add3A_185, %dma_wait3A_367, %dma_wait3A_368] : memref<960x64x1024xf32, #tpu.memory_space<hbm>> -> memref<1x32x1024xf32, #tpu.memory_space<hbm>>
      %dma_wait3A_370 = tpu.memref_squeeze %dma_wait3A_369 : memref<1x32x1024xf32, #tpu.memory_space<hbm>> -> memref<32x1024xf32, #tpu.memory_space<hbm>>
      tpu.wait_dma2 semaphore(%arg7 : memref<!tpu.dma_semaphore, #tpu.memory_space<semaphore_mem>>) src(%arg4 : memref<32x1024xf32, #tpu.memory_space<vmem>>) dst(%dma_wait3A_370 : memref<32x1024xf32, #tpu.memory_space<hbm>>)
      %dma_wait3A_371 = arith.constant 0 : i32
      %dma_wait3A_372 = arith.constant 0 : i32
      %dma_wait3A_373 = tpu.memref_slice %arg3[%add3A_198, %dma_wait3A_371, %dma_wait3A_372] : memref<960x64x1024xf32, #tpu.memory_space<hbm>> -> memref<1x32x1024xf32, #tpu.memory_space<hbm>>
      %dma_wait3A_374 = tpu.memref_squeeze %dma_wait3A_373 : memref<1x32x1024xf32, #tpu.memory_space<hbm>> -> memref<32x1024xf32, #tpu.memory_space<hbm>>
      %dma_wait3A_375 = arith.constant 0 : i32
      %dma_wait3A_376 = arith.constant 0 : i32
      %dma_wait3A_377 = tpu.memref_slice %arg3[%add3A_198, %dma_wait3A_375, %dma_wait3A_376] : memref<960x64x1024xf32, #tpu.memory_space<hbm>> -> memref<1x32x1024xf32, #tpu.memory_space<hbm>>
      %dma_wait3A_378 = tpu.memref_squeeze %dma_wait3A_377 : memref<1x32x1024xf32, #tpu.memory_space<hbm>> -> memref<32x1024xf32, #tpu.memory_space<hbm>>
      tpu.wait_dma2 semaphore(%arg7 : memref<!tpu.dma_semaphore, #tpu.memory_space<semaphore_mem>>) src(%arg4 : memref<32x1024xf32, #tpu.memory_space<vmem>>) dst(%dma_wait3A_378 : memref<32x1024xf32, #tpu.memory_space<hbm>>)
      %dma_wait3A_379 = arith.constant 0 : i32
      %dma_wait3A_380 = arith.constant 0 : i32
      %dma_wait3A_381 = tpu.memref_slice %arg3[%add3A_211, %dma_wait3A_379, %dma_wait3A_380] : memref<960x64x1024xf32, #tpu.memory_space<hbm>> -> memref<1x32x1024xf32, #tpu.memory_space<hbm>>
      %dma_wait3A_382 = tpu.memref_squeeze %dma_wait3A_381 : memref<1x32x1024xf32, #tpu.memory_space<hbm>> -> memref<32x1024xf32, #tpu.memory_space<hbm>>
      %dma_wait3A_383 = arith.constant 0 : i32
      %dma_wait3A_384 = arith.constant 0 : i32
      %dma_wait3A_385 = tpu.memref_slice %arg3[%add3A_211, %dma_wait3A_383, %dma_wait3A_384] : memref<960x64x1024xf32, #tpu.memory_space<hbm>> -> memref<1x32x1024xf32, #tpu.memory_space<hbm>>
      %dma_wait3A_386 = tpu.memref_squeeze %dma_wait3A_385 : memref<1x32x1024xf32, #tpu.memory_space<hbm>> -> memref<32x1024xf32, #tpu.memory_space<hbm>>
      tpu.wait_dma2 semaphore(%arg7 : memref<!tpu.dma_semaphore, #tpu.memory_space<semaphore_mem>>) src(%arg4 : memref<32x1024xf32, #tpu.memory_space<vmem>>) dst(%dma_wait3A_386 : memref<32x1024xf32, #tpu.memory_space<hbm>>)
      %dma_wait3A_387 = arith.constant 32 : i32
      %dma_wait3A_388 = arith.constant 0 : i32
      %dma_wait3A_389 = tpu.memref_slice %arg3[%add3A_224, %dma_wait3A_387, %dma_wait3A_388] : memref<960x64x1024xf32, #tpu.memory_space<hbm>> -> memref<1x32x1024xf32, #tpu.memory_space<hbm>>
      %dma_wait3A_390 = tpu.memref_squeeze %dma_wait3A_389 : memref<1x32x1024xf32, #tpu.memory_space<hbm>> -> memref<32x1024xf32, #tpu.memory_space<hbm>>
      %dma_wait3A_391 = arith.constant 32 : i32
      %dma_wait3A_392 = arith.constant 0 : i32
      %dma_wait3A_393 = tpu.memref_slice %arg3[%add3A_224, %dma_wait3A_391, %dma_wait3A_392] : memref<960x64x1024xf32, #tpu.memory_space<hbm>> -> memref<1x32x1024xf32, #tpu.memory_space<hbm>>
      %dma_wait3A_394 = tpu.memref_squeeze %dma_wait3A_393 : memref<1x32x1024xf32, #tpu.memory_space<hbm>> -> memref<32x1024xf32, #tpu.memory_space<hbm>>
      tpu.wait_dma2 semaphore(%arg8 : memref<!tpu.dma_semaphore, #tpu.memory_space<semaphore_mem>>) src(%arg5 : memref<32x1024xf32, #tpu.memory_space<vmem>>) dst(%dma_wait3A_394 : memref<32x1024xf32, #tpu.memory_space<hbm>>)
      %dma_wait3A_395 = arith.constant 32 : i32
      %dma_wait3A_396 = arith.constant 0 : i32
      %dma_wait3A_397 = tpu.memref_slice %arg3[%add3A_237, %dma_wait3A_395, %dma_wait3A_396] : memref<960x64x1024xf32, #tpu.memory_space<hbm>> -> memref<1x32x1024xf32, #tpu.memory_space<hbm>>
      %dma_wait3A_398 = tpu.memref_squeeze %dma_wait3A_397 : memref<1x32x1024xf32, #tpu.memory_space<hbm>> -> memref<32x1024xf32, #tpu.memory_space<hbm>>
      %dma_wait3A_399 = arith.constant 32 : i32
      %dma_wait3A_400 = arith.constant 0 : i32
      %dma_wait3A_401 = tpu.memref_slice %arg3[%add3A_237, %dma_wait3A_399, %dma_wait3A_400] : memref<960x64x1024xf32, #tpu.memory_space<hbm>> -> memref<1x32x1024xf32, #tpu.memory_space<hbm>>
      %dma_wait3A_402 = tpu.memref_squeeze %dma_wait3A_401 : memref<1x32x1024xf32, #tpu.memory_space<hbm>> -> memref<32x1024xf32, #tpu.memory_space<hbm>>
      tpu.wait_dma2 semaphore(%arg8 : memref<!tpu.dma_semaphore, #tpu.memory_space<semaphore_mem>>) src(%arg5 : memref<32x1024xf32, #tpu.memory_space<vmem>>) dst(%dma_wait3A_402 : memref<32x1024xf32, #tpu.memory_space<hbm>>)
      %dma_wait3A_403 = arith.constant 32 : i32
      %dma_wait3A_404 = arith.constant 0 : i32
      %dma_wait3A_405 = tpu.memref_slice %arg3[%add3A_250, %dma_wait3A_403, %dma_wait3A_404] : memref<960x64x1024xf32, #tpu.memory_space<hbm>> -> memref<1x32x1024xf32, #tpu.memory_space<hbm>>
      %dma_wait3A_406 = tpu.memref_squeeze %dma_wait3A_405 : memref<1x32x1024xf32, #tpu.memory_space<hbm>> -> memref<32x1024xf32, #tpu.memory_space<hbm>>
      %dma_wait3A_407 = arith.constant 32 : i32
      %dma_wait3A_408 = arith.constant 0 : i32
      %dma_wait3A_409 = tpu.memref_slice %arg3[%add3A_250, %dma_wait3A_407, %dma_wait3A_408] : memref<960x64x1024xf32, #tpu.memory_space<hbm>> -> memref<1x32x1024xf32, #tpu.memory_space<hbm>>
      %dma_wait3A_410 = tpu.memref_squeeze %dma_wait3A_409 : memref<1x32x1024xf32, #tpu.memory_space<hbm>> -> memref<32x1024xf32, #tpu.memory_space<hbm>>
      tpu.wait_dma2 semaphore(%arg8 : memref<!tpu.dma_semaphore, #tpu.memory_space<semaphore_mem>>) src(%arg5 : memref<32x1024xf32, #tpu.memory_space<vmem>>) dst(%dma_wait3A_410 : memref<32x1024xf32, #tpu.memory_space<hbm>>)
      %dma_wait3A_411 = arith.constant 32 : i32
      %dma_wait3A_412 = arith.constant 0 : i32
      %dma_wait3A_413 = tpu.memref_slice %arg3[%add3A_263, %dma_wait3A_411, %dma_wait3A_412] : memref<960x64x1024xf32, #tpu.memory_space<hbm>> -> memref<1x32x1024xf32, #tpu.memory_space<hbm>>
      %dma_wait3A_414 = tpu.memref_squeeze %dma_wait3A_413 : memref<1x32x1024xf32, #tpu.memory_space<hbm>> -> memref<32x1024xf32, #tpu.memory_space<hbm>>
      %dma_wait3A_415 = arith.constant 32 : i32
      %dma_wait3A_416 = arith.constant 0 : i32
      %dma_wait3A_417 = tpu.memref_slice %arg3[%add3A_263, %dma_wait3A_415, %dma_wait3A_416] : memref<960x64x1024xf32, #tpu.memory_space<hbm>> -> memref<1x32x1024xf32, #tpu.memory_space<hbm>>
      %dma_wait3A_418 = tpu.memref_squeeze %dma_wait3A_417 : memref<1x32x1024xf32, #tpu.memory_space<hbm>> -> memref<32x1024xf32, #tpu.memory_space<hbm>>
      tpu.wait_dma2 semaphore(%arg8 : memref<!tpu.dma_semaphore, #tpu.memory_space<semaphore_mem>>) src(%arg5 : memref<32x1024xf32, #tpu.memory_space<vmem>>) dst(%dma_wait3A_418 : memref<32x1024xf32, #tpu.memory_space<hbm>>)
      %dma_wait3A_419 = arith.constant 32 : i32
      %dma_wait3A_420 = arith.constant 0 : i32
      %dma_wait3A_421 = tpu.memref_slice %arg3[%add3A_276, %dma_wait3A_419, %dma_wait3A_420] : memref<960x64x1024xf32, #tpu.memory_space<hbm>> -> memref<1x32x1024xf32, #tpu.memory_space<hbm>>
      %dma_wait3A_422 = tpu.memref_squeeze %dma_wait3A_421 : memref<1x32x1024xf32, #tpu.memory_space<hbm>> -> memref<32x1024xf32, #tpu.memory_space<hbm>>
      %dma_wait3A_423 = arith.constant 32 : i32
      %dma_wait3A_424 = arith.constant 0 : i32
      %dma_wait3A_425 = tpu.memref_slice %arg3[%add3A_276, %dma_wait3A_423, %dma_wait3A_424] : memref<960x64x1024xf32, #tpu.memory_space<hbm>> -> memref<1x32x1024xf32, #tpu.memory_space<hbm>>
      %dma_wait3A_426 = tpu.memref_squeeze %dma_wait3A_425 : memref<1x32x1024xf32, #tpu.memory_space<hbm>> -> memref<32x1024xf32, #tpu.memory_space<hbm>>
      tpu.wait_dma2 semaphore(%arg8 : memref<!tpu.dma_semaphore, #tpu.memory_space<semaphore_mem>>) src(%arg5 : memref<32x1024xf32, #tpu.memory_space<vmem>>) dst(%dma_wait3A_426 : memref<32x1024xf32, #tpu.memory_space<hbm>>)
      %dma_wait3A_427 = arith.constant 32 : i32
      %dma_wait3A_428 = arith.constant 0 : i32
      %dma_wait3A_429 = tpu.memref_slice %arg3[%add3A_289, %dma_wait3A_427, %dma_wait3A_428] : memref<960x64x1024xf32, #tpu.memory_space<hbm>> -> memref<1x32x1024xf32, #tpu.memory_space<hbm>>
      %dma_wait3A_430 = tpu.memref_squeeze %dma_wait3A_429 : memref<1x32x1024xf32, #tpu.memory_space<hbm>> -> memref<32x1024xf32, #tpu.memory_space<hbm>>
      %dma_wait3A_431 = arith.constant 32 : i32
      %dma_wait3A_432 = arith.constant 0 : i32
      %dma_wait3A_433 = tpu.memref_slice %arg3[%add3A_289, %dma_wait3A_431, %dma_wait3A_432] : memref<960x64x1024xf32, #tpu.memory_space<hbm>> -> memref<1x32x1024xf32, #tpu.memory_space<hbm>>
      %dma_wait3A_434 = tpu.memref_squeeze %dma_wait3A_433 : memref<1x32x1024xf32, #tpu.memory_space<hbm>> -> memref<32x1024xf32, #tpu.memory_space<hbm>>
      tpu.wait_dma2 semaphore(%arg8 : memref<!tpu.dma_semaphore, #tpu.memory_space<semaphore_mem>>) src(%arg5 : memref<32x1024xf32, #tpu.memory_space<vmem>>) dst(%dma_wait3A_434 : memref<32x1024xf32, #tpu.memory_space<hbm>>)
      %dma_wait3A_435 = arith.constant 32 : i32
      %dma_wait3A_436 = arith.constant 0 : i32
      %dma_wait3A_437 = tpu.memref_slice %arg3[%add3A_302, %dma_wait3A_435, %dma_wait3A_436] : memref<960x64x1024xf32, #tpu.memory_space<hbm>> -> memref<1x32x1024xf32, #tpu.memory_space<hbm>>
      %dma_wait3A_438 = tpu.memref_squeeze %dma_wait3A_437 : memref<1x32x1024xf32, #tpu.memory_space<hbm>> -> memref<32x1024xf32, #tpu.memory_space<hbm>>
      %dma_wait3A_439 = arith.constant 32 : i32
      %dma_wait3A_440 = arith.constant 0 : i32
      %dma_wait3A_441 = tpu.memref_slice %arg3[%add3A_302, %dma_wait3A_439, %dma_wait3A_440] : memref<960x64x1024xf32, #tpu.memory_space<hbm>> -> memref<1x32x1024xf32, #tpu.memory_space<hbm>>
      %dma_wait3A_442 = tpu.memref_squeeze %dma_wait3A_441 : memref<1x32x1024xf32, #tpu.memory_space<hbm>> -> memref<32x1024xf32, #tpu.memory_space<hbm>>
      tpu.wait_dma2 semaphore(%arg8 : memref<!tpu.dma_semaphore, #tpu.memory_space<semaphore_mem>>) src(%arg5 : memref<32x1024xf32, #tpu.memory_space<vmem>>) dst(%dma_wait3A_442 : memref<32x1024xf32, #tpu.memory_space<hbm>>)
      %dma_wait3A_443 = arith.constant 32 : i32
      %dma_wait3A_444 = arith.constant 0 : i32
      %dma_wait3A_445 = tpu.memref_slice %arg3[%add3A_315, %dma_wait3A_443, %dma_wait3A_444] : memref<960x64x1024xf32, #tpu.memory_space<hbm>> -> memref<1x32x1024xf32, #tpu.memory_space<hbm>>
      %dma_wait3A_446 = tpu.memref_squeeze %dma_wait3A_445 : memref<1x32x1024xf32, #tpu.memory_space<hbm>> -> memref<32x1024xf32, #tpu.memory_space<hbm>>
      %dma_wait3A_447 = arith.constant 32 : i32
      %dma_wait3A_448 = arith.constant 0 : i32
      %dma_wait3A_449 = tpu.memref_slice %arg3[%add3A_315, %dma_wait3A_447, %dma_wait3A_448] : memref<960x64x1024xf32, #tpu.memory_space<hbm>> -> memref<1x32x1024xf32, #tpu.memory_space<hbm>>
      %dma_wait3A_450 = tpu.memref_squeeze %dma_wait3A_449 : memref<1x32x1024xf32, #tpu.memory_space<hbm>> -> memref<32x1024xf32, #tpu.memory_space<hbm>>
      tpu.wait_dma2 semaphore(%arg8 : memref<!tpu.dma_semaphore, #tpu.memory_space<semaphore_mem>>) src(%arg5 : memref<32x1024xf32, #tpu.memory_space<vmem>>) dst(%dma_wait3A_450 : memref<32x1024xf32, #tpu.memory_space<hbm>>)
    } else {
    }
    %ge3A_40 = arith.constant 80 : i32
    %ge3A_41 = arith.cmpi sge, %add3A_34, %ge3A_40 : i32
    %convert_element_type3A_42 = arith.extui %ge3A_41 : i1 to i32
    %cond3A_43 = arith.constant 0 : i32
    %cond3A_44 = arith.cmpi ne, %convert_element_type3A_42, %cond3A_43 : i32
    scf.if %cond3A_44 {
      %sub3A = arith.constant 80 : i32
      %sub3A_57 = arith.subi %add3A_34, %sub3A : i32
      %jit3A = arith.constant 4 : i32
      %div3A = arith.divsi %sub3A_57, %jit3A : i32
      %sign3A = arith.constant 0 : i32
      %sign3A_58 = arith.cmpi sgt, %sub3A_57, %sign3A : i32
      %sign3A_59 = arith.extui %sign3A_58 : i1 to i32
      %sign3A_60 = arith.constant 0 : i32
      %sign3A_61 = arith.cmpi slt, %sub3A_57, %sign3A_60 : i32
      %sign3A_62 = arith.extui %sign3A_61 : i1 to i32
      %sign3A_63 = arith.subi %sign3A_59, %sign3A_62 : i32
      %sign3A_64 = arith.constant 0 : i32
      %sign3A_65 = arith.cmpi sgt, %jit3A, %sign3A_64 : i32
      %sign3A_66 = arith.extui %sign3A_65 : i1 to i32
      %sign3A_67 = arith.constant 0 : i32
      %sign3A_68 = arith.cmpi slt, %jit3A, %sign3A_67 : i32
      %sign3A_69 = arith.extui %sign3A_68 : i1 to i32
      %sign3A_70 = arith.subi %sign3A_66, %sign3A_69 : i32
      %ne3A = arith.cmpi ne, %sign3A_63, %sign3A_70 : i32
      %rem3A = arith.remsi %sub3A_57, %jit3A : i32
      %ne3A_71 = arith.constant 0 : i32
      %ne3A_72 = arith.cmpi ne, %rem3A, %ne3A_71 : i32
      %and3A = arith.andi %ne3A, %ne3A_72 : i1
      %sub3A_73 = arith.constant 1 : i32
      %sub3A_74 = arith.subi %div3A, %sub3A_73 : i32
      %select_n3A = arith.select %and3A, %sub3A_74, %div3A : i32
      %jit3A_75 = arith.constant 4 : i32
      %eq3A = arith.constant 0 : i32
      %eq3A_76 = arith.cmpi eq, %jit3A_75, %eq3A : i32
      %jit3A_77 = arith.constant 1 : i32
      %select_n3A_78 = arith.select %eq3A_76, %jit3A_77, %jit3A_75 : i32
      %rem3A_79 = arith.remsi %sub3A_57, %select_n3A_78 : i32
      %ne3A_80 = arith.constant 0 : i32
      %ne3A_81 = arith.cmpi ne, %rem3A_79, %ne3A_80 : i32
      %lt3A_82 = arith.constant 0 : i32
      %lt3A_83 = arith.cmpi slt, %rem3A_79, %lt3A_82 : i32
      %lt3A_84 = arith.constant 0 : i32
      %lt3A_85 = arith.cmpi slt, %select_n3A_78, %lt3A_84 : i32
      %ne3A_86 = arith.xori %lt3A_83, %lt3A_85 : i1
      %and3A_87 = arith.andi %ne3A_86, %ne3A_81 : i1
      %add3A_88 = arith.addi %rem3A_79, %select_n3A_78 : i32
      %select_n3A_89 = arith.select %and3A_87, %add3A_88, %rem3A_79 : i32
      %lt3A_90 = arith.constant 2 : i32
      %lt3A_91 = arith.cmpi slt, %select_n3A_89, %lt3A_90 : i32
      %jit3A_92 = arith.constant 2 : i32
      %jit3A_93 = arith.constant 5 : i32
      %select_n3A_94 = arith.select %lt3A_91, %jit3A_92, %jit3A_93 : i32
      %lt3A_95 = arith.constant 2 : i32
      %lt3A_96 = arith.cmpi slt, %select_n3A_89, %lt3A_95 : i32
      %jit3A_97 = arith.constant 2 : i32
      %jit3A_98 = arith.constant 12 : i32
      %select_n3A_99 = arith.select %lt3A_96, %jit3A_97, %jit3A_98 : i32
      %jit3A_100 = arith.constant 2 : i32
      %eq3A_101 = arith.constant 0 : i32
      %eq3A_102 = arith.cmpi eq, %jit3A_100, %eq3A_101 : i32
      %jit3A_103 = arith.constant 1 : i32
      %select_n3A_104 = arith.select %eq3A_102, %jit3A_103, %jit3A_100 : i32
      %rem3A_105 = arith.remsi %select_n3A_89, %select_n3A_104 : i32
      %ne3A_106 = arith.constant 0 : i32
      %ne3A_107 = arith.cmpi ne, %rem3A_105, %ne3A_106 : i32
      %lt3A_108 = arith.constant 0 : i32
      %lt3A_109 = arith.cmpi slt, %rem3A_105, %lt3A_108 : i32
      %lt3A_110 = arith.constant 0 : i32
      %lt3A_111 = arith.cmpi slt, %select_n3A_104, %lt3A_110 : i32
      %ne3A_112 = arith.xori %lt3A_109, %lt3A_111 : i1
      %and3A_113 = arith.andi %ne3A_112, %ne3A_107 : i1
      %add3A_114 = arith.addi %rem3A_105, %select_n3A_104 : i32
      %select_n3A_115 = arith.select %and3A_113, %add3A_114, %rem3A_105 : i32
      %eq3A_116 = arith.constant 0 : i32
      %eq3A_117 = arith.cmpi eq, %select_n3A_115, %eq3A_116 : i32
      %jit3A_118 = arith.constant 0 : i32
      %jit3A_119 = arith.constant 4 : i32
      %select_n3A_120 = arith.select %eq3A_117, %jit3A_118, %jit3A_119 : i32
      %add3A_121 = arith.constant 0 : i32
      %add3A_122 = arith.addi %select_n3A_120, %add3A_121 : i32
      %mul3A_123 = arith.constant 20 : i32
      %mul3A_124 = arith.muli %select_n3A, %mul3A_123 : i32
      %add3A_125 = arith.addi %mul3A_124, %select_n3A_99 : i32
      %add3A_126 = arith.addi %add3A_125, %add3A_122 : i32
      %mul3A_127 = arith.constant 48 : i32
      %mul3A_128 = arith.muli %select_n3A, %mul3A_127 : i32
      %mul3A_129 = arith.constant 6 : i32
      %mul3A_130 = arith.muli %add3A_122, %mul3A_129 : i32
      %add3A_131 = arith.addi %mul3A_128, %mul3A_130 : i32
      %add3A_132 = arith.addi %add3A_131, %select_n3A_94 : i32
      "tpu.region"() ({
        %run_scoped3A = tpu.sem_alloc : memref<!tpu.dma_semaphore, #tpu.memory_space<semaphore_mem>>
        %dma_start3A_295 = arith.constant 0 : i32
        %dma_start3A_296 = arith.constant 0 : i32
        %dma_start3A_297 = tpu.memref_slice %arg2[%add3A_126, %dma_start3A_295, %dma_start3A_296] : memref<400x64x1024xf32, #tpu.memory_space<hbm>> -> memref<1x32x1024xf32, #tpu.memory_space<hbm>>
        %dma_start3A_298 = tpu.memref_squeeze %dma_start3A_297 : memref<1x32x1024xf32, #tpu.memory_space<hbm>> -> memref<32x1024xf32, #tpu.memory_space<hbm>>
        %dma_start3A_299 = arith.constant 0 : i32
        %dma_start3A_300 = arith.constant 0 : i32
        %dma_start3A_301 = tpu.memref_slice %arg2[%add3A_126, %dma_start3A_299, %dma_start3A_300] : memref<400x64x1024xf32, #tpu.memory_space<hbm>> -> memref<1x32x1024xf32, #tpu.memory_space<hbm>>
        %dma_start3A_302 = tpu.memref_squeeze %dma_start3A_301 : memref<1x32x1024xf32, #tpu.memory_space<hbm>> -> memref<32x1024xf32, #tpu.memory_space<hbm>>
        tpu.enqueue_dma source(%dma_start3A_302 : memref<32x1024xf32, #tpu.memory_space<hbm>>) target(%arg4 : memref<32x1024xf32, #tpu.memory_space<vmem>>) target_semaphore(%run_scoped3A : memref<!tpu.dma_semaphore, #tpu.memory_space<semaphore_mem>>)
        %dma_wait3A_303 = arith.constant 0 : i32
        %dma_wait3A_304 = arith.constant 0 : i32
        %dma_wait3A_305 = tpu.memref_slice %arg2[%add3A_126, %dma_wait3A_303, %dma_wait3A_304] : memref<400x64x1024xf32, #tpu.memory_space<hbm>> -> memref<1x32x1024xf32, #tpu.memory_space<hbm>>
        %dma_wait3A_306 = tpu.memref_squeeze %dma_wait3A_305 : memref<1x32x1024xf32, #tpu.memory_space<hbm>> -> memref<32x1024xf32, #tpu.memory_space<hbm>>
        %dma_wait3A_307 = arith.constant 0 : i32
        %dma_wait3A_308 = arith.constant 0 : i32
        %dma_wait3A_309 = tpu.memref_slice %arg2[%add3A_126, %dma_wait3A_307, %dma_wait3A_308] : memref<400x64x1024xf32, #tpu.memory_space<hbm>> -> memref<1x32x1024xf32, #tpu.memory_space<hbm>>
        %dma_wait3A_310 = tpu.memref_squeeze %dma_wait3A_309 : memref<1x32x1024xf32, #tpu.memory_space<hbm>> -> memref<32x1024xf32, #tpu.memory_space<hbm>>
        tpu.wait_dma2 semaphore(%run_scoped3A : memref<!tpu.dma_semaphore, #tpu.memory_space<semaphore_mem>>) src(%dma_wait3A_310 : memref<32x1024xf32, #tpu.memory_space<hbm>>) dst(%arg4 : memref<32x1024xf32, #tpu.memory_space<vmem>>)
        tpu.yield
      }) : () -> ()
      %dma_start3A = arith.constant 0 : i32
      %dma_start3A_133 = arith.constant 0 : i32
      %dma_start3A_134 = tpu.memref_slice %arg3[%add3A_132, %dma_start3A, %dma_start3A_133] : memref<960x64x1024xf32, #tpu.memory_space<hbm>> -> memref<1x32x1024xf32, #tpu.memory_space<hbm>>
      %dma_start3A_135 = tpu.memref_squeeze %dma_start3A_134 : memref<1x32x1024xf32, #tpu.memory_space<hbm>> -> memref<32x1024xf32, #tpu.memory_space<hbm>>
      %dma_start3A_136 = arith.constant 0 : i32
      %dma_start3A_137 = arith.constant 0 : i32
      %dma_start3A_138 = tpu.memref_slice %arg3[%add3A_132, %dma_start3A_136, %dma_start3A_137] : memref<960x64x1024xf32, #tpu.memory_space<hbm>> -> memref<1x32x1024xf32, #tpu.memory_space<hbm>>
      %dma_start3A_139 = tpu.memref_squeeze %dma_start3A_138 : memref<1x32x1024xf32, #tpu.memory_space<hbm>> -> memref<32x1024xf32, #tpu.memory_space<hbm>>
      tpu.enqueue_dma source(%arg4 : memref<32x1024xf32, #tpu.memory_space<vmem>>) target(%dma_start3A_139 : memref<32x1024xf32, #tpu.memory_space<hbm>>) target_semaphore(%arg7 : memref<!tpu.dma_semaphore, #tpu.memory_space<semaphore_mem>>)
      "tpu.region"() ({
        %run_scoped3A = tpu.sem_alloc : memref<!tpu.dma_semaphore, #tpu.memory_space<semaphore_mem>>
        %dma_start3A_295 = arith.constant 32 : i32
        %dma_start3A_296 = arith.constant 0 : i32
        %dma_start3A_297 = tpu.memref_slice %arg2[%add3A_126, %dma_start3A_295, %dma_start3A_296] : memref<400x64x1024xf32, #tpu.memory_space<hbm>> -> memref<1x32x1024xf32, #tpu.memory_space<hbm>>
        %dma_start3A_298 = tpu.memref_squeeze %dma_start3A_297 : memref<1x32x1024xf32, #tpu.memory_space<hbm>> -> memref<32x1024xf32, #tpu.memory_space<hbm>>
        %dma_start3A_299 = arith.constant 32 : i32
        %dma_start3A_300 = arith.constant 0 : i32
        %dma_start3A_301 = tpu.memref_slice %arg2[%add3A_126, %dma_start3A_299, %dma_start3A_300] : memref<400x64x1024xf32, #tpu.memory_space<hbm>> -> memref<1x32x1024xf32, #tpu.memory_space<hbm>>
        %dma_start3A_302 = tpu.memref_squeeze %dma_start3A_301 : memref<1x32x1024xf32, #tpu.memory_space<hbm>> -> memref<32x1024xf32, #tpu.memory_space<hbm>>
        tpu.enqueue_dma source(%dma_start3A_302 : memref<32x1024xf32, #tpu.memory_space<hbm>>) target(%arg5 : memref<32x1024xf32, #tpu.memory_space<vmem>>) target_semaphore(%run_scoped3A : memref<!tpu.dma_semaphore, #tpu.memory_space<semaphore_mem>>)
        %dma_wait3A_303 = arith.constant 32 : i32
        %dma_wait3A_304 = arith.constant 0 : i32
        %dma_wait3A_305 = tpu.memref_slice %arg2[%add3A_126, %dma_wait3A_303, %dma_wait3A_304] : memref<400x64x1024xf32, #tpu.memory_space<hbm>> -> memref<1x32x1024xf32, #tpu.memory_space<hbm>>
        %dma_wait3A_306 = tpu.memref_squeeze %dma_wait3A_305 : memref<1x32x1024xf32, #tpu.memory_space<hbm>> -> memref<32x1024xf32, #tpu.memory_space<hbm>>
        %dma_wait3A_307 = arith.constant 32 : i32
        %dma_wait3A_308 = arith.constant 0 : i32
        %dma_wait3A_309 = tpu.memref_slice %arg2[%add3A_126, %dma_wait3A_307, %dma_wait3A_308] : memref<400x64x1024xf32, #tpu.memory_space<hbm>> -> memref<1x32x1024xf32, #tpu.memory_space<hbm>>
        %dma_wait3A_310 = tpu.memref_squeeze %dma_wait3A_309 : memref<1x32x1024xf32, #tpu.memory_space<hbm>> -> memref<32x1024xf32, #tpu.memory_space<hbm>>
        tpu.wait_dma2 semaphore(%run_scoped3A : memref<!tpu.dma_semaphore, #tpu.memory_space<semaphore_mem>>) src(%dma_wait3A_310 : memref<32x1024xf32, #tpu.memory_space<hbm>>) dst(%arg5 : memref<32x1024xf32, #tpu.memory_space<vmem>>)
        tpu.yield
      }) : () -> ()
      %dma_start3A_140 = arith.constant 32 : i32
      %dma_start3A_141 = arith.constant 0 : i32
      %dma_start3A_142 = tpu.memref_slice %arg3[%add3A_132, %dma_start3A_140, %dma_start3A_141] : memref<960x64x1024xf32, #tpu.memory_space<hbm>> -> memref<1x32x1024xf32, #tpu.memory_space<hbm>>
      %dma_start3A_143 = tpu.memref_squeeze %dma_start3A_142 : memref<1x32x1024xf32, #tpu.memory_space<hbm>> -> memref<32x1024xf32, #tpu.memory_space<hbm>>
      %dma_start3A_144 = arith.constant 32 : i32
      %dma_start3A_145 = arith.constant 0 : i32
      %dma_start3A_146 = tpu.memref_slice %arg3[%add3A_132, %dma_start3A_144, %dma_start3A_145] : memref<960x64x1024xf32, #tpu.memory_space<hbm>> -> memref<1x32x1024xf32, #tpu.memory_space<hbm>>
      %dma_start3A_147 = tpu.memref_squeeze %dma_start3A_146 : memref<1x32x1024xf32, #tpu.memory_space<hbm>> -> memref<32x1024xf32, #tpu.memory_space<hbm>>
      tpu.enqueue_dma source(%arg5 : memref<32x1024xf32, #tpu.memory_space<vmem>>) target(%dma_start3A_147 : memref<32x1024xf32, #tpu.memory_space<hbm>>) target_semaphore(%arg8 : memref<!tpu.dma_semaphore, #tpu.memory_space<semaphore_mem>>)
      %add3A_148 = arith.constant 1 : i32
      %add3A_149 = arith.addi %select_n3A_120, %add3A_148 : i32
      %mul3A_150 = arith.constant 20 : i32
      %mul3A_151 = arith.muli %select_n3A, %mul3A_150 : i32
      %add3A_152 = arith.addi %mul3A_151, %select_n3A_99 : i32
      %add3A_153 = arith.addi %add3A_152, %add3A_149 : i32
      %mul3A_154 = arith.constant 48 : i32
      %mul3A_155 = arith.muli %select_n3A, %mul3A_154 : i32
      %mul3A_156 = arith.constant 6 : i32
      %mul3A_157 = arith.muli %add3A_149, %mul3A_156 : i32
      %add3A_158 = arith.addi %mul3A_155, %mul3A_157 : i32
      %add3A_159 = arith.addi %add3A_158, %select_n3A_94 : i32
      "tpu.region"() ({
        %run_scoped3A = tpu.sem_alloc : memref<!tpu.dma_semaphore, #tpu.memory_space<semaphore_mem>>
        %dma_start3A_295 = arith.constant 0 : i32
        %dma_start3A_296 = arith.constant 0 : i32
        %dma_start3A_297 = tpu.memref_slice %arg2[%add3A_153, %dma_start3A_295, %dma_start3A_296] : memref<400x64x1024xf32, #tpu.memory_space<hbm>> -> memref<1x32x1024xf32, #tpu.memory_space<hbm>>
        %dma_start3A_298 = tpu.memref_squeeze %dma_start3A_297 : memref<1x32x1024xf32, #tpu.memory_space<hbm>> -> memref<32x1024xf32, #tpu.memory_space<hbm>>
        %dma_start3A_299 = arith.constant 0 : i32
        %dma_start3A_300 = arith.constant 0 : i32
        %dma_start3A_301 = tpu.memref_slice %arg2[%add3A_153, %dma_start3A_299, %dma_start3A_300] : memref<400x64x1024xf32, #tpu.memory_space<hbm>> -> memref<1x32x1024xf32, #tpu.memory_space<hbm>>
        %dma_start3A_302 = tpu.memref_squeeze %dma_start3A_301 : memref<1x32x1024xf32, #tpu.memory_space<hbm>> -> memref<32x1024xf32, #tpu.memory_space<hbm>>
        tpu.enqueue_dma source(%dma_start3A_302 : memref<32x1024xf32, #tpu.memory_space<hbm>>) target(%arg6 : memref<32x1024xf32, #tpu.memory_space<vmem>>) target_semaphore(%run_scoped3A : memref<!tpu.dma_semaphore, #tpu.memory_space<semaphore_mem>>)
        %dma_wait3A_303 = arith.constant 0 : i32
        %dma_wait3A_304 = arith.constant 0 : i32
        %dma_wait3A_305 = tpu.memref_slice %arg2[%add3A_153, %dma_wait3A_303, %dma_wait3A_304] : memref<400x64x1024xf32, #tpu.memory_space<hbm>> -> memref<1x32x1024xf32, #tpu.memory_space<hbm>>
        %dma_wait3A_306 = tpu.memref_squeeze %dma_wait3A_305 : memref<1x32x1024xf32, #tpu.memory_space<hbm>> -> memref<32x1024xf32, #tpu.memory_space<hbm>>
        %dma_wait3A_307 = arith.constant 0 : i32
        %dma_wait3A_308 = arith.constant 0 : i32
        %dma_wait3A_309 = tpu.memref_slice %arg2[%add3A_153, %dma_wait3A_307, %dma_wait3A_308] : memref<400x64x1024xf32, #tpu.memory_space<hbm>> -> memref<1x32x1024xf32, #tpu.memory_space<hbm>>
        %dma_wait3A_310 = tpu.memref_squeeze %dma_wait3A_309 : memref<1x32x1024xf32, #tpu.memory_space<hbm>> -> memref<32x1024xf32, #tpu.memory_space<hbm>>
        tpu.wait_dma2 semaphore(%run_scoped3A : memref<!tpu.dma_semaphore, #tpu.memory_space<semaphore_mem>>) src(%dma_wait3A_310 : memref<32x1024xf32, #tpu.memory_space<hbm>>) dst(%arg6 : memref<32x1024xf32, #tpu.memory_space<vmem>>)
        tpu.yield
      }) : () -> ()
      %dma_start3A_160 = arith.constant 0 : i32
      %dma_start3A_161 = arith.constant 0 : i32
      %dma_start3A_162 = tpu.memref_slice %arg3[%add3A_159, %dma_start3A_160, %dma_start3A_161] : memref<960x64x1024xf32, #tpu.memory_space<hbm>> -> memref<1x32x1024xf32, #tpu.memory_space<hbm>>
      %dma_start3A_163 = tpu.memref_squeeze %dma_start3A_162 : memref<1x32x1024xf32, #tpu.memory_space<hbm>> -> memref<32x1024xf32, #tpu.memory_space<hbm>>
      %dma_start3A_164 = arith.constant 0 : i32
      %dma_start3A_165 = arith.constant 0 : i32
      %dma_start3A_166 = tpu.memref_slice %arg3[%add3A_159, %dma_start3A_164, %dma_start3A_165] : memref<960x64x1024xf32, #tpu.memory_space<hbm>> -> memref<1x32x1024xf32, #tpu.memory_space<hbm>>
      %dma_start3A_167 = tpu.memref_squeeze %dma_start3A_166 : memref<1x32x1024xf32, #tpu.memory_space<hbm>> -> memref<32x1024xf32, #tpu.memory_space<hbm>>
      tpu.enqueue_dma source(%arg6 : memref<32x1024xf32, #tpu.memory_space<vmem>>) target(%dma_start3A_167 : memref<32x1024xf32, #tpu.memory_space<hbm>>) target_semaphore(%arg9 : memref<!tpu.dma_semaphore, #tpu.memory_space<semaphore_mem>>)
      %dma_wait3A = arith.constant 0 : i32
      %dma_wait3A_168 = arith.constant 0 : i32
      %dma_wait3A_169 = tpu.memref_slice %arg3[%add3A_132, %dma_wait3A, %dma_wait3A_168] : memref<960x64x1024xf32, #tpu.memory_space<hbm>> -> memref<1x32x1024xf32, #tpu.memory_space<hbm>>
      %dma_wait3A_170 = tpu.memref_squeeze %dma_wait3A_169 : memref<1x32x1024xf32, #tpu.memory_space<hbm>> -> memref<32x1024xf32, #tpu.memory_space<hbm>>
      %dma_wait3A_171 = arith.constant 0 : i32
      %dma_wait3A_172 = arith.constant 0 : i32
      %dma_wait3A_173 = tpu.memref_slice %arg3[%add3A_132, %dma_wait3A_171, %dma_wait3A_172] : memref<960x64x1024xf32, #tpu.memory_space<hbm>> -> memref<1x32x1024xf32, #tpu.memory_space<hbm>>
      %dma_wait3A_174 = tpu.memref_squeeze %dma_wait3A_173 : memref<1x32x1024xf32, #tpu.memory_space<hbm>> -> memref<32x1024xf32, #tpu.memory_space<hbm>>
      tpu.wait_dma2 semaphore(%arg7 : memref<!tpu.dma_semaphore, #tpu.memory_space<semaphore_mem>>) src(%arg4 : memref<32x1024xf32, #tpu.memory_space<vmem>>) dst(%dma_wait3A_174 : memref<32x1024xf32, #tpu.memory_space<hbm>>)
      "tpu.region"() ({
        %run_scoped3A = tpu.sem_alloc : memref<!tpu.dma_semaphore, #tpu.memory_space<semaphore_mem>>
        %dma_start3A_295 = arith.constant 32 : i32
        %dma_start3A_296 = arith.constant 0 : i32
        %dma_start3A_297 = tpu.memref_slice %arg2[%add3A_153, %dma_start3A_295, %dma_start3A_296] : memref<400x64x1024xf32, #tpu.memory_space<hbm>> -> memref<1x32x1024xf32, #tpu.memory_space<hbm>>
        %dma_start3A_298 = tpu.memref_squeeze %dma_start3A_297 : memref<1x32x1024xf32, #tpu.memory_space<hbm>> -> memref<32x1024xf32, #tpu.memory_space<hbm>>
        %dma_start3A_299 = arith.constant 32 : i32
        %dma_start3A_300 = arith.constant 0 : i32
        %dma_start3A_301 = tpu.memref_slice %arg2[%add3A_153, %dma_start3A_299, %dma_start3A_300] : memref<400x64x1024xf32, #tpu.memory_space<hbm>> -> memref<1x32x1024xf32, #tpu.memory_space<hbm>>
        %dma_start3A_302 = tpu.memref_squeeze %dma_start3A_301 : memref<1x32x1024xf32, #tpu.memory_space<hbm>> -> memref<32x1024xf32, #tpu.memory_space<hbm>>
        tpu.enqueue_dma source(%dma_start3A_302 : memref<32x1024xf32, #tpu.memory_space<hbm>>) target(%arg4 : memref<32x1024xf32, #tpu.memory_space<vmem>>) target_semaphore(%run_scoped3A : memref<!tpu.dma_semaphore, #tpu.memory_space<semaphore_mem>>)
        %dma_wait3A_303 = arith.constant 32 : i32
        %dma_wait3A_304 = arith.constant 0 : i32
        %dma_wait3A_305 = tpu.memref_slice %arg2[%add3A_153, %dma_wait3A_303, %dma_wait3A_304] : memref<400x64x1024xf32, #tpu.memory_space<hbm>> -> memref<1x32x1024xf32, #tpu.memory_space<hbm>>
        %dma_wait3A_306 = tpu.memref_squeeze %dma_wait3A_305 : memref<1x32x1024xf32, #tpu.memory_space<hbm>> -> memref<32x1024xf32, #tpu.memory_space<hbm>>
        %dma_wait3A_307 = arith.constant 32 : i32
        %dma_wait3A_308 = arith.constant 0 : i32
        %dma_wait3A_309 = tpu.memref_slice %arg2[%add3A_153, %dma_wait3A_307, %dma_wait3A_308] : memref<400x64x1024xf32, #tpu.memory_space<hbm>> -> memref<1x32x1024xf32, #tpu.memory_space<hbm>>
        %dma_wait3A_310 = tpu.memref_squeeze %dma_wait3A_309 : memref<1x32x1024xf32, #tpu.memory_space<hbm>> -> memref<32x1024xf32, #tpu.memory_space<hbm>>
        tpu.wait_dma2 semaphore(%run_scoped3A : memref<!tpu.dma_semaphore, #tpu.memory_space<semaphore_mem>>) src(%dma_wait3A_310 : memref<32x1024xf32, #tpu.memory_space<hbm>>) dst(%arg4 : memref<32x1024xf32, #tpu.memory_space<vmem>>)
        tpu.yield
      }) : () -> ()
      %dma_start3A_175 = arith.constant 32 : i32
      %dma_start3A_176 = arith.constant 0 : i32
      %dma_start3A_177 = tpu.memref_slice %arg3[%add3A_159, %dma_start3A_175, %dma_start3A_176] : memref<960x64x1024xf32, #tpu.memory_space<hbm>> -> memref<1x32x1024xf32, #tpu.memory_space<hbm>>
      %dma_start3A_178 = tpu.memref_squeeze %dma_start3A_177 : memref<1x32x1024xf32, #tpu.memory_space<hbm>> -> memref<32x1024xf32, #tpu.memory_space<hbm>>
      %dma_start3A_179 = arith.constant 32 : i32
      %dma_start3A_180 = arith.constant 0 : i32
      %dma_start3A_181 = tpu.memref_slice %arg3[%add3A_159, %dma_start3A_179, %dma_start3A_180] : memref<960x64x1024xf32, #tpu.memory_space<hbm>> -> memref<1x32x1024xf32, #tpu.memory_space<hbm>>
      %dma_start3A_182 = tpu.memref_squeeze %dma_start3A_181 : memref<1x32x1024xf32, #tpu.memory_space<hbm>> -> memref<32x1024xf32, #tpu.memory_space<hbm>>
      tpu.enqueue_dma source(%arg4 : memref<32x1024xf32, #tpu.memory_space<vmem>>) target(%dma_start3A_182 : memref<32x1024xf32, #tpu.memory_space<hbm>>) target_semaphore(%arg7 : memref<!tpu.dma_semaphore, #tpu.memory_space<semaphore_mem>>)
      %add3A_183 = arith.constant 2 : i32
      %add3A_184 = arith.addi %select_n3A_120, %add3A_183 : i32
      %mul3A_185 = arith.constant 20 : i32
      %mul3A_186 = arith.muli %select_n3A, %mul3A_185 : i32
      %add3A_187 = arith.addi %mul3A_186, %select_n3A_99 : i32
      %add3A_188 = arith.addi %add3A_187, %add3A_184 : i32
      %mul3A_189 = arith.constant 48 : i32
      %mul3A_190 = arith.muli %select_n3A, %mul3A_189 : i32
      %mul3A_191 = arith.constant 6 : i32
      %mul3A_192 = arith.muli %add3A_184, %mul3A_191 : i32
      %add3A_193 = arith.addi %mul3A_190, %mul3A_192 : i32
      %add3A_194 = arith.addi %add3A_193, %select_n3A_94 : i32
      %dma_wait3A_195 = arith.constant 32 : i32
      %dma_wait3A_196 = arith.constant 0 : i32
      %dma_wait3A_197 = tpu.memref_slice %arg3[%add3A_132, %dma_wait3A_195, %dma_wait3A_196] : memref<960x64x1024xf32, #tpu.memory_space<hbm>> -> memref<1x32x1024xf32, #tpu.memory_space<hbm>>
      %dma_wait3A_198 = tpu.memref_squeeze %dma_wait3A_197 : memref<1x32x1024xf32, #tpu.memory_space<hbm>> -> memref<32x1024xf32, #tpu.memory_space<hbm>>
      %dma_wait3A_199 = arith.constant 32 : i32
      %dma_wait3A_200 = arith.constant 0 : i32
      %dma_wait3A_201 = tpu.memref_slice %arg3[%add3A_132, %dma_wait3A_199, %dma_wait3A_200] : memref<960x64x1024xf32, #tpu.memory_space<hbm>> -> memref<1x32x1024xf32, #tpu.memory_space<hbm>>
      %dma_wait3A_202 = tpu.memref_squeeze %dma_wait3A_201 : memref<1x32x1024xf32, #tpu.memory_space<hbm>> -> memref<32x1024xf32, #tpu.memory_space<hbm>>
      tpu.wait_dma2 semaphore(%arg8 : memref<!tpu.dma_semaphore, #tpu.memory_space<semaphore_mem>>) src(%arg5 : memref<32x1024xf32, #tpu.memory_space<vmem>>) dst(%dma_wait3A_202 : memref<32x1024xf32, #tpu.memory_space<hbm>>)
      "tpu.region"() ({
        %run_scoped3A = tpu.sem_alloc : memref<!tpu.dma_semaphore, #tpu.memory_space<semaphore_mem>>
        %dma_start3A_295 = arith.constant 0 : i32
        %dma_start3A_296 = arith.constant 0 : i32
        %dma_start3A_297 = tpu.memref_slice %arg2[%add3A_188, %dma_start3A_295, %dma_start3A_296] : memref<400x64x1024xf32, #tpu.memory_space<hbm>> -> memref<1x32x1024xf32, #tpu.memory_space<hbm>>
        %dma_start3A_298 = tpu.memref_squeeze %dma_start3A_297 : memref<1x32x1024xf32, #tpu.memory_space<hbm>> -> memref<32x1024xf32, #tpu.memory_space<hbm>>
        %dma_start3A_299 = arith.constant 0 : i32
        %dma_start3A_300 = arith.constant 0 : i32
        %dma_start3A_301 = tpu.memref_slice %arg2[%add3A_188, %dma_start3A_299, %dma_start3A_300] : memref<400x64x1024xf32, #tpu.memory_space<hbm>> -> memref<1x32x1024xf32, #tpu.memory_space<hbm>>
        %dma_start3A_302 = tpu.memref_squeeze %dma_start3A_301 : memref<1x32x1024xf32, #tpu.memory_space<hbm>> -> memref<32x1024xf32, #tpu.memory_space<hbm>>
        tpu.enqueue_dma source(%dma_start3A_302 : memref<32x1024xf32, #tpu.memory_space<hbm>>) target(%arg5 : memref<32x1024xf32, #tpu.memory_space<vmem>>) target_semaphore(%run_scoped3A : memref<!tpu.dma_semaphore, #tpu.memory_space<semaphore_mem>>)
        %dma_wait3A_303 = arith.constant 0 : i32
        %dma_wait3A_304 = arith.constant 0 : i32
        %dma_wait3A_305 = tpu.memref_slice %arg2[%add3A_188, %dma_wait3A_303, %dma_wait3A_304] : memref<400x64x1024xf32, #tpu.memory_space<hbm>> -> memref<1x32x1024xf32, #tpu.memory_space<hbm>>
        %dma_wait3A_306 = tpu.memref_squeeze %dma_wait3A_305 : memref<1x32x1024xf32, #tpu.memory_space<hbm>> -> memref<32x1024xf32, #tpu.memory_space<hbm>>
        %dma_wait3A_307 = arith.constant 0 : i32
        %dma_wait3A_308 = arith.constant 0 : i32
        %dma_wait3A_309 = tpu.memref_slice %arg2[%add3A_188, %dma_wait3A_307, %dma_wait3A_308] : memref<400x64x1024xf32, #tpu.memory_space<hbm>> -> memref<1x32x1024xf32, #tpu.memory_space<hbm>>
        %dma_wait3A_310 = tpu.memref_squeeze %dma_wait3A_309 : memref<1x32x1024xf32, #tpu.memory_space<hbm>> -> memref<32x1024xf32, #tpu.memory_space<hbm>>
        tpu.wait_dma2 semaphore(%run_scoped3A : memref<!tpu.dma_semaphore, #tpu.memory_space<semaphore_mem>>) src(%dma_wait3A_310 : memref<32x1024xf32, #tpu.memory_space<hbm>>) dst(%arg5 : memref<32x1024xf32, #tpu.memory_space<vmem>>)
        tpu.yield
      }) : () -> ()
      %dma_start3A_203 = arith.constant 0 : i32
      %dma_start3A_204 = arith.constant 0 : i32
      %dma_start3A_205 = tpu.memref_slice %arg3[%add3A_194, %dma_start3A_203, %dma_start3A_204] : memref<960x64x1024xf32, #tpu.memory_space<hbm>> -> memref<1x32x1024xf32, #tpu.memory_space<hbm>>
      %dma_start3A_206 = tpu.memref_squeeze %dma_start3A_205 : memref<1x32x1024xf32, #tpu.memory_space<hbm>> -> memref<32x1024xf32, #tpu.memory_space<hbm>>
      %dma_start3A_207 = arith.constant 0 : i32
      %dma_start3A_208 = arith.constant 0 : i32
      %dma_start3A_209 = tpu.memref_slice %arg3[%add3A_194, %dma_start3A_207, %dma_start3A_208] : memref<960x64x1024xf32, #tpu.memory_space<hbm>> -> memref<1x32x1024xf32, #tpu.memory_space<hbm>>
      %dma_start3A_210 = tpu.memref_squeeze %dma_start3A_209 : memref<1x32x1024xf32, #tpu.memory_space<hbm>> -> memref<32x1024xf32, #tpu.memory_space<hbm>>
      tpu.enqueue_dma source(%arg5 : memref<32x1024xf32, #tpu.memory_space<vmem>>) target(%dma_start3A_210 : memref<32x1024xf32, #tpu.memory_space<hbm>>) target_semaphore(%arg8 : memref<!tpu.dma_semaphore, #tpu.memory_space<semaphore_mem>>)
      %dma_wait3A_211 = arith.constant 0 : i32
      %dma_wait3A_212 = arith.constant 0 : i32
      %dma_wait3A_213 = tpu.memref_slice %arg3[%add3A_159, %dma_wait3A_211, %dma_wait3A_212] : memref<960x64x1024xf32, #tpu.memory_space<hbm>> -> memref<1x32x1024xf32, #tpu.memory_space<hbm>>
      %dma_wait3A_214 = tpu.memref_squeeze %dma_wait3A_213 : memref<1x32x1024xf32, #tpu.memory_space<hbm>> -> memref<32x1024xf32, #tpu.memory_space<hbm>>
      %dma_wait3A_215 = arith.constant 0 : i32
      %dma_wait3A_216 = arith.constant 0 : i32
      %dma_wait3A_217 = tpu.memref_slice %arg3[%add3A_159, %dma_wait3A_215, %dma_wait3A_216] : memref<960x64x1024xf32, #tpu.memory_space<hbm>> -> memref<1x32x1024xf32, #tpu.memory_space<hbm>>
      %dma_wait3A_218 = tpu.memref_squeeze %dma_wait3A_217 : memref<1x32x1024xf32, #tpu.memory_space<hbm>> -> memref<32x1024xf32, #tpu.memory_space<hbm>>
      tpu.wait_dma2 semaphore(%arg9 : memref<!tpu.dma_semaphore, #tpu.memory_space<semaphore_mem>>) src(%arg6 : memref<32x1024xf32, #tpu.memory_space<vmem>>) dst(%dma_wait3A_218 : memref<32x1024xf32, #tpu.memory_space<hbm>>)
      "tpu.region"() ({
        %run_scoped3A = tpu.sem_alloc : memref<!tpu.dma_semaphore, #tpu.memory_space<semaphore_mem>>
        %dma_start3A_295 = arith.constant 32 : i32
        %dma_start3A_296 = arith.constant 0 : i32
        %dma_start3A_297 = tpu.memref_slice %arg2[%add3A_188, %dma_start3A_295, %dma_start3A_296] : memref<400x64x1024xf32, #tpu.memory_space<hbm>> -> memref<1x32x1024xf32, #tpu.memory_space<hbm>>
        %dma_start3A_298 = tpu.memref_squeeze %dma_start3A_297 : memref<1x32x1024xf32, #tpu.memory_space<hbm>> -> memref<32x1024xf32, #tpu.memory_space<hbm>>
        %dma_start3A_299 = arith.constant 32 : i32
        %dma_start3A_300 = arith.constant 0 : i32
        %dma_start3A_301 = tpu.memref_slice %arg2[%add3A_188, %dma_start3A_299, %dma_start3A_300] : memref<400x64x1024xf32, #tpu.memory_space<hbm>> -> memref<1x32x1024xf32, #tpu.memory_space<hbm>>
        %dma_start3A_302 = tpu.memref_squeeze %dma_start3A_301 : memref<1x32x1024xf32, #tpu.memory_space<hbm>> -> memref<32x1024xf32, #tpu.memory_space<hbm>>
        tpu.enqueue_dma source(%dma_start3A_302 : memref<32x1024xf32, #tpu.memory_space<hbm>>) target(%arg6 : memref<32x1024xf32, #tpu.memory_space<vmem>>) target_semaphore(%run_scoped3A : memref<!tpu.dma_semaphore, #tpu.memory_space<semaphore_mem>>)
        %dma_wait3A_303 = arith.constant 32 : i32
        %dma_wait3A_304 = arith.constant 0 : i32
        %dma_wait3A_305 = tpu.memref_slice %arg2[%add3A_188, %dma_wait3A_303, %dma_wait3A_304] : memref<400x64x1024xf32, #tpu.memory_space<hbm>> -> memref<1x32x1024xf32, #tpu.memory_space<hbm>>
        %dma_wait3A_306 = tpu.memref_squeeze %dma_wait3A_305 : memref<1x32x1024xf32, #tpu.memory_space<hbm>> -> memref<32x1024xf32, #tpu.memory_space<hbm>>
        %dma_wait3A_307 = arith.constant 32 : i32
        %dma_wait3A_308 = arith.constant 0 : i32
        %dma_wait3A_309 = tpu.memref_slice %arg2[%add3A_188, %dma_wait3A_307, %dma_wait3A_308] : memref<400x64x1024xf32, #tpu.memory_space<hbm>> -> memref<1x32x1024xf32, #tpu.memory_space<hbm>>
        %dma_wait3A_310 = tpu.memref_squeeze %dma_wait3A_309 : memref<1x32x1024xf32, #tpu.memory_space<hbm>> -> memref<32x1024xf32, #tpu.memory_space<hbm>>
        tpu.wait_dma2 semaphore(%run_scoped3A : memref<!tpu.dma_semaphore, #tpu.memory_space<semaphore_mem>>) src(%dma_wait3A_310 : memref<32x1024xf32, #tpu.memory_space<hbm>>) dst(%arg6 : memref<32x1024xf32, #tpu.memory_space<vmem>>)
        tpu.yield
      }) : () -> ()
      %dma_start3A_219 = arith.constant 32 : i32
      %dma_start3A_220 = arith.constant 0 : i32
      %dma_start3A_221 = tpu.memref_slice %arg3[%add3A_194, %dma_start3A_219, %dma_start3A_220] : memref<960x64x1024xf32, #tpu.memory_space<hbm>> -> memref<1x32x1024xf32, #tpu.memory_space<hbm>>
      %dma_start3A_222 = tpu.memref_squeeze %dma_start3A_221 : memref<1x32x1024xf32, #tpu.memory_space<hbm>> -> memref<32x1024xf32, #tpu.memory_space<hbm>>
      %dma_start3A_223 = arith.constant 32 : i32
      %dma_start3A_224 = arith.constant 0 : i32
      %dma_start3A_225 = tpu.memref_slice %arg3[%add3A_194, %dma_start3A_223, %dma_start3A_224] : memref<960x64x1024xf32, #tpu.memory_space<hbm>> -> memref<1x32x1024xf32, #tpu.memory_space<hbm>>
      %dma_start3A_226 = tpu.memref_squeeze %dma_start3A_225 : memref<1x32x1024xf32, #tpu.memory_space<hbm>> -> memref<32x1024xf32, #tpu.memory_space<hbm>>
      tpu.enqueue_dma source(%arg6 : memref<32x1024xf32, #tpu.memory_space<vmem>>) target(%dma_start3A_226 : memref<32x1024xf32, #tpu.memory_space<hbm>>) target_semaphore(%arg9 : memref<!tpu.dma_semaphore, #tpu.memory_space<semaphore_mem>>)
      %add3A_227 = arith.constant 3 : i32
      %add3A_228 = arith.addi %select_n3A_120, %add3A_227 : i32
      %mul3A_229 = arith.constant 20 : i32
      %mul3A_230 = arith.muli %select_n3A, %mul3A_229 : i32
      %add3A_231 = arith.addi %mul3A_230, %select_n3A_99 : i32
      %add3A_232 = arith.addi %add3A_231, %add3A_228 : i32
      %mul3A_233 = arith.constant 48 : i32
      %mul3A_234 = arith.muli %select_n3A, %mul3A_233 : i32
      %mul3A_235 = arith.constant 6 : i32
      %mul3A_236 = arith.muli %add3A_228, %mul3A_235 : i32
      %add3A_237 = arith.addi %mul3A_234, %mul3A_236 : i32
      %add3A_238 = arith.addi %add3A_237, %select_n3A_94 : i32
      %dma_wait3A_239 = arith.constant 32 : i32
      %dma_wait3A_240 = arith.constant 0 : i32
      %dma_wait3A_241 = tpu.memref_slice %arg3[%add3A_159, %dma_wait3A_239, %dma_wait3A_240] : memref<960x64x1024xf32, #tpu.memory_space<hbm>> -> memref<1x32x1024xf32, #tpu.memory_space<hbm>>
      %dma_wait3A_242 = tpu.memref_squeeze %dma_wait3A_241 : memref<1x32x1024xf32, #tpu.memory_space<hbm>> -> memref<32x1024xf32, #tpu.memory_space<hbm>>
      %dma_wait3A_243 = arith.constant 32 : i32
      %dma_wait3A_244 = arith.constant 0 : i32
      %dma_wait3A_245 = tpu.memref_slice %arg3[%add3A_159, %dma_wait3A_243, %dma_wait3A_244] : memref<960x64x1024xf32, #tpu.memory_space<hbm>> -> memref<1x32x1024xf32, #tpu.memory_space<hbm>>
      %dma_wait3A_246 = tpu.memref_squeeze %dma_wait3A_245 : memref<1x32x1024xf32, #tpu.memory_space<hbm>> -> memref<32x1024xf32, #tpu.memory_space<hbm>>
      tpu.wait_dma2 semaphore(%arg7 : memref<!tpu.dma_semaphore, #tpu.memory_space<semaphore_mem>>) src(%arg4 : memref<32x1024xf32, #tpu.memory_space<vmem>>) dst(%dma_wait3A_246 : memref<32x1024xf32, #tpu.memory_space<hbm>>)
      "tpu.region"() ({
        %run_scoped3A = tpu.sem_alloc : memref<!tpu.dma_semaphore, #tpu.memory_space<semaphore_mem>>
        %dma_start3A_295 = arith.constant 0 : i32
        %dma_start3A_296 = arith.constant 0 : i32
        %dma_start3A_297 = tpu.memref_slice %arg2[%add3A_232, %dma_start3A_295, %dma_start3A_296] : memref<400x64x1024xf32, #tpu.memory_space<hbm>> -> memref<1x32x1024xf32, #tpu.memory_space<hbm>>
        %dma_start3A_298 = tpu.memref_squeeze %dma_start3A_297 : memref<1x32x1024xf32, #tpu.memory_space<hbm>> -> memref<32x1024xf32, #tpu.memory_space<hbm>>
        %dma_start3A_299 = arith.constant 0 : i32
        %dma_start3A_300 = arith.constant 0 : i32
        %dma_start3A_301 = tpu.memref_slice %arg2[%add3A_232, %dma_start3A_299, %dma_start3A_300] : memref<400x64x1024xf32, #tpu.memory_space<hbm>> -> memref<1x32x1024xf32, #tpu.memory_space<hbm>>
        %dma_start3A_302 = tpu.memref_squeeze %dma_start3A_301 : memref<1x32x1024xf32, #tpu.memory_space<hbm>> -> memref<32x1024xf32, #tpu.memory_space<hbm>>
        tpu.enqueue_dma source(%dma_start3A_302 : memref<32x1024xf32, #tpu.memory_space<hbm>>) target(%arg4 : memref<32x1024xf32, #tpu.memory_space<vmem>>) target_semaphore(%run_scoped3A : memref<!tpu.dma_semaphore, #tpu.memory_space<semaphore_mem>>)
        %dma_wait3A_303 = arith.constant 0 : i32
        %dma_wait3A_304 = arith.constant 0 : i32
        %dma_wait3A_305 = tpu.memref_slice %arg2[%add3A_232, %dma_wait3A_303, %dma_wait3A_304] : memref<400x64x1024xf32, #tpu.memory_space<hbm>> -> memref<1x32x1024xf32, #tpu.memory_space<hbm>>
        %dma_wait3A_306 = tpu.memref_squeeze %dma_wait3A_305 : memref<1x32x1024xf32, #tpu.memory_space<hbm>> -> memref<32x1024xf32, #tpu.memory_space<hbm>>
        %dma_wait3A_307 = arith.constant 0 : i32
        %dma_wait3A_308 = arith.constant 0 : i32
        %dma_wait3A_309 = tpu.memref_slice %arg2[%add3A_232, %dma_wait3A_307, %dma_wait3A_308] : memref<400x64x1024xf32, #tpu.memory_space<hbm>> -> memref<1x32x1024xf32, #tpu.memory_space<hbm>>
        %dma_wait3A_310 = tpu.memref_squeeze %dma_wait3A_309 : memref<1x32x1024xf32, #tpu.memory_space<hbm>> -> memref<32x1024xf32, #tpu.memory_space<hbm>>
        tpu.wait_dma2 semaphore(%run_scoped3A : memref<!tpu.dma_semaphore, #tpu.memory_space<semaphore_mem>>) src(%dma_wait3A_310 : memref<32x1024xf32, #tpu.memory_space<hbm>>) dst(%arg4 : memref<32x1024xf32, #tpu.memory_space<vmem>>)
        tpu.yield
      }) : () -> ()
      %dma_start3A_247 = arith.constant 0 : i32
      %dma_start3A_248 = arith.constant 0 : i32
      %dma_start3A_249 = tpu.memref_slice %arg3[%add3A_238, %dma_start3A_247, %dma_start3A_248] : memref<960x64x1024xf32, #tpu.memory_space<hbm>> -> memref<1x32x1024xf32, #tpu.memory_space<hbm>>
      %dma_start3A_250 = tpu.memref_squeeze %dma_start3A_249 : memref<1x32x1024xf32, #tpu.memory_space<hbm>> -> memref<32x1024xf32, #tpu.memory_space<hbm>>
      %dma_start3A_251 = arith.constant 0 : i32
      %dma_start3A_252 = arith.constant 0 : i32
      %dma_start3A_253 = tpu.memref_slice %arg3[%add3A_238, %dma_start3A_251, %dma_start3A_252] : memref<960x64x1024xf32, #tpu.memory_space<hbm>> -> memref<1x32x1024xf32, #tpu.memory_space<hbm>>
      %dma_start3A_254 = tpu.memref_squeeze %dma_start3A_253 : memref<1x32x1024xf32, #tpu.memory_space<hbm>> -> memref<32x1024xf32, #tpu.memory_space<hbm>>
      tpu.enqueue_dma source(%arg4 : memref<32x1024xf32, #tpu.memory_space<vmem>>) target(%dma_start3A_254 : memref<32x1024xf32, #tpu.memory_space<hbm>>) target_semaphore(%arg7 : memref<!tpu.dma_semaphore, #tpu.memory_space<semaphore_mem>>)
      %dma_wait3A_255 = arith.constant 0 : i32
      %dma_wait3A_256 = arith.constant 0 : i32
      %dma_wait3A_257 = tpu.memref_slice %arg3[%add3A_194, %dma_wait3A_255, %dma_wait3A_256] : memref<960x64x1024xf32, #tpu.memory_space<hbm>> -> memref<1x32x1024xf32, #tpu.memory_space<hbm>>
      %dma_wait3A_258 = tpu.memref_squeeze %dma_wait3A_257 : memref<1x32x1024xf32, #tpu.memory_space<hbm>> -> memref<32x1024xf32, #tpu.memory_space<hbm>>
      %dma_wait3A_259 = arith.constant 0 : i32
      %dma_wait3A_260 = arith.constant 0 : i32
      %dma_wait3A_261 = tpu.memref_slice %arg3[%add3A_194, %dma_wait3A_259, %dma_wait3A_260] : memref<960x64x1024xf32, #tpu.memory_space<hbm>> -> memref<1x32x1024xf32, #tpu.memory_space<hbm>>
      %dma_wait3A_262 = tpu.memref_squeeze %dma_wait3A_261 : memref<1x32x1024xf32, #tpu.memory_space<hbm>> -> memref<32x1024xf32, #tpu.memory_space<hbm>>
      tpu.wait_dma2 semaphore(%arg8 : memref<!tpu.dma_semaphore, #tpu.memory_space<semaphore_mem>>) src(%arg5 : memref<32x1024xf32, #tpu.memory_space<vmem>>) dst(%dma_wait3A_262 : memref<32x1024xf32, #tpu.memory_space<hbm>>)
      "tpu.region"() ({
        %run_scoped3A = tpu.sem_alloc : memref<!tpu.dma_semaphore, #tpu.memory_space<semaphore_mem>>
        %dma_start3A_295 = arith.constant 32 : i32
        %dma_start3A_296 = arith.constant 0 : i32
        %dma_start3A_297 = tpu.memref_slice %arg2[%add3A_232, %dma_start3A_295, %dma_start3A_296] : memref<400x64x1024xf32, #tpu.memory_space<hbm>> -> memref<1x32x1024xf32, #tpu.memory_space<hbm>>
        %dma_start3A_298 = tpu.memref_squeeze %dma_start3A_297 : memref<1x32x1024xf32, #tpu.memory_space<hbm>> -> memref<32x1024xf32, #tpu.memory_space<hbm>>
        %dma_start3A_299 = arith.constant 32 : i32
        %dma_start3A_300 = arith.constant 0 : i32
        %dma_start3A_301 = tpu.memref_slice %arg2[%add3A_232, %dma_start3A_299, %dma_start3A_300] : memref<400x64x1024xf32, #tpu.memory_space<hbm>> -> memref<1x32x1024xf32, #tpu.memory_space<hbm>>
        %dma_start3A_302 = tpu.memref_squeeze %dma_start3A_301 : memref<1x32x1024xf32, #tpu.memory_space<hbm>> -> memref<32x1024xf32, #tpu.memory_space<hbm>>
        tpu.enqueue_dma source(%dma_start3A_302 : memref<32x1024xf32, #tpu.memory_space<hbm>>) target(%arg5 : memref<32x1024xf32, #tpu.memory_space<vmem>>) target_semaphore(%run_scoped3A : memref<!tpu.dma_semaphore, #tpu.memory_space<semaphore_mem>>)
        %dma_wait3A_303 = arith.constant 32 : i32
        %dma_wait3A_304 = arith.constant 0 : i32
        %dma_wait3A_305 = tpu.memref_slice %arg2[%add3A_232, %dma_wait3A_303, %dma_wait3A_304] : memref<400x64x1024xf32, #tpu.memory_space<hbm>> -> memref<1x32x1024xf32, #tpu.memory_space<hbm>>
        %dma_wait3A_306 = tpu.memref_squeeze %dma_wait3A_305 : memref<1x32x1024xf32, #tpu.memory_space<hbm>> -> memref<32x1024xf32, #tpu.memory_space<hbm>>
        %dma_wait3A_307 = arith.constant 32 : i32
        %dma_wait3A_308 = arith.constant 0 : i32
        %dma_wait3A_309 = tpu.memref_slice %arg2[%add3A_232, %dma_wait3A_307, %dma_wait3A_308] : memref<400x64x1024xf32, #tpu.memory_space<hbm>> -> memref<1x32x1024xf32, #tpu.memory_space<hbm>>
        %dma_wait3A_310 = tpu.memref_squeeze %dma_wait3A_309 : memref<1x32x1024xf32, #tpu.memory_space<hbm>> -> memref<32x1024xf32, #tpu.memory_space<hbm>>
        tpu.wait_dma2 semaphore(%run_scoped3A : memref<!tpu.dma_semaphore, #tpu.memory_space<semaphore_mem>>) src(%dma_wait3A_310 : memref<32x1024xf32, #tpu.memory_space<hbm>>) dst(%arg5 : memref<32x1024xf32, #tpu.memory_space<vmem>>)
        tpu.yield
      }) : () -> ()
      %dma_start3A_263 = arith.constant 32 : i32
      %dma_start3A_264 = arith.constant 0 : i32
      %dma_start3A_265 = tpu.memref_slice %arg3[%add3A_238, %dma_start3A_263, %dma_start3A_264] : memref<960x64x1024xf32, #tpu.memory_space<hbm>> -> memref<1x32x1024xf32, #tpu.memory_space<hbm>>
      %dma_start3A_266 = tpu.memref_squeeze %dma_start3A_265 : memref<1x32x1024xf32, #tpu.memory_space<hbm>> -> memref<32x1024xf32, #tpu.memory_space<hbm>>
      %dma_start3A_267 = arith.constant 32 : i32
      %dma_start3A_268 = arith.constant 0 : i32
      %dma_start3A_269 = tpu.memref_slice %arg3[%add3A_238, %dma_start3A_267, %dma_start3A_268] : memref<960x64x1024xf32, #tpu.memory_space<hbm>> -> memref<1x32x1024xf32, #tpu.memory_space<hbm>>
      %dma_start3A_270 = tpu.memref_squeeze %dma_start3A_269 : memref<1x32x1024xf32, #tpu.memory_space<hbm>> -> memref<32x1024xf32, #tpu.memory_space<hbm>>
      tpu.enqueue_dma source(%arg5 : memref<32x1024xf32, #tpu.memory_space<vmem>>) target(%dma_start3A_270 : memref<32x1024xf32, #tpu.memory_space<hbm>>) target_semaphore(%arg8 : memref<!tpu.dma_semaphore, #tpu.memory_space<semaphore_mem>>)
      %dma_wait3A_271 = arith.constant 0 : i32
      %dma_wait3A_272 = arith.constant 0 : i32
      %dma_wait3A_273 = tpu.memref_slice %arg3[%add3A_238, %dma_wait3A_271, %dma_wait3A_272] : memref<960x64x1024xf32, #tpu.memory_space<hbm>> -> memref<1x32x1024xf32, #tpu.memory_space<hbm>>
      %dma_wait3A_274 = tpu.memref_squeeze %dma_wait3A_273 : memref<1x32x1024xf32, #tpu.memory_space<hbm>> -> memref<32x1024xf32, #tpu.memory_space<hbm>>
      %dma_wait3A_275 = arith.constant 0 : i32
      %dma_wait3A_276 = arith.constant 0 : i32
      %dma_wait3A_277 = tpu.memref_slice %arg3[%add3A_238, %dma_wait3A_275, %dma_wait3A_276] : memref<960x64x1024xf32, #tpu.memory_space<hbm>> -> memref<1x32x1024xf32, #tpu.memory_space<hbm>>
      %dma_wait3A_278 = tpu.memref_squeeze %dma_wait3A_277 : memref<1x32x1024xf32, #tpu.memory_space<hbm>> -> memref<32x1024xf32, #tpu.memory_space<hbm>>
      tpu.wait_dma2 semaphore(%arg7 : memref<!tpu.dma_semaphore, #tpu.memory_space<semaphore_mem>>) src(%arg4 : memref<32x1024xf32, #tpu.memory_space<vmem>>) dst(%dma_wait3A_278 : memref<32x1024xf32, #tpu.memory_space<hbm>>)
      %dma_wait3A_279 = arith.constant 32 : i32
      %dma_wait3A_280 = arith.constant 0 : i32
      %dma_wait3A_281 = tpu.memref_slice %arg3[%add3A_238, %dma_wait3A_279, %dma_wait3A_280] : memref<960x64x1024xf32, #tpu.memory_space<hbm>> -> memref<1x32x1024xf32, #tpu.memory_space<hbm>>
      %dma_wait3A_282 = tpu.memref_squeeze %dma_wait3A_281 : memref<1x32x1024xf32, #tpu.memory_space<hbm>> -> memref<32x1024xf32, #tpu.memory_space<hbm>>
      %dma_wait3A_283 = arith.constant 32 : i32
      %dma_wait3A_284 = arith.constant 0 : i32
      %dma_wait3A_285 = tpu.memref_slice %arg3[%add3A_238, %dma_wait3A_283, %dma_wait3A_284] : memref<960x64x1024xf32, #tpu.memory_space<hbm>> -> memref<1x32x1024xf32, #tpu.memory_space<hbm>>
      %dma_wait3A_286 = tpu.memref_squeeze %dma_wait3A_285 : memref<1x32x1024xf32, #tpu.memory_space<hbm>> -> memref<32x1024xf32, #tpu.memory_space<hbm>>
      tpu.wait_dma2 semaphore(%arg8 : memref<!tpu.dma_semaphore, #tpu.memory_space<semaphore_mem>>) src(%arg5 : memref<32x1024xf32, #tpu.memory_space<vmem>>) dst(%dma_wait3A_286 : memref<32x1024xf32, #tpu.memory_space<hbm>>)
      %dma_wait3A_287 = arith.constant 32 : i32
      %dma_wait3A_288 = arith.constant 0 : i32
      %dma_wait3A_289 = tpu.memref_slice %arg3[%add3A_194, %dma_wait3A_287, %dma_wait3A_288] : memref<960x64x1024xf32, #tpu.memory_space<hbm>> -> memref<1x32x1024xf32, #tpu.memory_space<hbm>>
      %dma_wait3A_290 = tpu.memref_squeeze %dma_wait3A_289 : memref<1x32x1024xf32, #tpu.memory_space<hbm>> -> memref<32x1024xf32, #tpu.memory_space<hbm>>
      %dma_wait3A_291 = arith.constant 32 : i32
      %dma_wait3A_292 = arith.constant 0 : i32
      %dma_wait3A_293 = tpu.memref_slice %arg3[%add3A_194, %dma_wait3A_291, %dma_wait3A_292] : memref<960x64x1024xf32, #tpu.memory_space<hbm>> -> memref<1x32x1024xf32, #tpu.memory_space<hbm>>
      %dma_wait3A_294 = tpu.memref_squeeze %dma_wait3A_293 : memref<1x32x1024xf32, #tpu.memory_space<hbm>> -> memref<32x1024xf32, #tpu.memory_space<hbm>>
      tpu.wait_dma2 semaphore(%arg9 : memref<!tpu.dma_semaphore, #tpu.memory_space<semaphore_mem>>) src(%arg6 : memref<32x1024xf32, #tpu.memory_space<vmem>>) dst(%dma_wait3A_294 : memref<32x1024xf32, #tpu.memory_space<hbm>>)
    } else {
    }
    %add3A_45 = arith.constant 128 : i32
    %add3A_46 = arith.addi %add3A, %add3A_45 : i32
    %lt3A_47 = arith.constant 80 : i32
    %lt3A_48 = arith.cmpi slt, %add3A_46, %lt3A_47 : i32
    %convert_element_type3A_49 = arith.extui %lt3A_48 : i1 to i32
    %cond3A_50 = arith.constant 0 : i32
    %cond3A_51 = arith.cmpi ne, %convert_element_type3A_49, %cond3A_50 : i32
    scf.if %cond3A_51 {
      %jit3A = arith.constant 4 : i32
      %div3A = arith.divsi %add3A_46, %jit3A : i32
      %sign3A = arith.constant 0 : i32
      %sign3A_57 = arith.cmpi sgt, %add3A_46, %sign3A : i32
      %sign3A_58 = arith.extui %sign3A_57 : i1 to i32
      %sign3A_59 = arith.constant 0 : i32
      %sign3A_60 = arith.cmpi slt, %add3A_46, %sign3A_59 : i32
      %sign3A_61 = arith.extui %sign3A_60 : i1 to i32
      %sign3A_62 = arith.subi %sign3A_58, %sign3A_61 : i32
      %sign3A_63 = arith.constant 0 : i32
      %sign3A_64 = arith.cmpi sgt, %jit3A, %sign3A_63 : i32
      %sign3A_65 = arith.extui %sign3A_64 : i1 to i32
      %sign3A_66 = arith.constant 0 : i32
      %sign3A_67 = arith.cmpi slt, %jit3A, %sign3A_66 : i32
      %sign3A_68 = arith.extui %sign3A_67 : i1 to i32
      %sign3A_69 = arith.subi %sign3A_65, %sign3A_68 : i32
      %ne3A = arith.cmpi ne, %sign3A_62, %sign3A_69 : i32
      %rem3A = arith.remsi %add3A_46, %jit3A : i32
      %ne3A_70 = arith.constant 0 : i32
      %ne3A_71 = arith.cmpi ne, %rem3A, %ne3A_70 : i32
      %and3A = arith.andi %ne3A, %ne3A_71 : i1
      %sub3A = arith.constant 1 : i32
      %sub3A_72 = arith.subi %div3A, %sub3A : i32
      %select_n3A = arith.select %and3A, %sub3A_72, %div3A : i32
      %jit3A_73 = arith.constant 4 : i32
      %eq3A = arith.constant 0 : i32
      %eq3A_74 = arith.cmpi eq, %jit3A_73, %eq3A : i32
      %jit3A_75 = arith.constant 1 : i32
      %select_n3A_76 = arith.select %eq3A_74, %jit3A_75, %jit3A_73 : i32
      %rem3A_77 = arith.remsi %add3A_46, %select_n3A_76 : i32
      %ne3A_78 = arith.constant 0 : i32
      %ne3A_79 = arith.cmpi ne, %rem3A_77, %ne3A_78 : i32
      %lt3A_80 = arith.constant 0 : i32
      %lt3A_81 = arith.cmpi slt, %rem3A_77, %lt3A_80 : i32
      %lt3A_82 = arith.constant 0 : i32
      %lt3A_83 = arith.cmpi slt, %select_n3A_76, %lt3A_82 : i32
      %ne3A_84 = arith.xori %lt3A_81, %lt3A_83 : i1
      %and3A_85 = arith.andi %ne3A_84, %ne3A_79 : i1
      %add3A_86 = arith.addi %rem3A_77, %select_n3A_76 : i32
      %select_n3A_87 = arith.select %and3A_85, %add3A_86, %rem3A_77 : i32
      %eq3A_88 = arith.constant 0 : i32
      %eq3A_89 = arith.cmpi eq, %select_n3A_87, %eq3A_88 : i32
      %eq3A_90 = arith.constant 1 : i32
      %eq3A_91 = arith.cmpi eq, %select_n3A_87, %eq3A_90 : i32
      %eq3A_92 = arith.constant 2 : i32
      %eq3A_93 = arith.cmpi eq, %select_n3A_87, %eq3A_92 : i32
      %jit3A_94 = arith.constant 10 : i32
      %jit3A_95 = arith.constant 11 : i32
      %select_n3A_96 = arith.select %eq3A_93, %jit3A_94, %jit3A_95 : i32
      %jit3A_97 = arith.constant 1 : i32
      %select_n3A_98 = arith.select %eq3A_91, %jit3A_97, %select_n3A_96 : i32
      %jit3A_99 = arith.constant 0 : i32
      %select_n3A_100 = arith.select %eq3A_89, %jit3A_99, %select_n3A_98 : i32
      %eq3A_101 = arith.constant 0 : i32
      %eq3A_102 = arith.cmpi eq, %select_n3A_87, %eq3A_101 : i32
      %eq3A_103 = arith.constant 1 : i32
      %eq3A_104 = arith.cmpi eq, %select_n3A_87, %eq3A_103 : i32
      %eq3A_105 = arith.constant 2 : i32
      %eq3A_106 = arith.cmpi eq, %select_n3A_87, %eq3A_105 : i32
      %jit3A_107 = arith.constant 3 : i32
      %jit3A_108 = arith.constant 4 : i32
      %select_n3A_109 = arith.select %eq3A_106, %jit3A_107, %jit3A_108 : i32
      %jit3A_110 = arith.constant 1 : i32
      %select_n3A_111 = arith.select %eq3A_104, %jit3A_110, %select_n3A_109 : i32
      %jit3A_112 = arith.constant 0 : i32
      %select_n3A_113 = arith.select %eq3A_102, %jit3A_112, %select_n3A_111 : i32
      %mul3A_114 = arith.constant 20 : i32
      %mul3A_115 = arith.muli %select_n3A, %mul3A_114 : i32
      %add3A_116 = arith.addi %mul3A_115, %select_n3A_100 : i32
      "tpu.region"() ({
        %run_scoped3A = tpu.sem_alloc : memref<!tpu.dma_semaphore, #tpu.memory_space<semaphore_mem>>
        %dma_start3A_451 = arith.constant 0 : i32
        %dma_start3A_452 = arith.constant 0 : i32
        %dma_start3A_453 = tpu.memref_slice %arg2[%add3A_116, %dma_start3A_451, %dma_start3A_452] : memref<400x64x1024xf32, #tpu.memory_space<hbm>> -> memref<1x32x1024xf32, #tpu.memory_space<hbm>>
        %dma_start3A_454 = tpu.memref_squeeze %dma_start3A_453 : memref<1x32x1024xf32, #tpu.memory_space<hbm>> -> memref<32x1024xf32, #tpu.memory_space<hbm>>
        %dma_start3A_455 = arith.constant 0 : i32
        %dma_start3A_456 = arith.constant 0 : i32
        %dma_start3A_457 = tpu.memref_slice %arg2[%add3A_116, %dma_start3A_455, %dma_start3A_456] : memref<400x64x1024xf32, #tpu.memory_space<hbm>> -> memref<1x32x1024xf32, #tpu.memory_space<hbm>>
        %dma_start3A_458 = tpu.memref_squeeze %dma_start3A_457 : memref<1x32x1024xf32, #tpu.memory_space<hbm>> -> memref<32x1024xf32, #tpu.memory_space<hbm>>
        tpu.enqueue_dma source(%dma_start3A_458 : memref<32x1024xf32, #tpu.memory_space<hbm>>) target(%arg4 : memref<32x1024xf32, #tpu.memory_space<vmem>>) target_semaphore(%run_scoped3A : memref<!tpu.dma_semaphore, #tpu.memory_space<semaphore_mem>>)
        %dma_wait3A_459 = arith.constant 0 : i32
        %dma_wait3A_460 = arith.constant 0 : i32
        %dma_wait3A_461 = tpu.memref_slice %arg2[%add3A_116, %dma_wait3A_459, %dma_wait3A_460] : memref<400x64x1024xf32, #tpu.memory_space<hbm>> -> memref<1x32x1024xf32, #tpu.memory_space<hbm>>
        %dma_wait3A_462 = tpu.memref_squeeze %dma_wait3A_461 : memref<1x32x1024xf32, #tpu.memory_space<hbm>> -> memref<32x1024xf32, #tpu.memory_space<hbm>>
        %dma_wait3A_463 = arith.constant 0 : i32
        %dma_wait3A_464 = arith.constant 0 : i32
        %dma_wait3A_465 = tpu.memref_slice %arg2[%add3A_116, %dma_wait3A_463, %dma_wait3A_464] : memref<400x64x1024xf32, #tpu.memory_space<hbm>> -> memref<1x32x1024xf32, #tpu.memory_space<hbm>>
        %dma_wait3A_466 = tpu.memref_squeeze %dma_wait3A_465 : memref<1x32x1024xf32, #tpu.memory_space<hbm>> -> memref<32x1024xf32, #tpu.memory_space<hbm>>
        tpu.wait_dma2 semaphore(%run_scoped3A : memref<!tpu.dma_semaphore, #tpu.memory_space<semaphore_mem>>) src(%dma_wait3A_466 : memref<32x1024xf32, #tpu.memory_space<hbm>>) dst(%arg4 : memref<32x1024xf32, #tpu.memory_space<vmem>>)
        tpu.yield
      }) : () -> ()
      %mul3A_117 = arith.constant 48 : i32
      %mul3A_118 = arith.muli %select_n3A, %mul3A_117 : i32
      %add3A_119 = arith.constant 0 : i32
      %add3A_120 = arith.addi %mul3A_118, %add3A_119 : i32
      %add3A_121 = arith.addi %add3A_120, %select_n3A_113 : i32
      %dma_start3A = arith.constant 0 : i32
      %dma_start3A_122 = arith.constant 0 : i32
      %dma_start3A_123 = tpu.memref_slice %arg3[%add3A_121, %dma_start3A, %dma_start3A_122] : memref<960x64x1024xf32, #tpu.memory_space<hbm>> -> memref<1x32x1024xf32, #tpu.memory_space<hbm>>
      %dma_start3A_124 = tpu.memref_squeeze %dma_start3A_123 : memref<1x32x1024xf32, #tpu.memory_space<hbm>> -> memref<32x1024xf32, #tpu.memory_space<hbm>>
      %dma_start3A_125 = arith.constant 0 : i32
      %dma_start3A_126 = arith.constant 0 : i32
      %dma_start3A_127 = tpu.memref_slice %arg3[%add3A_121, %dma_start3A_125, %dma_start3A_126] : memref<960x64x1024xf32, #tpu.memory_space<hbm>> -> memref<1x32x1024xf32, #tpu.memory_space<hbm>>
      %dma_start3A_128 = tpu.memref_squeeze %dma_start3A_127 : memref<1x32x1024xf32, #tpu.memory_space<hbm>> -> memref<32x1024xf32, #tpu.memory_space<hbm>>
      tpu.enqueue_dma source(%arg4 : memref<32x1024xf32, #tpu.memory_space<vmem>>) target(%dma_start3A_128 : memref<32x1024xf32, #tpu.memory_space<hbm>>) target_semaphore(%arg7 : memref<!tpu.dma_semaphore, #tpu.memory_space<semaphore_mem>>)
      %mul3A_129 = arith.constant 48 : i32
      %mul3A_130 = arith.muli %select_n3A, %mul3A_129 : i32
      %add3A_131 = arith.constant 6 : i32
      %add3A_132 = arith.addi %mul3A_130, %add3A_131 : i32
      %add3A_133 = arith.addi %add3A_132, %select_n3A_113 : i32
      %dma_start3A_134 = arith.constant 0 : i32
      %dma_start3A_135 = arith.constant 0 : i32
      %dma_start3A_136 = tpu.memref_slice %arg3[%add3A_133, %dma_start3A_134, %dma_start3A_135] : memref<960x64x1024xf32, #tpu.memory_space<hbm>> -> memref<1x32x1024xf32, #tpu.memory_space<hbm>>
      %dma_start3A_137 = tpu.memref_squeeze %dma_start3A_136 : memref<1x32x1024xf32, #tpu.memory_space<hbm>> -> memref<32x1024xf32, #tpu.memory_space<hbm>>
      %dma_start3A_138 = arith.constant 0 : i32
      %dma_start3A_139 = arith.constant 0 : i32
      %dma_start3A_140 = tpu.memref_slice %arg3[%add3A_133, %dma_start3A_138, %dma_start3A_139] : memref<960x64x1024xf32, #tpu.memory_space<hbm>> -> memref<1x32x1024xf32, #tpu.memory_space<hbm>>
      %dma_start3A_141 = tpu.memref_squeeze %dma_start3A_140 : memref<1x32x1024xf32, #tpu.memory_space<hbm>> -> memref<32x1024xf32, #tpu.memory_space<hbm>>
      tpu.enqueue_dma source(%arg4 : memref<32x1024xf32, #tpu.memory_space<vmem>>) target(%dma_start3A_141 : memref<32x1024xf32, #tpu.memory_space<hbm>>) target_semaphore(%arg7 : memref<!tpu.dma_semaphore, #tpu.memory_space<semaphore_mem>>)
      %mul3A_142 = arith.constant 48 : i32
      %mul3A_143 = arith.muli %select_n3A, %mul3A_142 : i32
      %add3A_144 = arith.constant 12 : i32
      %add3A_145 = arith.addi %mul3A_143, %add3A_144 : i32
      %add3A_146 = arith.addi %add3A_145, %select_n3A_113 : i32
      %dma_start3A_147 = arith.constant 0 : i32
      %dma_start3A_148 = arith.constant 0 : i32
      %dma_start3A_149 = tpu.memref_slice %arg3[%add3A_146, %dma_start3A_147, %dma_start3A_148] : memref<960x64x1024xf32, #tpu.memory_space<hbm>> -> memref<1x32x1024xf32, #tpu.memory_space<hbm>>
      %dma_start3A_150 = tpu.memref_squeeze %dma_start3A_149 : memref<1x32x1024xf32, #tpu.memory_space<hbm>> -> memref<32x1024xf32, #tpu.memory_space<hbm>>
      %dma_start3A_151 = arith.constant 0 : i32
      %dma_start3A_152 = arith.constant 0 : i32
      %dma_start3A_153 = tpu.memref_slice %arg3[%add3A_146, %dma_start3A_151, %dma_start3A_152] : memref<960x64x1024xf32, #tpu.memory_space<hbm>> -> memref<1x32x1024xf32, #tpu.memory_space<hbm>>
      %dma_start3A_154 = tpu.memref_squeeze %dma_start3A_153 : memref<1x32x1024xf32, #tpu.memory_space<hbm>> -> memref<32x1024xf32, #tpu.memory_space<hbm>>
      tpu.enqueue_dma source(%arg4 : memref<32x1024xf32, #tpu.memory_space<vmem>>) target(%dma_start3A_154 : memref<32x1024xf32, #tpu.memory_space<hbm>>) target_semaphore(%arg7 : memref<!tpu.dma_semaphore, #tpu.memory_space<semaphore_mem>>)
      %mul3A_155 = arith.constant 48 : i32
      %mul3A_156 = arith.muli %select_n3A, %mul3A_155 : i32
      %add3A_157 = arith.constant 18 : i32
      %add3A_158 = arith.addi %mul3A_156, %add3A_157 : i32
      %add3A_159 = arith.addi %add3A_158, %select_n3A_113 : i32
      %dma_start3A_160 = arith.constant 0 : i32
      %dma_start3A_161 = arith.constant 0 : i32
      %dma_start3A_162 = tpu.memref_slice %arg3[%add3A_159, %dma_start3A_160, %dma_start3A_161] : memref<960x64x1024xf32, #tpu.memory_space<hbm>> -> memref<1x32x1024xf32, #tpu.memory_space<hbm>>
      %dma_start3A_163 = tpu.memref_squeeze %dma_start3A_162 : memref<1x32x1024xf32, #tpu.memory_space<hbm>> -> memref<32x1024xf32, #tpu.memory_space<hbm>>
      %dma_start3A_164 = arith.constant 0 : i32
      %dma_start3A_165 = arith.constant 0 : i32
      %dma_start3A_166 = tpu.memref_slice %arg3[%add3A_159, %dma_start3A_164, %dma_start3A_165] : memref<960x64x1024xf32, #tpu.memory_space<hbm>> -> memref<1x32x1024xf32, #tpu.memory_space<hbm>>
      %dma_start3A_167 = tpu.memref_squeeze %dma_start3A_166 : memref<1x32x1024xf32, #tpu.memory_space<hbm>> -> memref<32x1024xf32, #tpu.memory_space<hbm>>
      tpu.enqueue_dma source(%arg4 : memref<32x1024xf32, #tpu.memory_space<vmem>>) target(%dma_start3A_167 : memref<32x1024xf32, #tpu.memory_space<hbm>>) target_semaphore(%arg7 : memref<!tpu.dma_semaphore, #tpu.memory_space<semaphore_mem>>)
      %mul3A_168 = arith.constant 48 : i32
      %mul3A_169 = arith.muli %select_n3A, %mul3A_168 : i32
      %add3A_170 = arith.constant 24 : i32
      %add3A_171 = arith.addi %mul3A_169, %add3A_170 : i32
      %add3A_172 = arith.addi %add3A_171, %select_n3A_113 : i32
      %dma_start3A_173 = arith.constant 0 : i32
      %dma_start3A_174 = arith.constant 0 : i32
      %dma_start3A_175 = tpu.memref_slice %arg3[%add3A_172, %dma_start3A_173, %dma_start3A_174] : memref<960x64x1024xf32, #tpu.memory_space<hbm>> -> memref<1x32x1024xf32, #tpu.memory_space<hbm>>
      %dma_start3A_176 = tpu.memref_squeeze %dma_start3A_175 : memref<1x32x1024xf32, #tpu.memory_space<hbm>> -> memref<32x1024xf32, #tpu.memory_space<hbm>>
      %dma_start3A_177 = arith.constant 0 : i32
      %dma_start3A_178 = arith.constant 0 : i32
      %dma_start3A_179 = tpu.memref_slice %arg3[%add3A_172, %dma_start3A_177, %dma_start3A_178] : memref<960x64x1024xf32, #tpu.memory_space<hbm>> -> memref<1x32x1024xf32, #tpu.memory_space<hbm>>
      %dma_start3A_180 = tpu.memref_squeeze %dma_start3A_179 : memref<1x32x1024xf32, #tpu.memory_space<hbm>> -> memref<32x1024xf32, #tpu.memory_space<hbm>>
      tpu.enqueue_dma source(%arg4 : memref<32x1024xf32, #tpu.memory_space<vmem>>) target(%dma_start3A_180 : memref<32x1024xf32, #tpu.memory_space<hbm>>) target_semaphore(%arg7 : memref<!tpu.dma_semaphore, #tpu.memory_space<semaphore_mem>>)
      %mul3A_181 = arith.constant 48 : i32
      %mul3A_182 = arith.muli %select_n3A, %mul3A_181 : i32
      %add3A_183 = arith.constant 30 : i32
      %add3A_184 = arith.addi %mul3A_182, %add3A_183 : i32
      %add3A_185 = arith.addi %add3A_184, %select_n3A_113 : i32
      %dma_start3A_186 = arith.constant 0 : i32
      %dma_start3A_187 = arith.constant 0 : i32
      %dma_start3A_188 = tpu.memref_slice %arg3[%add3A_185, %dma_start3A_186, %dma_start3A_187] : memref<960x64x1024xf32, #tpu.memory_space<hbm>> -> memref<1x32x1024xf32, #tpu.memory_space<hbm>>
      %dma_start3A_189 = tpu.memref_squeeze %dma_start3A_188 : memref<1x32x1024xf32, #tpu.memory_space<hbm>> -> memref<32x1024xf32, #tpu.memory_space<hbm>>
      %dma_start3A_190 = arith.constant 0 : i32
      %dma_start3A_191 = arith.constant 0 : i32
      %dma_start3A_192 = tpu.memref_slice %arg3[%add3A_185, %dma_start3A_190, %dma_start3A_191] : memref<960x64x1024xf32, #tpu.memory_space<hbm>> -> memref<1x32x1024xf32, #tpu.memory_space<hbm>>
      %dma_start3A_193 = tpu.memref_squeeze %dma_start3A_192 : memref<1x32x1024xf32, #tpu.memory_space<hbm>> -> memref<32x1024xf32, #tpu.memory_space<hbm>>
      tpu.enqueue_dma source(%arg4 : memref<32x1024xf32, #tpu.memory_space<vmem>>) target(%dma_start3A_193 : memref<32x1024xf32, #tpu.memory_space<hbm>>) target_semaphore(%arg7 : memref<!tpu.dma_semaphore, #tpu.memory_space<semaphore_mem>>)
      %mul3A_194 = arith.constant 48 : i32
      %mul3A_195 = arith.muli %select_n3A, %mul3A_194 : i32
      %add3A_196 = arith.constant 36 : i32
      %add3A_197 = arith.addi %mul3A_195, %add3A_196 : i32
      %add3A_198 = arith.addi %add3A_197, %select_n3A_113 : i32
      %dma_start3A_199 = arith.constant 0 : i32
      %dma_start3A_200 = arith.constant 0 : i32
      %dma_start3A_201 = tpu.memref_slice %arg3[%add3A_198, %dma_start3A_199, %dma_start3A_200] : memref<960x64x1024xf32, #tpu.memory_space<hbm>> -> memref<1x32x1024xf32, #tpu.memory_space<hbm>>
      %dma_start3A_202 = tpu.memref_squeeze %dma_start3A_201 : memref<1x32x1024xf32, #tpu.memory_space<hbm>> -> memref<32x1024xf32, #tpu.memory_space<hbm>>
      %dma_start3A_203 = arith.constant 0 : i32
      %dma_start3A_204 = arith.constant 0 : i32
      %dma_start3A_205 = tpu.memref_slice %arg3[%add3A_198, %dma_start3A_203, %dma_start3A_204] : memref<960x64x1024xf32, #tpu.memory_space<hbm>> -> memref<1x32x1024xf32, #tpu.memory_space<hbm>>
      %dma_start3A_206 = tpu.memref_squeeze %dma_start3A_205 : memref<1x32x1024xf32, #tpu.memory_space<hbm>> -> memref<32x1024xf32, #tpu.memory_space<hbm>>
      tpu.enqueue_dma source(%arg4 : memref<32x1024xf32, #tpu.memory_space<vmem>>) target(%dma_start3A_206 : memref<32x1024xf32, #tpu.memory_space<hbm>>) target_semaphore(%arg7 : memref<!tpu.dma_semaphore, #tpu.memory_space<semaphore_mem>>)
      %mul3A_207 = arith.constant 48 : i32
      %mul3A_208 = arith.muli %select_n3A, %mul3A_207 : i32
      %add3A_209 = arith.constant 42 : i32
      %add3A_210 = arith.addi %mul3A_208, %add3A_209 : i32
      %add3A_211 = arith.addi %add3A_210, %select_n3A_113 : i32
      %dma_start3A_212 = arith.constant 0 : i32
      %dma_start3A_213 = arith.constant 0 : i32
      %dma_start3A_214 = tpu.memref_slice %arg3[%add3A_211, %dma_start3A_212, %dma_start3A_213] : memref<960x64x1024xf32, #tpu.memory_space<hbm>> -> memref<1x32x1024xf32, #tpu.memory_space<hbm>>
      %dma_start3A_215 = tpu.memref_squeeze %dma_start3A_214 : memref<1x32x1024xf32, #tpu.memory_space<hbm>> -> memref<32x1024xf32, #tpu.memory_space<hbm>>
      %dma_start3A_216 = arith.constant 0 : i32
      %dma_start3A_217 = arith.constant 0 : i32
      %dma_start3A_218 = tpu.memref_slice %arg3[%add3A_211, %dma_start3A_216, %dma_start3A_217] : memref<960x64x1024xf32, #tpu.memory_space<hbm>> -> memref<1x32x1024xf32, #tpu.memory_space<hbm>>
      %dma_start3A_219 = tpu.memref_squeeze %dma_start3A_218 : memref<1x32x1024xf32, #tpu.memory_space<hbm>> -> memref<32x1024xf32, #tpu.memory_space<hbm>>
      tpu.enqueue_dma source(%arg4 : memref<32x1024xf32, #tpu.memory_space<vmem>>) target(%dma_start3A_219 : memref<32x1024xf32, #tpu.memory_space<hbm>>) target_semaphore(%arg7 : memref<!tpu.dma_semaphore, #tpu.memory_space<semaphore_mem>>)
      "tpu.region"() ({
        %run_scoped3A = tpu.sem_alloc : memref<!tpu.dma_semaphore, #tpu.memory_space<semaphore_mem>>
        %dma_start3A_451 = arith.constant 32 : i32
        %dma_start3A_452 = arith.constant 0 : i32
        %dma_start3A_453 = tpu.memref_slice %arg2[%add3A_116, %dma_start3A_451, %dma_start3A_452] : memref<400x64x1024xf32, #tpu.memory_space<hbm>> -> memref<1x32x1024xf32, #tpu.memory_space<hbm>>
        %dma_start3A_454 = tpu.memref_squeeze %dma_start3A_453 : memref<1x32x1024xf32, #tpu.memory_space<hbm>> -> memref<32x1024xf32, #tpu.memory_space<hbm>>
        %dma_start3A_455 = arith.constant 32 : i32
        %dma_start3A_456 = arith.constant 0 : i32
        %dma_start3A_457 = tpu.memref_slice %arg2[%add3A_116, %dma_start3A_455, %dma_start3A_456] : memref<400x64x1024xf32, #tpu.memory_space<hbm>> -> memref<1x32x1024xf32, #tpu.memory_space<hbm>>
        %dma_start3A_458 = tpu.memref_squeeze %dma_start3A_457 : memref<1x32x1024xf32, #tpu.memory_space<hbm>> -> memref<32x1024xf32, #tpu.memory_space<hbm>>
        tpu.enqueue_dma source(%dma_start3A_458 : memref<32x1024xf32, #tpu.memory_space<hbm>>) target(%arg5 : memref<32x1024xf32, #tpu.memory_space<vmem>>) target_semaphore(%run_scoped3A : memref<!tpu.dma_semaphore, #tpu.memory_space<semaphore_mem>>)
        %dma_wait3A_459 = arith.constant 32 : i32
        %dma_wait3A_460 = arith.constant 0 : i32
        %dma_wait3A_461 = tpu.memref_slice %arg2[%add3A_116, %dma_wait3A_459, %dma_wait3A_460] : memref<400x64x1024xf32, #tpu.memory_space<hbm>> -> memref<1x32x1024xf32, #tpu.memory_space<hbm>>
        %dma_wait3A_462 = tpu.memref_squeeze %dma_wait3A_461 : memref<1x32x1024xf32, #tpu.memory_space<hbm>> -> memref<32x1024xf32, #tpu.memory_space<hbm>>
        %dma_wait3A_463 = arith.constant 32 : i32
        %dma_wait3A_464 = arith.constant 0 : i32
        %dma_wait3A_465 = tpu.memref_slice %arg2[%add3A_116, %dma_wait3A_463, %dma_wait3A_464] : memref<400x64x1024xf32, #tpu.memory_space<hbm>> -> memref<1x32x1024xf32, #tpu.memory_space<hbm>>
        %dma_wait3A_466 = tpu.memref_squeeze %dma_wait3A_465 : memref<1x32x1024xf32, #tpu.memory_space<hbm>> -> memref<32x1024xf32, #tpu.memory_space<hbm>>
        tpu.wait_dma2 semaphore(%run_scoped3A : memref<!tpu.dma_semaphore, #tpu.memory_space<semaphore_mem>>) src(%dma_wait3A_466 : memref<32x1024xf32, #tpu.memory_space<hbm>>) dst(%arg5 : memref<32x1024xf32, #tpu.memory_space<vmem>>)
        tpu.yield
      }) : () -> ()
      %mul3A_220 = arith.constant 48 : i32
      %mul3A_221 = arith.muli %select_n3A, %mul3A_220 : i32
      %add3A_222 = arith.constant 0 : i32
      %add3A_223 = arith.addi %mul3A_221, %add3A_222 : i32
      %add3A_224 = arith.addi %add3A_223, %select_n3A_113 : i32
      %dma_start3A_225 = arith.constant 32 : i32
      %dma_start3A_226 = arith.constant 0 : i32
      %dma_start3A_227 = tpu.memref_slice %arg3[%add3A_224, %dma_start3A_225, %dma_start3A_226] : memref<960x64x1024xf32, #tpu.memory_space<hbm>> -> memref<1x32x1024xf32, #tpu.memory_space<hbm>>
      %dma_start3A_228 = tpu.memref_squeeze %dma_start3A_227 : memref<1x32x1024xf32, #tpu.memory_space<hbm>> -> memref<32x1024xf32, #tpu.memory_space<hbm>>
      %dma_start3A_229 = arith.constant 32 : i32
      %dma_start3A_230 = arith.constant 0 : i32
      %dma_start3A_231 = tpu.memref_slice %arg3[%add3A_224, %dma_start3A_229, %dma_start3A_230] : memref<960x64x1024xf32, #tpu.memory_space<hbm>> -> memref<1x32x1024xf32, #tpu.memory_space<hbm>>
      %dma_start3A_232 = tpu.memref_squeeze %dma_start3A_231 : memref<1x32x1024xf32, #tpu.memory_space<hbm>> -> memref<32x1024xf32, #tpu.memory_space<hbm>>
      tpu.enqueue_dma source(%arg5 : memref<32x1024xf32, #tpu.memory_space<vmem>>) target(%dma_start3A_232 : memref<32x1024xf32, #tpu.memory_space<hbm>>) target_semaphore(%arg8 : memref<!tpu.dma_semaphore, #tpu.memory_space<semaphore_mem>>)
      %mul3A_233 = arith.constant 48 : i32
      %mul3A_234 = arith.muli %select_n3A, %mul3A_233 : i32
      %add3A_235 = arith.constant 6 : i32
      %add3A_236 = arith.addi %mul3A_234, %add3A_235 : i32
      %add3A_237 = arith.addi %add3A_236, %select_n3A_113 : i32
      %dma_start3A_238 = arith.constant 32 : i32
      %dma_start3A_239 = arith.constant 0 : i32
      %dma_start3A_240 = tpu.memref_slice %arg3[%add3A_237, %dma_start3A_238, %dma_start3A_239] : memref<960x64x1024xf32, #tpu.memory_space<hbm>> -> memref<1x32x1024xf32, #tpu.memory_space<hbm>>
      %dma_start3A_241 = tpu.memref_squeeze %dma_start3A_240 : memref<1x32x1024xf32, #tpu.memory_space<hbm>> -> memref<32x1024xf32, #tpu.memory_space<hbm>>
      %dma_start3A_242 = arith.constant 32 : i32
      %dma_start3A_243 = arith.constant 0 : i32
      %dma_start3A_244 = tpu.memref_slice %arg3[%add3A_237, %dma_start3A_242, %dma_start3A_243] : memref<960x64x1024xf32, #tpu.memory_space<hbm>> -> memref<1x32x1024xf32, #tpu.memory_space<hbm>>
      %dma_start3A_245 = tpu.memref_squeeze %dma_start3A_244 : memref<1x32x1024xf32, #tpu.memory_space<hbm>> -> memref<32x1024xf32, #tpu.memory_space<hbm>>
      tpu.enqueue_dma source(%arg5 : memref<32x1024xf32, #tpu.memory_space<vmem>>) target(%dma_start3A_245 : memref<32x1024xf32, #tpu.memory_space<hbm>>) target_semaphore(%arg8 : memref<!tpu.dma_semaphore, #tpu.memory_space<semaphore_mem>>)
      %mul3A_246 = arith.constant 48 : i32
      %mul3A_247 = arith.muli %select_n3A, %mul3A_246 : i32
      %add3A_248 = arith.constant 12 : i32
      %add3A_249 = arith.addi %mul3A_247, %add3A_248 : i32
      %add3A_250 = arith.addi %add3A_249, %select_n3A_113 : i32
      %dma_start3A_251 = arith.constant 32 : i32
      %dma_start3A_252 = arith.constant 0 : i32
      %dma_start3A_253 = tpu.memref_slice %arg3[%add3A_250, %dma_start3A_251, %dma_start3A_252] : memref<960x64x1024xf32, #tpu.memory_space<hbm>> -> memref<1x32x1024xf32, #tpu.memory_space<hbm>>
      %dma_start3A_254 = tpu.memref_squeeze %dma_start3A_253 : memref<1x32x1024xf32, #tpu.memory_space<hbm>> -> memref<32x1024xf32, #tpu.memory_space<hbm>>
      %dma_start3A_255 = arith.constant 32 : i32
      %dma_start3A_256 = arith.constant 0 : i32
      %dma_start3A_257 = tpu.memref_slice %arg3[%add3A_250, %dma_start3A_255, %dma_start3A_256] : memref<960x64x1024xf32, #tpu.memory_space<hbm>> -> memref<1x32x1024xf32, #tpu.memory_space<hbm>>
      %dma_start3A_258 = tpu.memref_squeeze %dma_start3A_257 : memref<1x32x1024xf32, #tpu.memory_space<hbm>> -> memref<32x1024xf32, #tpu.memory_space<hbm>>
      tpu.enqueue_dma source(%arg5 : memref<32x1024xf32, #tpu.memory_space<vmem>>) target(%dma_start3A_258 : memref<32x1024xf32, #tpu.memory_space<hbm>>) target_semaphore(%arg8 : memref<!tpu.dma_semaphore, #tpu.memory_space<semaphore_mem>>)
      %mul3A_259 = arith.constant 48 : i32
      %mul3A_260 = arith.muli %select_n3A, %mul3A_259 : i32
      %add3A_261 = arith.constant 18 : i32
      %add3A_262 = arith.addi %mul3A_260, %add3A_261 : i32
      %add3A_263 = arith.addi %add3A_262, %select_n3A_113 : i32
      %dma_start3A_264 = arith.constant 32 : i32
      %dma_start3A_265 = arith.constant 0 : i32
      %dma_start3A_266 = tpu.memref_slice %arg3[%add3A_263, %dma_start3A_264, %dma_start3A_265] : memref<960x64x1024xf32, #tpu.memory_space<hbm>> -> memref<1x32x1024xf32, #tpu.memory_space<hbm>>
      %dma_start3A_267 = tpu.memref_squeeze %dma_start3A_266 : memref<1x32x1024xf32, #tpu.memory_space<hbm>> -> memref<32x1024xf32, #tpu.memory_space<hbm>>
      %dma_start3A_268 = arith.constant 32 : i32
      %dma_start3A_269 = arith.constant 0 : i32
      %dma_start3A_270 = tpu.memref_slice %arg3[%add3A_263, %dma_start3A_268, %dma_start3A_269] : memref<960x64x1024xf32, #tpu.memory_space<hbm>> -> memref<1x32x1024xf32, #tpu.memory_space<hbm>>
      %dma_start3A_271 = tpu.memref_squeeze %dma_start3A_270 : memref<1x32x1024xf32, #tpu.memory_space<hbm>> -> memref<32x1024xf32, #tpu.memory_space<hbm>>
      tpu.enqueue_dma source(%arg5 : memref<32x1024xf32, #tpu.memory_space<vmem>>) target(%dma_start3A_271 : memref<32x1024xf32, #tpu.memory_space<hbm>>) target_semaphore(%arg8 : memref<!tpu.dma_semaphore, #tpu.memory_space<semaphore_mem>>)
      %mul3A_272 = arith.constant 48 : i32
      %mul3A_273 = arith.muli %select_n3A, %mul3A_272 : i32
      %add3A_274 = arith.constant 24 : i32
      %add3A_275 = arith.addi %mul3A_273, %add3A_274 : i32
      %add3A_276 = arith.addi %add3A_275, %select_n3A_113 : i32
      %dma_start3A_277 = arith.constant 32 : i32
      %dma_start3A_278 = arith.constant 0 : i32
      %dma_start3A_279 = tpu.memref_slice %arg3[%add3A_276, %dma_start3A_277, %dma_start3A_278] : memref<960x64x1024xf32, #tpu.memory_space<hbm>> -> memref<1x32x1024xf32, #tpu.memory_space<hbm>>
      %dma_start3A_280 = tpu.memref_squeeze %dma_start3A_279 : memref<1x32x1024xf32, #tpu.memory_space<hbm>> -> memref<32x1024xf32, #tpu.memory_space<hbm>>
      %dma_start3A_281 = arith.constant 32 : i32
      %dma_start3A_282 = arith.constant 0 : i32
      %dma_start3A_283 = tpu.memref_slice %arg3[%add3A_276, %dma_start3A_281, %dma_start3A_282] : memref<960x64x1024xf32, #tpu.memory_space<hbm>> -> memref<1x32x1024xf32, #tpu.memory_space<hbm>>
      %dma_start3A_284 = tpu.memref_squeeze %dma_start3A_283 : memref<1x32x1024xf32, #tpu.memory_space<hbm>> -> memref<32x1024xf32, #tpu.memory_space<hbm>>
      tpu.enqueue_dma source(%arg5 : memref<32x1024xf32, #tpu.memory_space<vmem>>) target(%dma_start3A_284 : memref<32x1024xf32, #tpu.memory_space<hbm>>) target_semaphore(%arg8 : memref<!tpu.dma_semaphore, #tpu.memory_space<semaphore_mem>>)
      %mul3A_285 = arith.constant 48 : i32
      %mul3A_286 = arith.muli %select_n3A, %mul3A_285 : i32
      %add3A_287 = arith.constant 30 : i32
      %add3A_288 = arith.addi %mul3A_286, %add3A_287 : i32
      %add3A_289 = arith.addi %add3A_288, %select_n3A_113 : i32
      %dma_start3A_290 = arith.constant 32 : i32
      %dma_start3A_291 = arith.constant 0 : i32
      %dma_start3A_292 = tpu.memref_slice %arg3[%add3A_289, %dma_start3A_290, %dma_start3A_291] : memref<960x64x1024xf32, #tpu.memory_space<hbm>> -> memref<1x32x1024xf32, #tpu.memory_space<hbm>>
      %dma_start3A_293 = tpu.memref_squeeze %dma_start3A_292 : memref<1x32x1024xf32, #tpu.memory_space<hbm>> -> memref<32x1024xf32, #tpu.memory_space<hbm>>
      %dma_start3A_294 = arith.constant 32 : i32
      %dma_start3A_295 = arith.constant 0 : i32
      %dma_start3A_296 = tpu.memref_slice %arg3[%add3A_289, %dma_start3A_294, %dma_start3A_295] : memref<960x64x1024xf32, #tpu.memory_space<hbm>> -> memref<1x32x1024xf32, #tpu.memory_space<hbm>>
      %dma_start3A_297 = tpu.memref_squeeze %dma_start3A_296 : memref<1x32x1024xf32, #tpu.memory_space<hbm>> -> memref<32x1024xf32, #tpu.memory_space<hbm>>
      tpu.enqueue_dma source(%arg5 : memref<32x1024xf32, #tpu.memory_space<vmem>>) target(%dma_start3A_297 : memref<32x1024xf32, #tpu.memory_space<hbm>>) target_semaphore(%arg8 : memref<!tpu.dma_semaphore, #tpu.memory_space<semaphore_mem>>)
      %mul3A_298 = arith.constant 48 : i32
      %mul3A_299 = arith.muli %select_n3A, %mul3A_298 : i32
      %add3A_300 = arith.constant 36 : i32
      %add3A_301 = arith.addi %mul3A_299, %add3A_300 : i32
      %add3A_302 = arith.addi %add3A_301, %select_n3A_113 : i32
      %dma_start3A_303 = arith.constant 32 : i32
      %dma_start3A_304 = arith.constant 0 : i32
      %dma_start3A_305 = tpu.memref_slice %arg3[%add3A_302, %dma_start3A_303, %dma_start3A_304] : memref<960x64x1024xf32, #tpu.memory_space<hbm>> -> memref<1x32x1024xf32, #tpu.memory_space<hbm>>
      %dma_start3A_306 = tpu.memref_squeeze %dma_start3A_305 : memref<1x32x1024xf32, #tpu.memory_space<hbm>> -> memref<32x1024xf32, #tpu.memory_space<hbm>>
      %dma_start3A_307 = arith.constant 32 : i32
      %dma_start3A_308 = arith.constant 0 : i32
      %dma_start3A_309 = tpu.memref_slice %arg3[%add3A_302, %dma_start3A_307, %dma_start3A_308] : memref<960x64x1024xf32, #tpu.memory_space<hbm>> -> memref<1x32x1024xf32, #tpu.memory_space<hbm>>
      %dma_start3A_310 = tpu.memref_squeeze %dma_start3A_309 : memref<1x32x1024xf32, #tpu.memory_space<hbm>> -> memref<32x1024xf32, #tpu.memory_space<hbm>>
      tpu.enqueue_dma source(%arg5 : memref<32x1024xf32, #tpu.memory_space<vmem>>) target(%dma_start3A_310 : memref<32x1024xf32, #tpu.memory_space<hbm>>) target_semaphore(%arg8 : memref<!tpu.dma_semaphore, #tpu.memory_space<semaphore_mem>>)
      %mul3A_311 = arith.constant 48 : i32
      %mul3A_312 = arith.muli %select_n3A, %mul3A_311 : i32
      %add3A_313 = arith.constant 42 : i32
      %add3A_314 = arith.addi %mul3A_312, %add3A_313 : i32
      %add3A_315 = arith.addi %add3A_314, %select_n3A_113 : i32
      %dma_start3A_316 = arith.constant 32 : i32
      %dma_start3A_317 = arith.constant 0 : i32
      %dma_start3A_318 = tpu.memref_slice %arg3[%add3A_315, %dma_start3A_316, %dma_start3A_317] : memref<960x64x1024xf32, #tpu.memory_space<hbm>> -> memref<1x32x1024xf32, #tpu.memory_space<hbm>>
      %dma_start3A_319 = tpu.memref_squeeze %dma_start3A_318 : memref<1x32x1024xf32, #tpu.memory_space<hbm>> -> memref<32x1024xf32, #tpu.memory_space<hbm>>
      %dma_start3A_320 = arith.constant 32 : i32
      %dma_start3A_321 = arith.constant 0 : i32
      %dma_start3A_322 = tpu.memref_slice %arg3[%add3A_315, %dma_start3A_320, %dma_start3A_321] : memref<960x64x1024xf32, #tpu.memory_space<hbm>> -> memref<1x32x1024xf32, #tpu.memory_space<hbm>>
      %dma_start3A_323 = tpu.memref_squeeze %dma_start3A_322 : memref<1x32x1024xf32, #tpu.memory_space<hbm>> -> memref<32x1024xf32, #tpu.memory_space<hbm>>
      tpu.enqueue_dma source(%arg5 : memref<32x1024xf32, #tpu.memory_space<vmem>>) target(%dma_start3A_323 : memref<32x1024xf32, #tpu.memory_space<hbm>>) target_semaphore(%arg8 : memref<!tpu.dma_semaphore, #tpu.memory_space<semaphore_mem>>)
      %dma_wait3A = arith.constant 0 : i32
      %dma_wait3A_324 = arith.constant 0 : i32
      %dma_wait3A_325 = tpu.memref_slice %arg3[%add3A_121, %dma_wait3A, %dma_wait3A_324] : memref<960x64x1024xf32, #tpu.memory_space<hbm>> -> memref<1x32x1024xf32, #tpu.memory_space<hbm>>
      %dma_wait3A_326 = tpu.memref_squeeze %dma_wait3A_325 : memref<1x32x1024xf32, #tpu.memory_space<hbm>> -> memref<32x1024xf32, #tpu.memory_space<hbm>>
      %dma_wait3A_327 = arith.constant 0 : i32
      %dma_wait3A_328 = arith.constant 0 : i32
      %dma_wait3A_329 = tpu.memref_slice %arg3[%add3A_121, %dma_wait3A_327, %dma_wait3A_328] : memref<960x64x1024xf32, #tpu.memory_space<hbm>> -> memref<1x32x1024xf32, #tpu.memory_space<hbm>>
      %dma_wait3A_330 = tpu.memref_squeeze %dma_wait3A_329 : memref<1x32x1024xf32, #tpu.memory_space<hbm>> -> memref<32x1024xf32, #tpu.memory_space<hbm>>
      tpu.wait_dma2 semaphore(%arg7 : memref<!tpu.dma_semaphore, #tpu.memory_space<semaphore_mem>>) src(%arg4 : memref<32x1024xf32, #tpu.memory_space<vmem>>) dst(%dma_wait3A_330 : memref<32x1024xf32, #tpu.memory_space<hbm>>)
      %dma_wait3A_331 = arith.constant 0 : i32
      %dma_wait3A_332 = arith.constant 0 : i32
      %dma_wait3A_333 = tpu.memref_slice %arg3[%add3A_133, %dma_wait3A_331, %dma_wait3A_332] : memref<960x64x1024xf32, #tpu.memory_space<hbm>> -> memref<1x32x1024xf32, #tpu.memory_space<hbm>>
      %dma_wait3A_334 = tpu.memref_squeeze %dma_wait3A_333 : memref<1x32x1024xf32, #tpu.memory_space<hbm>> -> memref<32x1024xf32, #tpu.memory_space<hbm>>
      %dma_wait3A_335 = arith.constant 0 : i32
      %dma_wait3A_336 = arith.constant 0 : i32
      %dma_wait3A_337 = tpu.memref_slice %arg3[%add3A_133, %dma_wait3A_335, %dma_wait3A_336] : memref<960x64x1024xf32, #tpu.memory_space<hbm>> -> memref<1x32x1024xf32, #tpu.memory_space<hbm>>
      %dma_wait3A_338 = tpu.memref_squeeze %dma_wait3A_337 : memref<1x32x1024xf32, #tpu.memory_space<hbm>> -> memref<32x1024xf32, #tpu.memory_space<hbm>>
      tpu.wait_dma2 semaphore(%arg7 : memref<!tpu.dma_semaphore, #tpu.memory_space<semaphore_mem>>) src(%arg4 : memref<32x1024xf32, #tpu.memory_space<vmem>>) dst(%dma_wait3A_338 : memref<32x1024xf32, #tpu.memory_space<hbm>>)
      %dma_wait3A_339 = arith.constant 0 : i32
      %dma_wait3A_340 = arith.constant 0 : i32
      %dma_wait3A_341 = tpu.memref_slice %arg3[%add3A_146, %dma_wait3A_339, %dma_wait3A_340] : memref<960x64x1024xf32, #tpu.memory_space<hbm>> -> memref<1x32x1024xf32, #tpu.memory_space<hbm>>
      %dma_wait3A_342 = tpu.memref_squeeze %dma_wait3A_341 : memref<1x32x1024xf32, #tpu.memory_space<hbm>> -> memref<32x1024xf32, #tpu.memory_space<hbm>>
      %dma_wait3A_343 = arith.constant 0 : i32
      %dma_wait3A_344 = arith.constant 0 : i32
      %dma_wait3A_345 = tpu.memref_slice %arg3[%add3A_146, %dma_wait3A_343, %dma_wait3A_344] : memref<960x64x1024xf32, #tpu.memory_space<hbm>> -> memref<1x32x1024xf32, #tpu.memory_space<hbm>>
      %dma_wait3A_346 = tpu.memref_squeeze %dma_wait3A_345 : memref<1x32x1024xf32, #tpu.memory_space<hbm>> -> memref<32x1024xf32, #tpu.memory_space<hbm>>
      tpu.wait_dma2 semaphore(%arg7 : memref<!tpu.dma_semaphore, #tpu.memory_space<semaphore_mem>>) src(%arg4 : memref<32x1024xf32, #tpu.memory_space<vmem>>) dst(%dma_wait3A_346 : memref<32x1024xf32, #tpu.memory_space<hbm>>)
      %dma_wait3A_347 = arith.constant 0 : i32
      %dma_wait3A_348 = arith.constant 0 : i32
      %dma_wait3A_349 = tpu.memref_slice %arg3[%add3A_159, %dma_wait3A_347, %dma_wait3A_348] : memref<960x64x1024xf32, #tpu.memory_space<hbm>> -> memref<1x32x1024xf32, #tpu.memory_space<hbm>>
      %dma_wait3A_350 = tpu.memref_squeeze %dma_wait3A_349 : memref<1x32x1024xf32, #tpu.memory_space<hbm>> -> memref<32x1024xf32, #tpu.memory_space<hbm>>
      %dma_wait3A_351 = arith.constant 0 : i32
      %dma_wait3A_352 = arith.constant 0 : i32
      %dma_wait3A_353 = tpu.memref_slice %arg3[%add3A_159, %dma_wait3A_351, %dma_wait3A_352] : memref<960x64x1024xf32, #tpu.memory_space<hbm>> -> memref<1x32x1024xf32, #tpu.memory_space<hbm>>
      %dma_wait3A_354 = tpu.memref_squeeze %dma_wait3A_353 : memref<1x32x1024xf32, #tpu.memory_space<hbm>> -> memref<32x1024xf32, #tpu.memory_space<hbm>>
      tpu.wait_dma2 semaphore(%arg7 : memref<!tpu.dma_semaphore, #tpu.memory_space<semaphore_mem>>) src(%arg4 : memref<32x1024xf32, #tpu.memory_space<vmem>>) dst(%dma_wait3A_354 : memref<32x1024xf32, #tpu.memory_space<hbm>>)
      %dma_wait3A_355 = arith.constant 0 : i32
      %dma_wait3A_356 = arith.constant 0 : i32
      %dma_wait3A_357 = tpu.memref_slice %arg3[%add3A_172, %dma_wait3A_355, %dma_wait3A_356] : memref<960x64x1024xf32, #tpu.memory_space<hbm>> -> memref<1x32x1024xf32, #tpu.memory_space<hbm>>
      %dma_wait3A_358 = tpu.memref_squeeze %dma_wait3A_357 : memref<1x32x1024xf32, #tpu.memory_space<hbm>> -> memref<32x1024xf32, #tpu.memory_space<hbm>>
      %dma_wait3A_359 = arith.constant 0 : i32
      %dma_wait3A_360 = arith.constant 0 : i32
      %dma_wait3A_361 = tpu.memref_slice %arg3[%add3A_172, %dma_wait3A_359, %dma_wait3A_360] : memref<960x64x1024xf32, #tpu.memory_space<hbm>> -> memref<1x32x1024xf32, #tpu.memory_space<hbm>>
      %dma_wait3A_362 = tpu.memref_squeeze %dma_wait3A_361 : memref<1x32x1024xf32, #tpu.memory_space<hbm>> -> memref<32x1024xf32, #tpu.memory_space<hbm>>
      tpu.wait_dma2 semaphore(%arg7 : memref<!tpu.dma_semaphore, #tpu.memory_space<semaphore_mem>>) src(%arg4 : memref<32x1024xf32, #tpu.memory_space<vmem>>) dst(%dma_wait3A_362 : memref<32x1024xf32, #tpu.memory_space<hbm>>)
      %dma_wait3A_363 = arith.constant 0 : i32
      %dma_wait3A_364 = arith.constant 0 : i32
      %dma_wait3A_365 = tpu.memref_slice %arg3[%add3A_185, %dma_wait3A_363, %dma_wait3A_364] : memref<960x64x1024xf32, #tpu.memory_space<hbm>> -> memref<1x32x1024xf32, #tpu.memory_space<hbm>>
      %dma_wait3A_366 = tpu.memref_squeeze %dma_wait3A_365 : memref<1x32x1024xf32, #tpu.memory_space<hbm>> -> memref<32x1024xf32, #tpu.memory_space<hbm>>
      %dma_wait3A_367 = arith.constant 0 : i32
      %dma_wait3A_368 = arith.constant 0 : i32
      %dma_wait3A_369 = tpu.memref_slice %arg3[%add3A_185, %dma_wait3A_367, %dma_wait3A_368] : memref<960x64x1024xf32, #tpu.memory_space<hbm>> -> memref<1x32x1024xf32, #tpu.memory_space<hbm>>
      %dma_wait3A_370 = tpu.memref_squeeze %dma_wait3A_369 : memref<1x32x1024xf32, #tpu.memory_space<hbm>> -> memref<32x1024xf32, #tpu.memory_space<hbm>>
      tpu.wait_dma2 semaphore(%arg7 : memref<!tpu.dma_semaphore, #tpu.memory_space<semaphore_mem>>) src(%arg4 : memref<32x1024xf32, #tpu.memory_space<vmem>>) dst(%dma_wait3A_370 : memref<32x1024xf32, #tpu.memory_space<hbm>>)
      %dma_wait3A_371 = arith.constant 0 : i32
      %dma_wait3A_372 = arith.constant 0 : i32
      %dma_wait3A_373 = tpu.memref_slice %arg3[%add3A_198, %dma_wait3A_371, %dma_wait3A_372] : memref<960x64x1024xf32, #tpu.memory_space<hbm>> -> memref<1x32x1024xf32, #tpu.memory_space<hbm>>
      %dma_wait3A_374 = tpu.memref_squeeze %dma_wait3A_373 : memref<1x32x1024xf32, #tpu.memory_space<hbm>> -> memref<32x1024xf32, #tpu.memory_space<hbm>>
      %dma_wait3A_375 = arith.constant 0 : i32
      %dma_wait3A_376 = arith.constant 0 : i32
      %dma_wait3A_377 = tpu.memref_slice %arg3[%add3A_198, %dma_wait3A_375, %dma_wait3A_376] : memref<960x64x1024xf32, #tpu.memory_space<hbm>> -> memref<1x32x1024xf32, #tpu.memory_space<hbm>>
      %dma_wait3A_378 = tpu.memref_squeeze %dma_wait3A_377 : memref<1x32x1024xf32, #tpu.memory_space<hbm>> -> memref<32x1024xf32, #tpu.memory_space<hbm>>
      tpu.wait_dma2 semaphore(%arg7 : memref<!tpu.dma_semaphore, #tpu.memory_space<semaphore_mem>>) src(%arg4 : memref<32x1024xf32, #tpu.memory_space<vmem>>) dst(%dma_wait3A_378 : memref<32x1024xf32, #tpu.memory_space<hbm>>)
      %dma_wait3A_379 = arith.constant 0 : i32
      %dma_wait3A_380 = arith.constant 0 : i32
      %dma_wait3A_381 = tpu.memref_slice %arg3[%add3A_211, %dma_wait3A_379, %dma_wait3A_380] : memref<960x64x1024xf32, #tpu.memory_space<hbm>> -> memref<1x32x1024xf32, #tpu.memory_space<hbm>>
      %dma_wait3A_382 = tpu.memref_squeeze %dma_wait3A_381 : memref<1x32x1024xf32, #tpu.memory_space<hbm>> -> memref<32x1024xf32, #tpu.memory_space<hbm>>
      %dma_wait3A_383 = arith.constant 0 : i32
      %dma_wait3A_384 = arith.constant 0 : i32
      %dma_wait3A_385 = tpu.memref_slice %arg3[%add3A_211, %dma_wait3A_383, %dma_wait3A_384] : memref<960x64x1024xf32, #tpu.memory_space<hbm>> -> memref<1x32x1024xf32, #tpu.memory_space<hbm>>
      %dma_wait3A_386 = tpu.memref_squeeze %dma_wait3A_385 : memref<1x32x1024xf32, #tpu.memory_space<hbm>> -> memref<32x1024xf32, #tpu.memory_space<hbm>>
      tpu.wait_dma2 semaphore(%arg7 : memref<!tpu.dma_semaphore, #tpu.memory_space<semaphore_mem>>) src(%arg4 : memref<32x1024xf32, #tpu.memory_space<vmem>>) dst(%dma_wait3A_386 : memref<32x1024xf32, #tpu.memory_space<hbm>>)
      %dma_wait3A_387 = arith.constant 32 : i32
      %dma_wait3A_388 = arith.constant 0 : i32
      %dma_wait3A_389 = tpu.memref_slice %arg3[%add3A_224, %dma_wait3A_387, %dma_wait3A_388] : memref<960x64x1024xf32, #tpu.memory_space<hbm>> -> memref<1x32x1024xf32, #tpu.memory_space<hbm>>
      %dma_wait3A_390 = tpu.memref_squeeze %dma_wait3A_389 : memref<1x32x1024xf32, #tpu.memory_space<hbm>> -> memref<32x1024xf32, #tpu.memory_space<hbm>>
      %dma_wait3A_391 = arith.constant 32 : i32
      %dma_wait3A_392 = arith.constant 0 : i32
      %dma_wait3A_393 = tpu.memref_slice %arg3[%add3A_224, %dma_wait3A_391, %dma_wait3A_392] : memref<960x64x1024xf32, #tpu.memory_space<hbm>> -> memref<1x32x1024xf32, #tpu.memory_space<hbm>>
      %dma_wait3A_394 = tpu.memref_squeeze %dma_wait3A_393 : memref<1x32x1024xf32, #tpu.memory_space<hbm>> -> memref<32x1024xf32, #tpu.memory_space<hbm>>
      tpu.wait_dma2 semaphore(%arg8 : memref<!tpu.dma_semaphore, #tpu.memory_space<semaphore_mem>>) src(%arg5 : memref<32x1024xf32, #tpu.memory_space<vmem>>) dst(%dma_wait3A_394 : memref<32x1024xf32, #tpu.memory_space<hbm>>)
      %dma_wait3A_395 = arith.constant 32 : i32
      %dma_wait3A_396 = arith.constant 0 : i32
      %dma_wait3A_397 = tpu.memref_slice %arg3[%add3A_237, %dma_wait3A_395, %dma_wait3A_396] : memref<960x64x1024xf32, #tpu.memory_space<hbm>> -> memref<1x32x1024xf32, #tpu.memory_space<hbm>>
      %dma_wait3A_398 = tpu.memref_squeeze %dma_wait3A_397 : memref<1x32x1024xf32, #tpu.memory_space<hbm>> -> memref<32x1024xf32, #tpu.memory_space<hbm>>
      %dma_wait3A_399 = arith.constant 32 : i32
      %dma_wait3A_400 = arith.constant 0 : i32
      %dma_wait3A_401 = tpu.memref_slice %arg3[%add3A_237, %dma_wait3A_399, %dma_wait3A_400] : memref<960x64x1024xf32, #tpu.memory_space<hbm>> -> memref<1x32x1024xf32, #tpu.memory_space<hbm>>
      %dma_wait3A_402 = tpu.memref_squeeze %dma_wait3A_401 : memref<1x32x1024xf32, #tpu.memory_space<hbm>> -> memref<32x1024xf32, #tpu.memory_space<hbm>>
      tpu.wait_dma2 semaphore(%arg8 : memref<!tpu.dma_semaphore, #tpu.memory_space<semaphore_mem>>) src(%arg5 : memref<32x1024xf32, #tpu.memory_space<vmem>>) dst(%dma_wait3A_402 : memref<32x1024xf32, #tpu.memory_space<hbm>>)
      %dma_wait3A_403 = arith.constant 32 : i32
      %dma_wait3A_404 = arith.constant 0 : i32
      %dma_wait3A_405 = tpu.memref_slice %arg3[%add3A_250, %dma_wait3A_403, %dma_wait3A_404] : memref<960x64x1024xf32, #tpu.memory_space<hbm>> -> memref<1x32x1024xf32, #tpu.memory_space<hbm>>
      %dma_wait3A_406 = tpu.memref_squeeze %dma_wait3A_405 : memref<1x32x1024xf32, #tpu.memory_space<hbm>> -> memref<32x1024xf32, #tpu.memory_space<hbm>>
      %dma_wait3A_407 = arith.constant 32 : i32
      %dma_wait3A_408 = arith.constant 0 : i32
      %dma_wait3A_409 = tpu.memref_slice %arg3[%add3A_250, %dma_wait3A_407, %dma_wait3A_408] : memref<960x64x1024xf32, #tpu.memory_space<hbm>> -> memref<1x32x1024xf32, #tpu.memory_space<hbm>>
      %dma_wait3A_410 = tpu.memref_squeeze %dma_wait3A_409 : memref<1x32x1024xf32, #tpu.memory_space<hbm>> -> memref<32x1024xf32, #tpu.memory_space<hbm>>
      tpu.wait_dma2 semaphore(%arg8 : memref<!tpu.dma_semaphore, #tpu.memory_space<semaphore_mem>>) src(%arg5 : memref<32x1024xf32, #tpu.memory_space<vmem>>) dst(%dma_wait3A_410 : memref<32x1024xf32, #tpu.memory_space<hbm>>)
      %dma_wait3A_411 = arith.constant 32 : i32
      %dma_wait3A_412 = arith.constant 0 : i32
      %dma_wait3A_413 = tpu.memref_slice %arg3[%add3A_263, %dma_wait3A_411, %dma_wait3A_412] : memref<960x64x1024xf32, #tpu.memory_space<hbm>> -> memref<1x32x1024xf32, #tpu.memory_space<hbm>>
      %dma_wait3A_414 = tpu.memref_squeeze %dma_wait3A_413 : memref<1x32x1024xf32, #tpu.memory_space<hbm>> -> memref<32x1024xf32, #tpu.memory_space<hbm>>
      %dma_wait3A_415 = arith.constant 32 : i32
      %dma_wait3A_416 = arith.constant 0 : i32
      %dma_wait3A_417 = tpu.memref_slice %arg3[%add3A_263, %dma_wait3A_415, %dma_wait3A_416] : memref<960x64x1024xf32, #tpu.memory_space<hbm>> -> memref<1x32x1024xf32, #tpu.memory_space<hbm>>
      %dma_wait3A_418 = tpu.memref_squeeze %dma_wait3A_417 : memref<1x32x1024xf32, #tpu.memory_space<hbm>> -> memref<32x1024xf32, #tpu.memory_space<hbm>>
      tpu.wait_dma2 semaphore(%arg8 : memref<!tpu.dma_semaphore, #tpu.memory_space<semaphore_mem>>) src(%arg5 : memref<32x1024xf32, #tpu.memory_space<vmem>>) dst(%dma_wait3A_418 : memref<32x1024xf32, #tpu.memory_space<hbm>>)
      %dma_wait3A_419 = arith.constant 32 : i32
      %dma_wait3A_420 = arith.constant 0 : i32
      %dma_wait3A_421 = tpu.memref_slice %arg3[%add3A_276, %dma_wait3A_419, %dma_wait3A_420] : memref<960x64x1024xf32, #tpu.memory_space<hbm>> -> memref<1x32x1024xf32, #tpu.memory_space<hbm>>
      %dma_wait3A_422 = tpu.memref_squeeze %dma_wait3A_421 : memref<1x32x1024xf32, #tpu.memory_space<hbm>> -> memref<32x1024xf32, #tpu.memory_space<hbm>>
      %dma_wait3A_423 = arith.constant 32 : i32
      %dma_wait3A_424 = arith.constant 0 : i32
      %dma_wait3A_425 = tpu.memref_slice %arg3[%add3A_276, %dma_wait3A_423, %dma_wait3A_424] : memref<960x64x1024xf32, #tpu.memory_space<hbm>> -> memref<1x32x1024xf32, #tpu.memory_space<hbm>>
      %dma_wait3A_426 = tpu.memref_squeeze %dma_wait3A_425 : memref<1x32x1024xf32, #tpu.memory_space<hbm>> -> memref<32x1024xf32, #tpu.memory_space<hbm>>
      tpu.wait_dma2 semaphore(%arg8 : memref<!tpu.dma_semaphore, #tpu.memory_space<semaphore_mem>>) src(%arg5 : memref<32x1024xf32, #tpu.memory_space<vmem>>) dst(%dma_wait3A_426 : memref<32x1024xf32, #tpu.memory_space<hbm>>)
      %dma_wait3A_427 = arith.constant 32 : i32
      %dma_wait3A_428 = arith.constant 0 : i32
      %dma_wait3A_429 = tpu.memref_slice %arg3[%add3A_289, %dma_wait3A_427, %dma_wait3A_428] : memref<960x64x1024xf32, #tpu.memory_space<hbm>> -> memref<1x32x1024xf32, #tpu.memory_space<hbm>>
      %dma_wait3A_430 = tpu.memref_squeeze %dma_wait3A_429 : memref<1x32x1024xf32, #tpu.memory_space<hbm>> -> memref<32x1024xf32, #tpu.memory_space<hbm>>
      %dma_wait3A_431 = arith.constant 32 : i32
      %dma_wait3A_432 = arith.constant 0 : i32
      %dma_wait3A_433 = tpu.memref_slice %arg3[%add3A_289, %dma_wait3A_431, %dma_wait3A_432] : memref<960x64x1024xf32, #tpu.memory_space<hbm>> -> memref<1x32x1024xf32, #tpu.memory_space<hbm>>
      %dma_wait3A_434 = tpu.memref_squeeze %dma_wait3A_433 : memref<1x32x1024xf32, #tpu.memory_space<hbm>> -> memref<32x1024xf32, #tpu.memory_space<hbm>>
      tpu.wait_dma2 semaphore(%arg8 : memref<!tpu.dma_semaphore, #tpu.memory_space<semaphore_mem>>) src(%arg5 : memref<32x1024xf32, #tpu.memory_space<vmem>>) dst(%dma_wait3A_434 : memref<32x1024xf32, #tpu.memory_space<hbm>>)
      %dma_wait3A_435 = arith.constant 32 : i32
      %dma_wait3A_436 = arith.constant 0 : i32
      %dma_wait3A_437 = tpu.memref_slice %arg3[%add3A_302, %dma_wait3A_435, %dma_wait3A_436] : memref<960x64x1024xf32, #tpu.memory_space<hbm>> -> memref<1x32x1024xf32, #tpu.memory_space<hbm>>
      %dma_wait3A_438 = tpu.memref_squeeze %dma_wait3A_437 : memref<1x32x1024xf32, #tpu.memory_space<hbm>> -> memref<32x1024xf32, #tpu.memory_space<hbm>>
      %dma_wait3A_439 = arith.constant 32 : i32
      %dma_wait3A_440 = arith.constant 0 : i32
      %dma_wait3A_441 = tpu.memref_slice %arg3[%add3A_302, %dma_wait3A_439, %dma_wait3A_440] : memref<960x64x1024xf32, #tpu.memory_space<hbm>> -> memref<1x32x1024xf32, #tpu.memory_space<hbm>>
      %dma_wait3A_442 = tpu.memref_squeeze %dma_wait3A_441 : memref<1x32x1024xf32, #tpu.memory_space<hbm>> -> memref<32x1024xf32, #tpu.memory_space<hbm>>
      tpu.wait_dma2 semaphore(%arg8 : memref<!tpu.dma_semaphore, #tpu.memory_space<semaphore_mem>>) src(%arg5 : memref<32x1024xf32, #tpu.memory_space<vmem>>) dst(%dma_wait3A_442 : memref<32x1024xf32, #tpu.memory_space<hbm>>)
      %dma_wait3A_443 = arith.constant 32 : i32
      %dma_wait3A_444 = arith.constant 0 : i32
      %dma_wait3A_445 = tpu.memref_slice %arg3[%add3A_315, %dma_wait3A_443, %dma_wait3A_444] : memref<960x64x1024xf32, #tpu.memory_space<hbm>> -> memref<1x32x1024xf32, #tpu.memory_space<hbm>>
      %dma_wait3A_446 = tpu.memref_squeeze %dma_wait3A_445 : memref<1x32x1024xf32, #tpu.memory_space<hbm>> -> memref<32x1024xf32, #tpu.memory_space<hbm>>
      %dma_wait3A_447 = arith.constant 32 : i32
      %dma_wait3A_448 = arith.constant 0 : i32
      %dma_wait3A_449 = tpu.memref_slice %arg3[%add3A_315, %dma_wait3A_447, %dma_wait3A_448] : memref<960x64x1024xf32, #tpu.memory_space<hbm>> -> memref<1x32x1024xf32, #tpu.memory_space<hbm>>
      %dma_wait3A_450 = tpu.memref_squeeze %dma_wait3A_449 : memref<1x32x1024xf32, #tpu.memory_space<hbm>> -> memref<32x1024xf32, #tpu.memory_space<hbm>>
      tpu.wait_dma2 semaphore(%arg8 : memref<!tpu.dma_semaphore, #tpu.memory_space<semaphore_mem>>) src(%arg5 : memref<32x1024xf32, #tpu.memory_space<vmem>>) dst(%dma_wait3A_450 : memref<32x1024xf32, #tpu.memory_space<hbm>>)
    } else {
    }
    %ge3A_52 = arith.constant 80 : i32
    %ge3A_53 = arith.cmpi sge, %add3A_46, %ge3A_52 : i32
    %convert_element_type3A_54 = arith.extui %ge3A_53 : i1 to i32
    %cond3A_55 = arith.constant 0 : i32
    %cond3A_56 = arith.cmpi ne, %convert_element_type3A_54, %cond3A_55 : i32
    scf.if %cond3A_56 {
      %sub3A = arith.constant 80 : i32
      %sub3A_57 = arith.subi %add3A_46, %sub3A : i32
      %jit3A = arith.constant 4 : i32
      %div3A = arith.divsi %sub3A_57, %jit3A : i32
      %sign3A = arith.constant 0 : i32
      %sign3A_58 = arith.cmpi sgt, %sub3A_57, %sign3A : i32
      %sign3A_59 = arith.extui %sign3A_58 : i1 to i32
      %sign3A_60 = arith.constant 0 : i32
      %sign3A_61 = arith.cmpi slt, %sub3A_57, %sign3A_60 : i32
      %sign3A_62 = arith.extui %sign3A_61 : i1 to i32
      %sign3A_63 = arith.subi %sign3A_59, %sign3A_62 : i32
      %sign3A_64 = arith.constant 0 : i32
      %sign3A_65 = arith.cmpi sgt, %jit3A, %sign3A_64 : i32
      %sign3A_66 = arith.extui %sign3A_65 : i1 to i32
      %sign3A_67 = arith.constant 0 : i32
      %sign3A_68 = arith.cmpi slt, %jit3A, %sign3A_67 : i32
      %sign3A_69 = arith.extui %sign3A_68 : i1 to i32
      %sign3A_70 = arith.subi %sign3A_66, %sign3A_69 : i32
      %ne3A = arith.cmpi ne, %sign3A_63, %sign3A_70 : i32
      %rem3A = arith.remsi %sub3A_57, %jit3A : i32
      %ne3A_71 = arith.constant 0 : i32
      %ne3A_72 = arith.cmpi ne, %rem3A, %ne3A_71 : i32
      %and3A = arith.andi %ne3A, %ne3A_72 : i1
      %sub3A_73 = arith.constant 1 : i32
      %sub3A_74 = arith.subi %div3A, %sub3A_73 : i32
      %select_n3A = arith.select %and3A, %sub3A_74, %div3A : i32
      %jit3A_75 = arith.constant 4 : i32
      %eq3A = arith.constant 0 : i32
      %eq3A_76 = arith.cmpi eq, %jit3A_75, %eq3A : i32
      %jit3A_77 = arith.constant 1 : i32
      %select_n3A_78 = arith.select %eq3A_76, %jit3A_77, %jit3A_75 : i32
      %rem3A_79 = arith.remsi %sub3A_57, %select_n3A_78 : i32
      %ne3A_80 = arith.constant 0 : i32
      %ne3A_81 = arith.cmpi ne, %rem3A_79, %ne3A_80 : i32
      %lt3A_82 = arith.constant 0 : i32
      %lt3A_83 = arith.cmpi slt, %rem3A_79, %lt3A_82 : i32
      %lt3A_84 = arith.constant 0 : i32
      %lt3A_85 = arith.cmpi slt, %select_n3A_78, %lt3A_84 : i32
      %ne3A_86 = arith.xori %lt3A_83, %lt3A_85 : i1
      %and3A_87 = arith.andi %ne3A_86, %ne3A_81 : i1
      %add3A_88 = arith.addi %rem3A_79, %select_n3A_78 : i32
      %select_n3A_89 = arith.select %and3A_87, %add3A_88, %rem3A_79 : i32
      %lt3A_90 = arith.constant 2 : i32
      %lt3A_91 = arith.cmpi slt, %select_n3A_89, %lt3A_90 : i32
      %jit3A_92 = arith.constant 2 : i32
      %jit3A_93 = arith.constant 5 : i32
      %select_n3A_94 = arith.select %lt3A_91, %jit3A_92, %jit3A_93 : i32
      %lt3A_95 = arith.constant 2 : i32
      %lt3A_96 = arith.cmpi slt, %select_n3A_89, %lt3A_95 : i32
      %jit3A_97 = arith.constant 2 : i32
      %jit3A_98 = arith.constant 12 : i32
      %select_n3A_99 = arith.select %lt3A_96, %jit3A_97, %jit3A_98 : i32
      %jit3A_100 = arith.constant 2 : i32
      %eq3A_101 = arith.constant 0 : i32
      %eq3A_102 = arith.cmpi eq, %jit3A_100, %eq3A_101 : i32
      %jit3A_103 = arith.constant 1 : i32
      %select_n3A_104 = arith.select %eq3A_102, %jit3A_103, %jit3A_100 : i32
      %rem3A_105 = arith.remsi %select_n3A_89, %select_n3A_104 : i32
      %ne3A_106 = arith.constant 0 : i32
      %ne3A_107 = arith.cmpi ne, %rem3A_105, %ne3A_106 : i32
      %lt3A_108 = arith.constant 0 : i32
      %lt3A_109 = arith.cmpi slt, %rem3A_105, %lt3A_108 : i32
      %lt3A_110 = arith.constant 0 : i32
      %lt3A_111 = arith.cmpi slt, %select_n3A_104, %lt3A_110 : i32
      %ne3A_112 = arith.xori %lt3A_109, %lt3A_111 : i1
      %and3A_113 = arith.andi %ne3A_112, %ne3A_107 : i1
      %add3A_114 = arith.addi %rem3A_105, %select_n3A_104 : i32
      %select_n3A_115 = arith.select %and3A_113, %add3A_114, %rem3A_105 : i32
      %eq3A_116 = arith.constant 0 : i32
      %eq3A_117 = arith.cmpi eq, %select_n3A_115, %eq3A_116 : i32
      %jit3A_118 = arith.constant 0 : i32
      %jit3A_119 = arith.constant 4 : i32
      %select_n3A_120 = arith.select %eq3A_117, %jit3A_118, %jit3A_119 : i32
      %add3A_121 = arith.constant 0 : i32
      %add3A_122 = arith.addi %select_n3A_120, %add3A_121 : i32
      %mul3A_123 = arith.constant 20 : i32
      %mul3A_124 = arith.muli %select_n3A, %mul3A_123 : i32
      %add3A_125 = arith.addi %mul3A_124, %select_n3A_99 : i32
      %add3A_126 = arith.addi %add3A_125, %add3A_122 : i32
      %mul3A_127 = arith.constant 48 : i32
      %mul3A_128 = arith.muli %select_n3A, %mul3A_127 : i32
      %mul3A_129 = arith.constant 6 : i32
      %mul3A_130 = arith.muli %add3A_122, %mul3A_129 : i32
      %add3A_131 = arith.addi %mul3A_128, %mul3A_130 : i32
      %add3A_132 = arith.addi %add3A_131, %select_n3A_94 : i32
      "tpu.region"() ({
        %run_scoped3A = tpu.sem_alloc : memref<!tpu.dma_semaphore, #tpu.memory_space<semaphore_mem>>
        %dma_start3A_295 = arith.constant 0 : i32
        %dma_start3A_296 = arith.constant 0 : i32
        %dma_start3A_297 = tpu.memref_slice %arg2[%add3A_126, %dma_start3A_295, %dma_start3A_296] : memref<400x64x1024xf32, #tpu.memory_space<hbm>> -> memref<1x32x1024xf32, #tpu.memory_space<hbm>>
        %dma_start3A_298 = tpu.memref_squeeze %dma_start3A_297 : memref<1x32x1024xf32, #tpu.memory_space<hbm>> -> memref<32x1024xf32, #tpu.memory_space<hbm>>
        %dma_start3A_299 = arith.constant 0 : i32
        %dma_start3A_300 = arith.constant 0 : i32
        %dma_start3A_301 = tpu.memref_slice %arg2[%add3A_126, %dma_start3A_299, %dma_start3A_300] : memref<400x64x1024xf32, #tpu.memory_space<hbm>> -> memref<1x32x1024xf32, #tpu.memory_space<hbm>>
        %dma_start3A_302 = tpu.memref_squeeze %dma_start3A_301 : memref<1x32x1024xf32, #tpu.memory_space<hbm>> -> memref<32x1024xf32, #tpu.memory_space<hbm>>
        tpu.enqueue_dma source(%dma_start3A_302 : memref<32x1024xf32, #tpu.memory_space<hbm>>) target(%arg4 : memref<32x1024xf32, #tpu.memory_space<vmem>>) target_semaphore(%run_scoped3A : memref<!tpu.dma_semaphore, #tpu.memory_space<semaphore_mem>>)
        %dma_wait3A_303 = arith.constant 0 : i32
        %dma_wait3A_304 = arith.constant 0 : i32
        %dma_wait3A_305 = tpu.memref_slice %arg2[%add3A_126, %dma_wait3A_303, %dma_wait3A_304] : memref<400x64x1024xf32, #tpu.memory_space<hbm>> -> memref<1x32x1024xf32, #tpu.memory_space<hbm>>
        %dma_wait3A_306 = tpu.memref_squeeze %dma_wait3A_305 : memref<1x32x1024xf32, #tpu.memory_space<hbm>> -> memref<32x1024xf32, #tpu.memory_space<hbm>>
        %dma_wait3A_307 = arith.constant 0 : i32
        %dma_wait3A_308 = arith.constant 0 : i32
        %dma_wait3A_309 = tpu.memref_slice %arg2[%add3A_126, %dma_wait3A_307, %dma_wait3A_308] : memref<400x64x1024xf32, #tpu.memory_space<hbm>> -> memref<1x32x1024xf32, #tpu.memory_space<hbm>>
        %dma_wait3A_310 = tpu.memref_squeeze %dma_wait3A_309 : memref<1x32x1024xf32, #tpu.memory_space<hbm>> -> memref<32x1024xf32, #tpu.memory_space<hbm>>
        tpu.wait_dma2 semaphore(%run_scoped3A : memref<!tpu.dma_semaphore, #tpu.memory_space<semaphore_mem>>) src(%dma_wait3A_310 : memref<32x1024xf32, #tpu.memory_space<hbm>>) dst(%arg4 : memref<32x1024xf32, #tpu.memory_space<vmem>>)
        tpu.yield
      }) : () -> ()
      %dma_start3A = arith.constant 0 : i32
      %dma_start3A_133 = arith.constant 0 : i32
      %dma_start3A_134 = tpu.memref_slice %arg3[%add3A_132, %dma_start3A, %dma_start3A_133] : memref<960x64x1024xf32, #tpu.memory_space<hbm>> -> memref<1x32x1024xf32, #tpu.memory_space<hbm>>
      %dma_start3A_135 = tpu.memref_squeeze %dma_start3A_134 : memref<1x32x1024xf32, #tpu.memory_space<hbm>> -> memref<32x1024xf32, #tpu.memory_space<hbm>>
      %dma_start3A_136 = arith.constant 0 : i32
      %dma_start3A_137 = arith.constant 0 : i32
      %dma_start3A_138 = tpu.memref_slice %arg3[%add3A_132, %dma_start3A_136, %dma_start3A_137] : memref<960x64x1024xf32, #tpu.memory_space<hbm>> -> memref<1x32x1024xf32, #tpu.memory_space<hbm>>
      %dma_start3A_139 = tpu.memref_squeeze %dma_start3A_138 : memref<1x32x1024xf32, #tpu.memory_space<hbm>> -> memref<32x1024xf32, #tpu.memory_space<hbm>>
      tpu.enqueue_dma source(%arg4 : memref<32x1024xf32, #tpu.memory_space<vmem>>) target(%dma_start3A_139 : memref<32x1024xf32, #tpu.memory_space<hbm>>) target_semaphore(%arg7 : memref<!tpu.dma_semaphore, #tpu.memory_space<semaphore_mem>>)
      "tpu.region"() ({
        %run_scoped3A = tpu.sem_alloc : memref<!tpu.dma_semaphore, #tpu.memory_space<semaphore_mem>>
        %dma_start3A_295 = arith.constant 32 : i32
        %dma_start3A_296 = arith.constant 0 : i32
        %dma_start3A_297 = tpu.memref_slice %arg2[%add3A_126, %dma_start3A_295, %dma_start3A_296] : memref<400x64x1024xf32, #tpu.memory_space<hbm>> -> memref<1x32x1024xf32, #tpu.memory_space<hbm>>
        %dma_start3A_298 = tpu.memref_squeeze %dma_start3A_297 : memref<1x32x1024xf32, #tpu.memory_space<hbm>> -> memref<32x1024xf32, #tpu.memory_space<hbm>>
        %dma_start3A_299 = arith.constant 32 : i32
        %dma_start3A_300 = arith.constant 0 : i32
        %dma_start3A_301 = tpu.memref_slice %arg2[%add3A_126, %dma_start3A_299, %dma_start3A_300] : memref<400x64x1024xf32, #tpu.memory_space<hbm>> -> memref<1x32x1024xf32, #tpu.memory_space<hbm>>
        %dma_start3A_302 = tpu.memref_squeeze %dma_start3A_301 : memref<1x32x1024xf32, #tpu.memory_space<hbm>> -> memref<32x1024xf32, #tpu.memory_space<hbm>>
        tpu.enqueue_dma source(%dma_start3A_302 : memref<32x1024xf32, #tpu.memory_space<hbm>>) target(%arg5 : memref<32x1024xf32, #tpu.memory_space<vmem>>) target_semaphore(%run_scoped3A : memref<!tpu.dma_semaphore, #tpu.memory_space<semaphore_mem>>)
        %dma_wait3A_303 = arith.constant 32 : i32
        %dma_wait3A_304 = arith.constant 0 : i32
        %dma_wait3A_305 = tpu.memref_slice %arg2[%add3A_126, %dma_wait3A_303, %dma_wait3A_304] : memref<400x64x1024xf32, #tpu.memory_space<hbm>> -> memref<1x32x1024xf32, #tpu.memory_space<hbm>>
        %dma_wait3A_306 = tpu.memref_squeeze %dma_wait3A_305 : memref<1x32x1024xf32, #tpu.memory_space<hbm>> -> memref<32x1024xf32, #tpu.memory_space<hbm>>
        %dma_wait3A_307 = arith.constant 32 : i32
        %dma_wait3A_308 = arith.constant 0 : i32
        %dma_wait3A_309 = tpu.memref_slice %arg2[%add3A_126, %dma_wait3A_307, %dma_wait3A_308] : memref<400x64x1024xf32, #tpu.memory_space<hbm>> -> memref<1x32x1024xf32, #tpu.memory_space<hbm>>
        %dma_wait3A_310 = tpu.memref_squeeze %dma_wait3A_309 : memref<1x32x1024xf32, #tpu.memory_space<hbm>> -> memref<32x1024xf32, #tpu.memory_space<hbm>>
        tpu.wait_dma2 semaphore(%run_scoped3A : memref<!tpu.dma_semaphore, #tpu.memory_space<semaphore_mem>>) src(%dma_wait3A_310 : memref<32x1024xf32, #tpu.memory_space<hbm>>) dst(%arg5 : memref<32x1024xf32, #tpu.memory_space<vmem>>)
        tpu.yield
      }) : () -> ()
      %dma_start3A_140 = arith.constant 32 : i32
      %dma_start3A_141 = arith.constant 0 : i32
      %dma_start3A_142 = tpu.memref_slice %arg3[%add3A_132, %dma_start3A_140, %dma_start3A_141] : memref<960x64x1024xf32, #tpu.memory_space<hbm>> -> memref<1x32x1024xf32, #tpu.memory_space<hbm>>
      %dma_start3A_143 = tpu.memref_squeeze %dma_start3A_142 : memref<1x32x1024xf32, #tpu.memory_space<hbm>> -> memref<32x1024xf32, #tpu.memory_space<hbm>>
      %dma_start3A_144 = arith.constant 32 : i32
      %dma_start3A_145 = arith.constant 0 : i32
      %dma_start3A_146 = tpu.memref_slice %arg3[%add3A_132, %dma_start3A_144, %dma_start3A_145] : memref<960x64x1024xf32, #tpu.memory_space<hbm>> -> memref<1x32x1024xf32, #tpu.memory_space<hbm>>
      %dma_start3A_147 = tpu.memref_squeeze %dma_start3A_146 : memref<1x32x1024xf32, #tpu.memory_space<hbm>> -> memref<32x1024xf32, #tpu.memory_space<hbm>>
      tpu.enqueue_dma source(%arg5 : memref<32x1024xf32, #tpu.memory_space<vmem>>) target(%dma_start3A_147 : memref<32x1024xf32, #tpu.memory_space<hbm>>) target_semaphore(%arg8 : memref<!tpu.dma_semaphore, #tpu.memory_space<semaphore_mem>>)
      %add3A_148 = arith.constant 1 : i32
      %add3A_149 = arith.addi %select_n3A_120, %add3A_148 : i32
      %mul3A_150 = arith.constant 20 : i32
      %mul3A_151 = arith.muli %select_n3A, %mul3A_150 : i32
      %add3A_152 = arith.addi %mul3A_151, %select_n3A_99 : i32
      %add3A_153 = arith.addi %add3A_152, %add3A_149 : i32
      %mul3A_154 = arith.constant 48 : i32
      %mul3A_155 = arith.muli %select_n3A, %mul3A_154 : i32
      %mul3A_156 = arith.constant 6 : i32
      %mul3A_157 = arith.muli %add3A_149, %mul3A_156 : i32
      %add3A_158 = arith.addi %mul3A_155, %mul3A_157 : i32
      %add3A_159 = arith.addi %add3A_158, %select_n3A_94 : i32
      "tpu.region"() ({
        %run_scoped3A = tpu.sem_alloc : memref<!tpu.dma_semaphore, #tpu.memory_space<semaphore_mem>>
        %dma_start3A_295 = arith.constant 0 : i32
        %dma_start3A_296 = arith.constant 0 : i32
        %dma_start3A_297 = tpu.memref_slice %arg2[%add3A_153, %dma_start3A_295, %dma_start3A_296] : memref<400x64x1024xf32, #tpu.memory_space<hbm>> -> memref<1x32x1024xf32, #tpu.memory_space<hbm>>
        %dma_start3A_298 = tpu.memref_squeeze %dma_start3A_297 : memref<1x32x1024xf32, #tpu.memory_space<hbm>> -> memref<32x1024xf32, #tpu.memory_space<hbm>>
        %dma_start3A_299 = arith.constant 0 : i32
        %dma_start3A_300 = arith.constant 0 : i32
        %dma_start3A_301 = tpu.memref_slice %arg2[%add3A_153, %dma_start3A_299, %dma_start3A_300] : memref<400x64x1024xf32, #tpu.memory_space<hbm>> -> memref<1x32x1024xf32, #tpu.memory_space<hbm>>
        %dma_start3A_302 = tpu.memref_squeeze %dma_start3A_301 : memref<1x32x1024xf32, #tpu.memory_space<hbm>> -> memref<32x1024xf32, #tpu.memory_space<hbm>>
        tpu.enqueue_dma source(%dma_start3A_302 : memref<32x1024xf32, #tpu.memory_space<hbm>>) target(%arg6 : memref<32x1024xf32, #tpu.memory_space<vmem>>) target_semaphore(%run_scoped3A : memref<!tpu.dma_semaphore, #tpu.memory_space<semaphore_mem>>)
        %dma_wait3A_303 = arith.constant 0 : i32
        %dma_wait3A_304 = arith.constant 0 : i32
        %dma_wait3A_305 = tpu.memref_slice %arg2[%add3A_153, %dma_wait3A_303, %dma_wait3A_304] : memref<400x64x1024xf32, #tpu.memory_space<hbm>> -> memref<1x32x1024xf32, #tpu.memory_space<hbm>>
        %dma_wait3A_306 = tpu.memref_squeeze %dma_wait3A_305 : memref<1x32x1024xf32, #tpu.memory_space<hbm>> -> memref<32x1024xf32, #tpu.memory_space<hbm>>
        %dma_wait3A_307 = arith.constant 0 : i32
        %dma_wait3A_308 = arith.constant 0 : i32
        %dma_wait3A_309 = tpu.memref_slice %arg2[%add3A_153, %dma_wait3A_307, %dma_wait3A_308] : memref<400x64x1024xf32, #tpu.memory_space<hbm>> -> memref<1x32x1024xf32, #tpu.memory_space<hbm>>
        %dma_wait3A_310 = tpu.memref_squeeze %dma_wait3A_309 : memref<1x32x1024xf32, #tpu.memory_space<hbm>> -> memref<32x1024xf32, #tpu.memory_space<hbm>>
        tpu.wait_dma2 semaphore(%run_scoped3A : memref<!tpu.dma_semaphore, #tpu.memory_space<semaphore_mem>>) src(%dma_wait3A_310 : memref<32x1024xf32, #tpu.memory_space<hbm>>) dst(%arg6 : memref<32x1024xf32, #tpu.memory_space<vmem>>)
        tpu.yield
      }) : () -> ()
      %dma_start3A_160 = arith.constant 0 : i32
      %dma_start3A_161 = arith.constant 0 : i32
      %dma_start3A_162 = tpu.memref_slice %arg3[%add3A_159, %dma_start3A_160, %dma_start3A_161] : memref<960x64x1024xf32, #tpu.memory_space<hbm>> -> memref<1x32x1024xf32, #tpu.memory_space<hbm>>
      %dma_start3A_163 = tpu.memref_squeeze %dma_start3A_162 : memref<1x32x1024xf32, #tpu.memory_space<hbm>> -> memref<32x1024xf32, #tpu.memory_space<hbm>>
      %dma_start3A_164 = arith.constant 0 : i32
      %dma_start3A_165 = arith.constant 0 : i32
      %dma_start3A_166 = tpu.memref_slice %arg3[%add3A_159, %dma_start3A_164, %dma_start3A_165] : memref<960x64x1024xf32, #tpu.memory_space<hbm>> -> memref<1x32x1024xf32, #tpu.memory_space<hbm>>
      %dma_start3A_167 = tpu.memref_squeeze %dma_start3A_166 : memref<1x32x1024xf32, #tpu.memory_space<hbm>> -> memref<32x1024xf32, #tpu.memory_space<hbm>>
      tpu.enqueue_dma source(%arg6 : memref<32x1024xf32, #tpu.memory_space<vmem>>) target(%dma_start3A_167 : memref<32x1024xf32, #tpu.memory_space<hbm>>) target_semaphore(%arg9 : memref<!tpu.dma_semaphore, #tpu.memory_space<semaphore_mem>>)
      %dma_wait3A = arith.constant 0 : i32
      %dma_wait3A_168 = arith.constant 0 : i32
      %dma_wait3A_169 = tpu.memref_slice %arg3[%add3A_132, %dma_wait3A, %dma_wait3A_168] : memref<960x64x1024xf32, #tpu.memory_space<hbm>> -> memref<1x32x1024xf32, #tpu.memory_space<hbm>>
      %dma_wait3A_170 = tpu.memref_squeeze %dma_wait3A_169 : memref<1x32x1024xf32, #tpu.memory_space<hbm>> -> memref<32x1024xf32, #tpu.memory_space<hbm>>
      %dma_wait3A_171 = arith.constant 0 : i32
      %dma_wait3A_172 = arith.constant 0 : i32
      %dma_wait3A_173 = tpu.memref_slice %arg3[%add3A_132, %dma_wait3A_171, %dma_wait3A_172] : memref<960x64x1024xf32, #tpu.memory_space<hbm>> -> memref<1x32x1024xf32, #tpu.memory_space<hbm>>
      %dma_wait3A_174 = tpu.memref_squeeze %dma_wait3A_173 : memref<1x32x1024xf32, #tpu.memory_space<hbm>> -> memref<32x1024xf32, #tpu.memory_space<hbm>>
      tpu.wait_dma2 semaphore(%arg7 : memref<!tpu.dma_semaphore, #tpu.memory_space<semaphore_mem>>) src(%arg4 : memref<32x1024xf32, #tpu.memory_space<vmem>>) dst(%dma_wait3A_174 : memref<32x1024xf32, #tpu.memory_space<hbm>>)
      "tpu.region"() ({
        %run_scoped3A = tpu.sem_alloc : memref<!tpu.dma_semaphore, #tpu.memory_space<semaphore_mem>>
        %dma_start3A_295 = arith.constant 32 : i32
        %dma_start3A_296 = arith.constant 0 : i32
        %dma_start3A_297 = tpu.memref_slice %arg2[%add3A_153, %dma_start3A_295, %dma_start3A_296] : memref<400x64x1024xf32, #tpu.memory_space<hbm>> -> memref<1x32x1024xf32, #tpu.memory_space<hbm>>
        %dma_start3A_298 = tpu.memref_squeeze %dma_start3A_297 : memref<1x32x1024xf32, #tpu.memory_space<hbm>> -> memref<32x1024xf32, #tpu.memory_space<hbm>>
        %dma_start3A_299 = arith.constant 32 : i32
        %dma_start3A_300 = arith.constant 0 : i32
        %dma_start3A_301 = tpu.memref_slice %arg2[%add3A_153, %dma_start3A_299, %dma_start3A_300] : memref<400x64x1024xf32, #tpu.memory_space<hbm>> -> memref<1x32x1024xf32, #tpu.memory_space<hbm>>
        %dma_start3A_302 = tpu.memref_squeeze %dma_start3A_301 : memref<1x32x1024xf32, #tpu.memory_space<hbm>> -> memref<32x1024xf32, #tpu.memory_space<hbm>>
        tpu.enqueue_dma source(%dma_start3A_302 : memref<32x1024xf32, #tpu.memory_space<hbm>>) target(%arg4 : memref<32x1024xf32, #tpu.memory_space<vmem>>) target_semaphore(%run_scoped3A : memref<!tpu.dma_semaphore, #tpu.memory_space<semaphore_mem>>)
        %dma_wait3A_303 = arith.constant 32 : i32
        %dma_wait3A_304 = arith.constant 0 : i32
        %dma_wait3A_305 = tpu.memref_slice %arg2[%add3A_153, %dma_wait3A_303, %dma_wait3A_304] : memref<400x64x1024xf32, #tpu.memory_space<hbm>> -> memref<1x32x1024xf32, #tpu.memory_space<hbm>>
        %dma_wait3A_306 = tpu.memref_squeeze %dma_wait3A_305 : memref<1x32x1024xf32, #tpu.memory_space<hbm>> -> memref<32x1024xf32, #tpu.memory_space<hbm>>
        %dma_wait3A_307 = arith.constant 32 : i32
        %dma_wait3A_308 = arith.constant 0 : i32
        %dma_wait3A_309 = tpu.memref_slice %arg2[%add3A_153, %dma_wait3A_307, %dma_wait3A_308] : memref<400x64x1024xf32, #tpu.memory_space<hbm>> -> memref<1x32x1024xf32, #tpu.memory_space<hbm>>
        %dma_wait3A_310 = tpu.memref_squeeze %dma_wait3A_309 : memref<1x32x1024xf32, #tpu.memory_space<hbm>> -> memref<32x1024xf32, #tpu.memory_space<hbm>>
        tpu.wait_dma2 semaphore(%run_scoped3A : memref<!tpu.dma_semaphore, #tpu.memory_space<semaphore_mem>>) src(%dma_wait3A_310 : memref<32x1024xf32, #tpu.memory_space<hbm>>) dst(%arg4 : memref<32x1024xf32, #tpu.memory_space<vmem>>)
        tpu.yield
      }) : () -> ()
      %dma_start3A_175 = arith.constant 32 : i32
      %dma_start3A_176 = arith.constant 0 : i32
      %dma_start3A_177 = tpu.memref_slice %arg3[%add3A_159, %dma_start3A_175, %dma_start3A_176] : memref<960x64x1024xf32, #tpu.memory_space<hbm>> -> memref<1x32x1024xf32, #tpu.memory_space<hbm>>
      %dma_start3A_178 = tpu.memref_squeeze %dma_start3A_177 : memref<1x32x1024xf32, #tpu.memory_space<hbm>> -> memref<32x1024xf32, #tpu.memory_space<hbm>>
      %dma_start3A_179 = arith.constant 32 : i32
      %dma_start3A_180 = arith.constant 0 : i32
      %dma_start3A_181 = tpu.memref_slice %arg3[%add3A_159, %dma_start3A_179, %dma_start3A_180] : memref<960x64x1024xf32, #tpu.memory_space<hbm>> -> memref<1x32x1024xf32, #tpu.memory_space<hbm>>
      %dma_start3A_182 = tpu.memref_squeeze %dma_start3A_181 : memref<1x32x1024xf32, #tpu.memory_space<hbm>> -> memref<32x1024xf32, #tpu.memory_space<hbm>>
      tpu.enqueue_dma source(%arg4 : memref<32x1024xf32, #tpu.memory_space<vmem>>) target(%dma_start3A_182 : memref<32x1024xf32, #tpu.memory_space<hbm>>) target_semaphore(%arg7 : memref<!tpu.dma_semaphore, #tpu.memory_space<semaphore_mem>>)
      %add3A_183 = arith.constant 2 : i32
      %add3A_184 = arith.addi %select_n3A_120, %add3A_183 : i32
      %mul3A_185 = arith.constant 20 : i32
      %mul3A_186 = arith.muli %select_n3A, %mul3A_185 : i32
      %add3A_187 = arith.addi %mul3A_186, %select_n3A_99 : i32
      %add3A_188 = arith.addi %add3A_187, %add3A_184 : i32
      %mul3A_189 = arith.constant 48 : i32
      %mul3A_190 = arith.muli %select_n3A, %mul3A_189 : i32
      %mul3A_191 = arith.constant 6 : i32
      %mul3A_192 = arith.muli %add3A_184, %mul3A_191 : i32
      %add3A_193 = arith.addi %mul3A_190, %mul3A_192 : i32
      %add3A_194 = arith.addi %add3A_193, %select_n3A_94 : i32
      %dma_wait3A_195 = arith.constant 32 : i32
      %dma_wait3A_196 = arith.constant 0 : i32
      %dma_wait3A_197 = tpu.memref_slice %arg3[%add3A_132, %dma_wait3A_195, %dma_wait3A_196] : memref<960x64x1024xf32, #tpu.memory_space<hbm>> -> memref<1x32x1024xf32, #tpu.memory_space<hbm>>
      %dma_wait3A_198 = tpu.memref_squeeze %dma_wait3A_197 : memref<1x32x1024xf32, #tpu.memory_space<hbm>> -> memref<32x1024xf32, #tpu.memory_space<hbm>>
      %dma_wait3A_199 = arith.constant 32 : i32
      %dma_wait3A_200 = arith.constant 0 : i32
      %dma_wait3A_201 = tpu.memref_slice %arg3[%add3A_132, %dma_wait3A_199, %dma_wait3A_200] : memref<960x64x1024xf32, #tpu.memory_space<hbm>> -> memref<1x32x1024xf32, #tpu.memory_space<hbm>>
      %dma_wait3A_202 = tpu.memref_squeeze %dma_wait3A_201 : memref<1x32x1024xf32, #tpu.memory_space<hbm>> -> memref<32x1024xf32, #tpu.memory_space<hbm>>
      tpu.wait_dma2 semaphore(%arg8 : memref<!tpu.dma_semaphore, #tpu.memory_space<semaphore_mem>>) src(%arg5 : memref<32x1024xf32, #tpu.memory_space<vmem>>) dst(%dma_wait3A_202 : memref<32x1024xf32, #tpu.memory_space<hbm>>)
      "tpu.region"() ({
        %run_scoped3A = tpu.sem_alloc : memref<!tpu.dma_semaphore, #tpu.memory_space<semaphore_mem>>
        %dma_start3A_295 = arith.constant 0 : i32
        %dma_start3A_296 = arith.constant 0 : i32
        %dma_start3A_297 = tpu.memref_slice %arg2[%add3A_188, %dma_start3A_295, %dma_start3A_296] : memref<400x64x1024xf32, #tpu.memory_space<hbm>> -> memref<1x32x1024xf32, #tpu.memory_space<hbm>>
        %dma_start3A_298 = tpu.memref_squeeze %dma_start3A_297 : memref<1x32x1024xf32, #tpu.memory_space<hbm>> -> memref<32x1024xf32, #tpu.memory_space<hbm>>
        %dma_start3A_299 = arith.constant 0 : i32
        %dma_start3A_300 = arith.constant 0 : i32
        %dma_start3A_301 = tpu.memref_slice %arg2[%add3A_188, %dma_start3A_299, %dma_start3A_300] : memref<400x64x1024xf32, #tpu.memory_space<hbm>> -> memref<1x32x1024xf32, #tpu.memory_space<hbm>>
        %dma_start3A_302 = tpu.memref_squeeze %dma_start3A_301 : memref<1x32x1024xf32, #tpu.memory_space<hbm>> -> memref<32x1024xf32, #tpu.memory_space<hbm>>
        tpu.enqueue_dma source(%dma_start3A_302 : memref<32x1024xf32, #tpu.memory_space<hbm>>) target(%arg5 : memref<32x1024xf32, #tpu.memory_space<vmem>>) target_semaphore(%run_scoped3A : memref<!tpu.dma_semaphore, #tpu.memory_space<semaphore_mem>>)
        %dma_wait3A_303 = arith.constant 0 : i32
        %dma_wait3A_304 = arith.constant 0 : i32
        %dma_wait3A_305 = tpu.memref_slice %arg2[%add3A_188, %dma_wait3A_303, %dma_wait3A_304] : memref<400x64x1024xf32, #tpu.memory_space<hbm>> -> memref<1x32x1024xf32, #tpu.memory_space<hbm>>
        %dma_wait3A_306 = tpu.memref_squeeze %dma_wait3A_305 : memref<1x32x1024xf32, #tpu.memory_space<hbm>> -> memref<32x1024xf32, #tpu.memory_space<hbm>>
        %dma_wait3A_307 = arith.constant 0 : i32
        %dma_wait3A_308 = arith.constant 0 : i32
        %dma_wait3A_309 = tpu.memref_slice %arg2[%add3A_188, %dma_wait3A_307, %dma_wait3A_308] : memref<400x64x1024xf32, #tpu.memory_space<hbm>> -> memref<1x32x1024xf32, #tpu.memory_space<hbm>>
        %dma_wait3A_310 = tpu.memref_squeeze %dma_wait3A_309 : memref<1x32x1024xf32, #tpu.memory_space<hbm>> -> memref<32x1024xf32, #tpu.memory_space<hbm>>
        tpu.wait_dma2 semaphore(%run_scoped3A : memref<!tpu.dma_semaphore, #tpu.memory_space<semaphore_mem>>) src(%dma_wait3A_310 : memref<32x1024xf32, #tpu.memory_space<hbm>>) dst(%arg5 : memref<32x1024xf32, #tpu.memory_space<vmem>>)
        tpu.yield
      }) : () -> ()
      %dma_start3A_203 = arith.constant 0 : i32
      %dma_start3A_204 = arith.constant 0 : i32
      %dma_start3A_205 = tpu.memref_slice %arg3[%add3A_194, %dma_start3A_203, %dma_start3A_204] : memref<960x64x1024xf32, #tpu.memory_space<hbm>> -> memref<1x32x1024xf32, #tpu.memory_space<hbm>>
      %dma_start3A_206 = tpu.memref_squeeze %dma_start3A_205 : memref<1x32x1024xf32, #tpu.memory_space<hbm>> -> memref<32x1024xf32, #tpu.memory_space<hbm>>
      %dma_start3A_207 = arith.constant 0 : i32
      %dma_start3A_208 = arith.constant 0 : i32
      %dma_start3A_209 = tpu.memref_slice %arg3[%add3A_194, %dma_start3A_207, %dma_start3A_208] : memref<960x64x1024xf32, #tpu.memory_space<hbm>> -> memref<1x32x1024xf32, #tpu.memory_space<hbm>>
      %dma_start3A_210 = tpu.memref_squeeze %dma_start3A_209 : memref<1x32x1024xf32, #tpu.memory_space<hbm>> -> memref<32x1024xf32, #tpu.memory_space<hbm>>
      tpu.enqueue_dma source(%arg5 : memref<32x1024xf32, #tpu.memory_space<vmem>>) target(%dma_start3A_210 : memref<32x1024xf32, #tpu.memory_space<hbm>>) target_semaphore(%arg8 : memref<!tpu.dma_semaphore, #tpu.memory_space<semaphore_mem>>)
      %dma_wait3A_211 = arith.constant 0 : i32
      %dma_wait3A_212 = arith.constant 0 : i32
      %dma_wait3A_213 = tpu.memref_slice %arg3[%add3A_159, %dma_wait3A_211, %dma_wait3A_212] : memref<960x64x1024xf32, #tpu.memory_space<hbm>> -> memref<1x32x1024xf32, #tpu.memory_space<hbm>>
      %dma_wait3A_214 = tpu.memref_squeeze %dma_wait3A_213 : memref<1x32x1024xf32, #tpu.memory_space<hbm>> -> memref<32x1024xf32, #tpu.memory_space<hbm>>
      %dma_wait3A_215 = arith.constant 0 : i32
      %dma_wait3A_216 = arith.constant 0 : i32
      %dma_wait3A_217 = tpu.memref_slice %arg3[%add3A_159, %dma_wait3A_215, %dma_wait3A_216] : memref<960x64x1024xf32, #tpu.memory_space<hbm>> -> memref<1x32x1024xf32, #tpu.memory_space<hbm>>
      %dma_wait3A_218 = tpu.memref_squeeze %dma_wait3A_217 : memref<1x32x1024xf32, #tpu.memory_space<hbm>> -> memref<32x1024xf32, #tpu.memory_space<hbm>>
      tpu.wait_dma2 semaphore(%arg9 : memref<!tpu.dma_semaphore, #tpu.memory_space<semaphore_mem>>) src(%arg6 : memref<32x1024xf32, #tpu.memory_space<vmem>>) dst(%dma_wait3A_218 : memref<32x1024xf32, #tpu.memory_space<hbm>>)
      "tpu.region"() ({
        %run_scoped3A = tpu.sem_alloc : memref<!tpu.dma_semaphore, #tpu.memory_space<semaphore_mem>>
        %dma_start3A_295 = arith.constant 32 : i32
        %dma_start3A_296 = arith.constant 0 : i32
        %dma_start3A_297 = tpu.memref_slice %arg2[%add3A_188, %dma_start3A_295, %dma_start3A_296] : memref<400x64x1024xf32, #tpu.memory_space<hbm>> -> memref<1x32x1024xf32, #tpu.memory_space<hbm>>
        %dma_start3A_298 = tpu.memref_squeeze %dma_start3A_297 : memref<1x32x1024xf32, #tpu.memory_space<hbm>> -> memref<32x1024xf32, #tpu.memory_space<hbm>>
        %dma_start3A_299 = arith.constant 32 : i32
        %dma_start3A_300 = arith.constant 0 : i32
        %dma_start3A_301 = tpu.memref_slice %arg2[%add3A_188, %dma_start3A_299, %dma_start3A_300] : memref<400x64x1024xf32, #tpu.memory_space<hbm>> -> memref<1x32x1024xf32, #tpu.memory_space<hbm>>
        %dma_start3A_302 = tpu.memref_squeeze %dma_start3A_301 : memref<1x32x1024xf32, #tpu.memory_space<hbm>> -> memref<32x1024xf32, #tpu.memory_space<hbm>>
        tpu.enqueue_dma source(%dma_start3A_302 : memref<32x1024xf32, #tpu.memory_space<hbm>>) target(%arg6 : memref<32x1024xf32, #tpu.memory_space<vmem>>) target_semaphore(%run_scoped3A : memref<!tpu.dma_semaphore, #tpu.memory_space<semaphore_mem>>)
        %dma_wait3A_303 = arith.constant 32 : i32
        %dma_wait3A_304 = arith.constant 0 : i32
        %dma_wait3A_305 = tpu.memref_slice %arg2[%add3A_188, %dma_wait3A_303, %dma_wait3A_304] : memref<400x64x1024xf32, #tpu.memory_space<hbm>> -> memref<1x32x1024xf32, #tpu.memory_space<hbm>>
        %dma_wait3A_306 = tpu.memref_squeeze %dma_wait3A_305 : memref<1x32x1024xf32, #tpu.memory_space<hbm>> -> memref<32x1024xf32, #tpu.memory_space<hbm>>
        %dma_wait3A_307 = arith.constant 32 : i32
        %dma_wait3A_308 = arith.constant 0 : i32
        %dma_wait3A_309 = tpu.memref_slice %arg2[%add3A_188, %dma_wait3A_307, %dma_wait3A_308] : memref<400x64x1024xf32, #tpu.memory_space<hbm>> -> memref<1x32x1024xf32, #tpu.memory_space<hbm>>
        %dma_wait3A_310 = tpu.memref_squeeze %dma_wait3A_309 : memref<1x32x1024xf32, #tpu.memory_space<hbm>> -> memref<32x1024xf32, #tpu.memory_space<hbm>>
        tpu.wait_dma2 semaphore(%run_scoped3A : memref<!tpu.dma_semaphore, #tpu.memory_space<semaphore_mem>>) src(%dma_wait3A_310 : memref<32x1024xf32, #tpu.memory_space<hbm>>) dst(%arg6 : memref<32x1024xf32, #tpu.memory_space<vmem>>)
        tpu.yield
      }) : () -> ()
      %dma_start3A_219 = arith.constant 32 : i32
      %dma_start3A_220 = arith.constant 0 : i32
      %dma_start3A_221 = tpu.memref_slice %arg3[%add3A_194, %dma_start3A_219, %dma_start3A_220] : memref<960x64x1024xf32, #tpu.memory_space<hbm>> -> memref<1x32x1024xf32, #tpu.memory_space<hbm>>
      %dma_start3A_222 = tpu.memref_squeeze %dma_start3A_221 : memref<1x32x1024xf32, #tpu.memory_space<hbm>> -> memref<32x1024xf32, #tpu.memory_space<hbm>>
      %dma_start3A_223 = arith.constant 32 : i32
      %dma_start3A_224 = arith.constant 0 : i32
      %dma_start3A_225 = tpu.memref_slice %arg3[%add3A_194, %dma_start3A_223, %dma_start3A_224] : memref<960x64x1024xf32, #tpu.memory_space<hbm>> -> memref<1x32x1024xf32, #tpu.memory_space<hbm>>
      %dma_start3A_226 = tpu.memref_squeeze %dma_start3A_225 : memref<1x32x1024xf32, #tpu.memory_space<hbm>> -> memref<32x1024xf32, #tpu.memory_space<hbm>>
      tpu.enqueue_dma source(%arg6 : memref<32x1024xf32, #tpu.memory_space<vmem>>) target(%dma_start3A_226 : memref<32x1024xf32, #tpu.memory_space<hbm>>) target_semaphore(%arg9 : memref<!tpu.dma_semaphore, #tpu.memory_space<semaphore_mem>>)
      %add3A_227 = arith.constant 3 : i32
      %add3A_228 = arith.addi %select_n3A_120, %add3A_227 : i32
      %mul3A_229 = arith.constant 20 : i32
      %mul3A_230 = arith.muli %select_n3A, %mul3A_229 : i32
      %add3A_231 = arith.addi %mul3A_230, %select_n3A_99 : i32
      %add3A_232 = arith.addi %add3A_231, %add3A_228 : i32
      %mul3A_233 = arith.constant 48 : i32
      %mul3A_234 = arith.muli %select_n3A, %mul3A_233 : i32
      %mul3A_235 = arith.constant 6 : i32
      %mul3A_236 = arith.muli %add3A_228, %mul3A_235 : i32
      %add3A_237 = arith.addi %mul3A_234, %mul3A_236 : i32
      %add3A_238 = arith.addi %add3A_237, %select_n3A_94 : i32
      %dma_wait3A_239 = arith.constant 32 : i32
      %dma_wait3A_240 = arith.constant 0 : i32
      %dma_wait3A_241 = tpu.memref_slice %arg3[%add3A_159, %dma_wait3A_239, %dma_wait3A_240] : memref<960x64x1024xf32, #tpu.memory_space<hbm>> -> memref<1x32x1024xf32, #tpu.memory_space<hbm>>
      %dma_wait3A_242 = tpu.memref_squeeze %dma_wait3A_241 : memref<1x32x1024xf32, #tpu.memory_space<hbm>> -> memref<32x1024xf32, #tpu.memory_space<hbm>>
      %dma_wait3A_243 = arith.constant 32 : i32
      %dma_wait3A_244 = arith.constant 0 : i32
      %dma_wait3A_245 = tpu.memref_slice %arg3[%add3A_159, %dma_wait3A_243, %dma_wait3A_244] : memref<960x64x1024xf32, #tpu.memory_space<hbm>> -> memref<1x32x1024xf32, #tpu.memory_space<hbm>>
      %dma_wait3A_246 = tpu.memref_squeeze %dma_wait3A_245 : memref<1x32x1024xf32, #tpu.memory_space<hbm>> -> memref<32x1024xf32, #tpu.memory_space<hbm>>
      tpu.wait_dma2 semaphore(%arg7 : memref<!tpu.dma_semaphore, #tpu.memory_space<semaphore_mem>>) src(%arg4 : memref<32x1024xf32, #tpu.memory_space<vmem>>) dst(%dma_wait3A_246 : memref<32x1024xf32, #tpu.memory_space<hbm>>)
      "tpu.region"() ({
        %run_scoped3A = tpu.sem_alloc : memref<!tpu.dma_semaphore, #tpu.memory_space<semaphore_mem>>
        %dma_start3A_295 = arith.constant 0 : i32
        %dma_start3A_296 = arith.constant 0 : i32
        %dma_start3A_297 = tpu.memref_slice %arg2[%add3A_232, %dma_start3A_295, %dma_start3A_296] : memref<400x64x1024xf32, #tpu.memory_space<hbm>> -> memref<1x32x1024xf32, #tpu.memory_space<hbm>>
        %dma_start3A_298 = tpu.memref_squeeze %dma_start3A_297 : memref<1x32x1024xf32, #tpu.memory_space<hbm>> -> memref<32x1024xf32, #tpu.memory_space<hbm>>
        %dma_start3A_299 = arith.constant 0 : i32
        %dma_start3A_300 = arith.constant 0 : i32
        %dma_start3A_301 = tpu.memref_slice %arg2[%add3A_232, %dma_start3A_299, %dma_start3A_300] : memref<400x64x1024xf32, #tpu.memory_space<hbm>> -> memref<1x32x1024xf32, #tpu.memory_space<hbm>>
        %dma_start3A_302 = tpu.memref_squeeze %dma_start3A_301 : memref<1x32x1024xf32, #tpu.memory_space<hbm>> -> memref<32x1024xf32, #tpu.memory_space<hbm>>
        tpu.enqueue_dma source(%dma_start3A_302 : memref<32x1024xf32, #tpu.memory_space<hbm>>) target(%arg4 : memref<32x1024xf32, #tpu.memory_space<vmem>>) target_semaphore(%run_scoped3A : memref<!tpu.dma_semaphore, #tpu.memory_space<semaphore_mem>>)
        %dma_wait3A_303 = arith.constant 0 : i32
        %dma_wait3A_304 = arith.constant 0 : i32
        %dma_wait3A_305 = tpu.memref_slice %arg2[%add3A_232, %dma_wait3A_303, %dma_wait3A_304] : memref<400x64x1024xf32, #tpu.memory_space<hbm>> -> memref<1x32x1024xf32, #tpu.memory_space<hbm>>
        %dma_wait3A_306 = tpu.memref_squeeze %dma_wait3A_305 : memref<1x32x1024xf32, #tpu.memory_space<hbm>> -> memref<32x1024xf32, #tpu.memory_space<hbm>>
        %dma_wait3A_307 = arith.constant 0 : i32
        %dma_wait3A_308 = arith.constant 0 : i32
        %dma_wait3A_309 = tpu.memref_slice %arg2[%add3A_232, %dma_wait3A_307, %dma_wait3A_308] : memref<400x64x1024xf32, #tpu.memory_space<hbm>> -> memref<1x32x1024xf32, #tpu.memory_space<hbm>>
        %dma_wait3A_310 = tpu.memref_squeeze %dma_wait3A_309 : memref<1x32x1024xf32, #tpu.memory_space<hbm>> -> memref<32x1024xf32, #tpu.memory_space<hbm>>
        tpu.wait_dma2 semaphore(%run_scoped3A : memref<!tpu.dma_semaphore, #tpu.memory_space<semaphore_mem>>) src(%dma_wait3A_310 : memref<32x1024xf32, #tpu.memory_space<hbm>>) dst(%arg4 : memref<32x1024xf32, #tpu.memory_space<vmem>>)
        tpu.yield
      }) : () -> ()
      %dma_start3A_247 = arith.constant 0 : i32
      %dma_start3A_248 = arith.constant 0 : i32
      %dma_start3A_249 = tpu.memref_slice %arg3[%add3A_238, %dma_start3A_247, %dma_start3A_248] : memref<960x64x1024xf32, #tpu.memory_space<hbm>> -> memref<1x32x1024xf32, #tpu.memory_space<hbm>>
      %dma_start3A_250 = tpu.memref_squeeze %dma_start3A_249 : memref<1x32x1024xf32, #tpu.memory_space<hbm>> -> memref<32x1024xf32, #tpu.memory_space<hbm>>
      %dma_start3A_251 = arith.constant 0 : i32
      %dma_start3A_252 = arith.constant 0 : i32
      %dma_start3A_253 = tpu.memref_slice %arg3[%add3A_238, %dma_start3A_251, %dma_start3A_252] : memref<960x64x1024xf32, #tpu.memory_space<hbm>> -> memref<1x32x1024xf32, #tpu.memory_space<hbm>>
      %dma_start3A_254 = tpu.memref_squeeze %dma_start3A_253 : memref<1x32x1024xf32, #tpu.memory_space<hbm>> -> memref<32x1024xf32, #tpu.memory_space<hbm>>
      tpu.enqueue_dma source(%arg4 : memref<32x1024xf32, #tpu.memory_space<vmem>>) target(%dma_start3A_254 : memref<32x1024xf32, #tpu.memory_space<hbm>>) target_semaphore(%arg7 : memref<!tpu.dma_semaphore, #tpu.memory_space<semaphore_mem>>)
      %dma_wait3A_255 = arith.constant 0 : i32
      %dma_wait3A_256 = arith.constant 0 : i32
      %dma_wait3A_257 = tpu.memref_slice %arg3[%add3A_194, %dma_wait3A_255, %dma_wait3A_256] : memref<960x64x1024xf32, #tpu.memory_space<hbm>> -> memref<1x32x1024xf32, #tpu.memory_space<hbm>>
      %dma_wait3A_258 = tpu.memref_squeeze %dma_wait3A_257 : memref<1x32x1024xf32, #tpu.memory_space<hbm>> -> memref<32x1024xf32, #tpu.memory_space<hbm>>
      %dma_wait3A_259 = arith.constant 0 : i32
      %dma_wait3A_260 = arith.constant 0 : i32
      %dma_wait3A_261 = tpu.memref_slice %arg3[%add3A_194, %dma_wait3A_259, %dma_wait3A_260] : memref<960x64x1024xf32, #tpu.memory_space<hbm>> -> memref<1x32x1024xf32, #tpu.memory_space<hbm>>
      %dma_wait3A_262 = tpu.memref_squeeze %dma_wait3A_261 : memref<1x32x1024xf32, #tpu.memory_space<hbm>> -> memref<32x1024xf32, #tpu.memory_space<hbm>>
      tpu.wait_dma2 semaphore(%arg8 : memref<!tpu.dma_semaphore, #tpu.memory_space<semaphore_mem>>) src(%arg5 : memref<32x1024xf32, #tpu.memory_space<vmem>>) dst(%dma_wait3A_262 : memref<32x1024xf32, #tpu.memory_space<hbm>>)
      "tpu.region"() ({
        %run_scoped3A = tpu.sem_alloc : memref<!tpu.dma_semaphore, #tpu.memory_space<semaphore_mem>>
        %dma_start3A_295 = arith.constant 32 : i32
        %dma_start3A_296 = arith.constant 0 : i32
        %dma_start3A_297 = tpu.memref_slice %arg2[%add3A_232, %dma_start3A_295, %dma_start3A_296] : memref<400x64x1024xf32, #tpu.memory_space<hbm>> -> memref<1x32x1024xf32, #tpu.memory_space<hbm>>
        %dma_start3A_298 = tpu.memref_squeeze %dma_start3A_297 : memref<1x32x1024xf32, #tpu.memory_space<hbm>> -> memref<32x1024xf32, #tpu.memory_space<hbm>>
        %dma_start3A_299 = arith.constant 32 : i32
        %dma_start3A_300 = arith.constant 0 : i32
        %dma_start3A_301 = tpu.memref_slice %arg2[%add3A_232, %dma_start3A_299, %dma_start3A_300] : memref<400x64x1024xf32, #tpu.memory_space<hbm>> -> memref<1x32x1024xf32, #tpu.memory_space<hbm>>
        %dma_start3A_302 = tpu.memref_squeeze %dma_start3A_301 : memref<1x32x1024xf32, #tpu.memory_space<hbm>> -> memref<32x1024xf32, #tpu.memory_space<hbm>>
        tpu.enqueue_dma source(%dma_start3A_302 : memref<32x1024xf32, #tpu.memory_space<hbm>>) target(%arg5 : memref<32x1024xf32, #tpu.memory_space<vmem>>) target_semaphore(%run_scoped3A : memref<!tpu.dma_semaphore, #tpu.memory_space<semaphore_mem>>)
        %dma_wait3A_303 = arith.constant 32 : i32
        %dma_wait3A_304 = arith.constant 0 : i32
        %dma_wait3A_305 = tpu.memref_slice %arg2[%add3A_232, %dma_wait3A_303, %dma_wait3A_304] : memref<400x64x1024xf32, #tpu.memory_space<hbm>> -> memref<1x32x1024xf32, #tpu.memory_space<hbm>>
        %dma_wait3A_306 = tpu.memref_squeeze %dma_wait3A_305 : memref<1x32x1024xf32, #tpu.memory_space<hbm>> -> memref<32x1024xf32, #tpu.memory_space<hbm>>
        %dma_wait3A_307 = arith.constant 32 : i32
        %dma_wait3A_308 = arith.constant 0 : i32
        %dma_wait3A_309 = tpu.memref_slice %arg2[%add3A_232, %dma_wait3A_307, %dma_wait3A_308] : memref<400x64x1024xf32, #tpu.memory_space<hbm>> -> memref<1x32x1024xf32, #tpu.memory_space<hbm>>
        %dma_wait3A_310 = tpu.memref_squeeze %dma_wait3A_309 : memref<1x32x1024xf32, #tpu.memory_space<hbm>> -> memref<32x1024xf32, #tpu.memory_space<hbm>>
        tpu.wait_dma2 semaphore(%run_scoped3A : memref<!tpu.dma_semaphore, #tpu.memory_space<semaphore_mem>>) src(%dma_wait3A_310 : memref<32x1024xf32, #tpu.memory_space<hbm>>) dst(%arg5 : memref<32x1024xf32, #tpu.memory_space<vmem>>)
        tpu.yield
      }) : () -> ()
      %dma_start3A_263 = arith.constant 32 : i32
      %dma_start3A_264 = arith.constant 0 : i32
      %dma_start3A_265 = tpu.memref_slice %arg3[%add3A_238, %dma_start3A_263, %dma_start3A_264] : memref<960x64x1024xf32, #tpu.memory_space<hbm>> -> memref<1x32x1024xf32, #tpu.memory_space<hbm>>
      %dma_start3A_266 = tpu.memref_squeeze %dma_start3A_265 : memref<1x32x1024xf32, #tpu.memory_space<hbm>> -> memref<32x1024xf32, #tpu.memory_space<hbm>>
      %dma_start3A_267 = arith.constant 32 : i32
      %dma_start3A_268 = arith.constant 0 : i32
      %dma_start3A_269 = tpu.memref_slice %arg3[%add3A_238, %dma_start3A_267, %dma_start3A_268] : memref<960x64x1024xf32, #tpu.memory_space<hbm>> -> memref<1x32x1024xf32, #tpu.memory_space<hbm>>
      %dma_start3A_270 = tpu.memref_squeeze %dma_start3A_269 : memref<1x32x1024xf32, #tpu.memory_space<hbm>> -> memref<32x1024xf32, #tpu.memory_space<hbm>>
      tpu.enqueue_dma source(%arg5 : memref<32x1024xf32, #tpu.memory_space<vmem>>) target(%dma_start3A_270 : memref<32x1024xf32, #tpu.memory_space<hbm>>) target_semaphore(%arg8 : memref<!tpu.dma_semaphore, #tpu.memory_space<semaphore_mem>>)
      %dma_wait3A_271 = arith.constant 0 : i32
      %dma_wait3A_272 = arith.constant 0 : i32
      %dma_wait3A_273 = tpu.memref_slice %arg3[%add3A_238, %dma_wait3A_271, %dma_wait3A_272] : memref<960x64x1024xf32, #tpu.memory_space<hbm>> -> memref<1x32x1024xf32, #tpu.memory_space<hbm>>
      %dma_wait3A_274 = tpu.memref_squeeze %dma_wait3A_273 : memref<1x32x1024xf32, #tpu.memory_space<hbm>> -> memref<32x1024xf32, #tpu.memory_space<hbm>>
      %dma_wait3A_275 = arith.constant 0 : i32
      %dma_wait3A_276 = arith.constant 0 : i32
      %dma_wait3A_277 = tpu.memref_slice %arg3[%add3A_238, %dma_wait3A_275, %dma_wait3A_276] : memref<960x64x1024xf32, #tpu.memory_space<hbm>> -> memref<1x32x1024xf32, #tpu.memory_space<hbm>>
      %dma_wait3A_278 = tpu.memref_squeeze %dma_wait3A_277 : memref<1x32x1024xf32, #tpu.memory_space<hbm>> -> memref<32x1024xf32, #tpu.memory_space<hbm>>
      tpu.wait_dma2 semaphore(%arg7 : memref<!tpu.dma_semaphore, #tpu.memory_space<semaphore_mem>>) src(%arg4 : memref<32x1024xf32, #tpu.memory_space<vmem>>) dst(%dma_wait3A_278 : memref<32x1024xf32, #tpu.memory_space<hbm>>)
      %dma_wait3A_279 = arith.constant 32 : i32
      %dma_wait3A_280 = arith.constant 0 : i32
      %dma_wait3A_281 = tpu.memref_slice %arg3[%add3A_238, %dma_wait3A_279, %dma_wait3A_280] : memref<960x64x1024xf32, #tpu.memory_space<hbm>> -> memref<1x32x1024xf32, #tpu.memory_space<hbm>>
      %dma_wait3A_282 = tpu.memref_squeeze %dma_wait3A_281 : memref<1x32x1024xf32, #tpu.memory_space<hbm>> -> memref<32x1024xf32, #tpu.memory_space<hbm>>
      %dma_wait3A_283 = arith.constant 32 : i32
      %dma_wait3A_284 = arith.constant 0 : i32
      %dma_wait3A_285 = tpu.memref_slice %arg3[%add3A_238, %dma_wait3A_283, %dma_wait3A_284] : memref<960x64x1024xf32, #tpu.memory_space<hbm>> -> memref<1x32x1024xf32, #tpu.memory_space<hbm>>
      %dma_wait3A_286 = tpu.memref_squeeze %dma_wait3A_285 : memref<1x32x1024xf32, #tpu.memory_space<hbm>> -> memref<32x1024xf32, #tpu.memory_space<hbm>>
      tpu.wait_dma2 semaphore(%arg8 : memref<!tpu.dma_semaphore, #tpu.memory_space<semaphore_mem>>) src(%arg5 : memref<32x1024xf32, #tpu.memory_space<vmem>>) dst(%dma_wait3A_286 : memref<32x1024xf32, #tpu.memory_space<hbm>>)
      %dma_wait3A_287 = arith.constant 32 : i32
      %dma_wait3A_288 = arith.constant 0 : i32
      %dma_wait3A_289 = tpu.memref_slice %arg3[%add3A_194, %dma_wait3A_287, %dma_wait3A_288] : memref<960x64x1024xf32, #tpu.memory_space<hbm>> -> memref<1x32x1024xf32, #tpu.memory_space<hbm>>
      %dma_wait3A_290 = tpu.memref_squeeze %dma_wait3A_289 : memref<1x32x1024xf32, #tpu.memory_space<hbm>> -> memref<32x1024xf32, #tpu.memory_space<hbm>>
      %dma_wait3A_291 = arith.constant 32 : i32
      %dma_wait3A_292 = arith.constant 0 : i32
      %dma_wait3A_293 = tpu.memref_slice %arg3[%add3A_194, %dma_wait3A_291, %dma_wait3A_292] : memref<960x64x1024xf32, #tpu.memory_space<hbm>> -> memref<1x32x1024xf32, #tpu.memory_space<hbm>>
      %dma_wait3A_294 = tpu.memref_squeeze %dma_wait3A_293 : memref<1x32x1024xf32, #tpu.memory_space<hbm>> -> memref<32x1024xf32, #tpu.memory_space<hbm>>
      tpu.wait_dma2 semaphore(%arg9 : memref<!tpu.dma_semaphore, #tpu.memory_space<semaphore_mem>>) src(%arg6 : memref<32x1024xf32, #tpu.memory_space<vmem>>) dst(%dma_wait3A_294 : memref<32x1024xf32, #tpu.memory_space<hbm>>)
    } else {
    }
    return
  }
}

</mosaic_0001>

<sc_bundles>
// kernel: _recombine.3.cloned.1.call-start
scs
__scs_entry_jumppad:
0x0: {  	(pc) =	sbr.rel $0x88, $3  }
0x1: {  	(tag) =	ssettag $0x0;
	lr =	simm.s32 $0x1  }
0x2: {  	[smem:$0x3FA0] =	sst lr;
	_ =	strace $0xD0000000  }
0x3: {  	_ = 	snop  }
0x4: {  	_ = 	snop  }
0x5: {  	_ = 	snop  }
0x6: {  	_ = 	snop  }
0x7: {  	_ = 	snop  }
__scs_overlays_trampoline_lowered:
0x8: {  	[smem:$0x3FAF] =	sst s0  }
0x9: {  	[smem:$0x3FB0] =	sst s1  }
0xa: {  	[smem:$0x3FB1] =	sst s2  }
0xb: {  	[smem:$0x3FB2] =	sst s3  }
0xc: {  	[smem:$0x3FB3] =	sst s4  }
0xd: {  	[smem:$0x3FB4] =	sst s5  }
0xe: {  	[smem:$0x3FB5] =	sst s6  }
0xf: {  	[smem:$0x3FB6] =	sst s7  }
0x10: {  	[smem:$0x3FB7] =	sst s8  }
0x11: {  	[smem:$0x3FB8] =	sst s9;
	s0 =	simm.s32 @!p0 $0x0  }
0x12: {  	s1 =	sld [smem:$0x3F9E];
	s0 =	simm.s32 @p0 $0x1  }
0x13: {  	[smem:$0x3FB9] =	sst s0;
	s0 =	simm.s32 @!p1 $0x0  }
0x14: {  	s2 =	sld [smem:$0x3F9D];
	s0 =	simm.s32 @p1 $0x1  }
0x15: {  	[smem:$0x3FBA] =	sst s0;
	s0 =	simm.s32 @!p2 $0x0  }
0x16: {  	s3 =	sld [smem:$0x3FDB];
	s0 =	simm.s32 @p2 $0x1  }
0x17: {  	s4 =	simm.s32 $0x1BF5;
	[smem:$0x3FBC] =	sst s0  }
0x18: {  	s0 =	sld [smem:$0x3F9F];
	_ =	swait.ge [sflag:s4], $0x0  }
0x19: {  	s7 =	sld [smem:$0x3FA0]  }
0x1a: {  	s8 =	sadd.s32 $0xFFFFE003, lr  }
0x1b: {  	s9 =	sadd.s32 $0xFFFFFEF7, lr;
	s5 =	simm.s32 $0xFFFFFFFF;
	p2 =	slt.u32 s8, $0xFFFFF086  }
0x1c: {  	p1 =	slt.u32 s9, $0xF7A;
	s5 =	simm.s32 @!p2 $0x0  }
0x1d: {  	s5 =	simm.s32 @p1 $0x1;
	p0 =	seq.s32 s7, s2  }
0x1e: {  	s7 =	smul.u32 @!p0 $0xF7A, s2;
	p2 =	seq.s32 @!p0 s5, $0x0  }
0x1f: {  	s9 =	smul.u32 $0xF7A, s1;
	s8 =	simm.s32 @!p0 $0x1BF5;
	p2 =	por !p2, p0  }
0x20: {  	[sflag:s8] =	ssyncset.s32 @!p0 $0xFFFFF086;
	s6 =	sadd.s32 @!p0 s3, s7;
	s7 =	simm.s32 @!p0 $0x108  }
0x21: {  	s3 =	sadd.s32 s3, s9;
	s6 =	sadd.s32 @!p0 $0x88, s6;
	s7 =	simm.s32 @p2 $0x1082  }
0x22: {  	[simem:s7], [sflag:s8] =	dma.local @!p0 [hbm:s6], $0xF7A  }
0x23: {  	s9 =	sor.u32 $0xD0000000, s2;
	s6 =	simm.s32 $0x108;
	_ =	swait.ge @!p0 [sflag:s8], $0x0  }
0x24: {  	s3 =	sadd.s32 $0x88, s3;
	s6 =	simm.s32 @!p1 $0x1082;
	[sflag:s4] =	ssyncset.s32 $0xFFFFF086  }
0x25: {  	[simem:s6], [sflag:s4] =	dma.local [hbm:s3], $0xF7A  }
0x26: {  	[smem:$0x3FA0] =	sst s1;
	(tag) =	ssettag s2;
	_ =	strace s9  }
0x27: {  	s1 =	sld [smem:$0x3FB0]  }
0x28: {  	s2 =	sld [smem:$0x3FB1]  }
0x29: {  	s4 =	sld [smem:$0x3FB3]  }
0x2a: {  	p0 =	seq.s32 s5, $0x0;
	s5 =	sld [smem:$0x3FB4]  }
0x2b: {  	s6 =	sld [smem:$0x3FB5]  }
0x2c: {  	s7 =	sld [smem:$0x3FB6]  }
0x2d: {  	s3 =	simm.s32 $0x108;
	s8 =	sld [smem:$0x3FB7]  }
0x2e: {  	s3 =	simm.s32 @!p0 $0x1082;
	s9 =	sld [smem:$0x3FB8]  }
0x2f: {  	lr =	sadd.s32 s0, s3;
	s0 =	sld [smem:$0x3FAF]  }
0x30: {  	s3 =	sld [smem:$0x3FB2]  }
0x31: {  	[smem:$0x3FBB] =	sst s10  }
0x32: {  	s10 =	sld [smem:$0x3FB9];
	_ =	sdelay $0x3  }
0x33: {  	p0 =	seq.s32 s10, $0x1;
	s10 =	sld [smem:$0x3FBB];
	_ =	sdelay $0x3  }
0x34: {  	[smem:$0x3FBB] =	sst s10  }
0x35: {  	s10 =	sld [smem:$0x3FBA];
	_ =	sdelay $0x3  }
0x36: {  	p1 =	seq.s32 s10, $0x1;
	s10 =	sld [smem:$0x3FBB];
	_ =	sdelay $0x3  }
0x37: {  	[smem:$0x3FBB] =	sst s10  }
0x38: {  	s10 =	sld [smem:$0x3FBC]  }
0x39: {  	_ = 	snop;
	(pc) =	sbr.ind lr, $3  }
0x3a: {  	_ = 	snop  }
0x3b: {  	_ = 	snop  }
0x3c: {  	p2 =	seq.s32 s10, $0x1;
	s10 =	sld [smem:$0x3FBB]  }
0x3d: {  	_ =	shalt  }
0x3e: {  	_ =	shalt  }
0x3f: {  	_ =	shalt  }
0x40: {  	_ =	shalt  }
0x41: {  	_ =	shalt  }
0x42: {  	_ =	shalt  }
0x43: {  	_ =	shalt  }
0x44: {  	_ =	shalt  }
0x45: {  	_ =	shalt  }
0x46: {  	_ =	shalt  }
0x47: {  	_ =	shalt  }
0x48: {  	_ =	shalt  }
0x49: {  	_ =	shalt  }
0x4a: {  	_ =	shalt  }
0x4b: {  	_ =	shalt  }
0x4c: {  	_ =	shalt  }
0x4d: {  	_ =	shalt  }
0x4e: {  	_ =	shalt  }
0x4f: {  	_ =	shalt  }
0x50: {  	_ =	shalt  }
0x51: {  	_ =	shalt  }
0x52: {  	_ =	shalt  }
0x53: {  	_ =	shalt  }
0x54: {  	_ =	shalt  }
0x55: {  	_ =	shalt  }
0x56: {  	_ =	shalt  }
0x57: {  	_ =	shalt  }
0x58: {  	_ =	shalt  }
0x59: {  	_ =	shalt  }
0x5a: {  	_ =	shalt  }
0x5b: {  	_ =	shalt  }
0x5c: {  	_ =	shalt  }
0x5d: {  	_ =	shalt  }
0x5e: {  	_ =	shalt  }
0x5f: {  	_ =	shalt  }
0x60: {  	_ =	shalt  }
0x61: {  	_ =	shalt  }
0x62: {  	_ =	shalt  }
0x63: {  	_ =	shalt  }
0x64: {  	_ =	shalt  }
0x65: {  	_ =	shalt  }
0x66: {  	_ =	shalt  }
0x67: {  	_ =	shalt  }
0x68: {  	_ =	shalt  }
0x69: {  	_ =	shalt  }
0x6a: {  	_ =	shalt  }
0x6b: {  	_ =	shalt  }
0x6c: {  	_ =	shalt  }
0x6d: {  	_ =	shalt  }
0x6e: {  	_ =	shalt  }
0x6f: {  	_ =	shalt  }
0x70: {  	_ =	shalt  }
0x71: {  	_ =	shalt  }
0x72: {  	_ =	shalt  }
0x73: {  	_ =	shalt  }
0x74: {  	_ =	shalt  }
0x75: {  	_ =	shalt  }
0x76: {  	_ =	shalt  }
0x77: {  	_ =	shalt  }
0x78: {  	_ =	shalt  }
0x79: {  	_ =	shalt  }
0x7a: {  	_ =	shalt  }
0x7b: {  	_ =	shalt  }
0x7c: {  	_ =	shalt  }
0x7d: {  	_ =	shalt  }
0x7e: {  	_ =	shalt  }
0x7f: {  	_ =	shalt  }
0x80: {  	_ =	shalt  }
0x81: {  	_ =	shalt  }
0x82: {  	_ =	shalt  }
0x83: {  	_ =	shalt  }
0x84: {  	_ =	shalt  }
0x85: {  	_ =	shalt  }
0x86: {  	_ =	shalt  }
0x87: {  	_ =	shalt  }
.Lfunc_end0:
.L_simem_size_0:
called_computation_lowered:
.L_overlay_start_0:
0x88: {  	s2 =	sld [smem:$0x3FD9]  }
0x89: {  	s3 =	sld [smem:$0x3FFE];
	_ =	sdelay $0x1  }
0x8a: {  	s1 =	srdreg.scid  }
0x8b: {  	s0 =	sand.u32 $0x1, s1  }
0x8c: {  	s18 =	sshll.u32 s0, $0xA;
	s2 =	sadd.s32 s3, s2  }
0x8d: {  	s2 =	sadd.s32 s2, s18  }
0x8e: {  	[smem:$0x3FC7] =	sst s2  }
0x8f: {  	_ = 	snop  }
0x90: {  	s2 =	sld [smem:$0x3FC9]  }
0x91: {  	s19 =	sld [smem:$0x3FD0];
	(tm) =	ssettm $0x1  }
0x92: {  	s4 =	sld [smem:$0x3FFB];
	_ =	sdelay $0x3  }
0x93: {  	_ =	strace s4  }
0x94: {  	s4 =	sld [smem:$0x3FFC];
	_ =	sdelay $0x3  }
0x95: {  	_ =	strace s4  }
0x96: {  	s4 =	sld [smem:$0x3FFD];
	_ =	sdelay $0x3  }
0x97: {  	_ =	strace s4  }
0x98: {  	_ =	strace $0x8FFFFFFF  }
0x99: {  	s20 =	sld [smem:$0x3FDB];
	_ =	sdelay $0x1  }
0x9a: {  	s5 =	simm.s32 $_scs_section_size  }
0x9b: {  	s6 =	simm.s32 $_size__tile_overlayer_lowered;
	s7 =	simm.s32 $_tile_overlayer_lowered  }
0x9c: {  	s23 =	simm.s32 $0x1BFF;
	s22 =	sshll.u32 s7, $0x1;
	s4 =	sadd.s32 s5, s20  }
0x9d: {  	s8 =	simm.s32 $0x0;
	s21 =	sshll.u32 s6, $0x1;
	s6 =	sadd.s32 s22, s4  }
0x9e: {  	[timem:s8], [sflag:s23] =	dma.local [hbm:s6], s21  }
0x9f: {  	_ =	swait.ge [sflag:s23], s21  }
0xa0: {  	s5 =	ssub.s32 $0x0, s21;
	[sflag:s23] =	ssyncset.done $0x0  }
0xa1: {  	[sflag:s23] =	ssyncadd.s32 s5;
	_ =	sdelay $0x1  }
0xa2: {  	s24 =	simm.s32 $0x1B8B  }
0xa3: {  	_ =	swait.ge [sflag:s24], $0x1  }
0xa4: {  	[sflag:s24] =	ssyncset.done $0x0  }
0xa5: {  	s25 =	simm.s32 $0x1B8E;
	[sflag:s24] =	ssyncadd.s32 $0xFFFFFFFF  }
0xa6: {  	s26 =	simm.s32 $execute0_lowered;
	[smem:$0x3FD2] =	sst s25  }
0xa7: {  	s5 =	sshll.u32 s26, $0x1;
	_ =	strace $0x80000046;
	[dreg:$0x1] =	wrdreg $0xFFFFFFFF  }
0xa8: {  	s28 =	simm.s32 $_size_execute0_lowered;
	s4 =	sadd.s32 s4, s5;
	[dreg:$0x0] =	wrdreg $0x0  }
0xa9: {  	s5 =	sshll.u32 s28, $0x1;
	[dreg:$0x2] =	wrdreg s4  }
0xaa: {  	[dreg:$0x3] =	wrdreg s5  }
0xab: {  	[dreg:$0x4] =	wrdreg $0xC0  }
0xac: {  	_ =	task [dreg:s8], $0x5FFFF  }
0xad: {  	[dreg:$0x1] =	wrdreg $0xFFFFFFFF  }
0xae: {  	[dreg:$0x0] =	wrdreg $0x60  }
0xaf: {  	[dreg:$0x2] =	wrdreg s2  }
0xb0: {  	[dreg:$0x3] =	wrdreg s19  }
0xb1: {  	[dreg:$0x4] =	wrdreg $0x9  }
0xb2: {  	_ =	task.clear_ibuf [dreg:s8], $0x5FFFF;
	_ =	strace $0x90000046  }
0xb3: {  	s29 =	simm.s32 $0x9;
	_ =	strace $0x80000048  }
0xb4: {  	_ =	swait.ge [sflag:s29], $0x1  }
0xb5: {  	[sflag:s29] =	ssyncadd.s32 $0xFFFFFFFF  }
0xb6: {  	_ =	strace $0x90000048  }
0xb7: {  	_ =	sfence  }
0xb8: {  	s30 =	sld [smem:$0x0];
	_ =	sdelay $0x2  }
0xb9: {  	s31 =	sshll.u32 s1, $0xD;
	s1 =	sshrl.u32 s1, $0x2  }
0xba: {  	s3 =	sand.u32 $0x4000, s31;
	s1 =	sadd.s32 s1, s30  }
0xbb: {  	s0 =	sor.u32 s3, s0;
	s1 =	sshll.u32 s1, $0x11  }
0xbc: {  	s0 =	sor.u32 s1, s0  }
0xbd: {  	s0 =	sadd.s32 $0x8F2B, s0  }
0xbe: {  	[sflag:s0] =	ssyncadd.remote.s32 $0x1  }
0xbf: {  	_ =	sfence.sel $0xFFFF  }
0xc0: {  	[dreg:$0x0] =	wrdreg $0xFFFFFFFF;
	(pc) =	sbr.abs _section_cstart, $3  }
0xc1: {  	[dreg:$0x1] =	wrdreg $0xFFFFFFFF  }
0xc2: {  	_ =	task.clear_ibuf [dreg:s8], $0x2FFFF;
	_ =	strace $0x9FFFFFFF  }
0xc3: {  	(tm) =	ssettm $0x7FFFFFFF  }
tec
execute0_lowered:
.L_overlay_start_1:
0x0: {  	(tag) =	ssettag $0x1  }
0x1: {  	s0 =	srdreg.scid;
	s6 =	stileid.u32;
	s9 =	simm.s32 $0xA  }
0x2: {  	s23 =	stileid.u32;
	s4 =	sand.u32 $0x1, s0;
	s1 =	sshll.u32 s6, $0x1  }
0x3: {  	s10 =	simm.s32 $0x3;
	s13 =	simm.s32 $0x2;
	s0 =	sor.u32 s4, s1  }
0x4: {  	s2 =	ssub.s32 $0x2, s4;
	s1 =	sshrl.u32 s1, $0x2;
	s3 =	sand.u32 $0x3, s0  }
0x5: {  	s5 =	sshrl.u32 s2, $0x1;
	s18 =	sadd.s32 $0xFFFFFFF0, s0;
	p0 =	seq.s32 s3, $0x2  }
0x6: {  	s2 =	ssub.s32 s2, s5;
	p1 =	seq.s32 s3, $0x1;
	p2 =	seq.s32 s3, $0x0  }
0x7: {  	s21 =	sand.u32 $0xC0, s18;
	[smem:$0x7FD] =	sst s2;
	s2 =	sshrl.u32 s6, $0x1  }
0x8: {  	s9 =	simm.s32 @!p0 $0xB;
	s10 =	simm.s32 @!p0 $0x4;
	s20 =	smul.u32 $0x14, s2  }
0x9: {  	s5 =	sshrl.u32 s21, $0x6;
	s9 =	simm.s32 @p1 $0x1;
	s6 =	smul.u32 $0x30, s2  }
0xa: {  	s7 =	sor.u32 $0x8, s2;
	s10 =	simm.s32 @p1 $0x1;
	s5 =	sadd.s32 s5, s18  }
0xb: {  	s2 =	sor.u32 $0x10, s2;
	s9 =	simm.s32 @p2 $0x0;
	s8 =	smul.u32 $0x14, s7  }
0xc: {  	s11 =	sand.u32 $0xFFFFFFFC, s5;
	s22 =	smul.u32 $0x30, s7;
	s5 =	sshra.s32 s5, $0x2  }
0xd: {  	s10 =	simm.s32 @p2 $0x0;
	s12 =	sadd.s32 s20, s9;
	s25 =	smul.u32 $0x14, s5  }
0xe: {  	s19 =	sor.u32 s6, s10;
	s3 =	ssub.s32 s18, s11;
	s5 =	smul.u32 $0x30, s5  }
0xf: {  	s14 =	sadd.s32 s8, s9;
	s24 =	sand.u32 $0x2, s3;
	s3 =	sshll.u32 s3, $0x2  }
0x10: {  	s8 =	simm.s32 $0x2;
	p0 =	seq.s32 s24, $0x0;
	s24 =	smul.u32 $0x30, s1  }
0x11: {  	s6 =	sor.u32 s22, s10;
	s26 =	sand.u32 $0x4, s3;
	s1 =	smul.u32 $0x14, s1  }
0x12: {  	s8 =	simm.s32 @!p0 $0xC;
	s3 =	smul.u32 $0x6, s26;
	s28 =	sor.u32 $0x1, s26  }
0x13: {  	s13 =	simm.s32 @!p0 $0x5;
	s17 =	sor.u32 $0x2, s26;
	s15 =	smul.u32 $0x6, s28  }
0x14: {  	s11 =	sor.u32 $0x3, s26;
	s8 =	sadd.s32 s25, s8;
	s0 =	smul.u32 $0x6, s17  }
0x15: {  	s21 =	smul.u32 $0x6, s11;
	s25 =	sand.u32 $0x1, s23;
	s18 =	sadd.s32 s26, s8  }
0x16: {  	s3 =	sadd.s32 s5, s3;
	s20 =	sadd.s32 s17, s8;
	s17 =	smul.u32 $0x14, s2  }
0x17: {  	s16 =	sadd.s32 s28, s8;
	s2 =	smul.u32 $0x30, s2;
	s22 =	sadd.s32 s11, s8  }
0x18: {  	p0 =	seq.s32 s25, $0x1;
	s26 =	smul.u32 $0x18, s4;
	s28 =	sadd.s32 $0xC0, s24  }
0x19: {  	s11 =	sadd.s32 $0x240, s24;
	s3 =	sor.u32 s13, s3;
	s13 =	sor.u32 s5, s13  }
0x1a: {  	s5 =	sadd.s32 s15, s13;
	s7 =	sadd.s32 s0, s13;
	s8 =	sadd.s32 s21, s13  }
0x1b: {  	s21 =	sadd.s32 s17, s9;
	s13 =	simm.s32 $0x5;
	s15 =	simm.s32 $0xC  }
0x1c: {  	s9 =	sor.u32 s2, s10;
	s10 =	sshll.u32 s4, $0x2;
	s25 =	sadd.s32 s26, s28  }
0x1d: {  	s4 =	sshllo.u32 s4, $0x2;
	s13 =	simm.s32 @!p0 $0x2;
	s15 =	simm.s32 @!p0 $0x2  }
0x1e: {  	s15 =	sadd.s32 s15, s1;
	s1 =	sadd.s32 s26, s11;
	s26 =	sor.u32 s13, s25  }
0x1f: {  	s23 =	sor.u32 s13, s28;
	s25 =	sor.u32 s13, s11;
	s17 =	sadd.s32 $0x50, s15  }
0x20: {  	[smem:$0x7FB] =	sst s26;
	s28 =	sor.u32 s13, s1;
	s1 =	sor.u32 $0x1, s10  }
0x21: {  	s2 =	sadd.s32 $0xF0, s15;
	s26 =	sor.u32 $0x2, s10;
	s24 =	sadd.s32 s10, s17  }
0x22: {  	[smem:$0x7FC] =	sst s28;
	s15 =	smul.u32 $0x6, s1;
	s28 =	sadd.s32 s1, s17  }
0x23: {  	s29 =	sadd.s32 s26, s17;
	s30 =	smul.u32 $0x6, s26;
	s31 =	sadd.s32 s4, s17  }
0x24: {  	s17 =	sadd.s32 s10, s2;
	s10 =	smul.u32 $0x6, s4;
	s0 =	sadd.s32 s1, s2  }
0x25: {  	s1 =	sadd.s32 s26, s2;
	s2 =	sadd.s32 s4, s2;
	s26 =	sadd.s32 s15, s23  }
0x26: {  	s11 =	sadd.s32 s30, s23;
	s13 =	sadd.s32 s10, s23;
	s23 =	sadd.s32 s10, s25  }
0x27: {  	s10 =	sshll.u32 s12, $0xD;
	s12 =	sshll.u32 s14, $0xD;
	s14 =	rddreg [dreg:$0x0]  }
0x28: {  	s4 =	sadd.s32 s15, s25;
	s15 =	sadd.s32 s30, s25;
	s25 =	sadd.s32 s14, s10  }
0x29: {  	[dreg:$0x3] =	wrdreg s25;
	s25 =	sadd.s32 $0x1000, s14  }
0x2a: {  	s18 =	sshll.u32 s18, $0xD;
	s10 =	sadd.s32 s10, s25  }
0x2b: {  	[dreg:$0x4] =	wrdreg s10;
	s10 =	sand.u32 $0x1FFFC000, s18;
	s18 =	sadd.s32 s14, s12  }
0x2c: {  	s12 =	sadd.s32 s12, s25;
	[dreg:$0x5] =	wrdreg s18  }
0x2d: {  	[dreg:$0x6] =	wrdreg s12;
	s18 =	sadd.s32 s14, s10  }
0x2e: {  	s12 =	sshll.u32 s16, $0xD;
	s10 =	sadd.s32 s10, s25;
	[dreg:$0x7] =	wrdreg s18  }
0x2f: {  	[dreg:$0x8] =	wrdreg s10;
	s16 =	sand.u32 $0x1FFFE000, s12  }
0x30: {  	s18 =	sshll.u32 s20, $0xD;
	s20 =	sshll.u32 s22, $0xD;
	s22 =	sadd.s32 s14, s16  }
0x31: {  	s12 =	sand.u32 $0x1FFFC000, s18;
	s10 =	sadd.s32 s16, s25;
	[dreg:$0x9] =	wrdreg s22  }
0x32: {  	s18 =	sand.u32 $0x1FFFE000, s20;
	[dreg:$0xa] =	wrdreg s10;
	s20 =	sadd.s32 s14, s12  }
0x33: {  	s12 =	sadd.s32 s12, s25;
	[dreg:$0xb] =	wrdreg s20  }
0x34: {  	s22 =	sadd.s32 s14, s18;
	[dreg:$0xc] =	wrdreg s12  }
0x35: {  	s21 =	sshll.u32 s21, $0xD;
	s10 =	sadd.s32 s18, s25;
	[dreg:$0xd] =	wrdreg s22  }
0x36: {  	s18 =	sadd.s32 s14, s21;
	[dreg:$0xe] =	wrdreg s10  }
0x37: {  	s24 =	sshll.u32 s24, $0xD;
	[dreg:$0xf] =	wrdreg s18;
	s12 =	sadd.s32 s21, s25  }
0x38: {  	s20 =	sshll.u32 s28, $0xD;
	s21 =	sadd.s32 s14, s24;
	[dreg:$0x10] =	wrdreg s12  }
0x39: {  	s10 =	sadd.s32 s24, s25;
	s22 =	sshll.u32 s29, $0xD;
	[dreg:$0x11] =	wrdreg s21  }
0x3a: {  	s24 =	sshll.u32 s31, $0xD;
	[dreg:$0x12] =	wrdreg s10;
	s10 =	sadd.s32 s22, s25  }
0x3b: {  	s28 =	sshll.u32 s17, $0xD;
	s17 =	sadd.s32 s14, s24;
	[dreg:$0x13] =	wrdreg s10  }
0x3c: {  	s0 =	sshll.u32 s0, $0xD;
	s12 =	sadd.s32 s24, s25;
	[dreg:$0x14] =	wrdreg s17  }
0x3d: {  	s29 =	sadd.s32 s14, s20;
	s18 =	sadd.s32 s14, s28;
	[dreg:$0x15] =	wrdreg s12  }
0x3e: {  	s30 =	sadd.s32 s20, s25;
	s20 =	sadd.s32 s14, s0;
	[dreg:$0x16] =	wrdreg s18  }
0x3f: {  	s1 =	sshll.u32 s1, $0xD;
	s0 =	sadd.s32 s0, s25;
	[dreg:$0x18] =	wrdreg s20  }
0x40: {  	s31 =	sadd.s32 s14, s22;
	s22 =	sadd.s32 s14, s1;
	[dreg:$0x19] =	wrdreg s0  }
0x41: {  	s1 =	sadd.s32 s1, s25;
	[dreg:$0x1a] =	wrdreg s22  }
0x42: {  	[dreg:$0x1b] =	wrdreg s1  }
0x43: {  	s21 =	sshll.u32 s2, $0xD;
	s10 =	sadd.s32 s28, s25;
	s18 =	rddreg [dreg:$0x1]  }
0x44: {  	s24 =	sadd.s32 s14, s21;
	[dreg:$0x17] =	wrdreg s10  }
0x45: {  	s0 =	sadd.s32 s21, s25;
	[dreg:$0x1c] =	wrdreg s24  }
0x46: {  	s28 =	sshll.u32 s19, $0xD;
	[dreg:$0x1d] =	wrdreg s0;
	s0 =	simm.s32 $0x0  }
0x47: {  	s10 =	sadd.s32 s18, s28;
	s12 =	sadd.s32 $0xC000, s28;
	s14 =	sadd.s32 $0x18000, s28  }
0x48: {  	s21 =	sadd.s32 $0x24000, s28;
	s20 =	sadd.s32 $0x1000, s18;
	[smem:$0x7FF] =	sst s0  }
0x49: {  	s22 =	sadd.s32 $0x30000, s28;
	[dreg:$0x1e] =	wrdreg s10;
	s1 =	sadd.s32 s28, s20  }
0x4a: {  	s16 =	sadd.s32 $0x3C000, s28;
	s24 =	sadd.s32 s18, s12;
	[dreg:$0x1f] =	wrdreg s1  }
0x4b: {  	s17 =	sadd.s32 $0x48000, s28;
	s25 =	sadd.s32 s12, s20;
	[smem:$0x7C6] =	sst s24  }
0x4c: {  	s19 =	sadd.s32 $0x54000, s28;
	s28 =	sadd.s32 s18, s14;
	[smem:$0x7C7] =	sst s25  }
0x4d: {  	s2 =	sadd.s32 s14, s20;
	[smem:$0x7C8] =	sst s28  }
0x4e: {  	s10 =	sadd.s32 s18, s21;
	[smem:$0x7C9] =	sst s2  }
0x4f: {  	s12 =	sadd.s32 s21, s20;
	[smem:$0x7CA] =	sst s10  }
0x50: {  	s21 =	sadd.s32 s18, s22;
	[smem:$0x7CB] =	sst s12  }
0x51: {  	s22 =	sadd.s32 s22, s20;
	[smem:$0x7CC] =	sst s21  }
0x52: {  	[smem:$0x7CD] =	sst s22;
	s24 =	sadd.s32 s18, s16  }
0x53: {  	s25 =	sadd.s32 s16, s20;
	[smem:$0x7CE] =	sst s24  }
0x54: {  	s28 =	sadd.s32 s18, s17;
	[smem:$0x7CF] =	sst s25  }
0x55: {  	s2 =	sadd.s32 s17, s20;
	[smem:$0x7D0] =	sst s28  }
0x56: {  	s17 =	sadd.s32 s18, s19;
	[smem:$0x7D1] =	sst s2  }
0x57: {  	s10 =	sshll.u32 s6, $0xD;
	s21 =	sadd.s32 s19, s20;
	[smem:$0x7D2] =	sst s17  }
0x58: {  	[smem:$0x7D3] =	sst s21;
	s22 =	sadd.s32 s18, s10  }
0x59: {  	s24 =	sadd.s32 $0xC000, s10;
	s1 =	sadd.s32 s10, s20;
	[smem:$0x7D4] =	sst s22  }
0x5a: {  	[smem:$0x7D5] =	sst s1;
	s28 =	sadd.s32 s18, s24  }
0x5b: {  	s6 =	sadd.s32 $0x18000, s10;
	s2 =	sadd.s32 s24, s20;
	[smem:$0x7D6] =	sst s28  }
0x5c: {  	s19 =	sadd.s32 s18, s6;
	[smem:$0x7D7] =	sst s2  }
0x5d: {  	s25 =	sadd.s32 $0x24000, s10;
	s21 =	sadd.s32 s6, s20;
	[smem:$0x7D8] =	sst s19  }
0x5e: {  	s22 =	sadd.s32 s18, s25;
	[smem:$0x7D9] =	sst s21  }
0x5f: {  	s12 =	sadd.s32 $0x30000, s10;
	s24 =	sadd.s32 s25, s20;
	[smem:$0x7DA] =	sst s22  }
0x60: {  	s14 =	sadd.s32 $0x3C000, s10;
	s25 =	sadd.s32 s18, s12;
	[smem:$0x7DB] =	sst s24  }
0x61: {  	s16 =	sadd.s32 $0x48000, s10;
	s6 =	sadd.s32 s14, s20;
	[smem:$0x7DC] =	sst s25  }
0x62: {  	s17 =	sadd.s32 $0x54000, s10;
	s10 =	sadd.s32 s18, s16;
	[smem:$0x7DF] =	sst s6  }
0x63: {  	s28 =	sadd.s32 s12, s20;
	s2 =	sadd.s32 s18, s14;
	[smem:$0x7E0] =	sst s10  }
0x64: {  	s12 =	sadd.s32 s16, s20;
	s14 =	sshll.u32 s3, $0xD;
	[smem:$0x7DD] =	sst s28  }
0x65: {  	s16 =	sshll.u32 s5, $0xD;
	s19 =	sadd.s32 s18, s17;
	[smem:$0x7DE] =	sst s2  }
0x66: {  	s22 =	sshll.u32 s7, $0xD;
	s5 =	sshll.u32 s9, $0xD;
	[smem:$0x7E1] =	sst s12  }
0x67: {  	s1 =	sand.u32 $0x1FFFE000, s14;
	[smem:$0x7E2] =	sst s19;
	s7 =	sadd.s32 s18, s5  }
0x68: {  	s25 =	sshll.u32 s8, $0xD;
	s21 =	sadd.s32 s18, s1;
	[smem:$0x7EB] =	sst s7  }
0x69: {  	s2 =	sand.u32 $0x1FFFE000, s16;
	s1 =	sadd.s32 s1, s20;
	[smem:$0x7E3] =	sst s21  }
0x6a: {  	s3 =	sand.u32 $0x1FFFE000, s25;
	s24 =	sadd.s32 s18, s2;
	[smem:$0x7E4] =	sst s1  }
0x6b: {  	s8 =	sadd.s32 $0xC000, s5;
	s2 =	sadd.s32 s2, s20;
	[smem:$0x7E5] =	sst s24  }
0x6c: {  	s12 =	sadd.s32 $0x24000, s5;
	s19 =	sadd.s32 s18, s8;
	[smem:$0x7E6] =	sst s2  }
0x6d: {  	s9 =	sadd.s32 $0x3C000, s5;
	s25 =	sadd.s32 s18, s12;
	[smem:$0x7ED] =	sst s19  }
0x6e: {  	s7 =	sadd.s32 s9, s20;
	[smem:$0x7F1] =	sst s25  }
0x6f: {  	s6 =	sadd.s32 s17, s20;
	s2 =	sadd.s32 s18, s3;
	[smem:$0x7F6] =	sst s7  }
0x70: {  	s10 =	sadd.s32 $0x18000, s5;
	s21 =	sadd.s32 s8, s20;
	[smem:$0x7E9] =	sst s2  }
0x71: {  	s1 =	sand.u32 $0x1FFFE000, s22;
	s22 =	sadd.s32 s18, s10;
	[smem:$0x7EE] =	sst s21  }
0x72: {  	s16 =	sadd.s32 $0x48000, s5;
	s24 =	sadd.s32 s10, s20;
	[smem:$0x7EF] =	sst s22  }
0x73: {  	s17 =	sadd.s32 $0x54000, s5;
	s8 =	sadd.s32 s18, s16;
	[smem:$0x7F0] =	sst s24  }
0x74: {  	s10 =	sadd.s32 s18, s17;
	[smem:$0x7F7] =	sst s8  }
0x75: {  	s4 =	sshll.u32 s4, $0xD;
	s14 =	sadd.s32 $0x30000, s5;
	[smem:$0x7F9] =	sst s10  }
0x76: {  	s19 =	sshll.u32 s13, $0xD;
	s28 =	sadd.s32 s18, s1;
	s21 =	sld [smem:$0x7FC]  }
0x77: {  	s25 =	sshll.u32 s23, $0xD;
	s1 =	sadd.s32 s1, s20;
	[smem:$0x7E7] =	sst s28  }
0x78: {  	s23 =	simm.s32 $0x8000;
	s2 =	sadd.s32 s18, s14;
	[smem:$0x7E8] =	sst s1  }
0x79: {  	s13 =	sadd.s32 s18, s19;
	s24 =	sshll.u32 s15, $0xD;
	[smem:$0x7F3] =	sst s2  }
0x7a: {  	s1 =	sadd.s32 s3, s20;
	s3 =	sadd.s32 s14, s20;
	s14 =	sld [smem:$0x7FB]  }
0x7b: {  	s28 =	sadd.s32 s12, s20;
	s12 =	sadd.s32 s17, s20;
	[smem:$0x7EA] =	sst s1  }
0x7c: {  	s17 =	sshll.u32 s11, $0xD;
	s15 =	sadd.s32 s18, s24;
	[smem:$0x7F2] =	sst s28  }
0x7d: {  	s1 =	sadd.s32 s5, s20;
	[smem:$0x7F4] =	sst s3;
	s5 =	sadd.s32 s18, s9  }
0x7e: {  	s9 =	sadd.s32 s16, s20;
	[smem:$0x7FA] =	sst s12;
	s16 =	sshll.u32 s26, $0xD  }
0x7f: {  	s11 =	sadd.s32 s18, s17;
	s12 =	sadd.s32 s17, s20;
	[smem:$0x7EC] =	sst s1  }
0x80: {  	s3 =	sadd.s32 s18, s4;
	s4 =	sadd.s32 s4, s20;
	[smem:$0x7F5] =	sst s5  }
0x81: {  	s17 =	sadd.s32 s18, s25;
	s28 =	stileid.u32;
	[smem:$0x7F8] =	sst s9  }
0x82: {  	s9 =	sadd.s32 s18, s16;
	s10 =	sadd.s32 s16, s20;
	s22 =	sshll.u32 s21, $0xD  }
0x83: {  	s16 =	sadd.s32 s24, s20;
	p0 =	sgt.u32 s28, $0x7;
	s21 =	simm.s32 $0x2  }
.Ltmp0:
0x84: {  	s24 =	simm.s32 $0x1;
	_ =	strace $0x80000047;
	(pc) =	sbr.rel .LBB2_1-.Ltmp0, $4  }
0x85: {  	s1 =	sshll.u32 s14, $0xD;
	s14 =	sadd.s32 s19, s20;
	s26 =	sld [smem:$0x7FD]  }
0x86: {  	s2 =	sadd.s32 s22, s20;
	s7 =	sadd.s32 s18, s1;
	s8 =	sadd.s32 s1, s20  }
0x87: {  	s1 =	sadd.s32 s18, s22;
	s18 =	sadd.s32 s25, s20;
	s20 =	simm.s32 $0x3  }
0x88: {  	s22 =	simm.s32 $0x4;
	s25 =	simm.s32 $0x10000;
	s19 =	smax.u32 s26, $0x1  }
.LBB2_3:
0x89: {  	s26 =	rddreg [dreg:$0x7]  }
0x8a: {  	[tilespmem:s0], [sflag:$0x4] =	stream.linear.gather [hbm4b:s26+s0], $0x8000, $0x38;
	[tilespmem:$0x18000] =	vst v63  }
0x8b: {  	_ =	swait.ge [sflag:s22], $0x8000  }
0x8c: {  	s5 =	sld [smem:$0x7E3]  }
0x8d: {  	[sflag:s22] =	ssyncset.done $0x0  }
0x8e: {  	[sflag:s22] =	ssyncadd.s32 $0xFFFF8000  }
0x8f: {  	[hbm4b:s5+s0] =	stream.linear.scatter [tilespmem:s0], [sflag:$0x1], $0x8000, $0x38;
	[tilespmem:$0x18000] =	vst v63  }
0x90: {  	s5 =	rddreg [dreg:$0x8]  }
0x91: {  	[tilespmem:s23], [sflag:$0x4] =	stream.linear.gather [hbm4b:s5+s0], $0x8000, $0x38;
	[tilespmem:$0x18000] =	vst v63  }
0x92: {  	_ =	swait.ge [sflag:s22], $0x8000  }
0x93: {  	s26 =	sld [smem:$0x7E4]  }
0x94: {  	[sflag:s22] =	ssyncset.done $0x0  }
0x95: {  	[sflag:s22] =	ssyncadd.s32 $0xFFFF8000  }
0x96: {  	[hbm4b:s26+s0] =	stream.linear.scatter [tilespmem:s23], [sflag:$0x2], $0x8000, $0x38;
	[tilespmem:$0x18000] =	vst v63  }
0x97: {  	s5 =	rddreg [dreg:$0x9]  }
0x98: {  	[tilespmem:s25], [sflag:$0x4] =	stream.linear.gather [hbm4b:s5+s0], $0x8000, $0x38;
	[tilespmem:$0x18000] =	vst v63  }
0x99: {  	_ =	swait.ge [sflag:s22], $0x8000  }
0x9a: {  	s26 =	sld [smem:$0x7E5]  }
0x9b: {  	[sflag:s22] =	ssyncset.done $0x0  }
0x9c: {  	[sflag:s22] =	ssyncadd.s32 $0xFFFF8000  }
0x9d: {  	[hbm4b:s26+s0] =	stream.linear.scatter [tilespmem:s25], [sflag:$0x3], $0x8000, $0x38;
	[tilespmem:$0x18000] =	vst v63  }
0x9e: {  	s26 =	simm.s32 $0x1  }
0x9f: {  	_ =	swait.ge [sflag:s26], $0x8000  }
0xa0: {  	[sflag:s26] =	ssyncset.done $0x0  }
0xa1: {  	s28 =	rddreg [dreg:$0xa];
	[sflag:s26] =	ssyncadd.s32 $0xFFFF8000  }
0xa2: {  	[tilespmem:s0], [sflag:$0x4] =	stream.linear.gather [hbm4b:s28+s0], $0x8000, $0x38;
	[tilespmem:$0x18000] =	vst v63  }
0xa3: {  	_ =	swait.ge [sflag:s22], $0x8000  }
0xa4: {  	s5 =	sld [smem:$0x7E6]  }
0xa5: {  	[sflag:s22] =	ssyncset.done $0x0  }
0xa6: {  	[sflag:s22] =	ssyncadd.s32 $0xFFFF8000  }
0xa7: {  	[hbm4b:s5+s0] =	stream.linear.scatter [tilespmem:s0], [sflag:$0x1], $0x8000, $0x38;
	[tilespmem:$0x18000] =	vst v63  }
0xa8: {  	_ =	swait.ge [sflag:s21], $0x8000  }
0xa9: {  	[sflag:s21] =	ssyncset.done $0x0  }
0xaa: {  	s28 =	rddreg [dreg:$0xb];
	[sflag:s21] =	ssyncadd.s32 $0xFFFF8000  }
0xab: {  	[tilespmem:s23], [sflag:$0x4] =	stream.linear.gather [hbm4b:s28+s0], $0x8000, $0x38;
	[tilespmem:$0x18000] =	vst v63  }
0xac: {  	_ =	swait.ge [sflag:s22], $0x8000  }
0xad: {  	s5 =	sld [smem:$0x7E7]  }
0xae: {  	[sflag:s22] =	ssyncset.done $0x0  }
0xaf: {  	s28 =	simm.s32 $0x3;
	[sflag:s22] =	ssyncadd.s32 $0xFFFF8000  }
0xb0: {  	[hbm4b:s5+s0] =	stream.linear.scatter [tilespmem:s23], [sflag:$0x2], $0x8000, $0x38;
	[tilespmem:$0x18000] =	vst v63  }
0xb1: {  	_ =	swait.ge [sflag:s28], $0x8000  }
0xb2: {  	s5 =	smov.u32 s31;
	s31 =	smov.u32 s30;
	[sflag:s28] =	ssyncset.done $0x0  }
0xb3: {  	s30 =	smov.u32 s29;
	s29 =	rddreg [dreg:$0xc];
	[sflag:s28] =	ssyncadd.s32 $0xFFFF8000  }
0xb4: {  	[tilespmem:s25], [sflag:$0x4] =	stream.linear.gather [hbm4b:s29+s0], $0x8000, $0x38;
	[tilespmem:$0x18000] =	vst v63  }
0xb5: {  	_ =	swait.ge [sflag:s22], $0x8000  }
0xb6: {  	s29 =	sld [smem:$0x7E8]  }
0xb7: {  	[sflag:s22] =	ssyncset.done $0x0  }
0xb8: {  	[sflag:s22] =	ssyncadd.s32 $0xFFFF8000  }
0xb9: {  	[hbm4b:s29+s0] =	stream.linear.scatter [tilespmem:s25], [sflag:$0x3], $0x8000, $0x38;
	[tilespmem:$0x18000] =	vst v63  }
0xba: {  	_ =	swait.ge [sflag:s26], $0x8000  }
0xbb: {  	[sflag:s26] =	ssyncset.done $0x0  }
0xbc: {  	s29 =	rddreg [dreg:$0xd];
	[sflag:s26] =	ssyncadd.s32 $0xFFFF8000  }
0xbd: {  	[tilespmem:s0], [sflag:$0x4] =	stream.linear.gather [hbm4b:s29+s0], $0x8000, $0x38;
	[tilespmem:$0x18000] =	vst v63  }
0xbe: {  	_ =	swait.ge [sflag:s22], $0x8000  }
0xbf: {  	s29 =	sld [smem:$0x7E9]  }
0xc0: {  	[sflag:s22] =	ssyncset.done $0x0  }
0xc1: {  	[sflag:s22] =	ssyncadd.s32 $0xFFFF8000  }
0xc2: {  	[hbm4b:s29+s0] =	stream.linear.scatter [tilespmem:s0], [sflag:$0x1], $0x8000, $0x38;
	[tilespmem:$0x18000] =	vst v63  }
0xc3: {  	_ =	swait.ge [sflag:s21], $0x8000  }
0xc4: {  	[sflag:s21] =	ssyncset.done $0x0  }
0xc5: {  	s29 =	rddreg [dreg:$0xe];
	[sflag:s21] =	ssyncadd.s32 $0xFFFF8000  }
0xc6: {  	[tilespmem:s23], [sflag:$0x4] =	stream.linear.gather [hbm4b:s29+s0], $0x8000, $0x38;
	[tilespmem:$0x18000] =	vst v63  }
0xc7: {  	s29 =	smov.u32 s30;
	_ =	swait.ge [sflag:s22], $0x8000  }
0xc8: {  	s30 =	smov.u32 s31;
	s31 =	smov.u32 s5;
	s5 =	sld [smem:$0x7EA]  }
0xc9: {  	[sflag:s22] =	ssyncset.done $0x0  }
0xca: {  	[sflag:s22] =	ssyncadd.s32 $0xFFFF8000  }
0xcb: {  	[hbm4b:s5+s0] =	stream.linear.scatter [tilespmem:s23], [sflag:$0x2], $0x8000, $0x38;
	[tilespmem:$0x18000] =	vst v63  }
.LBB2_4:
0xcc: {  	_ =	swait.ge [sflag:s26], $0x8000  }
0xcd: {  	[sflag:s26] =	ssyncset.done $0x0  }
0xce: {  	[sflag:s26] =	ssyncadd.s32 $0xFFFF8000  }
0xcf: {  	_ =	swait.ge [sflag:s21], $0x8000  }
0xd0: {  	[sflag:s21] =	ssyncset.done $0x0  }
0xd1: {  	[sflag:s21] =	ssyncadd.s32 $0xFFFF8000  }
0xd2: {  	_ =	swait.ge [sflag:s28], $0x8000  }
0xd3: {  	[sflag:s28] =	ssyncset.done $0x0  }
0xd4: {  	[sflag:s28] =	ssyncadd.s32 $0xFFFF8000;
	s28 =	rddreg [dreg:$0x11]  }
0xd5: {  	[tilespmem:s0], [sflag:$0x4] =	stream.linear.gather [hbm4b:s28+s0], $0x8000, $0x38;
	[tilespmem:$0x18000] =	vst v63  }
0xd6: {  	_ =	swait.ge [sflag:s22], $0x8000  }
0xd7: {  	[sflag:s22] =	ssyncset.done $0x0  }
0xd8: {  	[sflag:s22] =	ssyncadd.s32 $0xFFFF8000  }
0xd9: {  	[hbm4b:s7+s0] =	stream.linear.scatter [tilespmem:s0], [sflag:$0x1], $0x8000, $0x38;
	[tilespmem:$0x18000] =	vst v63  }
0xda: {  	s5 =	rddreg [dreg:$0x12]  }
0xdb: {  	[tilespmem:s23], [sflag:$0x4] =	stream.linear.gather [hbm4b:s5+s0], $0x8000, $0x38;
	[tilespmem:$0x18000] =	vst v63  }
0xdc: {  	_ =	swait.ge [sflag:s22], $0x8000  }
0xdd: {  	[sflag:s22] =	ssyncset.done $0x0  }
0xde: {  	[sflag:s22] =	ssyncadd.s32 $0xFFFF8000  }
0xdf: {  	[hbm4b:s8+s0] =	stream.linear.scatter [tilespmem:s23], [sflag:$0x2], $0x8000, $0x38;
	[tilespmem:$0x18000] =	vst v63  }
0xe0: {  	_ = 	snop  }
0xe1: {  	[tilespmem:s25], [sflag:$0x4] =	stream.linear.gather [hbm4b:s29+s0], $0x8000, $0x38;
	[tilespmem:$0x18000] =	vst v63  }
0xe2: {  	_ =	swait.ge [sflag:s22], $0x8000  }
0xe3: {  	[sflag:s22] =	ssyncset.done $0x0  }
0xe4: {  	[sflag:s22] =	ssyncadd.s32 $0xFFFF8000  }
0xe5: {  	[hbm4b:s9+s0] =	stream.linear.scatter [tilespmem:s25], [sflag:$0x3], $0x8000, $0x38;
	[tilespmem:$0x18000] =	vst v63  }
0xe6: {  	_ =	swait.ge [sflag:s24], $0x8000  }
0xe7: {  	[sflag:s24] =	ssyncset.done $0x0  }
0xe8: {  	[sflag:s24] =	ssyncadd.s32 $0xFFFF8000  }
0xe9: {  	[tilespmem:s0], [sflag:$0x4] =	stream.linear.gather [hbm4b:s30+s0], $0x8000, $0x38;
	[tilespmem:$0x18000] =	vst v63  }
0xea: {  	_ =	swait.ge [sflag:s22], $0x8000  }
0xeb: {  	[sflag:s22] =	ssyncset.done $0x0  }
0xec: {  	[sflag:s22] =	ssyncadd.s32 $0xFFFF8000  }
0xed: {  	[hbm4b:s10+s0] =	stream.linear.scatter [tilespmem:s0], [sflag:$0x1], $0x8000, $0x38;
	[tilespmem:$0x18000] =	vst v63  }
0xee: {  	_ =	swait.ge [sflag:s21], $0x8000  }
0xef: {  	[sflag:s21] =	ssyncset.done $0x0  }
0xf0: {  	[sflag:s21] =	ssyncadd.s32 $0xFFFF8000  }
0xf1: {  	[tilespmem:s23], [sflag:$0x4] =	stream.linear.gather [hbm4b:s31+s0], $0x8000, $0x38;
	[tilespmem:$0x18000] =	vst v63  }
0xf2: {  	_ =	swait.ge [sflag:s22], $0x8000  }
0xf3: {  	[sflag:s22] =	ssyncset.done $0x0  }
0xf4: {  	[sflag:s22] =	ssyncadd.s32 $0xFFFF8000  }
0xf5: {  	[hbm4b:s11+s0] =	stream.linear.scatter [tilespmem:s23], [sflag:$0x2], $0x8000, $0x38;
	[tilespmem:$0x18000] =	vst v63  }
0xf6: {  	_ =	swait.ge [sflag:s20], $0x8000  }
0xf7: {  	[sflag:s20] =	ssyncset.done $0x0  }
0xf8: {  	s5 =	rddreg [dreg:$0x13];
	[sflag:s20] =	ssyncadd.s32 $0xFFFF8000  }
0xf9: {  	[tilespmem:s25], [sflag:$0x4] =	stream.linear.gather [hbm4b:s5+s0], $0x8000, $0x38;
	[tilespmem:$0x18000] =	vst v63  }
0xfa: {  	_ =	swait.ge [sflag:s22], $0x8000  }
0xfb: {  	[sflag:s22] =	ssyncset.done $0x0  }
0xfc: {  	[sflag:s22] =	ssyncadd.s32 $0xFFFF8000  }
0xfd: {  	[hbm4b:s12+s0] =	stream.linear.scatter [tilespmem:s25], [sflag:$0x3], $0x8000, $0x38;
	[tilespmem:$0x18000] =	vst v63  }
0xfe: {  	_ =	swait.ge [sflag:s24], $0x8000  }
0xff: {  	[sflag:s24] =	ssyncset.done $0x0  }
0x100: {  	s26 =	rddreg [dreg:$0x14];
	[sflag:s24] =	ssyncadd.s32 $0xFFFF8000  }
0x101: {  	[tilespmem:s0], [sflag:$0x4] =	stream.linear.gather [hbm4b:s26+s0], $0x8000, $0x38;
	[tilespmem:$0x18000] =	vst v63  }
0x102: {  	_ =	swait.ge [sflag:s22], $0x8000  }
0x103: {  	[sflag:s22] =	ssyncset.done $0x0  }
0x104: {  	[sflag:s22] =	ssyncadd.s32 $0xFFFF8000  }
0x105: {  	[hbm4b:s13+s0] =	stream.linear.scatter [tilespmem:s0], [sflag:$0x1], $0x8000, $0x38;
	[tilespmem:$0x18000] =	vst v63  }
0x106: {  	_ =	swait.ge [sflag:s21], $0x8000  }
0x107: {  	[sflag:s21] =	ssyncset.done $0x0  }
0x108: {  	s28 =	rddreg [dreg:$0x15];
	[sflag:s21] =	ssyncadd.s32 $0xFFFF8000  }
0x109: {  	[tilespmem:s23], [sflag:$0x4] =	stream.linear.gather [hbm4b:s28+s0], $0x8000, $0x38;
	[tilespmem:$0x18000] =	vst v63  }
0x10a: {  	_ =	swait.ge [sflag:s22], $0x8000  }
0x10b: {  	[sflag:s22] =	ssyncset.done $0x0  }
0x10c: {  	[sflag:s22] =	ssyncadd.s32 $0xFFFF8000  }
0x10d: {  	[hbm4b:s14+s0] =	stream.linear.scatter [tilespmem:s23], [sflag:$0x2], $0x8000, $0x38;
	[tilespmem:$0x18000] =	vst v63  }
0x10e: {  	_ =	swait.ge [sflag:s24], $0x8000  }
0x10f: {  	[sflag:s24] =	ssyncset.done $0x0  }
0x110: {  	[sflag:s24] =	ssyncadd.s32 $0xFFFF8000  }
0x111: {  	_ =	swait.ge [sflag:s21], $0x8000  }
0x112: {  	[sflag:s21] =	ssyncset.done $0x0  }
0x113: {  	[sflag:s21] =	ssyncadd.s32 $0xFFFF8000  }
0x114: {  	_ =	swait.ge [sflag:s20], $0x8000  }
0x115: {  	[sflag:s20] =	ssyncset.done $0x0  }
0x116: {  	s26 =	rddreg [dreg:$0x16];
	[sflag:s20] =	ssyncadd.s32 $0xFFFF8000  }
0x117: {  	[tilespmem:s0], [sflag:$0x4] =	stream.linear.gather [hbm4b:s26+s0], $0x8000, $0x38;
	[tilespmem:$0x18000] =	vst v63  }
0x118: {  	_ =	swait.ge [sflag:s22], $0x8000  }
0x119: {  	[sflag:s22] =	ssyncset.done $0x0  }
0x11a: {  	[sflag:s22] =	ssyncadd.s32 $0xFFFF8000  }
0x11b: {  	[hbm4b:s1+s0] =	stream.linear.scatter [tilespmem:s0], [sflag:$0x1], $0x8000, $0x38;
	[tilespmem:$0x18000] =	vst v63  }
0x11c: {  	s28 =	rddreg [dreg:$0x17]  }
0x11d: {  	[tilespmem:s23], [sflag:$0x4] =	stream.linear.gather [hbm4b:s28+s0], $0x8000, $0x38;
	[tilespmem:$0x18000] =	vst v63  }
0x11e: {  	_ =	swait.ge [sflag:s22], $0x8000  }
0x11f: {  	[sflag:s22] =	ssyncset.done $0x0  }
0x120: {  	[sflag:s22] =	ssyncadd.s32 $0xFFFF8000  }
0x121: {  	[hbm4b:s2+s0] =	stream.linear.scatter [tilespmem:s23], [sflag:$0x2], $0x8000, $0x38;
	[tilespmem:$0x18000] =	vst v63  }
0x122: {  	s26 =	rddreg [dreg:$0x18]  }
0x123: {  	[tilespmem:s25], [sflag:$0x4] =	stream.linear.gather [hbm4b:s26+s0], $0x8000, $0x38;
	[tilespmem:$0x18000] =	vst v63  }
0x124: {  	_ =	swait.ge [sflag:s22], $0x8000  }
0x125: {  	[sflag:s22] =	ssyncset.done $0x0  }
0x126: {  	[sflag:s22] =	ssyncadd.s32 $0xFFFF8000  }
0x127: {  	[hbm4b:s3+s0] =	stream.linear.scatter [tilespmem:s25], [sflag:$0x3], $0x8000, $0x38;
	[tilespmem:$0x18000] =	vst v63  }
0x128: {  	_ =	swait.ge [sflag:s24], $0x8000  }
0x129: {  	[sflag:s24] =	ssyncset.done $0x0  }
0x12a: {  	s28 =	rddreg [dreg:$0x19];
	[sflag:s24] =	ssyncadd.s32 $0xFFFF8000  }
0x12b: {  	[tilespmem:s0], [sflag:$0x4] =	stream.linear.gather [hbm4b:s28+s0], $0x8000, $0x38;
	[tilespmem:$0x18000] =	vst v63  }
0x12c: {  	_ =	swait.ge [sflag:s22], $0x8000  }
0x12d: {  	[sflag:s22] =	ssyncset.done $0x0  }
0x12e: {  	[sflag:s22] =	ssyncadd.s32 $0xFFFF8000  }
0x12f: {  	[hbm4b:s4+s0] =	stream.linear.scatter [tilespmem:s0], [sflag:$0x1], $0x8000, $0x38;
	[tilespmem:$0x18000] =	vst v63  }
0x130: {  	_ =	swait.ge [sflag:s21], $0x8000  }
0x131: {  	[sflag:s21] =	ssyncset.done $0x0  }
0x132: {  	s26 =	rddreg [dreg:$0x1a];
	[sflag:s21] =	ssyncadd.s32 $0xFFFF8000  }
0x133: {  	[tilespmem:s23], [sflag:$0x4] =	stream.linear.gather [hbm4b:s26+s0], $0x8000, $0x38;
	[tilespmem:$0x18000] =	vst v63  }
0x134: {  	_ =	swait.ge [sflag:s22], $0x8000  }
0x135: {  	[sflag:s22] =	ssyncset.done $0x0  }
0x136: {  	[sflag:s22] =	ssyncadd.s32 $0xFFFF8000  }
0x137: {  	[hbm4b:s15+s0] =	stream.linear.scatter [tilespmem:s23], [sflag:$0x2], $0x8000, $0x38;
	[tilespmem:$0x18000] =	vst v63  }
0x138: {  	_ =	swait.ge [sflag:s20], $0x8000  }
0x139: {  	[sflag:s20] =	ssyncset.done $0x0  }
0x13a: {  	s28 =	rddreg [dreg:$0x1b];
	[sflag:s20] =	ssyncadd.s32 $0xFFFF8000  }
0x13b: {  	[tilespmem:s25], [sflag:$0x4] =	stream.linear.gather [hbm4b:s28+s0], $0x8000, $0x38;
	[tilespmem:$0x18000] =	vst v63  }
0x13c: {  	_ =	swait.ge [sflag:s22], $0x8000  }
0x13d: {  	[sflag:s22] =	ssyncset.done $0x0  }
0x13e: {  	[sflag:s22] =	ssyncadd.s32 $0xFFFF8000  }
0x13f: {  	[hbm4b:s16+s0] =	stream.linear.scatter [tilespmem:s25], [sflag:$0x3], $0x8000, $0x38;
	[tilespmem:$0x18000] =	vst v63  }
0x140: {  	_ =	swait.ge [sflag:s24], $0x8000  }
0x141: {  	[sflag:s24] =	ssyncset.done $0x0  }
0x142: {  	s26 =	rddreg [dreg:$0x1c];
	[sflag:s24] =	ssyncadd.s32 $0xFFFF8000  }
0x143: {  	[tilespmem:s0], [sflag:$0x4] =	stream.linear.gather [hbm4b:s26+s0], $0x8000, $0x38;
	[tilespmem:$0x18000] =	vst v63  }
0x144: {  	_ =	swait.ge [sflag:s22], $0x8000  }
0x145: {  	[sflag:s22] =	ssyncset.done $0x0  }
0x146: {  	[sflag:s22] =	ssyncadd.s32 $0xFFFF8000  }
0x147: {  	[hbm4b:s17+s0] =	stream.linear.scatter [tilespmem:s0], [sflag:$0x1], $0x8000, $0x38;
	[tilespmem:$0x18000] =	vst v63  }
0x148: {  	_ =	swait.ge [sflag:s21], $0x8000  }
0x149: {  	[sflag:s21] =	ssyncset.done $0x0  }
0x14a: {  	s28 =	rddreg [dreg:$0x1d];
	[sflag:s21] =	ssyncadd.s32 $0xFFFF8000  }
0x14b: {  	[tilespmem:s23], [sflag:$0x4] =	stream.linear.gather [hbm4b:s28+s0], $0x8000, $0x38;
	[tilespmem:$0x18000] =	vst v63  }
0x14c: {  	_ =	swait.ge [sflag:s22], $0x8000  }
0x14d: {  	[sflag:s22] =	ssyncset.done $0x0  }
0x14e: {  	[sflag:s22] =	ssyncadd.s32 $0xFFFF8000  }
0x14f: {  	[hbm4b:s18+s0] =	stream.linear.scatter [tilespmem:s23], [sflag:$0x2], $0x8000, $0x38;
	[tilespmem:$0x18000] =	vst v63  }
0x150: {  	_ =	swait.ge [sflag:s24], $0x8000  }
0x151: {  	[sflag:s24] =	ssyncset.done $0x0  }
0x152: {  	s19 =	sadd.s32 $0xFFFFFFFF, s19;
	[sflag:s24] =	ssyncadd.s32 $0xFFFF8000  }
0x153: {  	p1 =	sne.s32 s19, $0x0;
	_ =	swait.ge [sflag:s21], $0x8000  }
.Ltmp1:
0x154: {  	[sflag:s21] =	ssyncset.done $0x0;
	(pc) =	sbr.rel @!p1 .LBB2_5-.Ltmp1, $4  }
0x155: {  	[sflag:s21] =	ssyncadd.s32 $0xFFFF8000  }
0x156: {  	_ =	swait.ge [sflag:s20], $0x8000  }
0x157: {  	[sflag:s20] =	ssyncset.done $0x0  }
0x158: {  	[sflag:s20] =	ssyncadd.s32 $0xFFFF8000  }
.LBB2_1:
0x159: {  	s26 =	rddreg [dreg:$0x3]  }
0x15a: {  	[tilespmem:s0], [sflag:$0x4] =	stream.linear.gather [hbm4b:s26+s0], $0x8000, $0x38;
	[tilespmem:$0x18000] =	vst v63  }
0x15b: {  	_ =	swait.ge [sflag:s22], $0x8000  }
0x15c: {  	[sflag:s22] =	ssyncset.done $0x0;
	s5 =	rddreg [dreg:$0x1e]  }
0x15d: {  	s28 =	sld [smem:$0x7C6];
	[sflag:s22] =	ssyncadd.s32 $0xFFFF8000  }
0x15e: {  	[hbm4b:s5+s0] =	stream.linear.scatter [tilespmem:s0], [sflag:$0x1], $0x8000, $0x38;
	[tilespmem:$0x18000] =	vst v63  }
0x15f: {  	s26 =	sld [smem:$0x7C8]  }
0x160: {  	[hbm4b:s28+s0] =	stream.linear.scatter [tilespmem:s0], [sflag:$0x1], $0x8000, $0x38;
	[tilespmem:$0x18000] =	vst v63  }
0x161: {  	s28 =	sld [smem:$0x7CA]  }
0x162: {  	[hbm4b:s26+s0] =	stream.linear.scatter [tilespmem:s0], [sflag:$0x1], $0x8000, $0x38;
	[tilespmem:$0x18000] =	vst v63  }
0x163: {  	s26 =	sld [smem:$0x7CC]  }
0x164: {  	[hbm4b:s28+s0] =	stream.linear.scatter [tilespmem:s0], [sflag:$0x1], $0x8000, $0x38;
	[tilespmem:$0x18000] =	vst v63  }
0x165: {  	s28 =	sld [smem:$0x7CE]  }
0x166: {  	[hbm4b:s26+s0] =	stream.linear.scatter [tilespmem:s0], [sflag:$0x1], $0x8000, $0x38;
	[tilespmem:$0x18000] =	vst v63  }
0x167: {  	s26 =	sld [smem:$0x7D0]  }
0x168: {  	[hbm4b:s28+s0] =	stream.linear.scatter [tilespmem:s0], [sflag:$0x1], $0x8000, $0x38;
	[tilespmem:$0x18000] =	vst v63  }
0x169: {  	s28 =	sld [smem:$0x7D2]  }
0x16a: {  	[hbm4b:s26+s0] =	stream.linear.scatter [tilespmem:s0], [sflag:$0x1], $0x8000, $0x38;
	[tilespmem:$0x18000] =	vst v63  }
0x16b: {  	_ = 	snop  }
0x16c: {  	[hbm4b:s28+s0] =	stream.linear.scatter [tilespmem:s0], [sflag:$0x1], $0x8000, $0x38;
	[tilespmem:$0x18000] =	vst v63  }
0x16d: {  	s5 =	rddreg [dreg:$0x4]  }
0x16e: {  	[tilespmem:s23], [sflag:$0x4] =	stream.linear.gather [hbm4b:s5+s0], $0x8000, $0x38;
	[tilespmem:$0x18000] =	vst v63  }
0x16f: {  	_ =	swait.ge [sflag:s22], $0x8000  }
0x170: {  	[sflag:s22] =	ssyncset.done $0x0;
	s26 =	rddreg [dreg:$0x1f]  }
0x171: {  	s28 =	sld [smem:$0x7C7];
	[sflag:s22] =	ssyncadd.s32 $0xFFFF8000  }
0x172: {  	[hbm4b:s26+s0] =	stream.linear.scatter [tilespmem:s23], [sflag:$0x2], $0x8000, $0x38;
	[tilespmem:$0x18000] =	vst v63  }
0x173: {  	s26 =	sld [smem:$0x7C9]  }
0x174: {  	[hbm4b:s28+s0] =	stream.linear.scatter [tilespmem:s23], [sflag:$0x2], $0x8000, $0x38;
	[tilespmem:$0x18000] =	vst v63  }
0x175: {  	s28 =	sld [smem:$0x7CB]  }
0x176: {  	[hbm4b:s26+s0] =	stream.linear.scatter [tilespmem:s23], [sflag:$0x2], $0x8000, $0x38;
	[tilespmem:$0x18000] =	vst v63  }
0x177: {  	s26 =	sld [smem:$0x7CD]  }
0x178: {  	[hbm4b:s28+s0] =	stream.linear.scatter [tilespmem:s23], [sflag:$0x2], $0x8000, $0x38;
	[tilespmem:$0x18000] =	vst v63  }
0x179: {  	s28 =	sld [smem:$0x7CF]  }
0x17a: {  	[hbm4b:s26+s0] =	stream.linear.scatter [tilespmem:s23], [sflag:$0x2], $0x8000, $0x38;
	[tilespmem:$0x18000] =	vst v63  }
0x17b: {  	s26 =	sld [smem:$0x7D1]  }
0x17c: {  	[hbm4b:s28+s0] =	stream.linear.scatter [tilespmem:s23], [sflag:$0x2], $0x8000, $0x38;
	[tilespmem:$0x18000] =	vst v63  }
0x17d: {  	s28 =	sld [smem:$0x7D3]  }
0x17e: {  	[hbm4b:s26+s0] =	stream.linear.scatter [tilespmem:s23], [sflag:$0x2], $0x8000, $0x38;
	[tilespmem:$0x18000] =	vst v63  }
0x17f: {  	_ = 	snop  }
0x180: {  	[hbm4b:s28+s0] =	stream.linear.scatter [tilespmem:s23], [sflag:$0x2], $0x8000, $0x38;
	[tilespmem:$0x18000] =	vst v63  }
0x181: {  	_ =	swait.ge [sflag:s24], $0x8000  }
0x182: {  	[sflag:s24] =	ssyncset.done $0x0  }
0x183: {  	[sflag:s24] =	ssyncadd.s32 $0xFFFF8000  }
0x184: {  	_ =	swait.ge [sflag:s24], $0x8000  }
0x185: {  	[sflag:s24] =	ssyncset.done $0x0  }
0x186: {  	[sflag:s24] =	ssyncadd.s32 $0xFFFF8000  }
0x187: {  	_ =	swait.ge [sflag:s24], $0x8000  }
0x188: {  	[sflag:s24] =	ssyncset.done $0x0  }
0x189: {  	[sflag:s24] =	ssyncadd.s32 $0xFFFF8000  }
0x18a: {  	_ =	swait.ge [sflag:s24], $0x8000  }
0x18b: {  	[sflag:s24] =	ssyncset.done $0x0  }
0x18c: {  	[sflag:s24] =	ssyncadd.s32 $0xFFFF8000  }
0x18d: {  	_ =	swait.ge [sflag:s24], $0x8000  }
0x18e: {  	[sflag:s24] =	ssyncset.done $0x0  }
0x18f: {  	[sflag:s24] =	ssyncadd.s32 $0xFFFF8000  }
0x190: {  	_ =	swait.ge [sflag:s24], $0x8000  }
0x191: {  	[sflag:s24] =	ssyncset.done $0x0  }
0x192: {  	[sflag:s24] =	ssyncadd.s32 $0xFFFF8000  }
0x193: {  	_ =	swait.ge [sflag:s24], $0x8000  }
0x194: {  	[sflag:s24] =	ssyncset.done $0x0  }
0x195: {  	[sflag:s24] =	ssyncadd.s32 $0xFFFF8000  }
0x196: {  	_ =	swait.ge [sflag:s24], $0x8000  }
0x197: {  	[sflag:s24] =	ssyncset.done $0x0  }
0x198: {  	[sflag:s24] =	ssyncadd.s32 $0xFFFF8000  }
0x199: {  	_ =	swait.ge [sflag:s21], $0x8000  }
0x19a: {  	[sflag:s21] =	ssyncset.done $0x0  }
0x19b: {  	[sflag:s21] =	ssyncadd.s32 $0xFFFF8000  }
0x19c: {  	_ =	swait.ge [sflag:s21], $0x8000  }
0x19d: {  	[sflag:s21] =	ssyncset.done $0x0  }
0x19e: {  	[sflag:s21] =	ssyncadd.s32 $0xFFFF8000  }
0x19f: {  	_ =	swait.ge [sflag:s21], $0x8000  }
0x1a0: {  	[sflag:s21] =	ssyncset.done $0x0  }
0x1a1: {  	[sflag:s21] =	ssyncadd.s32 $0xFFFF8000  }
0x1a2: {  	_ =	swait.ge [sflag:s21], $0x8000  }
0x1a3: {  	[sflag:s21] =	ssyncset.done $0x0  }
0x1a4: {  	[sflag:s21] =	ssyncadd.s32 $0xFFFF8000  }
0x1a5: {  	_ =	swait.ge [sflag:s21], $0x8000  }
0x1a6: {  	[sflag:s21] =	ssyncset.done $0x0  }
0x1a7: {  	[sflag:s21] =	ssyncadd.s32 $0xFFFF8000  }
0x1a8: {  	_ =	swait.ge [sflag:s21], $0x8000  }
0x1a9: {  	[sflag:s21] =	ssyncset.done $0x0  }
0x1aa: {  	[sflag:s21] =	ssyncadd.s32 $0xFFFF8000  }
0x1ab: {  	_ =	swait.ge [sflag:s21], $0x8000  }
0x1ac: {  	[sflag:s21] =	ssyncset.done $0x0  }
0x1ad: {  	[sflag:s21] =	ssyncadd.s32 $0xFFFF8000  }
0x1ae: {  	_ =	swait.ge [sflag:s21], $0x8000  }
0x1af: {  	[sflag:s21] =	ssyncset.done $0x0  }
0x1b0: {  	s5 =	rddreg [dreg:$0x5];
	[sflag:s21] =	ssyncadd.s32 $0xFFFF8000  }
0x1b1: {  	[tilespmem:s0], [sflag:$0x4] =	stream.linear.gather [hbm4b:s5+s0], $0x8000, $0x38;
	[tilespmem:$0x18000] =	vst v63  }
0x1b2: {  	_ =	swait.ge [sflag:s22], $0x8000  }
0x1b3: {  	s26 =	sld [smem:$0x7D4]  }
0x1b4: {  	[sflag:s22] =	ssyncset.done $0x0  }
0x1b5: {  	s28 =	sld [smem:$0x7D6];
	[sflag:s22] =	ssyncadd.s32 $0xFFFF8000  }
0x1b6: {  	[hbm4b:s26+s0] =	stream.linear.scatter [tilespmem:s0], [sflag:$0x1], $0x8000, $0x38;
	[tilespmem:$0x18000] =	vst v63  }
0x1b7: {  	s26 =	sld [smem:$0x7D8]  }
0x1b8: {  	[hbm4b:s28+s0] =	stream.linear.scatter [tilespmem:s0], [sflag:$0x1], $0x8000, $0x38;
	[tilespmem:$0x18000] =	vst v63  }
0x1b9: {  	s28 =	sld [smem:$0x7DA]  }
0x1ba: {  	[hbm4b:s26+s0] =	stream.linear.scatter [tilespmem:s0], [sflag:$0x1], $0x8000, $0x38;
	[tilespmem:$0x18000] =	vst v63  }
0x1bb: {  	s26 =	sld [smem:$0x7DC]  }
0x1bc: {  	[hbm4b:s28+s0] =	stream.linear.scatter [tilespmem:s0], [sflag:$0x1], $0x8000, $0x38;
	[tilespmem:$0x18000] =	vst v63  }
0x1bd: {  	s28 =	sld [smem:$0x7DE]  }
0x1be: {  	[hbm4b:s26+s0] =	stream.linear.scatter [tilespmem:s0], [sflag:$0x1], $0x8000, $0x38;
	[tilespmem:$0x18000] =	vst v63  }
0x1bf: {  	s26 =	sld [smem:$0x7E0]  }
0x1c0: {  	[hbm4b:s28+s0] =	stream.linear.scatter [tilespmem:s0], [sflag:$0x1], $0x8000, $0x38;
	[tilespmem:$0x18000] =	vst v63  }
0x1c1: {  	s28 =	sld [smem:$0x7E2]  }
0x1c2: {  	[hbm4b:s26+s0] =	stream.linear.scatter [tilespmem:s0], [sflag:$0x1], $0x8000, $0x38;
	[tilespmem:$0x18000] =	vst v63  }
0x1c3: {  	_ = 	snop  }
0x1c4: {  	[hbm4b:s28+s0] =	stream.linear.scatter [tilespmem:s0], [sflag:$0x1], $0x8000, $0x38;
	[tilespmem:$0x18000] =	vst v63  }
0x1c5: {  	s5 =	rddreg [dreg:$0x6]  }
0x1c6: {  	[tilespmem:s23], [sflag:$0x4] =	stream.linear.gather [hbm4b:s5+s0], $0x8000, $0x38;
	[tilespmem:$0x18000] =	vst v63  }
0x1c7: {  	_ =	swait.ge [sflag:s22], $0x8000  }
0x1c8: {  	s28 =	sld [smem:$0x7D5]  }
0x1c9: {  	[sflag:s22] =	ssyncset.done $0x0  }
0x1ca: {  	s26 =	sld [smem:$0x7D7];
	[sflag:s22] =	ssyncadd.s32 $0xFFFF8000  }
0x1cb: {  	[hbm4b:s28+s0] =	stream.linear.scatter [tilespmem:s23], [sflag:$0x2], $0x8000, $0x38;
	[tilespmem:$0x18000] =	vst v63  }
0x1cc: {  	s28 =	sld [smem:$0x7D9]  }
0x1cd: {  	[hbm4b:s26+s0] =	stream.linear.scatter [tilespmem:s23], [sflag:$0x2], $0x8000, $0x38;
	[tilespmem:$0x18000] =	vst v63  }
0x1ce: {  	s26 =	sld [smem:$0x7DB]  }
0x1cf: {  	[hbm4b:s28+s0] =	stream.linear.scatter [tilespmem:s23], [sflag:$0x2], $0x8000, $0x38;
	[tilespmem:$0x18000] =	vst v63  }
0x1d0: {  	s28 =	sld [smem:$0x7DD]  }
0x1d1: {  	[hbm4b:s26+s0] =	stream.linear.scatter [tilespmem:s23], [sflag:$0x2], $0x8000, $0x38;
	[tilespmem:$0x18000] =	vst v63  }
0x1d2: {  	s26 =	sld [smem:$0x7DF]  }
0x1d3: {  	[hbm4b:s28+s0] =	stream.linear.scatter [tilespmem:s23], [sflag:$0x2], $0x8000, $0x38;
	[tilespmem:$0x18000] =	vst v63  }
0x1d4: {  	s28 =	sld [smem:$0x7E1]  }
0x1d5: {  	[hbm4b:s26+s0] =	stream.linear.scatter [tilespmem:s23], [sflag:$0x2], $0x8000, $0x38;
	[tilespmem:$0x18000] =	vst v63  }
0x1d6: {  	_ = 	snop  }
0x1d7: {  	[hbm4b:s28+s0] =	stream.linear.scatter [tilespmem:s23], [sflag:$0x2], $0x8000, $0x38;
	[tilespmem:$0x18000] =	vst v63  }
0x1d8: {  	_ = 	snop  }
0x1d9: {  	[hbm4b:s6+s0] =	stream.linear.scatter [tilespmem:s23], [sflag:$0x2], $0x8000, $0x38;
	[tilespmem:$0x18000] =	vst v63  }
0x1da: {  	_ =	swait.ge [sflag:s24], $0x8000  }
0x1db: {  	[sflag:s24] =	ssyncset.done $0x0  }
0x1dc: {  	[sflag:s24] =	ssyncadd.s32 $0xFFFF8000  }
0x1dd: {  	_ =	swait.ge [sflag:s24], $0x8000  }
0x1de: {  	[sflag:s24] =	ssyncset.done $0x0  }
0x1df: {  	[sflag:s24] =	ssyncadd.s32 $0xFFFF8000  }
0x1e0: {  	_ =	swait.ge [sflag:s24], $0x8000  }
0x1e1: {  	[sflag:s24] =	ssyncset.done $0x0  }
0x1e2: {  	[sflag:s24] =	ssyncadd.s32 $0xFFFF8000  }
0x1e3: {  	_ =	swait.ge [sflag:s24], $0x8000  }
0x1e4: {  	[sflag:s24] =	ssyncset.done $0x0  }
0x1e5: {  	[sflag:s24] =	ssyncadd.s32 $0xFFFF8000  }
0x1e6: {  	_ =	swait.ge [sflag:s24], $0x8000  }
0x1e7: {  	[sflag:s24] =	ssyncset.done $0x0  }
0x1e8: {  	[sflag:s24] =	ssyncadd.s32 $0xFFFF8000  }
0x1e9: {  	_ =	swait.ge [sflag:s24], $0x8000  }
0x1ea: {  	[sflag:s24] =	ssyncset.done $0x0  }
0x1eb: {  	[sflag:s24] =	ssyncadd.s32 $0xFFFF8000  }
0x1ec: {  	_ =	swait.ge [sflag:s24], $0x8000  }
0x1ed: {  	[sflag:s24] =	ssyncset.done $0x0  }
0x1ee: {  	[sflag:s24] =	ssyncadd.s32 $0xFFFF8000  }
0x1ef: {  	_ =	swait.ge [sflag:s24], $0x8000  }
0x1f0: {  	[sflag:s24] =	ssyncset.done $0x0  }
0x1f1: {  	[sflag:s24] =	ssyncadd.s32 $0xFFFF8000  }
0x1f2: {  	_ =	swait.ge [sflag:s21], $0x8000  }
0x1f3: {  	[sflag:s21] =	ssyncset.done $0x0  }
0x1f4: {  	[sflag:s21] =	ssyncadd.s32 $0xFFFF8000  }
0x1f5: {  	_ =	swait.ge [sflag:s21], $0x8000  }
0x1f6: {  	[sflag:s21] =	ssyncset.done $0x0  }
0x1f7: {  	[sflag:s21] =	ssyncadd.s32 $0xFFFF8000  }
0x1f8: {  	_ =	swait.ge [sflag:s21], $0x8000  }
0x1f9: {  	[sflag:s21] =	ssyncset.done $0x0  }
0x1fa: {  	[sflag:s21] =	ssyncadd.s32 $0xFFFF8000  }
0x1fb: {  	_ =	swait.ge [sflag:s21], $0x8000  }
0x1fc: {  	[sflag:s21] =	ssyncset.done $0x0  }
0x1fd: {  	[sflag:s21] =	ssyncadd.s32 $0xFFFF8000  }
0x1fe: {  	_ =	swait.ge [sflag:s21], $0x8000  }
0x1ff: {  	[sflag:s21] =	ssyncset.done $0x0  }
0x200: {  	[sflag:s21] =	ssyncadd.s32 $0xFFFF8000  }
0x201: {  	_ =	swait.ge [sflag:s21], $0x8000  }
0x202: {  	[sflag:s21] =	ssyncset.done $0x0  }
0x203: {  	[sflag:s21] =	ssyncadd.s32 $0xFFFF8000  }
0x204: {  	_ =	swait.ge [sflag:s21], $0x8000  }
.Ltmp2:
0x205: {  	[sflag:s21] =	ssyncset.done $0x0;
	(pc) =	sbr.rel @p0 .LBB2_3-.Ltmp2, $4  }
0x206: {  	[sflag:s21] =	ssyncadd.s32 $0xFFFF8000  }
0x207: {  	_ =	swait.ge [sflag:s21], $0x8000  }
0x208: {  	[sflag:s21] =	ssyncset.done $0x0  }
0x209: {  	[sflag:s21] =	ssyncadd.s32 $0xFFFF8000  }
0x20a: {  	s26 =	rddreg [dreg:$0xf]  }
0x20b: {  	[tilespmem:s0], [sflag:$0x4] =	stream.linear.gather [hbm4b:s26+s0], $0x8000, $0x38;
	[tilespmem:$0x18000] =	vst v63  }
0x20c: {  	_ =	swait.ge [sflag:s22], $0x8000  }
0x20d: {  	s5 =	sld [smem:$0x7EB]  }
0x20e: {  	[sflag:s22] =	ssyncset.done $0x0  }
0x20f: {  	s26 =	sld [smem:$0x7ED];
	[sflag:s22] =	ssyncadd.s32 $0xFFFF8000  }
0x210: {  	[hbm4b:s5+s0] =	stream.linear.scatter [tilespmem:s0], [sflag:$0x1], $0x8000, $0x38;
	[tilespmem:$0x18000] =	vst v63  }
0x211: {  	_ = 	snop  }
0x212: {  	[hbm4b:s26+s0] =	stream.linear.scatter [tilespmem:s0], [sflag:$0x1], $0x8000, $0x38;
	[tilespmem:$0x18000] =	vst v63  }
0x213: {  	s26 =	sld [smem:$0x7EF];
	_ =	sdelay $0x2  }
0x214: {  	[hbm4b:s26+s0] =	stream.linear.scatter [tilespmem:s0], [sflag:$0x1], $0x8000, $0x38;
	[tilespmem:$0x18000] =	vst v63  }
0x215: {  	s26 =	sld [smem:$0x7F1];
	_ =	sdelay $0x2  }
0x216: {  	[hbm4b:s26+s0] =	stream.linear.scatter [tilespmem:s0], [sflag:$0x1], $0x8000, $0x38;
	[tilespmem:$0x18000] =	vst v63  }
0x217: {  	s26 =	sld [smem:$0x7F3];
	_ =	sdelay $0x2  }
0x218: {  	[hbm4b:s26+s0] =	stream.linear.scatter [tilespmem:s0], [sflag:$0x1], $0x8000, $0x38;
	[tilespmem:$0x18000] =	vst v63  }
0x219: {  	s26 =	sld [smem:$0x7F5];
	_ =	sdelay $0x2  }
0x21a: {  	[hbm4b:s26+s0] =	stream.linear.scatter [tilespmem:s0], [sflag:$0x1], $0x8000, $0x38;
	[tilespmem:$0x18000] =	vst v63  }
0x21b: {  	s26 =	sld [smem:$0x7F7];
	_ =	sdelay $0x2  }
0x21c: {  	[hbm4b:s26+s0] =	stream.linear.scatter [tilespmem:s0], [sflag:$0x1], $0x8000, $0x38;
	[tilespmem:$0x18000] =	vst v63  }
0x21d: {  	s26 =	sld [smem:$0x7F9];
	_ =	sdelay $0x2  }
0x21e: {  	[hbm4b:s26+s0] =	stream.linear.scatter [tilespmem:s0], [sflag:$0x1], $0x8000, $0x38;
	[tilespmem:$0x18000] =	vst v63  }
0x21f: {  	s5 =	rddreg [dreg:$0x10]  }
0x220: {  	[tilespmem:s23], [sflag:$0x4] =	stream.linear.gather [hbm4b:s5+s0], $0x8000, $0x38;
	[tilespmem:$0x18000] =	vst v63  }
0x221: {  	_ =	swait.ge [sflag:s22], $0x8000  }
0x222: {  	s26 =	sld [smem:$0x7EC]  }
0x223: {  	[sflag:s22] =	ssyncset.done $0x0  }
0x224: {  	[sflag:s22] =	ssyncadd.s32 $0xFFFF8000  }
0x225: {  	[hbm4b:s26+s0] =	stream.linear.scatter [tilespmem:s23], [sflag:$0x2], $0x8000, $0x38;
	[tilespmem:$0x18000] =	vst v63  }
0x226: {  	s26 =	sld [smem:$0x7EE];
	_ =	sdelay $0x2  }
0x227: {  	[hbm4b:s26+s0] =	stream.linear.scatter [tilespmem:s23], [sflag:$0x2], $0x8000, $0x38;
	[tilespmem:$0x18000] =	vst v63  }
0x228: {  	s26 =	sld [smem:$0x7F0];
	_ =	sdelay $0x2  }
0x229: {  	[hbm4b:s26+s0] =	stream.linear.scatter [tilespmem:s23], [sflag:$0x2], $0x8000, $0x38;
	[tilespmem:$0x18000] =	vst v63  }
0x22a: {  	s26 =	sld [smem:$0x7F2];
	_ =	sdelay $0x2  }
0x22b: {  	[hbm4b:s26+s0] =	stream.linear.scatter [tilespmem:s23], [sflag:$0x2], $0x8000, $0x38;
	[tilespmem:$0x18000] =	vst v63  }
0x22c: {  	s26 =	sld [smem:$0x7F4];
	_ =	sdelay $0x2  }
0x22d: {  	[hbm4b:s26+s0] =	stream.linear.scatter [tilespmem:s23], [sflag:$0x2], $0x8000, $0x38;
	[tilespmem:$0x18000] =	vst v63  }
0x22e: {  	s26 =	sld [smem:$0x7F6];
	_ =	sdelay $0x2  }
0x22f: {  	[hbm4b:s26+s0] =	stream.linear.scatter [tilespmem:s23], [sflag:$0x2], $0x8000, $0x38;
	[tilespmem:$0x18000] =	vst v63  }
0x230: {  	s26 =	sld [smem:$0x7F8];
	_ =	sdelay $0x2  }
0x231: {  	[hbm4b:s26+s0] =	stream.linear.scatter [tilespmem:s23], [sflag:$0x2], $0x8000, $0x38;
	[tilespmem:$0x18000] =	vst v63  }
0x232: {  	s26 =	sld [smem:$0x7FA];
	_ =	sdelay $0x2  }
0x233: {  	[hbm4b:s26+s0] =	stream.linear.scatter [tilespmem:s23], [sflag:$0x2], $0x8000, $0x38;
	[tilespmem:$0x18000] =	vst v63  }
0x234: {  	_ =	swait.ge [sflag:s24], $0x8000  }
0x235: {  	[sflag:s24] =	ssyncset.done $0x0  }
0x236: {  	[sflag:s24] =	ssyncadd.s32 $0xFFFF8000  }
0x237: {  	_ =	swait.ge [sflag:s24], $0x8000  }
0x238: {  	[sflag:s24] =	ssyncset.done $0x0  }
0x239: {  	[sflag:s24] =	ssyncadd.s32 $0xFFFF8000  }
0x23a: {  	_ =	swait.ge [sflag:s24], $0x8000  }
0x23b: {  	[sflag:s24] =	ssyncset.done $0x0  }
0x23c: {  	[sflag:s24] =	ssyncadd.s32 $0xFFFF8000  }
0x23d: {  	_ =	swait.ge [sflag:s24], $0x8000  }
0x23e: {  	[sflag:s24] =	ssyncset.done $0x0  }
0x23f: {  	[sflag:s24] =	ssyncadd.s32 $0xFFFF8000  }
0x240: {  	_ =	swait.ge [sflag:s24], $0x8000  }
0x241: {  	[sflag:s24] =	ssyncset.done $0x0  }
0x242: {  	[sflag:s24] =	ssyncadd.s32 $0xFFFF8000  }
0x243: {  	_ =	swait.ge [sflag:s24], $0x8000  }
0x244: {  	[sflag:s24] =	ssyncset.done $0x0  }
0x245: {  	[sflag:s24] =	ssyncadd.s32 $0xFFFF8000  }
0x246: {  	_ =	swait.ge [sflag:s24], $0x8000  }
0x247: {  	[sflag:s24] =	ssyncset.done $0x0  }
0x248: {  	[sflag:s24] =	ssyncadd.s32 $0xFFFF8000  }
0x249: {  	_ =	swait.ge [sflag:s24], $0x8000  }
0x24a: {  	[sflag:s24] =	ssyncset.done $0x0  }
0x24b: {  	s26 =	simm.s32 $0x2;
	[sflag:s24] =	ssyncadd.s32 $0xFFFF8000  }
0x24c: {  	_ =	swait.ge [sflag:s26], $0x8000  }
0x24d: {  	[sflag:s26] =	ssyncset.done $0x0  }
0x24e: {  	[sflag:s26] =	ssyncadd.s32 $0xFFFF8000  }
0x24f: {  	_ =	swait.ge [sflag:s26], $0x8000  }
0x250: {  	[sflag:s26] =	ssyncset.done $0x0  }
0x251: {  	[sflag:s26] =	ssyncadd.s32 $0xFFFF8000  }
0x252: {  	_ =	swait.ge [sflag:s26], $0x8000  }
0x253: {  	[sflag:s26] =	ssyncset.done $0x0  }
0x254: {  	[sflag:s26] =	ssyncadd.s32 $0xFFFF8000  }
0x255: {  	_ =	swait.ge [sflag:s26], $0x8000  }
.Ltmp3:
0x256: {  	[sflag:s26] =	ssyncset.done $0x0;
	(pc) =	sbr.rel .LBB2_4-.Ltmp3, $4  }
0x257: {  	[sflag:s26] =	ssyncadd.s32 $0xFFFF8000  }
0x258: {  	_ =	swait.ge [sflag:s26], $0x8000  }
0x259: {  	[sflag:s26] =	ssyncset.done $0x0  }
0x25a: {  	s28 =	simm.s32 $0x2;
	[sflag:s26] =	ssyncadd.s32 $0xFFFF8000  }
.LBB2_5:
0x25b: {  	_ =	sfence.sel $0x180000  }
0x25c: {  	[bflag:$0x0] =	sbarrier.arrive $0xFFFF  }
0x25d: {  	_ =	strace $0x90000047  }
0x25e: {  	s0 =	stileid.u32;
	[bflag:$0x2] =	sbarrier.arrive $0xFFFF  }
0x25f: {  	p0 =	sne.s32 s0, $0x0;
	s0 =	rddreg [dreg:$0x2]  }
0x260: {  	s0 =	sadd.s32 @!p0 $0x100000, s0  }
0x261: {  	[sflag:s0] =	ssyncadd.tile.s32 @!p0 $0x1;
	_ =	shalt  }
.Lfunc_end2:
_tile_overlayer_lowered:
.L_overlay_start_2:
0x262: {  	(tag) =	ssettag $0x2  }
0x263: {  	s0 =	rddreg [dreg:$0x0];
	s2 =	stileid.u32  }
0x264: {  	s1 =	rddreg [dreg:$0x1];
	p0 =	sne.s32 s2, $0x0  }
0x265: {  	s3 =	rddreg [dreg:$0x2];
	[bflag:$0x3] =	sbarrier.arrive $0xFFFF;
	s2 =	simm.s32 @!p0 $0x1C04  }
0x266: {  	[timem:s3], [sflag:s2] =	dma.local @!p0 [hbm:s0], s1  }
0x267: {  	s0 =	simm.s32 @!p0 $0x4  }
0x268: {  	_ =	swait.ge @!p0 [sflag:s0], s1  }
0x269: {  	s1 =	ssub.s32 @!p0 $0x0, s1;
	[sflag:s0] =	ssyncset.done @!p0 $0x0  }
0x26a: {  	[sflag:s0] =	ssyncadd.s32 @!p0 s1  }
0x26b: {  	[bflag:$0x3] =	sbarrier.arrive $0xFFFF  }
0x26c: {  	_ =	shalt  }

</sc_bundles>
